<compile_context>
chip_gen: v7x
topology: tpu7x:2x2x1
jax: 0.10.2.dev20260603
libtpu: 0.0.44.dev20260713+nightly
codegen_flags: <defaults>
</compile_context>

<pallas_src>
import functools

import jax
import jax.numpy as jnp
import numpy as np
from jax import lax
from jax.experimental import pallas as pl
from jax.experimental.pallas import tpu as pltpu
from jax.experimental.pallas import tpu_sc as plsc

N = 10000
E = 320000
D = 128
DE = 16
H = 128

CH = 64
NCH = E // CH
NTILES = 32
NPAD = 10112
ROWS_PER_TILE = NPAD // 16
_SLICE_CHUNKS = [(o, min(CH, ROWS_PER_TILE - o))
                 for o in range(0, ROWS_PER_TILE, CH)]
F32 = jnp.float32



_EBLK = 12800

def _proj_body(h_ref, wa_ref, wb_ref, ef_ref, wc_ref, b1_ref,
               a_ref, b_ref, c_ref):
    i = pl.program_id(0)

    @pl.when(i == 0)
    def _nodes():
        hb = h_ref[...]
        a_ref[...] = jnp.dot(hb, wa_ref[...], preferred_element_type=F32)
        b_ref[...] = jnp.dot(hb, wb_ref[...], preferred_element_type=F32)

    c_ref[...] = (
        lax.dot_general(ef_ref[...], wc_ref[...], (((0,), (0,)), ((), ())),
                        preferred_element_type=F32)
        + b1_ref[...]
    )


def _proj(h, w1a, w1b, ef_t, w1c, b1row):
    grid = E // _EBLK
    return pl.pallas_call(
        _proj_body,
        grid=(grid,),
        in_specs=[
            pl.BlockSpec((N, D), lambda i: (0, 0)),
            pl.BlockSpec((D, H), lambda i: (0, 0)),
            pl.BlockSpec((D, H), lambda i: (0, 0)),
            pl.BlockSpec((DE, _EBLK), lambda i: (0, i)),
            pl.BlockSpec((DE, H), lambda i: (0, 0)),
            pl.BlockSpec((1, H), lambda i: (0, 0)),
        ],
        out_specs=[
            pl.BlockSpec((N, H), lambda i: (0, 0)),
            pl.BlockSpec((N, H), lambda i: (0, 0)),
            pl.BlockSpec((_EBLK, H), lambda i: (i, 0)),
        ],
        out_shape=[
            jax.ShapeDtypeStruct((N, H), F32),
            jax.ShapeDtypeStruct((N, H), F32),
            jax.ShapeDtypeStruct((E, H), F32),
        ],
    )(h, w1a, w1b, ef_t, w1c, b1row)



_sc_mesh = plsc.VectorSubcoreMesh(core_axis_name="c", subcore_axis_name="s")


@functools.partial(
    pl.kernel,
    out_type=jax.ShapeDtypeStruct((2, NPAD, H), F32),
    mesh=_sc_mesh,
    scratch_types=[
        pltpu.VMEM((CH,), jnp.int32),
        pltpu.VMEM((CH,), jnp.int32),
        pltpu.VMEM((CH,), jnp.int32),
        pltpu.VMEM((CH,), jnp.int32),
        pltpu.VMEM((CH,), jnp.int32),
        pltpu.VMEM((CH,), jnp.int32),
        pltpu.VMEM((CH,), jnp.int32),
        pltpu.VMEM((CH,), jnp.int32),
        pltpu.VMEM((CH, H), F32),
        pltpu.VMEM((CH, H), F32),
        pltpu.VMEM((CH, H), F32),
        pltpu.VMEM((CH, H), F32),
        pltpu.VMEM((CH, H), F32),
        pltpu.VMEM((CH, H), F32),
        pltpu.VMEM_SHARED((NPAD, H), F32),
        pltpu.SemaphoreType.DMA,
        pltpu.SemaphoreType.DMA,
        pltpu.SemaphoreType.DMA,
        pltpu.SemaphoreType.DMA,
        pltpu.SemaphoreType.DMA,
        pltpu.SemaphoreType.DMA,
    ],
)
def _sc_edge_agg(a_hbm, b_hbm, c_hbm, src_hbm, tgt_hbm, out_hbm,
                 is0, it0, is1, it1, is2, it2, is3, it3,
                 ba0, bb0, bc0, ba1, bb1, bc1,
                 acc, smi0, smi1, smi2, smi3, smg0, smg1):
    core = lax.axis_index("c")
    sub = lax.axis_index("s")
    wid = core * 16 + sub

    isets = ((is0, it0, smi0), (is1, it1, smi1),
             (is2, it2, smi2), (is3, it3, smi3))
    dsets = ((ba0, bb0, bc0, smg0), (ba1, bb1, bc1, smg1))

    def _zero_row(r, carry):
        for j in range(H // 16):
            ba0[r, pl.ds(j * 16, 16)] = jnp.zeros((16,), F32)
        return carry

    lax.fori_loop(0, CH, _zero_row, 0)
    base0 = sub * ROWS_PER_TILE
    for off, nr in _SLICE_CHUNKS:
        pltpu.sync_copy(ba0.at[pl.ds(0, nr)],
                        acc.at[pl.ds(base0 + off, nr)])
    plsc.subcore_barrier()

    def _clamp_cid(it):
        return jnp.minimum(it * NTILES + wid, NCH - 1)

    def _clamp_base(it):
        return _clamp_cid(it) * CH

    def _issue_idx(it, k):
        base = _clamp_base(it)
        pltpu.async_copy(src_hbm.at[pl.ds(base, CH)], isets[k][0],
                         isets[k][2])
        pltpu.async_copy(tgt_hbm.at[pl.ds(base, CH)], isets[k][1],
                         isets[k][2])

    def _wait_idx(k):
        pltpu.make_async_copy(src_hbm.at[pl.ds(0, CH)], isets[k][0],
                              isets[k][2]).wait()
        pltpu.make_async_copy(tgt_hbm.at[pl.ds(0, CH)], isets[k][1],
                              isets[k][2]).wait()

    def _issue_gathers(it, p, k):
        ba, bb, bc, sem = dsets[p]
        base = _clamp_base(it)
        pltpu.async_copy(a_hbm.at[isets[k][0]], ba, sem)
        pltpu.async_copy(b_hbm.at[isets[k][1]], bb, sem)
        pltpu.async_copy(c_hbm.at[pl.ds(base, CH)], bc, sem)

    def _wait_gathers(p, k):
        ba, bb, bc, sem = dsets[p]
        pltpu.make_async_copy(a_hbm.at[isets[k][0]], ba, sem).wait()
        pltpu.make_async_copy(b_hbm.at[isets[k][1]], bb, sem).wait()
        pltpu.make_async_copy(c_hbm.at[pl.ds(0, CH)], bc, sem).wait()

    def _compute_scatter(it, p, k):
        ba, bb, bc, _ = dsets[p]
        cid = it * NTILES + wid

        @pl.when(cid < NCH)
        def _go():
            @plsc.parallel_loop(0, CH, 1, unroll=4)
            def _row(r):
                for j in range(H // 16):
                    sl = pl.ds(j * 16, 16)
                    ba[r, sl] = jnp.maximum(
                        ba[r, sl] + bb[r, sl] + bc[r, sl], 0.0)

            pltpu.sync_copy(ba, acc.at[isets[k][1]], add=True)

    _issue_idx(0, 0)
    _issue_idx(1, 1)
    _issue_idx(2, 2)
    _wait_idx(0)
    _issue_gathers(0, 0, 0)

    n_it4 = (NCH // NTILES + 4) // 4

    def _step(it4, carry):
        j0 = 4 * it4
        for k in range(4):
            j = j0 + k
            _issue_idx(j + 3, (k + 3) % 4)
            _wait_idx((k + 1) % 4)
            _issue_gathers(j + 1, (k + 1) & 1, (k + 1) % 4)
            _wait_gathers(k & 1, k)
            _compute_scatter(j, k & 1, k)
        return carry

    lax.fori_loop(0, n_it4, _step, 0)

    _wait_gathers(0, 0)
    _wait_idx(1)
    _wait_idx(2)

    plsc.subcore_barrier()
    for off, nr in _SLICE_CHUNKS:
        pltpu.sync_copy(acc.at[pl.ds(base0 + off, nr)],
                        ba0.at[pl.ds(0, nr)])
        pltpu.sync_copy(ba0.at[pl.ds(0, nr)],
                        out_hbm.at[core, pl.ds(base0 + off, nr)])



def _update_body(h_ref, p_ref, w2_ref, u1a_ref, u1b_ref, ub1_ref,
                 u2_ref, ub2_ref, o_ref):
    psum = p_ref[0] + p_ref[1]
    agg = jnp.dot(psum, w2_ref[...], preferred_element_type=F32)
    pre = (jnp.dot(h_ref[...], u1a_ref[...], preferred_element_type=F32)
           + jnp.dot(agg, u1b_ref[...], preferred_element_type=F32)
           + ub1_ref[...])
    o_ref[...] = (jnp.dot(jnp.maximum(pre, 0.0), u2_ref[...],
                          preferred_element_type=F32)
                  + ub2_ref[...])


def _update(h, partials, w2, u1a, u1b, ub1row, u2, ub2row):
    blk = 2000
    grid = N // blk
    return pl.pallas_call(
        _update_body,
        grid=(grid,),
        in_specs=[
            pl.BlockSpec((blk, D), lambda i: (i, 0)),
            pl.BlockSpec((2, blk, H), lambda i: (0, i, 0)),
            pl.BlockSpec((H, H), lambda i: (0, 0)),
            pl.BlockSpec((D, H), lambda i: (0, 0)),
            pl.BlockSpec((H, H), lambda i: (0, 0)),
            pl.BlockSpec((1, H), lambda i: (0, 0)),
            pl.BlockSpec((H, H), lambda i: (0, 0)),
            pl.BlockSpec((1, H), lambda i: (0, 0)),
        ],
        out_specs=pl.BlockSpec((blk, H), lambda i: (i, 0)),
        out_shape=jax.ShapeDtypeStruct((N, H), F32),
    )(h, partials, w2, u1a, u1b, ub1row, u2, ub2row)



def kernel(h, edge_index, edge_feat, W1, b1, W2, b2, U1, ub1, U2, ub2):
    src = edge_index[0]
    tgt = edge_index[1]
    w1a = W1[:D]
    w1b = W1[D:2 * D]
    w1c = W1[2 * D:]
    a, b, c = _proj(h, w1a, w1b, edge_feat.T, w1c, b1.reshape(1, H))
    partials = _sc_edge_agg(a, b, c, src, tgt)
    out = _update(h, partials, W2, U1[:D], U1[D:], ub1.reshape(1, H),
                  U2, ub2.reshape(1, H))
    return out

# --- scband reference (transcript-rebuilt; emitter-appended) ---
"""Pipeline reference for scband-message-passing-layer-28887950033284 (READ-ONLY COPY).

The authoritative reference and input builder live on the scoring server;
editing this copy changes nothing except your own understanding.
"""

import jax, jax.numpy as jnp
import numpy as np

N, E, D, DE, H = 10000, 320000, 128, 16, 128

def setup_inputs(seed: int = 0):
    key = jax.random.key(seed)
    ks = jax.random.split(key, 12)
    h = jax.random.normal(ks[0], (N, D), dtype=jnp.float32)
    edge_index = jax.random.randint(ks[1], (2, E), 0, N, dtype=jnp.int32)
    edge_feat = jax.random.normal(ks[2], (E, DE), dtype=jnp.float32)
    W1 = jax.random.normal(ks[3], (2 * D + DE, H), dtype=jnp.float32) * 0.05
    b1 = jnp.zeros((H,), dtype=jnp.float32)
    W2 = jax.random.normal(ks[4], (H, H), dtype=jnp.float32) * 0.05
    b2 = jnp.zeros((H,), dtype=jnp.float32)
    U1 = jax.random.normal(ks[5], (D + H, H), dtype=jnp.float32) * 0.05
    ub1 = jnp.zeros((H,), dtype=jnp.float32)
    U2 = jax.random.normal(ks[6], (H, H), dtype=jnp.float32) * 0.05
    ub2 = jnp.zeros((H,), dtype=jnp.float32)
    return {"h": h, "edge_index": edge_index, "edge_feat": edge_feat,
            "W1": W1, "b1": b1, "W2": W2, "b2": b2,
            "U1": U1, "ub1": ub1, "U2": U2, "ub2": ub2}

def reference(h, edge_index, edge_feat, W1, b1, W2, b2, U1, ub1, U2, ub2):
    src = edge_index[0]
    tgt = edge_index[1]
    h_src = jnp.take(h, src, axis=0)
    h_tgt = jnp.take(h, tgt, axis=0)
    inp = jnp.concatenate([h_src, h_tgt, edge_feat], axis=-1)
    hidden = jnp.maximum(inp @ W1 + b1, 0.0)
    messages = hidden @ W2 + b2
    agg = jnp.zeros((h.shape[0], messages.shape[1]), dtype=h.dtype).at[tgt].add(messages)
    upd_in = jnp.concatenate([h, agg], axis=-1)
    out = jnp.maximum(upd_in @ U1 + ub1, 0.0) @ U2 + ub2
    return out

if __name__ == "__main__":
    import jax
    _d = setup_inputs()
    print(jax.jit(kernel)(*tuple(_d.values())))

</pallas_src>

<mosaic_0001>
#map = affine_map<(d0, d1) -> (0, 0)>
#map1 = affine_map<(d0, d1) -> (0)>
#map2 = affine_map<(d0, d1) -> (0, 0, 0)>
module attributes {stable_mosaic.version = 14 : i64} {
  func.func @_sc_edge_agg(%arg0: i32, %arg1: i32, %arg2: memref<10000x128xf32, #tpu.memory_space<hbm>>, %arg3: memref<10000x128xf32, #tpu.memory_space<hbm>>, %arg4: memref<320000x128xf32, #tpu.memory_space<hbm>>, %arg5: memref<320000xi32, #tpu.memory_space<hbm>>, %arg6: memref<320000xi32, #tpu.memory_space<hbm>>, %arg7: memref<2x10112x128xf32, #tpu.memory_space<hbm>>, %arg8: memref<64xi32, #tpu.memory_space<vmem>>, %arg9: memref<64xi32, #tpu.memory_space<vmem>>, %arg10: memref<64xi32, #tpu.memory_space<vmem>>, %arg11: memref<64xi32, #tpu.memory_space<vmem>>, %arg12: memref<64xi32, #tpu.memory_space<vmem>>, %arg13: memref<64xi32, #tpu.memory_space<vmem>>, %arg14: memref<64xi32, #tpu.memory_space<vmem>>, %arg15: memref<64xi32, #tpu.memory_space<vmem>>, %arg16: memref<64x128xf32, #tpu.memory_space<vmem>>, %arg17: memref<64x128xf32, #tpu.memory_space<vmem>>, %arg18: memref<64x128xf32, #tpu.memory_space<vmem>>, %arg19: memref<64x128xf32, #tpu.memory_space<vmem>>, %arg20: memref<64x128xf32, #tpu.memory_space<vmem>>, %arg21: memref<64x128xf32, #tpu.memory_space<vmem>>, %arg22: memref<10112x128xf32, #tpu.memory_space<vmem_shared>>, %arg23: memref<!tpu.dma_semaphore, #tpu.memory_space<semaphore_mem>>, %arg24: memref<!tpu.dma_semaphore, #tpu.memory_space<semaphore_mem>>, %arg25: memref<!tpu.dma_semaphore, #tpu.memory_space<semaphore_mem>>, %arg26: memref<!tpu.dma_semaphore, #tpu.memory_space<semaphore_mem>>, %arg27: memref<!tpu.dma_semaphore, #tpu.memory_space<semaphore_mem>>, %arg28: memref<!tpu.dma_semaphore, #tpu.memory_space<semaphore_mem>>) attributes {dimension_semantics = [#tpu.dimension_semantics<core_parallel>, #tpu.dimension_semantics<subcore_parallel>], iteration_bounds = array<i64: 2, 16>, scalar_prefetch = 0 : i64, scratch_operands = 21 : i64, tpu.core_type = #tpu.core_type<sc_vector_subcore>, window_params = [{transform_indices = #map}, {transform_indices = #map}, {transform_indices = #map}, {transform_indices = #map1}, {transform_indices = #map1}, {transform_indices = #map2}]} {
    %mul3A = arith.constant 16 : i32
    %mul3A_0 = arith.muli %arg0, %mul3A : i32
    %add3A = arith.addi %mul3A_0, %arg1 : i32
    %scan3A = arith.constant 0 : i32
    %scan3A_1 = arith.constant 0 : i32
    %scan3A_2 = arith.constant 64 : i32
    %scan3A_3 = arith.addi %scan3A_1, %scan3A_2 : i32
    %scan3A_4 = arith.constant 1 : i32
    scf.for %scan3A_154 = %scan3A_1 to %scan3A_3 step %scan3A_4  : i32 {
      %broadcast_in_dim3A = arith.constant 0.000000e+00 : f32
      %broadcast_in_dim3A_155 = vector.broadcast %broadcast_in_dim3A : f32 to vector<16xf32>
      %swap3A = arith.index_cast %scan3A_154 : i32 to index
      %swap3A_156 = arith.constant 0 : index
      %swap3A_157 = tpu.vector_load %arg16[%swap3A, %swap3A_156] {strides = array<i32>} : memref<64x128xf32, #tpu.memory_space<vmem>>, vector<1x16xf32>,
      %swap3A_158 = vector.shape_cast %swap3A_157 : vector<1x16xf32> to vector<16xf32>
      %swap3A_159 = vector.shape_cast %broadcast_in_dim3A_155 : vector<16xf32> to vector<1x16xf32>
      tpu.vector_store %arg16[%swap3A, %swap3A_156], %swap3A_159 {strides = array<i32>} : memref<64x128xf32, #tpu.memory_space<vmem>>, vector<1x16xf32>,
      %broadcast_in_dim3A_160 = arith.constant 0.000000e+00 : f32
      %broadcast_in_dim3A_161 = vector.broadcast %broadcast_in_dim3A_160 : f32 to vector<16xf32>
      %swap3A_162 = arith.index_cast %scan3A_154 : i32 to index
      %swap3A_163 = arith.constant 16 : index
      %swap3A_164 = tpu.vector_load %arg16[%swap3A_162, %swap3A_163] {strides = array<i32>} : memref<64x128xf32, #tpu.memory_space<vmem>>, vector<1x16xf32>,
      %swap3A_165 = vector.shape_cast %swap3A_164 : vector<1x16xf32> to vector<16xf32>
      %swap3A_166 = vector.shape_cast %broadcast_in_dim3A_161 : vector<16xf32> to vector<1x16xf32>
      tpu.vector_store %arg16[%swap3A_162, %swap3A_163], %swap3A_166 {strides = array<i32>} : memref<64x128xf32, #tpu.memory_space<vmem>>, vector<1x16xf32>,
      %broadcast_in_dim3A_167 = arith.constant 0.000000e+00 : f32
      %broadcast_in_dim3A_168 = vector.broadcast %broadcast_in_dim3A_167 : f32 to vector<16xf32>
      %swap3A_169 = arith.index_cast %scan3A_154 : i32 to index
      %swap3A_170 = arith.constant 32 : index
      %swap3A_171 = tpu.vector_load %arg16[%swap3A_169, %swap3A_170] {strides = array<i32>} : memref<64x128xf32, #tpu.memory_space<vmem>>, vector<1x16xf32>,
      %swap3A_172 = vector.shape_cast %swap3A_171 : vector<1x16xf32> to vector<16xf32>
      %swap3A_173 = vector.shape_cast %broadcast_in_dim3A_168 : vector<16xf32> to vector<1x16xf32>
      tpu.vector_store %arg16[%swap3A_169, %swap3A_170], %swap3A_173 {strides = array<i32>} : memref<64x128xf32, #tpu.memory_space<vmem>>, vector<1x16xf32>,
      %broadcast_in_dim3A_174 = arith.constant 0.000000e+00 : f32
      %broadcast_in_dim3A_175 = vector.broadcast %broadcast_in_dim3A_174 : f32 to vector<16xf32>
      %swap3A_176 = arith.index_cast %scan3A_154 : i32 to index
      %swap3A_177 = arith.constant 48 : index
      %swap3A_178 = tpu.vector_load %arg16[%swap3A_176, %swap3A_177] {strides = array<i32>} : memref<64x128xf32, #tpu.memory_space<vmem>>, vector<1x16xf32>,
      %swap3A_179 = vector.shape_cast %swap3A_178 : vector<1x16xf32> to vector<16xf32>
      %swap3A_180 = vector.shape_cast %broadcast_in_dim3A_175 : vector<16xf32> to vector<1x16xf32>
      tpu.vector_store %arg16[%swap3A_176, %swap3A_177], %swap3A_180 {strides = array<i32>} : memref<64x128xf32, #tpu.memory_space<vmem>>, vector<1x16xf32>,
      %broadcast_in_dim3A_181 = arith.constant 0.000000e+00 : f32
      %broadcast_in_dim3A_182 = vector.broadcast %broadcast_in_dim3A_181 : f32 to vector<16xf32>
      %swap3A_183 = arith.index_cast %scan3A_154 : i32 to index
      %swap3A_184 = arith.constant 64 : index
      %swap3A_185 = tpu.vector_load %arg16[%swap3A_183, %swap3A_184] {strides = array<i32>} : memref<64x128xf32, #tpu.memory_space<vmem>>, vector<1x16xf32>,
      %swap3A_186 = vector.shape_cast %swap3A_185 : vector<1x16xf32> to vector<16xf32>
      %swap3A_187 = vector.shape_cast %broadcast_in_dim3A_182 : vector<16xf32> to vector<1x16xf32>
      tpu.vector_store %arg16[%swap3A_183, %swap3A_184], %swap3A_187 {strides = array<i32>} : memref<64x128xf32, #tpu.memory_space<vmem>>, vector<1x16xf32>,
      %broadcast_in_dim3A_188 = arith.constant 0.000000e+00 : f32
      %broadcast_in_dim3A_189 = vector.broadcast %broadcast_in_dim3A_188 : f32 to vector<16xf32>
      %swap3A_190 = arith.index_cast %scan3A_154 : i32 to index
      %swap3A_191 = arith.constant 80 : index
      %swap3A_192 = tpu.vector_load %arg16[%swap3A_190, %swap3A_191] {strides = array<i32>} : memref<64x128xf32, #tpu.memory_space<vmem>>, vector<1x16xf32>,
      %swap3A_193 = vector.shape_cast %swap3A_192 : vector<1x16xf32> to vector<16xf32>
      %swap3A_194 = vector.shape_cast %broadcast_in_dim3A_189 : vector<16xf32> to vector<1x16xf32>
      tpu.vector_store %arg16[%swap3A_190, %swap3A_191], %swap3A_194 {strides = array<i32>} : memref<64x128xf32, #tpu.memory_space<vmem>>, vector<1x16xf32>,
      %broadcast_in_dim3A_195 = arith.constant 0.000000e+00 : f32
      %broadcast_in_dim3A_196 = vector.broadcast %broadcast_in_dim3A_195 : f32 to vector<16xf32>
      %swap3A_197 = arith.index_cast %scan3A_154 : i32 to index
      %swap3A_198 = arith.constant 96 : index
      %swap3A_199 = tpu.vector_load %arg16[%swap3A_197, %swap3A_198] {strides = array<i32>} : memref<64x128xf32, #tpu.memory_space<vmem>>, vector<1x16xf32>,
      %swap3A_200 = vector.shape_cast %swap3A_199 : vector<1x16xf32> to vector<16xf32>
      %swap3A_201 = vector.shape_cast %broadcast_in_dim3A_196 : vector<16xf32> to vector<1x16xf32>
      tpu.vector_store %arg16[%swap3A_197, %swap3A_198], %swap3A_201 {strides = array<i32>} : memref<64x128xf32, #tpu.memory_space<vmem>>, vector<1x16xf32>,
      %broadcast_in_dim3A_202 = arith.constant 0.000000e+00 : f32
      %broadcast_in_dim3A_203 = vector.broadcast %broadcast_in_dim3A_202 : f32 to vector<16xf32>
      %swap3A_204 = arith.index_cast %scan3A_154 : i32 to index
      %swap3A_205 = arith.constant 112 : index
      %swap3A_206 = tpu.vector_load %arg16[%swap3A_204, %swap3A_205] {strides = array<i32>} : memref<64x128xf32, #tpu.memory_space<vmem>>, vector<1x16xf32>,
      %swap3A_207 = vector.shape_cast %swap3A_206 : vector<1x16xf32> to vector<16xf32>
      %swap3A_208 = vector.shape_cast %broadcast_in_dim3A_203 : vector<16xf32> to vector<1x16xf32>
      tpu.vector_store %arg16[%swap3A_204, %swap3A_205], %swap3A_208 {strides = array<i32>} : memref<64x128xf32, #tpu.memory_space<vmem>>, vector<1x16xf32>,
    }
    %scan3A_5 = arith.constant 64 : i32
    %mul3A_6 = arith.constant 632 : i32
    %mul3A_7 = arith.muli %arg1, %mul3A_6 : i32
    %add3A_8 = arith.constant 0 : i32
    %add3A_9 = arith.addi %mul3A_7, %add3A_8 : i32
    "tpu.region"() ({
      %run_scoped3A = tpu.sem_alloc : memref<!tpu.dma_semaphore, #tpu.memory_space<semaphore_mem>>
      %dma_start3A_154 = arith.constant 0 : i32
      %dma_start3A_155 = arith.constant 0 : i32
      %dma_start3A_156 = tpu.memref_slice %arg16[%dma_start3A_154, %dma_start3A_155] : memref<64x128xf32, #tpu.memory_space<vmem>> -> memref<64x128xf32, #tpu.memory_space<vmem>>
      %dma_start3A_157 = arith.constant 0 : i32
      %dma_start3A_158 = tpu.memref_slice %arg22[%add3A_9, %dma_start3A_157] : memref<10112x128xf32, #tpu.memory_space<vmem_shared>> -> memref<64x128xf32, #tpu.memory_space<vmem_shared>>
      %dma_start3A_159 = arith.constant 0 : i32
      %dma_start3A_160 = tpu.memref_slice %arg22[%add3A_9, %dma_start3A_159] : memref<10112x128xf32, #tpu.memory_space<vmem_shared>> -> memref<64x128xf32, #tpu.memory_space<vmem_shared>>
      %dma_start3A_161 = arith.constant 0 : i32
      %dma_start3A_162 = arith.constant 0 : i32
      %dma_start3A_163 = tpu.memref_slice %arg16[%dma_start3A_161, %dma_start3A_162] : memref<64x128xf32, #tpu.memory_space<vmem>> -> memref<64x128xf32, #tpu.memory_space<vmem>>
      tpu.enqueue_dma source(%dma_start3A_163 : memref<64x128xf32, #tpu.memory_space<vmem>>) target(%dma_start3A_160 : memref<64x128xf32, #tpu.memory_space<vmem_shared>>) target_semaphore(%run_scoped3A : memref<!tpu.dma_semaphore, #tpu.memory_space<semaphore_mem>>)
      %dma_wait3A_164 = arith.constant 0 : i32
      %dma_wait3A_165 = arith.constant 0 : i32
      %dma_wait3A_166 = tpu.memref_slice %arg16[%dma_wait3A_164, %dma_wait3A_165] : memref<64x128xf32, #tpu.memory_space<vmem>> -> memref<64x128xf32, #tpu.memory_space<vmem>>
      %dma_wait3A_167 = arith.constant 0 : i32
      %dma_wait3A_168 = tpu.memref_slice %arg22[%add3A_9, %dma_wait3A_167] : memref<10112x128xf32, #tpu.memory_space<vmem_shared>> -> memref<64x128xf32, #tpu.memory_space<vmem_shared>>
      %dma_wait3A_169 = arith.constant 0 : i32
      %dma_wait3A_170 = tpu.memref_slice %arg22[%add3A_9, %dma_wait3A_169] : memref<10112x128xf32, #tpu.memory_space<vmem_shared>> -> memref<64x128xf32, #tpu.memory_space<vmem_shared>>
      %dma_wait3A_171 = arith.constant 0 : i32
      %dma_wait3A_172 = arith.constant 0 : i32
      %dma_wait3A_173 = tpu.memref_slice %arg16[%dma_wait3A_171, %dma_wait3A_172] : memref<64x128xf32, #tpu.memory_space<vmem>> -> memref<64x128xf32, #tpu.memory_space<vmem>>
      tpu.wait_dma2 semaphore(%run_scoped3A : memref<!tpu.dma_semaphore, #tpu.memory_space<semaphore_mem>>) src(%dma_wait3A_173 : memref<64x128xf32, #tpu.memory_space<vmem>>) dst(%dma_wait3A_170 : memref<64x128xf32, #tpu.memory_space<vmem_shared>>)
      tpu.yield
    }) : () -> ()
    %add3A_10 = arith.constant 64 : i32
    %add3A_11 = arith.addi %mul3A_7, %add3A_10 : i32
    "tpu.region"() ({
      %run_scoped3A = tpu.sem_alloc : memref<!tpu.dma_semaphore, #tpu.memory_space<semaphore_mem>>
      %dma_start3A_154 = arith.constant 0 : i32
      %dma_start3A_155 = arith.constant 0 : i32
      %dma_start3A_156 = tpu.memref_slice %arg16[%dma_start3A_154, %dma_start3A_155] : memref<64x128xf32, #tpu.memory_space<vmem>> -> memref<64x128xf32, #tpu.memory_space<vmem>>
      %dma_start3A_157 = arith.constant 0 : i32
      %dma_start3A_158 = tpu.memref_slice %arg22[%add3A_11, %dma_start3A_157] : memref<10112x128xf32, #tpu.memory_space<vmem_shared>> -> memref<64x128xf32, #tpu.memory_space<vmem_shared>>
      %dma_start3A_159 = arith.constant 0 : i32
      %dma_start3A_160 = tpu.memref_slice %arg22[%add3A_11, %dma_start3A_159] : memref<10112x128xf32, #tpu.memory_space<vmem_shared>> -> memref<64x128xf32, #tpu.memory_space<vmem_shared>>
      %dma_start3A_161 = arith.constant 0 : i32
      %dma_start3A_162 = arith.constant 0 : i32
      %dma_start3A_163 = tpu.memref_slice %arg16[%dma_start3A_161, %dma_start3A_162] : memref<64x128xf32, #tpu.memory_space<vmem>> -> memref<64x128xf32, #tpu.memory_space<vmem>>
      tpu.enqueue_dma source(%dma_start3A_163 : memref<64x128xf32, #tpu.memory_space<vmem>>) target(%dma_start3A_160 : memref<64x128xf32, #tpu.memory_space<vmem_shared>>) target_semaphore(%run_scoped3A : memref<!tpu.dma_semaphore, #tpu.memory_space<semaphore_mem>>)
      %dma_wait3A_164 = arith.constant 0 : i32
      %dma_wait3A_165 = arith.constant 0 : i32
      %dma_wait3A_166 = tpu.memref_slice %arg16[%dma_wait3A_164, %dma_wait3A_165] : memref<64x128xf32, #tpu.memory_space<vmem>> -> memref<64x128xf32, #tpu.memory_space<vmem>>
      %dma_wait3A_167 = arith.constant 0 : i32
      %dma_wait3A_168 = tpu.memref_slice %arg22[%add3A_11, %dma_wait3A_167] : memref<10112x128xf32, #tpu.memory_space<vmem_shared>> -> memref<64x128xf32, #tpu.memory_space<vmem_shared>>
      %dma_wait3A_169 = arith.constant 0 : i32
      %dma_wait3A_170 = tpu.memref_slice %arg22[%add3A_11, %dma_wait3A_169] : memref<10112x128xf32, #tpu.memory_space<vmem_shared>> -> memref<64x128xf32, #tpu.memory_space<vmem_shared>>
      %dma_wait3A_171 = arith.constant 0 : i32
      %dma_wait3A_172 = arith.constant 0 : i32
      %dma_wait3A_173 = tpu.memref_slice %arg16[%dma_wait3A_171, %dma_wait3A_172] : memref<64x128xf32, #tpu.memory_space<vmem>> -> memref<64x128xf32, #tpu.memory_space<vmem>>
      tpu.wait_dma2 semaphore(%run_scoped3A : memref<!tpu.dma_semaphore, #tpu.memory_space<semaphore_mem>>) src(%dma_wait3A_173 : memref<64x128xf32, #tpu.memory_space<vmem>>) dst(%dma_wait3A_170 : memref<64x128xf32, #tpu.memory_space<vmem_shared>>)
      tpu.yield
    }) : () -> ()
    %add3A_12 = arith.constant 128 : i32
    %add3A_13 = arith.addi %mul3A_7, %add3A_12 : i32
    "tpu.region"() ({
      %run_scoped3A = tpu.sem_alloc : memref<!tpu.dma_semaphore, #tpu.memory_space<semaphore_mem>>
      %dma_start3A_154 = arith.constant 0 : i32
      %dma_start3A_155 = arith.constant 0 : i32
      %dma_start3A_156 = tpu.memref_slice %arg16[%dma_start3A_154, %dma_start3A_155] : memref<64x128xf32, #tpu.memory_space<vmem>> -> memref<64x128xf32, #tpu.memory_space<vmem>>
      %dma_start3A_157 = arith.constant 0 : i32
      %dma_start3A_158 = tpu.memref_slice %arg22[%add3A_13, %dma_start3A_157] : memref<10112x128xf32, #tpu.memory_space<vmem_shared>> -> memref<64x128xf32, #tpu.memory_space<vmem_shared>>
      %dma_start3A_159 = arith.constant 0 : i32
      %dma_start3A_160 = tpu.memref_slice %arg22[%add3A_13, %dma_start3A_159] : memref<10112x128xf32, #tpu.memory_space<vmem_shared>> -> memref<64x128xf32, #tpu.memory_space<vmem_shared>>
      %dma_start3A_161 = arith.constant 0 : i32
      %dma_start3A_162 = arith.constant 0 : i32
      %dma_start3A_163 = tpu.memref_slice %arg16[%dma_start3A_161, %dma_start3A_162] : memref<64x128xf32, #tpu.memory_space<vmem>> -> memref<64x128xf32, #tpu.memory_space<vmem>>
      tpu.enqueue_dma source(%dma_start3A_163 : memref<64x128xf32, #tpu.memory_space<vmem>>) target(%dma_start3A_160 : memref<64x128xf32, #tpu.memory_space<vmem_shared>>) target_semaphore(%run_scoped3A : memref<!tpu.dma_semaphore, #tpu.memory_space<semaphore_mem>>)
      %dma_wait3A_164 = arith.constant 0 : i32
      %dma_wait3A_165 = arith.constant 0 : i32
      %dma_wait3A_166 = tpu.memref_slice %arg16[%dma_wait3A_164, %dma_wait3A_165] : memref<64x128xf32, #tpu.memory_space<vmem>> -> memref<64x128xf32, #tpu.memory_space<vmem>>
      %dma_wait3A_167 = arith.constant 0 : i32
      %dma_wait3A_168 = tpu.memref_slice %arg22[%add3A_13, %dma_wait3A_167] : memref<10112x128xf32, #tpu.memory_space<vmem_shared>> -> memref<64x128xf32, #tpu.memory_space<vmem_shared>>
      %dma_wait3A_169 = arith.constant 0 : i32
      %dma_wait3A_170 = tpu.memref_slice %arg22[%add3A_13, %dma_wait3A_169] : memref<10112x128xf32, #tpu.memory_space<vmem_shared>> -> memref<64x128xf32, #tpu.memory_space<vmem_shared>>
      %dma_wait3A_171 = arith.constant 0 : i32
      %dma_wait3A_172 = arith.constant 0 : i32
      %dma_wait3A_173 = tpu.memref_slice %arg16[%dma_wait3A_171, %dma_wait3A_172] : memref<64x128xf32, #tpu.memory_space<vmem>> -> memref<64x128xf32, #tpu.memory_space<vmem>>
      tpu.wait_dma2 semaphore(%run_scoped3A : memref<!tpu.dma_semaphore, #tpu.memory_space<semaphore_mem>>) src(%dma_wait3A_173 : memref<64x128xf32, #tpu.memory_space<vmem>>) dst(%dma_wait3A_170 : memref<64x128xf32, #tpu.memory_space<vmem_shared>>)
      tpu.yield
    }) : () -> ()
    %add3A_14 = arith.constant 192 : i32
    %add3A_15 = arith.addi %mul3A_7, %add3A_14 : i32
    "tpu.region"() ({
      %run_scoped3A = tpu.sem_alloc : memref<!tpu.dma_semaphore, #tpu.memory_space<semaphore_mem>>
      %dma_start3A_154 = arith.constant 0 : i32
      %dma_start3A_155 = arith.constant 0 : i32
      %dma_start3A_156 = tpu.memref_slice %arg16[%dma_start3A_154, %dma_start3A_155] : memref<64x128xf32, #tpu.memory_space<vmem>> -> memref<64x128xf32, #tpu.memory_space<vmem>>
      %dma_start3A_157 = arith.constant 0 : i32
      %dma_start3A_158 = tpu.memref_slice %arg22[%add3A_15, %dma_start3A_157] : memref<10112x128xf32, #tpu.memory_space<vmem_shared>> -> memref<64x128xf32, #tpu.memory_space<vmem_shared>>
      %dma_start3A_159 = arith.constant 0 : i32
      %dma_start3A_160 = tpu.memref_slice %arg22[%add3A_15, %dma_start3A_159] : memref<10112x128xf32, #tpu.memory_space<vmem_shared>> -> memref<64x128xf32, #tpu.memory_space<vmem_shared>>
      %dma_start3A_161 = arith.constant 0 : i32
      %dma_start3A_162 = arith.constant 0 : i32
      %dma_start3A_163 = tpu.memref_slice %arg16[%dma_start3A_161, %dma_start3A_162] : memref<64x128xf32, #tpu.memory_space<vmem>> -> memref<64x128xf32, #tpu.memory_space<vmem>>
      tpu.enqueue_dma source(%dma_start3A_163 : memref<64x128xf32, #tpu.memory_space<vmem>>) target(%dma_start3A_160 : memref<64x128xf32, #tpu.memory_space<vmem_shared>>) target_semaphore(%run_scoped3A : memref<!tpu.dma_semaphore, #tpu.memory_space<semaphore_mem>>)
      %dma_wait3A_164 = arith.constant 0 : i32
      %dma_wait3A_165 = arith.constant 0 : i32
      %dma_wait3A_166 = tpu.memref_slice %arg16[%dma_wait3A_164, %dma_wait3A_165] : memref<64x128xf32, #tpu.memory_space<vmem>> -> memref<64x128xf32, #tpu.memory_space<vmem>>
      %dma_wait3A_167 = arith.constant 0 : i32
      %dma_wait3A_168 = tpu.memref_slice %arg22[%add3A_15, %dma_wait3A_167] : memref<10112x128xf32, #tpu.memory_space<vmem_shared>> -> memref<64x128xf32, #tpu.memory_space<vmem_shared>>
      %dma_wait3A_169 = arith.constant 0 : i32
      %dma_wait3A_170 = tpu.memref_slice %arg22[%add3A_15, %dma_wait3A_169] : memref<10112x128xf32, #tpu.memory_space<vmem_shared>> -> memref<64x128xf32, #tpu.memory_space<vmem_shared>>
      %dma_wait3A_171 = arith.constant 0 : i32
      %dma_wait3A_172 = arith.constant 0 : i32
      %dma_wait3A_173 = tpu.memref_slice %arg16[%dma_wait3A_171, %dma_wait3A_172] : memref<64x128xf32, #tpu.memory_space<vmem>> -> memref<64x128xf32, #tpu.memory_space<vmem>>
      tpu.wait_dma2 semaphore(%run_scoped3A : memref<!tpu.dma_semaphore, #tpu.memory_space<semaphore_mem>>) src(%dma_wait3A_173 : memref<64x128xf32, #tpu.memory_space<vmem>>) dst(%dma_wait3A_170 : memref<64x128xf32, #tpu.memory_space<vmem_shared>>)
      tpu.yield
    }) : () -> ()
    %add3A_16 = arith.constant 256 : i32
    %add3A_17 = arith.addi %mul3A_7, %add3A_16 : i32
    "tpu.region"() ({
      %run_scoped3A = tpu.sem_alloc : memref<!tpu.dma_semaphore, #tpu.memory_space<semaphore_mem>>
      %dma_start3A_154 = arith.constant 0 : i32
      %dma_start3A_155 = arith.constant 0 : i32
      %dma_start3A_156 = tpu.memref_slice %arg16[%dma_start3A_154, %dma_start3A_155] : memref<64x128xf32, #tpu.memory_space<vmem>> -> memref<64x128xf32, #tpu.memory_space<vmem>>
      %dma_start3A_157 = arith.constant 0 : i32
      %dma_start3A_158 = tpu.memref_slice %arg22[%add3A_17, %dma_start3A_157] : memref<10112x128xf32, #tpu.memory_space<vmem_shared>> -> memref<64x128xf32, #tpu.memory_space<vmem_shared>>
      %dma_start3A_159 = arith.constant 0 : i32
      %dma_start3A_160 = tpu.memref_slice %arg22[%add3A_17, %dma_start3A_159] : memref<10112x128xf32, #tpu.memory_space<vmem_shared>> -> memref<64x128xf32, #tpu.memory_space<vmem_shared>>
      %dma_start3A_161 = arith.constant 0 : i32
      %dma_start3A_162 = arith.constant 0 : i32
      %dma_start3A_163 = tpu.memref_slice %arg16[%dma_start3A_161, %dma_start3A_162] : memref<64x128xf32, #tpu.memory_space<vmem>> -> memref<64x128xf32, #tpu.memory_space<vmem>>
      tpu.enqueue_dma source(%dma_start3A_163 : memref<64x128xf32, #tpu.memory_space<vmem>>) target(%dma_start3A_160 : memref<64x128xf32, #tpu.memory_space<vmem_shared>>) target_semaphore(%run_scoped3A : memref<!tpu.dma_semaphore, #tpu.memory_space<semaphore_mem>>)
      %dma_wait3A_164 = arith.constant 0 : i32
      %dma_wait3A_165 = arith.constant 0 : i32
      %dma_wait3A_166 = tpu.memref_slice %arg16[%dma_wait3A_164, %dma_wait3A_165] : memref<64x128xf32, #tpu.memory_space<vmem>> -> memref<64x128xf32, #tpu.memory_space<vmem>>
      %dma_wait3A_167 = arith.constant 0 : i32
      %dma_wait3A_168 = tpu.memref_slice %arg22[%add3A_17, %dma_wait3A_167] : memref<10112x128xf32, #tpu.memory_space<vmem_shared>> -> memref<64x128xf32, #tpu.memory_space<vmem_shared>>
      %dma_wait3A_169 = arith.constant 0 : i32
      %dma_wait3A_170 = tpu.memref_slice %arg22[%add3A_17, %dma_wait3A_169] : memref<10112x128xf32, #tpu.memory_space<vmem_shared>> -> memref<64x128xf32, #tpu.memory_space<vmem_shared>>
      %dma_wait3A_171 = arith.constant 0 : i32
      %dma_wait3A_172 = arith.constant 0 : i32
      %dma_wait3A_173 = tpu.memref_slice %arg16[%dma_wait3A_171, %dma_wait3A_172] : memref<64x128xf32, #tpu.memory_space<vmem>> -> memref<64x128xf32, #tpu.memory_space<vmem>>
      tpu.wait_dma2 semaphore(%run_scoped3A : memref<!tpu.dma_semaphore, #tpu.memory_space<semaphore_mem>>) src(%dma_wait3A_173 : memref<64x128xf32, #tpu.memory_space<vmem>>) dst(%dma_wait3A_170 : memref<64x128xf32, #tpu.memory_space<vmem_shared>>)
      tpu.yield
    }) : () -> ()
    %add3A_18 = arith.constant 320 : i32
    %add3A_19 = arith.addi %mul3A_7, %add3A_18 : i32
    "tpu.region"() ({
      %run_scoped3A = tpu.sem_alloc : memref<!tpu.dma_semaphore, #tpu.memory_space<semaphore_mem>>
      %dma_start3A_154 = arith.constant 0 : i32
      %dma_start3A_155 = arith.constant 0 : i32
      %dma_start3A_156 = tpu.memref_slice %arg16[%dma_start3A_154, %dma_start3A_155] : memref<64x128xf32, #tpu.memory_space<vmem>> -> memref<64x128xf32, #tpu.memory_space<vmem>>
      %dma_start3A_157 = arith.constant 0 : i32
      %dma_start3A_158 = tpu.memref_slice %arg22[%add3A_19, %dma_start3A_157] : memref<10112x128xf32, #tpu.memory_space<vmem_shared>> -> memref<64x128xf32, #tpu.memory_space<vmem_shared>>
      %dma_start3A_159 = arith.constant 0 : i32
      %dma_start3A_160 = tpu.memref_slice %arg22[%add3A_19, %dma_start3A_159] : memref<10112x128xf32, #tpu.memory_space<vmem_shared>> -> memref<64x128xf32, #tpu.memory_space<vmem_shared>>
      %dma_start3A_161 = arith.constant 0 : i32
      %dma_start3A_162 = arith.constant 0 : i32
      %dma_start3A_163 = tpu.memref_slice %arg16[%dma_start3A_161, %dma_start3A_162] : memref<64x128xf32, #tpu.memory_space<vmem>> -> memref<64x128xf32, #tpu.memory_space<vmem>>
      tpu.enqueue_dma source(%dma_start3A_163 : memref<64x128xf32, #tpu.memory_space<vmem>>) target(%dma_start3A_160 : memref<64x128xf32, #tpu.memory_space<vmem_shared>>) target_semaphore(%run_scoped3A : memref<!tpu.dma_semaphore, #tpu.memory_space<semaphore_mem>>)
      %dma_wait3A_164 = arith.constant 0 : i32
      %dma_wait3A_165 = arith.constant 0 : i32
      %dma_wait3A_166 = tpu.memref_slice %arg16[%dma_wait3A_164, %dma_wait3A_165] : memref<64x128xf32, #tpu.memory_space<vmem>> -> memref<64x128xf32, #tpu.memory_space<vmem>>
      %dma_wait3A_167 = arith.constant 0 : i32
      %dma_wait3A_168 = tpu.memref_slice %arg22[%add3A_19, %dma_wait3A_167] : memref<10112x128xf32, #tpu.memory_space<vmem_shared>> -> memref<64x128xf32, #tpu.memory_space<vmem_shared>>
      %dma_wait3A_169 = arith.constant 0 : i32
      %dma_wait3A_170 = tpu.memref_slice %arg22[%add3A_19, %dma_wait3A_169] : memref<10112x128xf32, #tpu.memory_space<vmem_shared>> -> memref<64x128xf32, #tpu.memory_space<vmem_shared>>
      %dma_wait3A_171 = arith.constant 0 : i32
      %dma_wait3A_172 = arith.constant 0 : i32
      %dma_wait3A_173 = tpu.memref_slice %arg16[%dma_wait3A_171, %dma_wait3A_172] : memref<64x128xf32, #tpu.memory_space<vmem>> -> memref<64x128xf32, #tpu.memory_space<vmem>>
      tpu.wait_dma2 semaphore(%run_scoped3A : memref<!tpu.dma_semaphore, #tpu.memory_space<semaphore_mem>>) src(%dma_wait3A_173 : memref<64x128xf32, #tpu.memory_space<vmem>>) dst(%dma_wait3A_170 : memref<64x128xf32, #tpu.memory_space<vmem_shared>>)
      tpu.yield
    }) : () -> ()
    %add3A_20 = arith.constant 384 : i32
    %add3A_21 = arith.addi %mul3A_7, %add3A_20 : i32
    "tpu.region"() ({
      %run_scoped3A = tpu.sem_alloc : memref<!tpu.dma_semaphore, #tpu.memory_space<semaphore_mem>>
      %dma_start3A_154 = arith.constant 0 : i32
      %dma_start3A_155 = arith.constant 0 : i32
      %dma_start3A_156 = tpu.memref_slice %arg16[%dma_start3A_154, %dma_start3A_155] : memref<64x128xf32, #tpu.memory_space<vmem>> -> memref<64x128xf32, #tpu.memory_space<vmem>>
      %dma_start3A_157 = arith.constant 0 : i32
      %dma_start3A_158 = tpu.memref_slice %arg22[%add3A_21, %dma_start3A_157] : memref<10112x128xf32, #tpu.memory_space<vmem_shared>> -> memref<64x128xf32, #tpu.memory_space<vmem_shared>>
      %dma_start3A_159 = arith.constant 0 : i32
      %dma_start3A_160 = tpu.memref_slice %arg22[%add3A_21, %dma_start3A_159] : memref<10112x128xf32, #tpu.memory_space<vmem_shared>> -> memref<64x128xf32, #tpu.memory_space<vmem_shared>>
      %dma_start3A_161 = arith.constant 0 : i32
      %dma_start3A_162 = arith.constant 0 : i32
      %dma_start3A_163 = tpu.memref_slice %arg16[%dma_start3A_161, %dma_start3A_162] : memref<64x128xf32, #tpu.memory_space<vmem>> -> memref<64x128xf32, #tpu.memory_space<vmem>>
      tpu.enqueue_dma source(%dma_start3A_163 : memref<64x128xf32, #tpu.memory_space<vmem>>) target(%dma_start3A_160 : memref<64x128xf32, #tpu.memory_space<vmem_shared>>) target_semaphore(%run_scoped3A : memref<!tpu.dma_semaphore, #tpu.memory_space<semaphore_mem>>)
      %dma_wait3A_164 = arith.constant 0 : i32
      %dma_wait3A_165 = arith.constant 0 : i32
      %dma_wait3A_166 = tpu.memref_slice %arg16[%dma_wait3A_164, %dma_wait3A_165] : memref<64x128xf32, #tpu.memory_space<vmem>> -> memref<64x128xf32, #tpu.memory_space<vmem>>
      %dma_wait3A_167 = arith.constant 0 : i32
      %dma_wait3A_168 = tpu.memref_slice %arg22[%add3A_21, %dma_wait3A_167] : memref<10112x128xf32, #tpu.memory_space<vmem_shared>> -> memref<64x128xf32, #tpu.memory_space<vmem_shared>>
      %dma_wait3A_169 = arith.constant 0 : i32
      %dma_wait3A_170 = tpu.memref_slice %arg22[%add3A_21, %dma_wait3A_169] : memref<10112x128xf32, #tpu.memory_space<vmem_shared>> -> memref<64x128xf32, #tpu.memory_space<vmem_shared>>
      %dma_wait3A_171 = arith.constant 0 : i32
      %dma_wait3A_172 = arith.constant 0 : i32
      %dma_wait3A_173 = tpu.memref_slice %arg16[%dma_wait3A_171, %dma_wait3A_172] : memref<64x128xf32, #tpu.memory_space<vmem>> -> memref<64x128xf32, #tpu.memory_space<vmem>>
      tpu.wait_dma2 semaphore(%run_scoped3A : memref<!tpu.dma_semaphore, #tpu.memory_space<semaphore_mem>>) src(%dma_wait3A_173 : memref<64x128xf32, #tpu.memory_space<vmem>>) dst(%dma_wait3A_170 : memref<64x128xf32, #tpu.memory_space<vmem_shared>>)
      tpu.yield
    }) : () -> ()
    %add3A_22 = arith.constant 448 : i32
    %add3A_23 = arith.addi %mul3A_7, %add3A_22 : i32
    "tpu.region"() ({
      %run_scoped3A = tpu.sem_alloc : memref<!tpu.dma_semaphore, #tpu.memory_space<semaphore_mem>>
      %dma_start3A_154 = arith.constant 0 : i32
      %dma_start3A_155 = arith.constant 0 : i32
      %dma_start3A_156 = tpu.memref_slice %arg16[%dma_start3A_154, %dma_start3A_155] : memref<64x128xf32, #tpu.memory_space<vmem>> -> memref<64x128xf32, #tpu.memory_space<vmem>>
      %dma_start3A_157 = arith.constant 0 : i32
      %dma_start3A_158 = tpu.memref_slice %arg22[%add3A_23, %dma_start3A_157] : memref<10112x128xf32, #tpu.memory_space<vmem_shared>> -> memref<64x128xf32, #tpu.memory_space<vmem_shared>>
      %dma_start3A_159 = arith.constant 0 : i32
      %dma_start3A_160 = tpu.memref_slice %arg22[%add3A_23, %dma_start3A_159] : memref<10112x128xf32, #tpu.memory_space<vmem_shared>> -> memref<64x128xf32, #tpu.memory_space<vmem_shared>>
      %dma_start3A_161 = arith.constant 0 : i32
      %dma_start3A_162 = arith.constant 0 : i32
      %dma_start3A_163 = tpu.memref_slice %arg16[%dma_start3A_161, %dma_start3A_162] : memref<64x128xf32, #tpu.memory_space<vmem>> -> memref<64x128xf32, #tpu.memory_space<vmem>>
      tpu.enqueue_dma source(%dma_start3A_163 : memref<64x128xf32, #tpu.memory_space<vmem>>) target(%dma_start3A_160 : memref<64x128xf32, #tpu.memory_space<vmem_shared>>) target_semaphore(%run_scoped3A : memref<!tpu.dma_semaphore, #tpu.memory_space<semaphore_mem>>)
      %dma_wait3A_164 = arith.constant 0 : i32
      %dma_wait3A_165 = arith.constant 0 : i32
      %dma_wait3A_166 = tpu.memref_slice %arg16[%dma_wait3A_164, %dma_wait3A_165] : memref<64x128xf32, #tpu.memory_space<vmem>> -> memref<64x128xf32, #tpu.memory_space<vmem>>
      %dma_wait3A_167 = arith.constant 0 : i32
      %dma_wait3A_168 = tpu.memref_slice %arg22[%add3A_23, %dma_wait3A_167] : memref<10112x128xf32, #tpu.memory_space<vmem_shared>> -> memref<64x128xf32, #tpu.memory_space<vmem_shared>>
      %dma_wait3A_169 = arith.constant 0 : i32
      %dma_wait3A_170 = tpu.memref_slice %arg22[%add3A_23, %dma_wait3A_169] : memref<10112x128xf32, #tpu.memory_space<vmem_shared>> -> memref<64x128xf32, #tpu.memory_space<vmem_shared>>
      %dma_wait3A_171 = arith.constant 0 : i32
      %dma_wait3A_172 = arith.constant 0 : i32
      %dma_wait3A_173 = tpu.memref_slice %arg16[%dma_wait3A_171, %dma_wait3A_172] : memref<64x128xf32, #tpu.memory_space<vmem>> -> memref<64x128xf32, #tpu.memory_space<vmem>>
      tpu.wait_dma2 semaphore(%run_scoped3A : memref<!tpu.dma_semaphore, #tpu.memory_space<semaphore_mem>>) src(%dma_wait3A_173 : memref<64x128xf32, #tpu.memory_space<vmem>>) dst(%dma_wait3A_170 : memref<64x128xf32, #tpu.memory_space<vmem_shared>>)
      tpu.yield
    }) : () -> ()
    %add3A_24 = arith.constant 512 : i32
    %add3A_25 = arith.addi %mul3A_7, %add3A_24 : i32
    "tpu.region"() ({
      %run_scoped3A = tpu.sem_alloc : memref<!tpu.dma_semaphore, #tpu.memory_space<semaphore_mem>>
      %dma_start3A_154 = arith.constant 0 : i32
      %dma_start3A_155 = arith.constant 0 : i32
      %dma_start3A_156 = tpu.memref_slice %arg16[%dma_start3A_154, %dma_start3A_155] : memref<64x128xf32, #tpu.memory_space<vmem>> -> memref<64x128xf32, #tpu.memory_space<vmem>>
      %dma_start3A_157 = arith.constant 0 : i32
      %dma_start3A_158 = tpu.memref_slice %arg22[%add3A_25, %dma_start3A_157] : memref<10112x128xf32, #tpu.memory_space<vmem_shared>> -> memref<64x128xf32, #tpu.memory_space<vmem_shared>>
      %dma_start3A_159 = arith.constant 0 : i32
      %dma_start3A_160 = tpu.memref_slice %arg22[%add3A_25, %dma_start3A_159] : memref<10112x128xf32, #tpu.memory_space<vmem_shared>> -> memref<64x128xf32, #tpu.memory_space<vmem_shared>>
      %dma_start3A_161 = arith.constant 0 : i32
      %dma_start3A_162 = arith.constant 0 : i32
      %dma_start3A_163 = tpu.memref_slice %arg16[%dma_start3A_161, %dma_start3A_162] : memref<64x128xf32, #tpu.memory_space<vmem>> -> memref<64x128xf32, #tpu.memory_space<vmem>>
      tpu.enqueue_dma source(%dma_start3A_163 : memref<64x128xf32, #tpu.memory_space<vmem>>) target(%dma_start3A_160 : memref<64x128xf32, #tpu.memory_space<vmem_shared>>) target_semaphore(%run_scoped3A : memref<!tpu.dma_semaphore, #tpu.memory_space<semaphore_mem>>)
      %dma_wait3A_164 = arith.constant 0 : i32
      %dma_wait3A_165 = arith.constant 0 : i32
      %dma_wait3A_166 = tpu.memref_slice %arg16[%dma_wait3A_164, %dma_wait3A_165] : memref<64x128xf32, #tpu.memory_space<vmem>> -> memref<64x128xf32, #tpu.memory_space<vmem>>
      %dma_wait3A_167 = arith.constant 0 : i32
      %dma_wait3A_168 = tpu.memref_slice %arg22[%add3A_25, %dma_wait3A_167] : memref<10112x128xf32, #tpu.memory_space<vmem_shared>> -> memref<64x128xf32, #tpu.memory_space<vmem_shared>>
      %dma_wait3A_169 = arith.constant 0 : i32
      %dma_wait3A_170 = tpu.memref_slice %arg22[%add3A_25, %dma_wait3A_169] : memref<10112x128xf32, #tpu.memory_space<vmem_shared>> -> memref<64x128xf32, #tpu.memory_space<vmem_shared>>
      %dma_wait3A_171 = arith.constant 0 : i32
      %dma_wait3A_172 = arith.constant 0 : i32
      %dma_wait3A_173 = tpu.memref_slice %arg16[%dma_wait3A_171, %dma_wait3A_172] : memref<64x128xf32, #tpu.memory_space<vmem>> -> memref<64x128xf32, #tpu.memory_space<vmem>>
      tpu.wait_dma2 semaphore(%run_scoped3A : memref<!tpu.dma_semaphore, #tpu.memory_space<semaphore_mem>>) src(%dma_wait3A_173 : memref<64x128xf32, #tpu.memory_space<vmem>>) dst(%dma_wait3A_170 : memref<64x128xf32, #tpu.memory_space<vmem_shared>>)
      tpu.yield
    }) : () -> ()
    %add3A_26 = arith.constant 576 : i32
    %add3A_27 = arith.addi %mul3A_7, %add3A_26 : i32
    "tpu.region"() ({
      %run_scoped3A = tpu.sem_alloc : memref<!tpu.dma_semaphore, #tpu.memory_space<semaphore_mem>>
      %dma_start3A_154 = arith.constant 0 : i32
      %dma_start3A_155 = arith.constant 0 : i32
      %dma_start3A_156 = tpu.memref_slice %arg16[%dma_start3A_154, %dma_start3A_155] : memref<64x128xf32, #tpu.memory_space<vmem>> -> memref<56x128xf32, #tpu.memory_space<vmem>>
      %dma_start3A_157 = arith.constant 0 : i32
      %dma_start3A_158 = tpu.memref_slice %arg22[%add3A_27, %dma_start3A_157] : memref<10112x128xf32, #tpu.memory_space<vmem_shared>> -> memref<56x128xf32, #tpu.memory_space<vmem_shared>>
      %dma_start3A_159 = arith.constant 0 : i32
      %dma_start3A_160 = tpu.memref_slice %arg22[%add3A_27, %dma_start3A_159] : memref<10112x128xf32, #tpu.memory_space<vmem_shared>> -> memref<56x128xf32, #tpu.memory_space<vmem_shared>>
      %dma_start3A_161 = arith.constant 0 : i32
      %dma_start3A_162 = arith.constant 0 : i32
      %dma_start3A_163 = tpu.memref_slice %arg16[%dma_start3A_161, %dma_start3A_162] : memref<64x128xf32, #tpu.memory_space<vmem>> -> memref<56x128xf32, #tpu.memory_space<vmem>>
      tpu.enqueue_dma source(%dma_start3A_163 : memref<56x128xf32, #tpu.memory_space<vmem>>) target(%dma_start3A_160 : memref<56x128xf32, #tpu.memory_space<vmem_shared>>) target_semaphore(%run_scoped3A : memref<!tpu.dma_semaphore, #tpu.memory_space<semaphore_mem>>)
      %dma_wait3A_164 = arith.constant 0 : i32
      %dma_wait3A_165 = arith.constant 0 : i32
      %dma_wait3A_166 = tpu.memref_slice %arg16[%dma_wait3A_164, %dma_wait3A_165] : memref<64x128xf32, #tpu.memory_space<vmem>> -> memref<56x128xf32, #tpu.memory_space<vmem>>
      %dma_wait3A_167 = arith.constant 0 : i32
      %dma_wait3A_168 = tpu.memref_slice %arg22[%add3A_27, %dma_wait3A_167] : memref<10112x128xf32, #tpu.memory_space<vmem_shared>> -> memref<56x128xf32, #tpu.memory_space<vmem_shared>>
      %dma_wait3A_169 = arith.constant 0 : i32
      %dma_wait3A_170 = tpu.memref_slice %arg22[%add3A_27, %dma_wait3A_169] : memref<10112x128xf32, #tpu.memory_space<vmem_shared>> -> memref<56x128xf32, #tpu.memory_space<vmem_shared>>
      %dma_wait3A_171 = arith.constant 0 : i32
      %dma_wait3A_172 = arith.constant 0 : i32
      %dma_wait3A_173 = tpu.memref_slice %arg16[%dma_wait3A_171, %dma_wait3A_172] : memref<64x128xf32, #tpu.memory_space<vmem>> -> memref<56x128xf32, #tpu.memory_space<vmem>>
      tpu.wait_dma2 semaphore(%run_scoped3A : memref<!tpu.dma_semaphore, #tpu.memory_space<semaphore_mem>>) src(%dma_wait3A_173 : memref<56x128xf32, #tpu.memory_space<vmem>>) dst(%dma_wait3A_170 : memref<56x128xf32, #tpu.memory_space<vmem_shared>>)
      tpu.yield
    }) : () -> ()
    %barrier3A = arith.constant 0 : index
    tpu.barrier barrier_id(%barrier3A)
    %add3A_28 = arith.constant 0 : i32
    %add3A_29 = arith.addi %add3A_28, %add3A : i32
    %min3A = arith.constant 4999 : i32
    %min3A_30 = arith.minsi %add3A_29, %min3A : i32
    %mul3A_31 = arith.constant 64 : i32
    %mul3A_32 = arith.muli %min3A_30, %mul3A_31 : i32
    %dma_start3A = tpu.memref_slice %arg5[%mul3A_32] : memref<320000xi32, #tpu.memory_space<hbm>> -> memref<64xi32, #tpu.memory_space<hbm>>
    %dma_start3A_33 = tpu.memref_slice %arg5[%mul3A_32] : memref<320000xi32, #tpu.memory_space<hbm>> -> memref<64xi32, #tpu.memory_space<hbm>>
    tpu.enqueue_dma source(%dma_start3A_33 : memref<64xi32, #tpu.memory_space<hbm>>) target(%arg8 : memref<64xi32, #tpu.memory_space<vmem>>) target_semaphore(%arg23 : memref<!tpu.dma_semaphore, #tpu.memory_space<semaphore_mem>>)
    %dma_start3A_34 = tpu.memref_slice %arg6[%mul3A_32] : memref<320000xi32, #tpu.memory_space<hbm>> -> memref<64xi32, #tpu.memory_space<hbm>>
    %dma_start3A_35 = tpu.memref_slice %arg6[%mul3A_32] : memref<320000xi32, #tpu.memory_space<hbm>> -> memref<64xi32, #tpu.memory_space<hbm>>
    tpu.enqueue_dma source(%dma_start3A_35 : memref<64xi32, #tpu.memory_space<hbm>>) target(%arg9 : memref<64xi32, #tpu.memory_space<vmem>>) target_semaphore(%arg23 : memref<!tpu.dma_semaphore, #tpu.memory_space<semaphore_mem>>)
    %add3A_36 = arith.constant 32 : i32
    %add3A_37 = arith.addi %add3A_36, %add3A : i32
    %min3A_38 = arith.constant 4999 : i32
    %min3A_39 = arith.minsi %add3A_37, %min3A_38 : i32
    %mul3A_40 = arith.constant 64 : i32
    %mul3A_41 = arith.muli %min3A_39, %mul3A_40 : i32
    %dma_start3A_42 = tpu.memref_slice %arg5[%mul3A_41] : memref<320000xi32, #tpu.memory_space<hbm>> -> memref<64xi32, #tpu.memory_space<hbm>>
    %dma_start3A_43 = tpu.memref_slice %arg5[%mul3A_41] : memref<320000xi32, #tpu.memory_space<hbm>> -> memref<64xi32, #tpu.memory_space<hbm>>
    tpu.enqueue_dma source(%dma_start3A_43 : memref<64xi32, #tpu.memory_space<hbm>>) target(%arg10 : memref<64xi32, #tpu.memory_space<vmem>>) target_semaphore(%arg24 : memref<!tpu.dma_semaphore, #tpu.memory_space<semaphore_mem>>)
    %dma_start3A_44 = tpu.memref_slice %arg6[%mul3A_41] : memref<320000xi32, #tpu.memory_space<hbm>> -> memref<64xi32, #tpu.memory_space<hbm>>
    %dma_start3A_45 = tpu.memref_slice %arg6[%mul3A_41] : memref<320000xi32, #tpu.memory_space<hbm>> -> memref<64xi32, #tpu.memory_space<hbm>>
    tpu.enqueue_dma source(%dma_start3A_45 : memref<64xi32, #tpu.memory_space<hbm>>) target(%arg11 : memref<64xi32, #tpu.memory_space<vmem>>) target_semaphore(%arg24 : memref<!tpu.dma_semaphore, #tpu.memory_space<semaphore_mem>>)
    %add3A_46 = arith.constant 64 : i32
    %add3A_47 = arith.addi %add3A_46, %add3A : i32
    %min3A_48 = arith.constant 4999 : i32
    %min3A_49 = arith.minsi %add3A_47, %min3A_48 : i32
    %mul3A_50 = arith.constant 64 : i32
    %mul3A_51 = arith.muli %min3A_49, %mul3A_50 : i32
    %dma_start3A_52 = tpu.memref_slice %arg5[%mul3A_51] : memref<320000xi32, #tpu.memory_space<hbm>> -> memref<64xi32, #tpu.memory_space<hbm>>
    %dma_start3A_53 = tpu.memref_slice %arg5[%mul3A_51] : memref<320000xi32, #tpu.memory_space<hbm>> -> memref<64xi32, #tpu.memory_space<hbm>>
    tpu.enqueue_dma source(%dma_start3A_53 : memref<64xi32, #tpu.memory_space<hbm>>) target(%arg12 : memref<64xi32, #tpu.memory_space<vmem>>) target_semaphore(%arg25 : memref<!tpu.dma_semaphore, #tpu.memory_space<semaphore_mem>>)
    %dma_start3A_54 = tpu.memref_slice %arg6[%mul3A_51] : memref<320000xi32, #tpu.memory_space<hbm>> -> memref<64xi32, #tpu.memory_space<hbm>>
    %dma_start3A_55 = tpu.memref_slice %arg6[%mul3A_51] : memref<320000xi32, #tpu.memory_space<hbm>> -> memref<64xi32, #tpu.memory_space<hbm>>
    tpu.enqueue_dma source(%dma_start3A_55 : memref<64xi32, #tpu.memory_space<hbm>>) target(%arg13 : memref<64xi32, #tpu.memory_space<vmem>>) target_semaphore(%arg25 : memref<!tpu.dma_semaphore, #tpu.memory_space<semaphore_mem>>)
    %dma_wait3A = arith.constant 0 : i32
    %dma_wait3A_56 = tpu.memref_slice %arg5[%dma_wait3A] : memref<320000xi32, #tpu.memory_space<hbm>> -> memref<64xi32, #tpu.memory_space<hbm>>
    %dma_wait3A_57 = arith.constant 0 : i32
    %dma_wait3A_58 = tpu.memref_slice %arg5[%dma_wait3A_57] : memref<320000xi32, #tpu.memory_space<hbm>> -> memref<64xi32, #tpu.memory_space<hbm>>
    tpu.wait_dma2 semaphore(%arg23 : memref<!tpu.dma_semaphore, #tpu.memory_space<semaphore_mem>>) src(%dma_wait3A_58 : memref<64xi32, #tpu.memory_space<hbm>>) dst(%arg8 : memref<64xi32, #tpu.memory_space<vmem>>)
    %dma_wait3A_59 = arith.constant 0 : i32
    %dma_wait3A_60 = tpu.memref_slice %arg6[%dma_wait3A_59] : memref<320000xi32, #tpu.memory_space<hbm>> -> memref<64xi32, #tpu.memory_space<hbm>>
    %dma_wait3A_61 = arith.constant 0 : i32
    %dma_wait3A_62 = tpu.memref_slice %arg6[%dma_wait3A_61] : memref<320000xi32, #tpu.memory_space<hbm>> -> memref<64xi32, #tpu.memory_space<hbm>>
    tpu.wait_dma2 semaphore(%arg23 : memref<!tpu.dma_semaphore, #tpu.memory_space<semaphore_mem>>) src(%dma_wait3A_62 : memref<64xi32, #tpu.memory_space<hbm>>) dst(%arg9 : memref<64xi32, #tpu.memory_space<vmem>>)
    %add3A_63 = arith.constant 0 : i32
    %add3A_64 = arith.addi %add3A_63, %add3A : i32
    %min3A_65 = arith.constant 4999 : i32
    %min3A_66 = arith.minsi %add3A_64, %min3A_65 : i32
    %mul3A_67 = arith.constant 64 : i32
    %mul3A_68 = arith.muli %min3A_66, %mul3A_67 : i32
    %dma_start3A_69 = arith.constant 0 : i32
    %dma_start3A_70 = arith.constant 0 : i32
    %dma_start3A_71 = tpu.memref_slice %arg2[%dma_start3A_69, %dma_start3A_70] : memref<10000x128xf32, #tpu.memory_space<hbm>> -> memref<10000x128xf32, #tpu.memory_space<hbm>>
    tpu.enqueue_indirect_dma source(%dma_start3A_71 : memref<10000x128xf32, #tpu.memory_space<hbm>>) target(%arg16 : memref<64x128xf32, #tpu.memory_space<vmem>>) offsets(%arg8 : memref<64xi32, #tpu.memory_space<vmem>>) semaphore(%arg27 : memref<!tpu.dma_semaphore, #tpu.memory_space<semaphore_mem>>)
    %dma_start3A_72 = arith.constant 0 : i32
    %dma_start3A_73 = arith.constant 0 : i32
    %dma_start3A_74 = tpu.memref_slice %arg3[%dma_start3A_72, %dma_start3A_73] : memref<10000x128xf32, #tpu.memory_space<hbm>> -> memref<10000x128xf32, #tpu.memory_space<hbm>>
    tpu.enqueue_indirect_dma source(%dma_start3A_74 : memref<10000x128xf32, #tpu.memory_space<hbm>>) target(%arg17 : memref<64x128xf32, #tpu.memory_space<vmem>>) offsets(%arg9 : memref<64xi32, #tpu.memory_space<vmem>>) semaphore(%arg27 : memref<!tpu.dma_semaphore, #tpu.memory_space<semaphore_mem>>)
    %dma_start3A_75 = arith.constant 0 : i32
    %dma_start3A_76 = tpu.memref_slice %arg4[%mul3A_68, %dma_start3A_75] : memref<320000x128xf32, #tpu.memory_space<hbm>> -> memref<64x128xf32, #tpu.memory_space<hbm>>
    %dma_start3A_77 = arith.constant 0 : i32
    %dma_start3A_78 = tpu.memref_slice %arg4[%mul3A_68, %dma_start3A_77] : memref<320000x128xf32, #tpu.memory_space<hbm>> -> memref<64x128xf32, #tpu.memory_space<hbm>>
    tpu.enqueue_dma source(%dma_start3A_78 : memref<64x128xf32, #tpu.memory_space<hbm>>) target(%arg18 : memref<64x128xf32, #tpu.memory_space<vmem>>) target_semaphore(%arg27 : memref<!tpu.dma_semaphore, #tpu.memory_space<semaphore_mem>>)
    %scan3A_79 = arith.constant 0 : i32
    %scan3A_80 = arith.constant 0 : i32
    %scan3A_81 = arith.constant 40 : i32
    %scan3A_82 = arith.addi %scan3A_80, %scan3A_81 : i32
    %scan3A_83 = arith.constant 1 : i32
    scf.for %scan3A_154 = %scan3A_80 to %scan3A_82 step %scan3A_83  : i32 {
      %mul3A_155 = arith.constant 4 : i32
      %mul3A_156 = arith.muli %mul3A_155, %scan3A_154 : i32
      %add3A_157 = arith.constant 0 : i32
      %add3A_158 = arith.addi %mul3A_156, %add3A_157 : i32
      %add3A_159 = arith.constant 3 : i32
      %add3A_160 = arith.addi %add3A_158, %add3A_159 : i32
      %mul3A_161 = arith.constant 32 : i32
      %mul3A_162 = arith.muli %add3A_160, %mul3A_161 : i32
      %add3A_163 = arith.addi %mul3A_162, %add3A : i32
      %min3A_164 = arith.constant 4999 : i32
      %min3A_165 = arith.minsi %add3A_163, %min3A_164 : i32
      %mul3A_166 = arith.constant 64 : i32
      %mul3A_167 = arith.muli %min3A_165, %mul3A_166 : i32
      %dma_start3A_168 = tpu.memref_slice %arg5[%mul3A_167] : memref<320000xi32, #tpu.memory_space<hbm>> -> memref<64xi32, #tpu.memory_space<hbm>>
      %dma_start3A_169 = tpu.memref_slice %arg5[%mul3A_167] : memref<320000xi32, #tpu.memory_space<hbm>> -> memref<64xi32, #tpu.memory_space<hbm>>
      tpu.enqueue_dma source(%dma_start3A_169 : memref<64xi32, #tpu.memory_space<hbm>>) target(%arg14 : memref<64xi32, #tpu.memory_space<vmem>>) target_semaphore(%arg26 : memref<!tpu.dma_semaphore, #tpu.memory_space<semaphore_mem>>)
      %dma_start3A_170 = tpu.memref_slice %arg6[%mul3A_167] : memref<320000xi32, #tpu.memory_space<hbm>> -> memref<64xi32, #tpu.memory_space<hbm>>
      %dma_start3A_171 = tpu.memref_slice %arg6[%mul3A_167] : memref<320000xi32, #tpu.memory_space<hbm>> -> memref<64xi32, #tpu.memory_space<hbm>>
      tpu.enqueue_dma source(%dma_start3A_171 : memref<64xi32, #tpu.memory_space<hbm>>) target(%arg15 : memref<64xi32, #tpu.memory_space<vmem>>) target_semaphore(%arg26 : memref<!tpu.dma_semaphore, #tpu.memory_space<semaphore_mem>>)
      %dma_wait3A_172 = arith.constant 0 : i32
      %dma_wait3A_173 = tpu.memref_slice %arg5[%dma_wait3A_172] : memref<320000xi32, #tpu.memory_space<hbm>> -> memref<64xi32, #tpu.memory_space<hbm>>
      %dma_wait3A_174 = arith.constant 0 : i32
      %dma_wait3A_175 = tpu.memref_slice %arg5[%dma_wait3A_174] : memref<320000xi32, #tpu.memory_space<hbm>> -> memref<64xi32, #tpu.memory_space<hbm>>
      tpu.wait_dma2 semaphore(%arg24 : memref<!tpu.dma_semaphore, #tpu.memory_space<semaphore_mem>>) src(%dma_wait3A_175 : memref<64xi32, #tpu.memory_space<hbm>>) dst(%arg10 : memref<64xi32, #tpu.memory_space<vmem>>)
      %dma_wait3A_176 = arith.constant 0 : i32
      %dma_wait3A_177 = tpu.memref_slice %arg6[%dma_wait3A_176] : memref<320000xi32, #tpu.memory_space<hbm>> -> memref<64xi32, #tpu.memory_space<hbm>>
      %dma_wait3A_178 = arith.constant 0 : i32
      %dma_wait3A_179 = tpu.memref_slice %arg6[%dma_wait3A_178] : memref<320000xi32, #tpu.memory_space<hbm>> -> memref<64xi32, #tpu.memory_space<hbm>>
      tpu.wait_dma2 semaphore(%arg24 : memref<!tpu.dma_semaphore, #tpu.memory_space<semaphore_mem>>) src(%dma_wait3A_179 : memref<64xi32, #tpu.memory_space<hbm>>) dst(%arg11 : memref<64xi32, #tpu.memory_space<vmem>>)
      %add3A_180 = arith.constant 1 : i32
      %add3A_181 = arith.addi %add3A_158, %add3A_180 : i32
      %mul3A_182 = arith.constant 32 : i32
      %mul3A_183 = arith.muli %add3A_181, %mul3A_182 : i32
      %add3A_184 = arith.addi %mul3A_183, %add3A : i32
      %min3A_185 = arith.constant 4999 : i32
      %min3A_186 = arith.minsi %add3A_184, %min3A_185 : i32
      %mul3A_187 = arith.constant 64 : i32
      %mul3A_188 = arith.muli %min3A_186, %mul3A_187 : i32
      %dma_start3A_189 = arith.constant 0 : i32
      %dma_start3A_190 = arith.constant 0 : i32
      %dma_start3A_191 = tpu.memref_slice %arg2[%dma_start3A_189, %dma_start3A_190] : memref<10000x128xf32, #tpu.memory_space<hbm>> -> memref<10000x128xf32, #tpu.memory_space<hbm>>
      tpu.enqueue_indirect_dma source(%dma_start3A_191 : memref<10000x128xf32, #tpu.memory_space<hbm>>) target(%arg19 : memref<64x128xf32, #tpu.memory_space<vmem>>) offsets(%arg10 : memref<64xi32, #tpu.memory_space<vmem>>) semaphore(%arg28 : memref<!tpu.dma_semaphore, #tpu.memory_space<semaphore_mem>>)
      %dma_start3A_192 = arith.constant 0 : i32
      %dma_start3A_193 = arith.constant 0 : i32
      %dma_start3A_194 = tpu.memref_slice %arg3[%dma_start3A_192, %dma_start3A_193] : memref<10000x128xf32, #tpu.memory_space<hbm>> -> memref<10000x128xf32, #tpu.memory_space<hbm>>
      tpu.enqueue_indirect_dma source(%dma_start3A_194 : memref<10000x128xf32, #tpu.memory_space<hbm>>) target(%arg20 : memref<64x128xf32, #tpu.memory_space<vmem>>) offsets(%arg11 : memref<64xi32, #tpu.memory_space<vmem>>) semaphore(%arg28 : memref<!tpu.dma_semaphore, #tpu.memory_space<semaphore_mem>>)
      %dma_start3A_195 = arith.constant 0 : i32
      %dma_start3A_196 = tpu.memref_slice %arg4[%mul3A_188, %dma_start3A_195] : memref<320000x128xf32, #tpu.memory_space<hbm>> -> memref<64x128xf32, #tpu.memory_space<hbm>>
      %dma_start3A_197 = arith.constant 0 : i32
      %dma_start3A_198 = tpu.memref_slice %arg4[%mul3A_188, %dma_start3A_197] : memref<320000x128xf32, #tpu.memory_space<hbm>> -> memref<64x128xf32, #tpu.memory_space<hbm>>
      tpu.enqueue_dma source(%dma_start3A_198 : memref<64x128xf32, #tpu.memory_space<hbm>>) target(%arg21 : memref<64x128xf32, #tpu.memory_space<vmem>>) target_semaphore(%arg28 : memref<!tpu.dma_semaphore, #tpu.memory_space<semaphore_mem>>)
      %dma_wait3A_199 = arith.constant 0 : i32
      %dma_wait3A_200 = arith.constant 0 : i32
      %dma_wait3A_201 = tpu.memref_slice %arg2[%dma_wait3A_199, %dma_wait3A_200] : memref<10000x128xf32, #tpu.memory_space<hbm>> -> memref<10000x128xf32, #tpu.memory_space<hbm>>
      tpu.wait_indirect_dma semaphore(%arg27 : memref<!tpu.dma_semaphore, #tpu.memory_space<semaphore_mem>>) src(%dma_wait3A_201 : memref<10000x128xf32, #tpu.memory_space<hbm>>) dst(%arg16 : memref<64x128xf32, #tpu.memory_space<vmem>>)
      %dma_wait3A_202 = arith.constant 0 : i32
      %dma_wait3A_203 = arith.constant 0 : i32
      %dma_wait3A_204 = tpu.memref_slice %arg3[%dma_wait3A_202, %dma_wait3A_203] : memref<10000x128xf32, #tpu.memory_space<hbm>> -> memref<10000x128xf32, #tpu.memory_space<hbm>>
      tpu.wait_indirect_dma semaphore(%arg27 : memref<!tpu.dma_semaphore, #tpu.memory_space<semaphore_mem>>) src(%dma_wait3A_204 : memref<10000x128xf32, #tpu.memory_space<hbm>>) dst(%arg17 : memref<64x128xf32, #tpu.memory_space<vmem>>)
      %dma_wait3A_205 = arith.constant 0 : i32
      %dma_wait3A_206 = arith.constant 0 : i32
      %dma_wait3A_207 = tpu.memref_slice %arg4[%dma_wait3A_205, %dma_wait3A_206] : memref<320000x128xf32, #tpu.memory_space<hbm>> -> memref<64x128xf32, #tpu.memory_space<hbm>>
      %dma_wait3A_208 = arith.constant 0 : i32
      %dma_wait3A_209 = arith.constant 0 : i32
      %dma_wait3A_210 = tpu.memref_slice %arg4[%dma_wait3A_208, %dma_wait3A_209] : memref<320000x128xf32, #tpu.memory_space<hbm>> -> memref<64x128xf32, #tpu.memory_space<hbm>>
      tpu.wait_dma2 semaphore(%arg27 : memref<!tpu.dma_semaphore, #tpu.memory_space<semaphore_mem>>) src(%dma_wait3A_210 : memref<64x128xf32, #tpu.memory_space<hbm>>) dst(%arg18 : memref<64x128xf32, #tpu.memory_space<vmem>>)
      %mul3A_211 = arith.constant 32 : i32
      %mul3A_212 = arith.muli %add3A_158, %mul3A_211 : i32
      %add3A_213 = arith.addi %mul3A_212, %add3A : i32
      %lt3A = arith.constant 5000 : i32
      %lt3A_214 = arith.cmpi slt, %add3A_213, %lt3A : i32
      %convert_element_type3A = arith.extui %lt3A_214 : i1 to i32
      %cond3A = arith.constant 0 : i32
      %cond3A_215 = arith.cmpi ne, %convert_element_type3A, %cond3A : i32
      scf.if %cond3A_215 {
        %parallel_loop3A = arith.constant 0 : i32
        %parallel_loop3A_402 = arith.constant 64 : i32
        %parallel_loop3A_403 = arith.constant 1 : i32
        scf.for %parallel_loop3A_404 = %parallel_loop3A to %parallel_loop3A_402 step %parallel_loop3A_403  : i32 {
          %parallel_loop3A_405 = arith.index_cast %parallel_loop3A_404 : i32 to index
          %parallel_loop3A_406 = arith.constant 0 : index
          %parallel_loop3A_407 = tpu.vector_load %arg16[%parallel_loop3A_405, %parallel_loop3A_406] {strides = array<i32>} : memref<64x128xf32, #tpu.memory_space<vmem>>, vector<1x16xf32>,
          %parallel_loop3A_408 = vector.shape_cast %parallel_loop3A_407 : vector<1x16xf32> to vector<16xf32>
          %parallel_loop3A_409 = arith.index_cast %parallel_loop3A_404 : i32 to index
          %parallel_loop3A_410 = arith.constant 0 : index
          %parallel_loop3A_411 = tpu.vector_load %arg17[%parallel_loop3A_409, %parallel_loop3A_410] {strides = array<i32>} : memref<64x128xf32, #tpu.memory_space<vmem>>, vector<1x16xf32>,
          %parallel_loop3A_412 = vector.shape_cast %parallel_loop3A_411 : vector<1x16xf32> to vector<16xf32>
          %parallel_loop3A_413 = arith.addf %parallel_loop3A_408, %parallel_loop3A_412 : vector<16xf32>
          %parallel_loop3A_414 = arith.index_cast %parallel_loop3A_404 : i32 to index
          %parallel_loop3A_415 = arith.constant 0 : index
          %parallel_loop3A_416 = tpu.vector_load %arg18[%parallel_loop3A_414, %parallel_loop3A_415] {strides = array<i32>} : memref<64x128xf32, #tpu.memory_space<vmem>>, vector<1x16xf32>,
          %parallel_loop3A_417 = vector.shape_cast %parallel_loop3A_416 : vector<1x16xf32> to vector<16xf32>
          %parallel_loop3A_418 = arith.addf %parallel_loop3A_413, %parallel_loop3A_417 : vector<16xf32>
          %parallel_loop3A_419 = arith.constant 0.000000e+00 : f32
          %parallel_loop3A_420 = vector.broadcast %parallel_loop3A_419 : f32 to vector<16xf32>
          %parallel_loop3A_421 = arith.maximumf %parallel_loop3A_418, %parallel_loop3A_420 : vector<16xf32>
          %parallel_loop3A_422 = arith.index_cast %parallel_loop3A_404 : i32 to index
          %parallel_loop3A_423 = arith.constant 0 : index
          %parallel_loop3A_424 = tpu.vector_load %arg16[%parallel_loop3A_422, %parallel_loop3A_423] {strides = array<i32>} : memref<64x128xf32, #tpu.memory_space<vmem>>, vector<1x16xf32>,
          %parallel_loop3A_425 = vector.shape_cast %parallel_loop3A_424 : vector<1x16xf32> to vector<16xf32>
          %parallel_loop3A_426 = vector.shape_cast %parallel_loop3A_421 : vector<16xf32> to vector<1x16xf32>
          tpu.vector_store %arg16[%parallel_loop3A_422, %parallel_loop3A_423], %parallel_loop3A_426 {strides = array<i32>} : memref<64x128xf32, #tpu.memory_space<vmem>>, vector<1x16xf32>,
          %parallel_loop3A_427 = arith.index_cast %parallel_loop3A_404 : i32 to index
          %parallel_loop3A_428 = arith.constant 16 : index
          %parallel_loop3A_429 = tpu.vector_load %arg16[%parallel_loop3A_427, %parallel_loop3A_428] {strides = array<i32>} : memref<64x128xf32, #tpu.memory_space<vmem>>, vector<1x16xf32>,
          %parallel_loop3A_430 = vector.shape_cast %parallel_loop3A_429 : vector<1x16xf32> to vector<16xf32>
          %parallel_loop3A_431 = arith.index_cast %parallel_loop3A_404 : i32 to index
          %parallel_loop3A_432 = arith.constant 16 : index
          %parallel_loop3A_433 = tpu.vector_load %arg17[%parallel_loop3A_431, %parallel_loop3A_432] {strides = array<i32>} : memref<64x128xf32, #tpu.memory_space<vmem>>, vector<1x16xf32>,
          %parallel_loop3A_434 = vector.shape_cast %parallel_loop3A_433 : vector<1x16xf32> to vector<16xf32>
          %parallel_loop3A_435 = arith.addf %parallel_loop3A_430, %parallel_loop3A_434 : vector<16xf32>
          %parallel_loop3A_436 = arith.index_cast %parallel_loop3A_404 : i32 to index
          %parallel_loop3A_437 = arith.constant 16 : index
          %parallel_loop3A_438 = tpu.vector_load %arg18[%parallel_loop3A_436, %parallel_loop3A_437] {strides = array<i32>} : memref<64x128xf32, #tpu.memory_space<vmem>>, vector<1x16xf32>,
          %parallel_loop3A_439 = vector.shape_cast %parallel_loop3A_438 : vector<1x16xf32> to vector<16xf32>
          %parallel_loop3A_440 = arith.addf %parallel_loop3A_435, %parallel_loop3A_439 : vector<16xf32>
          %parallel_loop3A_441 = arith.constant 0.000000e+00 : f32
          %parallel_loop3A_442 = vector.broadcast %parallel_loop3A_441 : f32 to vector<16xf32>
          %parallel_loop3A_443 = arith.maximumf %parallel_loop3A_440, %parallel_loop3A_442 : vector<16xf32>
          %parallel_loop3A_444 = arith.index_cast %parallel_loop3A_404 : i32 to index
          %parallel_loop3A_445 = arith.constant 16 : index
          %parallel_loop3A_446 = tpu.vector_load %arg16[%parallel_loop3A_444, %parallel_loop3A_445] {strides = array<i32>} : memref<64x128xf32, #tpu.memory_space<vmem>>, vector<1x16xf32>,
          %parallel_loop3A_447 = vector.shape_cast %parallel_loop3A_446 : vector<1x16xf32> to vector<16xf32>
          %parallel_loop3A_448 = vector.shape_cast %parallel_loop3A_443 : vector<16xf32> to vector<1x16xf32>
          tpu.vector_store %arg16[%parallel_loop3A_444, %parallel_loop3A_445], %parallel_loop3A_448 {strides = array<i32>} : memref<64x128xf32, #tpu.memory_space<vmem>>, vector<1x16xf32>,
          %parallel_loop3A_449 = arith.index_cast %parallel_loop3A_404 : i32 to index
          %parallel_loop3A_450 = arith.constant 32 : index
          %parallel_loop3A_451 = tpu.vector_load %arg16[%parallel_loop3A_449, %parallel_loop3A_450] {strides = array<i32>} : memref<64x128xf32, #tpu.memory_space<vmem>>, vector<1x16xf32>,
          %parallel_loop3A_452 = vector.shape_cast %parallel_loop3A_451 : vector<1x16xf32> to vector<16xf32>
          %parallel_loop3A_453 = arith.index_cast %parallel_loop3A_404 : i32 to index
          %parallel_loop3A_454 = arith.constant 32 : index
          %parallel_loop3A_455 = tpu.vector_load %arg17[%parallel_loop3A_453, %parallel_loop3A_454] {strides = array<i32>} : memref<64x128xf32, #tpu.memory_space<vmem>>, vector<1x16xf32>,
          %parallel_loop3A_456 = vector.shape_cast %parallel_loop3A_455 : vector<1x16xf32> to vector<16xf32>
          %parallel_loop3A_457 = arith.addf %parallel_loop3A_452, %parallel_loop3A_456 : vector<16xf32>
          %parallel_loop3A_458 = arith.index_cast %parallel_loop3A_404 : i32 to index
          %parallel_loop3A_459 = arith.constant 32 : index
          %parallel_loop3A_460 = tpu.vector_load %arg18[%parallel_loop3A_458, %parallel_loop3A_459] {strides = array<i32>} : memref<64x128xf32, #tpu.memory_space<vmem>>, vector<1x16xf32>,
          %parallel_loop3A_461 = vector.shape_cast %parallel_loop3A_460 : vector<1x16xf32> to vector<16xf32>
          %parallel_loop3A_462 = arith.addf %parallel_loop3A_457, %parallel_loop3A_461 : vector<16xf32>
          %parallel_loop3A_463 = arith.constant 0.000000e+00 : f32
          %parallel_loop3A_464 = vector.broadcast %parallel_loop3A_463 : f32 to vector<16xf32>
          %parallel_loop3A_465 = arith.maximumf %parallel_loop3A_462, %parallel_loop3A_464 : vector<16xf32>
          %parallel_loop3A_466 = arith.index_cast %parallel_loop3A_404 : i32 to index
          %parallel_loop3A_467 = arith.constant 32 : index
          %parallel_loop3A_468 = tpu.vector_load %arg16[%parallel_loop3A_466, %parallel_loop3A_467] {strides = array<i32>} : memref<64x128xf32, #tpu.memory_space<vmem>>, vector<1x16xf32>,
          %parallel_loop3A_469 = vector.shape_cast %parallel_loop3A_468 : vector<1x16xf32> to vector<16xf32>
          %parallel_loop3A_470 = vector.shape_cast %parallel_loop3A_465 : vector<16xf32> to vector<1x16xf32>
          tpu.vector_store %arg16[%parallel_loop3A_466, %parallel_loop3A_467], %parallel_loop3A_470 {strides = array<i32>} : memref<64x128xf32, #tpu.memory_space<vmem>>, vector<1x16xf32>,
          %parallel_loop3A_471 = arith.index_cast %parallel_loop3A_404 : i32 to index
          %parallel_loop3A_472 = arith.constant 48 : index
          %parallel_loop3A_473 = tpu.vector_load %arg16[%parallel_loop3A_471, %parallel_loop3A_472] {strides = array<i32>} : memref<64x128xf32, #tpu.memory_space<vmem>>, vector<1x16xf32>,
          %parallel_loop3A_474 = vector.shape_cast %parallel_loop3A_473 : vector<1x16xf32> to vector<16xf32>
          %parallel_loop3A_475 = arith.index_cast %parallel_loop3A_404 : i32 to index
          %parallel_loop3A_476 = arith.constant 48 : index
          %parallel_loop3A_477 = tpu.vector_load %arg17[%parallel_loop3A_475, %parallel_loop3A_476] {strides = array<i32>} : memref<64x128xf32, #tpu.memory_space<vmem>>, vector<1x16xf32>,
          %parallel_loop3A_478 = vector.shape_cast %parallel_loop3A_477 : vector<1x16xf32> to vector<16xf32>
          %parallel_loop3A_479 = arith.addf %parallel_loop3A_474, %parallel_loop3A_478 : vector<16xf32>
          %parallel_loop3A_480 = arith.index_cast %parallel_loop3A_404 : i32 to index
          %parallel_loop3A_481 = arith.constant 48 : index
          %parallel_loop3A_482 = tpu.vector_load %arg18[%parallel_loop3A_480, %parallel_loop3A_481] {strides = array<i32>} : memref<64x128xf32, #tpu.memory_space<vmem>>, vector<1x16xf32>,
          %parallel_loop3A_483 = vector.shape_cast %parallel_loop3A_482 : vector<1x16xf32> to vector<16xf32>
          %parallel_loop3A_484 = arith.addf %parallel_loop3A_479, %parallel_loop3A_483 : vector<16xf32>
          %parallel_loop3A_485 = arith.constant 0.000000e+00 : f32
          %parallel_loop3A_486 = vector.broadcast %parallel_loop3A_485 : f32 to vector<16xf32>
          %parallel_loop3A_487 = arith.maximumf %parallel_loop3A_484, %parallel_loop3A_486 : vector<16xf32>
          %parallel_loop3A_488 = arith.index_cast %parallel_loop3A_404 : i32 to index
          %parallel_loop3A_489 = arith.constant 48 : index
          %parallel_loop3A_490 = tpu.vector_load %arg16[%parallel_loop3A_488, %parallel_loop3A_489] {strides = array<i32>} : memref<64x128xf32, #tpu.memory_space<vmem>>, vector<1x16xf32>,
          %parallel_loop3A_491 = vector.shape_cast %parallel_loop3A_490 : vector<1x16xf32> to vector<16xf32>
          %parallel_loop3A_492 = vector.shape_cast %parallel_loop3A_487 : vector<16xf32> to vector<1x16xf32>
          tpu.vector_store %arg16[%parallel_loop3A_488, %parallel_loop3A_489], %parallel_loop3A_492 {strides = array<i32>} : memref<64x128xf32, #tpu.memory_space<vmem>>, vector<1x16xf32>,
          %parallel_loop3A_493 = arith.index_cast %parallel_loop3A_404 : i32 to index
          %parallel_loop3A_494 = arith.constant 64 : index
          %parallel_loop3A_495 = tpu.vector_load %arg16[%parallel_loop3A_493, %parallel_loop3A_494] {strides = array<i32>} : memref<64x128xf32, #tpu.memory_space<vmem>>, vector<1x16xf32>,
          %parallel_loop3A_496 = vector.shape_cast %parallel_loop3A_495 : vector<1x16xf32> to vector<16xf32>
          %parallel_loop3A_497 = arith.index_cast %parallel_loop3A_404 : i32 to index
          %parallel_loop3A_498 = arith.constant 64 : index
          %parallel_loop3A_499 = tpu.vector_load %arg17[%parallel_loop3A_497, %parallel_loop3A_498] {strides = array<i32>} : memref<64x128xf32, #tpu.memory_space<vmem>>, vector<1x16xf32>,
          %parallel_loop3A_500 = vector.shape_cast %parallel_loop3A_499 : vector<1x16xf32> to vector<16xf32>
          %parallel_loop3A_501 = arith.addf %parallel_loop3A_496, %parallel_loop3A_500 : vector<16xf32>
          %parallel_loop3A_502 = arith.index_cast %parallel_loop3A_404 : i32 to index
          %parallel_loop3A_503 = arith.constant 64 : index
          %parallel_loop3A_504 = tpu.vector_load %arg18[%parallel_loop3A_502, %parallel_loop3A_503] {strides = array<i32>} : memref<64x128xf32, #tpu.memory_space<vmem>>, vector<1x16xf32>,
          %parallel_loop3A_505 = vector.shape_cast %parallel_loop3A_504 : vector<1x16xf32> to vector<16xf32>
          %parallel_loop3A_506 = arith.addf %parallel_loop3A_501, %parallel_loop3A_505 : vector<16xf32>
          %parallel_loop3A_507 = arith.constant 0.000000e+00 : f32
          %parallel_loop3A_508 = vector.broadcast %parallel_loop3A_507 : f32 to vector<16xf32>
          %parallel_loop3A_509 = arith.maximumf %parallel_loop3A_506, %parallel_loop3A_508 : vector<16xf32>
          %parallel_loop3A_510 = arith.index_cast %parallel_loop3A_404 : i32 to index
          %parallel_loop3A_511 = arith.constant 64 : index
          %parallel_loop3A_512 = tpu.vector_load %arg16[%parallel_loop3A_510, %parallel_loop3A_511] {strides = array<i32>} : memref<64x128xf32, #tpu.memory_space<vmem>>, vector<1x16xf32>,
          %parallel_loop3A_513 = vector.shape_cast %parallel_loop3A_512 : vector<1x16xf32> to vector<16xf32>
          %parallel_loop3A_514 = vector.shape_cast %parallel_loop3A_509 : vector<16xf32> to vector<1x16xf32>
          tpu.vector_store %arg16[%parallel_loop3A_510, %parallel_loop3A_511], %parallel_loop3A_514 {strides = array<i32>} : memref<64x128xf32, #tpu.memory_space<vmem>>, vector<1x16xf32>,
          %parallel_loop3A_515 = arith.index_cast %parallel_loop3A_404 : i32 to index
          %parallel_loop3A_516 = arith.constant 80 : index
          %parallel_loop3A_517 = tpu.vector_load %arg16[%parallel_loop3A_515, %parallel_loop3A_516] {strides = array<i32>} : memref<64x128xf32, #tpu.memory_space<vmem>>, vector<1x16xf32>,
          %parallel_loop3A_518 = vector.shape_cast %parallel_loop3A_517 : vector<1x16xf32> to vector<16xf32>
          %parallel_loop3A_519 = arith.index_cast %parallel_loop3A_404 : i32 to index
          %parallel_loop3A_520 = arith.constant 80 : index
          %parallel_loop3A_521 = tpu.vector_load %arg17[%parallel_loop3A_519, %parallel_loop3A_520] {strides = array<i32>} : memref<64x128xf32, #tpu.memory_space<vmem>>, vector<1x16xf32>,
          %parallel_loop3A_522 = vector.shape_cast %parallel_loop3A_521 : vector<1x16xf32> to vector<16xf32>
          %parallel_loop3A_523 = arith.addf %parallel_loop3A_518, %parallel_loop3A_522 : vector<16xf32>
          %parallel_loop3A_524 = arith.index_cast %parallel_loop3A_404 : i32 to index
          %parallel_loop3A_525 = arith.constant 80 : index
          %parallel_loop3A_526 = tpu.vector_load %arg18[%parallel_loop3A_524, %parallel_loop3A_525] {strides = array<i32>} : memref<64x128xf32, #tpu.memory_space<vmem>>, vector<1x16xf32>,
          %parallel_loop3A_527 = vector.shape_cast %parallel_loop3A_526 : vector<1x16xf32> to vector<16xf32>
          %parallel_loop3A_528 = arith.addf %parallel_loop3A_523, %parallel_loop3A_527 : vector<16xf32>
          %parallel_loop3A_529 = arith.constant 0.000000e+00 : f32
          %parallel_loop3A_530 = vector.broadcast %parallel_loop3A_529 : f32 to vector<16xf32>
          %parallel_loop3A_531 = arith.maximumf %parallel_loop3A_528, %parallel_loop3A_530 : vector<16xf32>
          %parallel_loop3A_532 = arith.index_cast %parallel_loop3A_404 : i32 to index
          %parallel_loop3A_533 = arith.constant 80 : index
          %parallel_loop3A_534 = tpu.vector_load %arg16[%parallel_loop3A_532, %parallel_loop3A_533] {strides = array<i32>} : memref<64x128xf32, #tpu.memory_space<vmem>>, vector<1x16xf32>,
          %parallel_loop3A_535 = vector.shape_cast %parallel_loop3A_534 : vector<1x16xf32> to vector<16xf32>
          %parallel_loop3A_536 = vector.shape_cast %parallel_loop3A_531 : vector<16xf32> to vector<1x16xf32>
          tpu.vector_store %arg16[%parallel_loop3A_532, %parallel_loop3A_533], %parallel_loop3A_536 {strides = array<i32>} : memref<64x128xf32, #tpu.memory_space<vmem>>, vector<1x16xf32>,
          %parallel_loop3A_537 = arith.index_cast %parallel_loop3A_404 : i32 to index
          %parallel_loop3A_538 = arith.constant 96 : index
          %parallel_loop3A_539 = tpu.vector_load %arg16[%parallel_loop3A_537, %parallel_loop3A_538] {strides = array<i32>} : memref<64x128xf32, #tpu.memory_space<vmem>>, vector<1x16xf32>,
          %parallel_loop3A_540 = vector.shape_cast %parallel_loop3A_539 : vector<1x16xf32> to vector<16xf32>
          %parallel_loop3A_541 = arith.index_cast %parallel_loop3A_404 : i32 to index
          %parallel_loop3A_542 = arith.constant 96 : index
          %parallel_loop3A_543 = tpu.vector_load %arg17[%parallel_loop3A_541, %parallel_loop3A_542] {strides = array<i32>} : memref<64x128xf32, #tpu.memory_space<vmem>>, vector<1x16xf32>,
          %parallel_loop3A_544 = vector.shape_cast %parallel_loop3A_543 : vector<1x16xf32> to vector<16xf32>
          %parallel_loop3A_545 = arith.addf %parallel_loop3A_540, %parallel_loop3A_544 : vector<16xf32>
          %parallel_loop3A_546 = arith.index_cast %parallel_loop3A_404 : i32 to index
          %parallel_loop3A_547 = arith.constant 96 : index
          %parallel_loop3A_548 = tpu.vector_load %arg18[%parallel_loop3A_546, %parallel_loop3A_547] {strides = array<i32>} : memref<64x128xf32, #tpu.memory_space<vmem>>, vector<1x16xf32>,
          %parallel_loop3A_549 = vector.shape_cast %parallel_loop3A_548 : vector<1x16xf32> to vector<16xf32>
          %parallel_loop3A_550 = arith.addf %parallel_loop3A_545, %parallel_loop3A_549 : vector<16xf32>
          %parallel_loop3A_551 = arith.constant 0.000000e+00 : f32
          %parallel_loop3A_552 = vector.broadcast %parallel_loop3A_551 : f32 to vector<16xf32>
          %parallel_loop3A_553 = arith.maximumf %parallel_loop3A_550, %parallel_loop3A_552 : vector<16xf32>
          %parallel_loop3A_554 = arith.index_cast %parallel_loop3A_404 : i32 to index
          %parallel_loop3A_555 = arith.constant 96 : index
          %parallel_loop3A_556 = tpu.vector_load %arg16[%parallel_loop3A_554, %parallel_loop3A_555] {strides = array<i32>} : memref<64x128xf32, #tpu.memory_space<vmem>>, vector<1x16xf32>,
          %parallel_loop3A_557 = vector.shape_cast %parallel_loop3A_556 : vector<1x16xf32> to vector<16xf32>
          %parallel_loop3A_558 = vector.shape_cast %parallel_loop3A_553 : vector<16xf32> to vector<1x16xf32>
          tpu.vector_store %arg16[%parallel_loop3A_554, %parallel_loop3A_555], %parallel_loop3A_558 {strides = array<i32>} : memref<64x128xf32, #tpu.memory_space<vmem>>, vector<1x16xf32>,
          %parallel_loop3A_559 = arith.index_cast %parallel_loop3A_404 : i32 to index
          %parallel_loop3A_560 = arith.constant 112 : index
          %parallel_loop3A_561 = tpu.vector_load %arg16[%parallel_loop3A_559, %parallel_loop3A_560] {strides = array<i32>} : memref<64x128xf32, #tpu.memory_space<vmem>>, vector<1x16xf32>,
          %parallel_loop3A_562 = vector.shape_cast %parallel_loop3A_561 : vector<1x16xf32> to vector<16xf32>
          %parallel_loop3A_563 = arith.index_cast %parallel_loop3A_404 : i32 to index
          %parallel_loop3A_564 = arith.constant 112 : index
          %parallel_loop3A_565 = tpu.vector_load %arg17[%parallel_loop3A_563, %parallel_loop3A_564] {strides = array<i32>} : memref<64x128xf32, #tpu.memory_space<vmem>>, vector<1x16xf32>,
          %parallel_loop3A_566 = vector.shape_cast %parallel_loop3A_565 : vector<1x16xf32> to vector<16xf32>
          %parallel_loop3A_567 = arith.addf %parallel_loop3A_562, %parallel_loop3A_566 : vector<16xf32>
          %parallel_loop3A_568 = arith.index_cast %parallel_loop3A_404 : i32 to index
          %parallel_loop3A_569 = arith.constant 112 : index
          %parallel_loop3A_570 = tpu.vector_load %arg18[%parallel_loop3A_568, %parallel_loop3A_569] {strides = array<i32>} : memref<64x128xf32, #tpu.memory_space<vmem>>, vector<1x16xf32>,
          %parallel_loop3A_571 = vector.shape_cast %parallel_loop3A_570 : vector<1x16xf32> to vector<16xf32>
          %parallel_loop3A_572 = arith.addf %parallel_loop3A_567, %parallel_loop3A_571 : vector<16xf32>
          %parallel_loop3A_573 = arith.constant 0.000000e+00 : f32
          %parallel_loop3A_574 = vector.broadcast %parallel_loop3A_573 : f32 to vector<16xf32>
          %parallel_loop3A_575 = arith.maximumf %parallel_loop3A_572, %parallel_loop3A_574 : vector<16xf32>
          %parallel_loop3A_576 = arith.index_cast %parallel_loop3A_404 : i32 to index
          %parallel_loop3A_577 = arith.constant 112 : index
          %parallel_loop3A_578 = tpu.vector_load %arg16[%parallel_loop3A_576, %parallel_loop3A_577] {strides = array<i32>} : memref<64x128xf32, #tpu.memory_space<vmem>>, vector<1x16xf32>,
          %parallel_loop3A_579 = vector.shape_cast %parallel_loop3A_578 : vector<1x16xf32> to vector<16xf32>
          %parallel_loop3A_580 = vector.shape_cast %parallel_loop3A_575 : vector<16xf32> to vector<1x16xf32>
          tpu.vector_store %arg16[%parallel_loop3A_576, %parallel_loop3A_577], %parallel_loop3A_580 {strides = array<i32>} : memref<64x128xf32, #tpu.memory_space<vmem>>, vector<1x16xf32>,
        } {sc.loop_unroll_factor = 4 : i64, sc.parallel_access}
        "tpu.region"() ({
          %run_scoped3A = tpu.sem_alloc : memref<!tpu.dma_semaphore, #tpu.memory_space<semaphore_mem>>
          %dma_start3A_404 = arith.constant 0 : i32
          %dma_start3A_405 = arith.constant 0 : i32
          %dma_start3A_406 = tpu.memref_slice %arg22[%dma_start3A_404, %dma_start3A_405] : memref<10112x128xf32, #tpu.memory_space<vmem_shared>> -> memref<10112x128xf32, #tpu.memory_space<vmem_shared>>
          tpu.enqueue_indirect_dma source(%arg16 : memref<64x128xf32, #tpu.memory_space<vmem>>) target(%dma_start3A_406 : memref<10112x128xf32, #tpu.memory_space<vmem_shared>>) offsets(%arg9 : memref<64xi32, #tpu.memory_space<vmem>>) semaphore(%run_scoped3A : memref<!tpu.dma_semaphore, #tpu.memory_space<semaphore_mem>>) {add = true}
          %dma_wait3A_407 = arith.constant 0 : i32
          %dma_wait3A_408 = arith.constant 0 : i32
          %dma_wait3A_409 = tpu.memref_slice %arg22[%dma_wait3A_407, %dma_wait3A_408] : memref<10112x128xf32, #tpu.memory_space<vmem_shared>> -> memref<10112x128xf32, #tpu.memory_space<vmem_shared>>
          tpu.wait_indirect_dma semaphore(%run_scoped3A : memref<!tpu.dma_semaphore, #tpu.memory_space<semaphore_mem>>) src(%arg16 : memref<64x128xf32, #tpu.memory_space<vmem>>) dst(%dma_wait3A_409 : memref<10112x128xf32, #tpu.memory_space<vmem_shared>>)
          tpu.yield
        }) : () -> ()
      } else {
      }
      %add3A_216 = arith.constant 1 : i32
      %add3A_217 = arith.addi %mul3A_156, %add3A_216 : i32
      %add3A_218 = arith.constant 3 : i32
      %add3A_219 = arith.addi %add3A_217, %add3A_218 : i32
      %mul3A_220 = arith.constant 32 : i32
      %mul3A_221 = arith.muli %add3A_219, %mul3A_220 : i32
      %add3A_222 = arith.addi %mul3A_221, %add3A : i32
      %min3A_223 = arith.constant 4999 : i32
      %min3A_224 = arith.minsi %add3A_222, %min3A_223 : i32
      %mul3A_225 = arith.constant 64 : i32
      %mul3A_226 = arith.muli %min3A_224, %mul3A_225 : i32
      %dma_start3A_227 = tpu.memref_slice %arg5[%mul3A_226] : memref<320000xi32, #tpu.memory_space<hbm>> -> memref<64xi32, #tpu.memory_space<hbm>>
      %dma_start3A_228 = tpu.memref_slice %arg5[%mul3A_226] : memref<320000xi32, #tpu.memory_space<hbm>> -> memref<64xi32, #tpu.memory_space<hbm>>
      tpu.enqueue_dma source(%dma_start3A_228 : memref<64xi32, #tpu.memory_space<hbm>>) target(%arg8 : memref<64xi32, #tpu.memory_space<vmem>>) target_semaphore(%arg23 : memref<!tpu.dma_semaphore, #tpu.memory_space<semaphore_mem>>)
      %dma_start3A_229 = tpu.memref_slice %arg6[%mul3A_226] : memref<320000xi32, #tpu.memory_space<hbm>> -> memref<64xi32, #tpu.memory_space<hbm>>
      %dma_start3A_230 = tpu.memref_slice %arg6[%mul3A_226] : memref<320000xi32, #tpu.memory_space<hbm>> -> memref<64xi32, #tpu.memory_space<hbm>>
      tpu.enqueue_dma source(%dma_start3A_230 : memref<64xi32, #tpu.memory_space<hbm>>) target(%arg9 : memref<64xi32, #tpu.memory_space<vmem>>) target_semaphore(%arg23 : memref<!tpu.dma_semaphore, #tpu.memory_space<semaphore_mem>>)
      %dma_wait3A_231 = arith.constant 0 : i32
      %dma_wait3A_232 = tpu.memref_slice %arg5[%dma_wait3A_231] : memref<320000xi32, #tpu.memory_space<hbm>> -> memref<64xi32, #tpu.memory_space<hbm>>
      %dma_wait3A_233 = arith.constant 0 : i32
      %dma_wait3A_234 = tpu.memref_slice %arg5[%dma_wait3A_233] : memref<320000xi32, #tpu.memory_space<hbm>> -> memref<64xi32, #tpu.memory_space<hbm>>
      tpu.wait_dma2 semaphore(%arg25 : memref<!tpu.dma_semaphore, #tpu.memory_space<semaphore_mem>>) src(%dma_wait3A_234 : memref<64xi32, #tpu.memory_space<hbm>>) dst(%arg12 : memref<64xi32, #tpu.memory_space<vmem>>)
      %dma_wait3A_235 = arith.constant 0 : i32
      %dma_wait3A_236 = tpu.memref_slice %arg6[%dma_wait3A_235] : memref<320000xi32, #tpu.memory_space<hbm>> -> memref<64xi32, #tpu.memory_space<hbm>>
      %dma_wait3A_237 = arith.constant 0 : i32
      %dma_wait3A_238 = tpu.memref_slice %arg6[%dma_wait3A_237] : memref<320000xi32, #tpu.memory_space<hbm>> -> memref<64xi32, #tpu.memory_space<hbm>>
      tpu.wait_dma2 semaphore(%arg25 : memref<!tpu.dma_semaphore, #tpu.memory_space<semaphore_mem>>) src(%dma_wait3A_238 : memref<64xi32, #tpu.memory_space<hbm>>) dst(%arg13 : memref<64xi32, #tpu.memory_space<vmem>>)
      %add3A_239 = arith.constant 1 : i32
      %add3A_240 = arith.addi %add3A_217, %add3A_239 : i32
      %mul3A_241 = arith.constant 32 : i32
      %mul3A_242 = arith.muli %add3A_240, %mul3A_241 : i32
      %add3A_243 = arith.addi %mul3A_242, %add3A : i32
      %min3A_244 = arith.constant 4999 : i32
      %min3A_245 = arith.minsi %add3A_243, %min3A_244 : i32
      %mul3A_246 = arith.constant 64 : i32
      %mul3A_247 = arith.muli %min3A_245, %mul3A_246 : i32
      %dma_start3A_248 = arith.constant 0 : i32
      %dma_start3A_249 = arith.constant 0 : i32
      %dma_start3A_250 = tpu.memref_slice %arg2[%dma_start3A_248, %dma_start3A_249] : memref<10000x128xf32, #tpu.memory_space<hbm>> -> memref<10000x128xf32, #tpu.memory_space<hbm>>
      tpu.enqueue_indirect_dma source(%dma_start3A_250 : memref<10000x128xf32, #tpu.memory_space<hbm>>) target(%arg16 : memref<64x128xf32, #tpu.memory_space<vmem>>) offsets(%arg12 : memref<64xi32, #tpu.memory_space<vmem>>) semaphore(%arg27 : memref<!tpu.dma_semaphore, #tpu.memory_space<semaphore_mem>>)
      %dma_start3A_251 = arith.constant 0 : i32
      %dma_start3A_252 = arith.constant 0 : i32
      %dma_start3A_253 = tpu.memref_slice %arg3[%dma_start3A_251, %dma_start3A_252] : memref<10000x128xf32, #tpu.memory_space<hbm>> -> memref<10000x128xf32, #tpu.memory_space<hbm>>
      tpu.enqueue_indirect_dma source(%dma_start3A_253 : memref<10000x128xf32, #tpu.memory_space<hbm>>) target(%arg17 : memref<64x128xf32, #tpu.memory_space<vmem>>) offsets(%arg13 : memref<64xi32, #tpu.memory_space<vmem>>) semaphore(%arg27 : memref<!tpu.dma_semaphore, #tpu.memory_space<semaphore_mem>>)
      %dma_start3A_254 = arith.constant 0 : i32
      %dma_start3A_255 = tpu.memref_slice %arg4[%mul3A_247, %dma_start3A_254] : memref<320000x128xf32, #tpu.memory_space<hbm>> -> memref<64x128xf32, #tpu.memory_space<hbm>>
      %dma_start3A_256 = arith.constant 0 : i32
      %dma_start3A_257 = tpu.memref_slice %arg4[%mul3A_247, %dma_start3A_256] : memref<320000x128xf32, #tpu.memory_space<hbm>> -> memref<64x128xf32, #tpu.memory_space<hbm>>
      tpu.enqueue_dma source(%dma_start3A_257 : memref<64x128xf32, #tpu.memory_space<hbm>>) target(%arg18 : memref<64x128xf32, #tpu.memory_space<vmem>>) target_semaphore(%arg27 : memref<!tpu.dma_semaphore, #tpu.memory_space<semaphore_mem>>)
      %dma_wait3A_258 = arith.constant 0 : i32
      %dma_wait3A_259 = arith.constant 0 : i32
      %dma_wait3A_260 = tpu.memref_slice %arg2[%dma_wait3A_258, %dma_wait3A_259] : memref<10000x128xf32, #tpu.memory_space<hbm>> -> memref<10000x128xf32, #tpu.memory_space<hbm>>
      tpu.wait_indirect_dma semaphore(%arg28 : memref<!tpu.dma_semaphore, #tpu.memory_space<semaphore_mem>>) src(%dma_wait3A_260 : memref<10000x128xf32, #tpu.memory_space<hbm>>) dst(%arg19 : memref<64x128xf32, #tpu.memory_space<vmem>>)
      %dma_wait3A_261 = arith.constant 0 : i32
      %dma_wait3A_262 = arith.constant 0 : i32
      %dma_wait3A_263 = tpu.memref_slice %arg3[%dma_wait3A_261, %dma_wait3A_262] : memref<10000x128xf32, #tpu.memory_space<hbm>> -> memref<10000x128xf32, #tpu.memory_space<hbm>>
      tpu.wait_indirect_dma semaphore(%arg28 : memref<!tpu.dma_semaphore, #tpu.memory_space<semaphore_mem>>) src(%dma_wait3A_263 : memref<10000x128xf32, #tpu.memory_space<hbm>>) dst(%arg20 : memref<64x128xf32, #tpu.memory_space<vmem>>)
      %dma_wait3A_264 = arith.constant 0 : i32
      %dma_wait3A_265 = arith.constant 0 : i32
      %dma_wait3A_266 = tpu.memref_slice %arg4[%dma_wait3A_264, %dma_wait3A_265] : memref<320000x128xf32, #tpu.memory_space<hbm>> -> memref<64x128xf32, #tpu.memory_space<hbm>>
      %dma_wait3A_267 = arith.constant 0 : i32
      %dma_wait3A_268 = arith.constant 0 : i32
      %dma_wait3A_269 = tpu.memref_slice %arg4[%dma_wait3A_267, %dma_wait3A_268] : memref<320000x128xf32, #tpu.memory_space<hbm>> -> memref<64x128xf32, #tpu.memory_space<hbm>>
      tpu.wait_dma2 semaphore(%arg28 : memref<!tpu.dma_semaphore, #tpu.memory_space<semaphore_mem>>) src(%dma_wait3A_269 : memref<64x128xf32, #tpu.memory_space<hbm>>) dst(%arg21 : memref<64x128xf32, #tpu.memory_space<vmem>>)
      %mul3A_270 = arith.constant 32 : i32
      %mul3A_271 = arith.muli %add3A_217, %mul3A_270 : i32
      %add3A_272 = arith.addi %mul3A_271, %add3A : i32
      %lt3A_273 = arith.constant 5000 : i32
      %lt3A_274 = arith.cmpi slt, %add3A_272, %lt3A_273 : i32
      %convert_element_type3A_275 = arith.extui %lt3A_274 : i1 to i32
      %cond3A_276 = arith.constant 0 : i32
      %cond3A_277 = arith.cmpi ne, %convert_element_type3A_275, %cond3A_276 : i32
      scf.if %cond3A_277 {
        %parallel_loop3A = arith.constant 0 : i32
        %parallel_loop3A_402 = arith.constant 64 : i32
        %parallel_loop3A_403 = arith.constant 1 : i32
        scf.for %parallel_loop3A_404 = %parallel_loop3A to %parallel_loop3A_402 step %parallel_loop3A_403  : i32 {
          %parallel_loop3A_405 = arith.index_cast %parallel_loop3A_404 : i32 to index
          %parallel_loop3A_406 = arith.constant 0 : index
          %parallel_loop3A_407 = tpu.vector_load %arg19[%parallel_loop3A_405, %parallel_loop3A_406] {strides = array<i32>} : memref<64x128xf32, #tpu.memory_space<vmem>>, vector<1x16xf32>,
          %parallel_loop3A_408 = vector.shape_cast %parallel_loop3A_407 : vector<1x16xf32> to vector<16xf32>
          %parallel_loop3A_409 = arith.index_cast %parallel_loop3A_404 : i32 to index
          %parallel_loop3A_410 = arith.constant 0 : index
          %parallel_loop3A_411 = tpu.vector_load %arg20[%parallel_loop3A_409, %parallel_loop3A_410] {strides = array<i32>} : memref<64x128xf32, #tpu.memory_space<vmem>>, vector<1x16xf32>,
          %parallel_loop3A_412 = vector.shape_cast %parallel_loop3A_411 : vector<1x16xf32> to vector<16xf32>
          %parallel_loop3A_413 = arith.addf %parallel_loop3A_408, %parallel_loop3A_412 : vector<16xf32>
          %parallel_loop3A_414 = arith.index_cast %parallel_loop3A_404 : i32 to index
          %parallel_loop3A_415 = arith.constant 0 : index
          %parallel_loop3A_416 = tpu.vector_load %arg21[%parallel_loop3A_414, %parallel_loop3A_415] {strides = array<i32>} : memref<64x128xf32, #tpu.memory_space<vmem>>, vector<1x16xf32>,
          %parallel_loop3A_417 = vector.shape_cast %parallel_loop3A_416 : vector<1x16xf32> to vector<16xf32>
          %parallel_loop3A_418 = arith.addf %parallel_loop3A_413, %parallel_loop3A_417 : vector<16xf32>
          %parallel_loop3A_419 = arith.constant 0.000000e+00 : f32
          %parallel_loop3A_420 = vector.broadcast %parallel_loop3A_419 : f32 to vector<16xf32>
          %parallel_loop3A_421 = arith.maximumf %parallel_loop3A_418, %parallel_loop3A_420 : vector<16xf32>
          %parallel_loop3A_422 = arith.index_cast %parallel_loop3A_404 : i32 to index
          %parallel_loop3A_423 = arith.constant 0 : index
          %parallel_loop3A_424 = tpu.vector_load %arg19[%parallel_loop3A_422, %parallel_loop3A_423] {strides = array<i32>} : memref<64x128xf32, #tpu.memory_space<vmem>>, vector<1x16xf32>,
          %parallel_loop3A_425 = vector.shape_cast %parallel_loop3A_424 : vector<1x16xf32> to vector<16xf32>
          %parallel_loop3A_426 = vector.shape_cast %parallel_loop3A_421 : vector<16xf32> to vector<1x16xf32>
          tpu.vector_store %arg19[%parallel_loop3A_422, %parallel_loop3A_423], %parallel_loop3A_426 {strides = array<i32>} : memref<64x128xf32, #tpu.memory_space<vmem>>, vector<1x16xf32>,
          %parallel_loop3A_427 = arith.index_cast %parallel_loop3A_404 : i32 to index
          %parallel_loop3A_428 = arith.constant 16 : index
          %parallel_loop3A_429 = tpu.vector_load %arg19[%parallel_loop3A_427, %parallel_loop3A_428] {strides = array<i32>} : memref<64x128xf32, #tpu.memory_space<vmem>>, vector<1x16xf32>,
          %parallel_loop3A_430 = vector.shape_cast %parallel_loop3A_429 : vector<1x16xf32> to vector<16xf32>
          %parallel_loop3A_431 = arith.index_cast %parallel_loop3A_404 : i32 to index
          %parallel_loop3A_432 = arith.constant 16 : index
          %parallel_loop3A_433 = tpu.vector_load %arg20[%parallel_loop3A_431, %parallel_loop3A_432] {strides = array<i32>} : memref<64x128xf32, #tpu.memory_space<vmem>>, vector<1x16xf32>,
          %parallel_loop3A_434 = vector.shape_cast %parallel_loop3A_433 : vector<1x16xf32> to vector<16xf32>
          %parallel_loop3A_435 = arith.addf %parallel_loop3A_430, %parallel_loop3A_434 : vector<16xf32>
          %parallel_loop3A_436 = arith.index_cast %parallel_loop3A_404 : i32 to index
          %parallel_loop3A_437 = arith.constant 16 : index
          %parallel_loop3A_438 = tpu.vector_load %arg21[%parallel_loop3A_436, %parallel_loop3A_437] {strides = array<i32>} : memref<64x128xf32, #tpu.memory_space<vmem>>, vector<1x16xf32>,
          %parallel_loop3A_439 = vector.shape_cast %parallel_loop3A_438 : vector<1x16xf32> to vector<16xf32>
          %parallel_loop3A_440 = arith.addf %parallel_loop3A_435, %parallel_loop3A_439 : vector<16xf32>
          %parallel_loop3A_441 = arith.constant 0.000000e+00 : f32
          %parallel_loop3A_442 = vector.broadcast %parallel_loop3A_441 : f32 to vector<16xf32>
          %parallel_loop3A_443 = arith.maximumf %parallel_loop3A_440, %parallel_loop3A_442 : vector<16xf32>
          %parallel_loop3A_444 = arith.index_cast %parallel_loop3A_404 : i32 to index
          %parallel_loop3A_445 = arith.constant 16 : index
          %parallel_loop3A_446 = tpu.vector_load %arg19[%parallel_loop3A_444, %parallel_loop3A_445] {strides = array<i32>} : memref<64x128xf32, #tpu.memory_space<vmem>>, vector<1x16xf32>,
          %parallel_loop3A_447 = vector.shape_cast %parallel_loop3A_446 : vector<1x16xf32> to vector<16xf32>
          %parallel_loop3A_448 = vector.shape_cast %parallel_loop3A_443 : vector<16xf32> to vector<1x16xf32>
          tpu.vector_store %arg19[%parallel_loop3A_444, %parallel_loop3A_445], %parallel_loop3A_448 {strides = array<i32>} : memref<64x128xf32, #tpu.memory_space<vmem>>, vector<1x16xf32>,
          %parallel_loop3A_449 = arith.index_cast %parallel_loop3A_404 : i32 to index
          %parallel_loop3A_450 = arith.constant 32 : index
          %parallel_loop3A_451 = tpu.vector_load %arg19[%parallel_loop3A_449, %parallel_loop3A_450] {strides = array<i32>} : memref<64x128xf32, #tpu.memory_space<vmem>>, vector<1x16xf32>,
          %parallel_loop3A_452 = vector.shape_cast %parallel_loop3A_451 : vector<1x16xf32> to vector<16xf32>
          %parallel_loop3A_453 = arith.index_cast %parallel_loop3A_404 : i32 to index
          %parallel_loop3A_454 = arith.constant 32 : index
          %parallel_loop3A_455 = tpu.vector_load %arg20[%parallel_loop3A_453, %parallel_loop3A_454] {strides = array<i32>} : memref<64x128xf32, #tpu.memory_space<vmem>>, vector<1x16xf32>,
          %parallel_loop3A_456 = vector.shape_cast %parallel_loop3A_455 : vector<1x16xf32> to vector<16xf32>
          %parallel_loop3A_457 = arith.addf %parallel_loop3A_452, %parallel_loop3A_456 : vector<16xf32>
          %parallel_loop3A_458 = arith.index_cast %parallel_loop3A_404 : i32 to index
          %parallel_loop3A_459 = arith.constant 32 : index
          %parallel_loop3A_460 = tpu.vector_load %arg21[%parallel_loop3A_458, %parallel_loop3A_459] {strides = array<i32>} : memref<64x128xf32, #tpu.memory_space<vmem>>, vector<1x16xf32>,
          %parallel_loop3A_461 = vector.shape_cast %parallel_loop3A_460 : vector<1x16xf32> to vector<16xf32>
          %parallel_loop3A_462 = arith.addf %parallel_loop3A_457, %parallel_loop3A_461 : vector<16xf32>
          %parallel_loop3A_463 = arith.constant 0.000000e+00 : f32
          %parallel_loop3A_464 = vector.broadcast %parallel_loop3A_463 : f32 to vector<16xf32>
          %parallel_loop3A_465 = arith.maximumf %parallel_loop3A_462, %parallel_loop3A_464 : vector<16xf32>
          %parallel_loop3A_466 = arith.index_cast %parallel_loop3A_404 : i32 to index
          %parallel_loop3A_467 = arith.constant 32 : index
          %parallel_loop3A_468 = tpu.vector_load %arg19[%parallel_loop3A_466, %parallel_loop3A_467] {strides = array<i32>} : memref<64x128xf32, #tpu.memory_space<vmem>>, vector<1x16xf32>,
          %parallel_loop3A_469 = vector.shape_cast %parallel_loop3A_468 : vector<1x16xf32> to vector<16xf32>
          %parallel_loop3A_470 = vector.shape_cast %parallel_loop3A_465 : vector<16xf32> to vector<1x16xf32>
          tpu.vector_store %arg19[%parallel_loop3A_466, %parallel_loop3A_467], %parallel_loop3A_470 {strides = array<i32>} : memref<64x128xf32, #tpu.memory_space<vmem>>, vector<1x16xf32>,
          %parallel_loop3A_471 = arith.index_cast %parallel_loop3A_404 : i32 to index
          %parallel_loop3A_472 = arith.constant 48 : index
          %parallel_loop3A_473 = tpu.vector_load %arg19[%parallel_loop3A_471, %parallel_loop3A_472] {strides = array<i32>} : memref<64x128xf32, #tpu.memory_space<vmem>>, vector<1x16xf32>,
          %parallel_loop3A_474 = vector.shape_cast %parallel_loop3A_473 : vector<1x16xf32> to vector<16xf32>
          %parallel_loop3A_475 = arith.index_cast %parallel_loop3A_404 : i32 to index
          %parallel_loop3A_476 = arith.constant 48 : index
          %parallel_loop3A_477 = tpu.vector_load %arg20[%parallel_loop3A_475, %parallel_loop3A_476] {strides = array<i32>} : memref<64x128xf32, #tpu.memory_space<vmem>>, vector<1x16xf32>,
          %parallel_loop3A_478 = vector.shape_cast %parallel_loop3A_477 : vector<1x16xf32> to vector<16xf32>
          %parallel_loop3A_479 = arith.addf %parallel_loop3A_474, %parallel_loop3A_478 : vector<16xf32>
          %parallel_loop3A_480 = arith.index_cast %parallel_loop3A_404 : i32 to index
          %parallel_loop3A_481 = arith.constant 48 : index
          %parallel_loop3A_482 = tpu.vector_load %arg21[%parallel_loop3A_480, %parallel_loop3A_481] {strides = array<i32>} : memref<64x128xf32, #tpu.memory_space<vmem>>, vector<1x16xf32>,
          %parallel_loop3A_483 = vector.shape_cast %parallel_loop3A_482 : vector<1x16xf32> to vector<16xf32>
          %parallel_loop3A_484 = arith.addf %parallel_loop3A_479, %parallel_loop3A_483 : vector<16xf32>
          %parallel_loop3A_485 = arith.constant 0.000000e+00 : f32
          %parallel_loop3A_486 = vector.broadcast %parallel_loop3A_485 : f32 to vector<16xf32>
          %parallel_loop3A_487 = arith.maximumf %parallel_loop3A_484, %parallel_loop3A_486 : vector<16xf32>
          %parallel_loop3A_488 = arith.index_cast %parallel_loop3A_404 : i32 to index
          %parallel_loop3A_489 = arith.constant 48 : index
          %parallel_loop3A_490 = tpu.vector_load %arg19[%parallel_loop3A_488, %parallel_loop3A_489] {strides = array<i32>} : memref<64x128xf32, #tpu.memory_space<vmem>>, vector<1x16xf32>,
          %parallel_loop3A_491 = vector.shape_cast %parallel_loop3A_490 : vector<1x16xf32> to vector<16xf32>
          %parallel_loop3A_492 = vector.shape_cast %parallel_loop3A_487 : vector<16xf32> to vector<1x16xf32>
          tpu.vector_store %arg19[%parallel_loop3A_488, %parallel_loop3A_489], %parallel_loop3A_492 {strides = array<i32>} : memref<64x128xf32, #tpu.memory_space<vmem>>, vector<1x16xf32>,
          %parallel_loop3A_493 = arith.index_cast %parallel_loop3A_404 : i32 to index
          %parallel_loop3A_494 = arith.constant 64 : index
          %parallel_loop3A_495 = tpu.vector_load %arg19[%parallel_loop3A_493, %parallel_loop3A_494] {strides = array<i32>} : memref<64x128xf32, #tpu.memory_space<vmem>>, vector<1x16xf32>,
          %parallel_loop3A_496 = vector.shape_cast %parallel_loop3A_495 : vector<1x16xf32> to vector<16xf32>
          %parallel_loop3A_497 = arith.index_cast %parallel_loop3A_404 : i32 to index
          %parallel_loop3A_498 = arith.constant 64 : index
          %parallel_loop3A_499 = tpu.vector_load %arg20[%parallel_loop3A_497, %parallel_loop3A_498] {strides = array<i32>} : memref<64x128xf32, #tpu.memory_space<vmem>>, vector<1x16xf32>,
          %parallel_loop3A_500 = vector.shape_cast %parallel_loop3A_499 : vector<1x16xf32> to vector<16xf32>
          %parallel_loop3A_501 = arith.addf %parallel_loop3A_496, %parallel_loop3A_500 : vector<16xf32>
          %parallel_loop3A_502 = arith.index_cast %parallel_loop3A_404 : i32 to index
          %parallel_loop3A_503 = arith.constant 64 : index
          %parallel_loop3A_504 = tpu.vector_load %arg21[%parallel_loop3A_502, %parallel_loop3A_503] {strides = array<i32>} : memref<64x128xf32, #tpu.memory_space<vmem>>, vector<1x16xf32>,
          %parallel_loop3A_505 = vector.shape_cast %parallel_loop3A_504 : vector<1x16xf32> to vector<16xf32>
          %parallel_loop3A_506 = arith.addf %parallel_loop3A_501, %parallel_loop3A_505 : vector<16xf32>
          %parallel_loop3A_507 = arith.constant 0.000000e+00 : f32
          %parallel_loop3A_508 = vector.broadcast %parallel_loop3A_507 : f32 to vector<16xf32>
          %parallel_loop3A_509 = arith.maximumf %parallel_loop3A_506, %parallel_loop3A_508 : vector<16xf32>
          %parallel_loop3A_510 = arith.index_cast %parallel_loop3A_404 : i32 to index
          %parallel_loop3A_511 = arith.constant 64 : index
          %parallel_loop3A_512 = tpu.vector_load %arg19[%parallel_loop3A_510, %parallel_loop3A_511] {strides = array<i32>} : memref<64x128xf32, #tpu.memory_space<vmem>>, vector<1x16xf32>,
          %parallel_loop3A_513 = vector.shape_cast %parallel_loop3A_512 : vector<1x16xf32> to vector<16xf32>
          %parallel_loop3A_514 = vector.shape_cast %parallel_loop3A_509 : vector<16xf32> to vector<1x16xf32>
          tpu.vector_store %arg19[%parallel_loop3A_510, %parallel_loop3A_511], %parallel_loop3A_514 {strides = array<i32>} : memref<64x128xf32, #tpu.memory_space<vmem>>, vector<1x16xf32>,
          %parallel_loop3A_515 = arith.index_cast %parallel_loop3A_404 : i32 to index
          %parallel_loop3A_516 = arith.constant 80 : index
          %parallel_loop3A_517 = tpu.vector_load %arg19[%parallel_loop3A_515, %parallel_loop3A_516] {strides = array<i32>} : memref<64x128xf32, #tpu.memory_space<vmem>>, vector<1x16xf32>,
          %parallel_loop3A_518 = vector.shape_cast %parallel_loop3A_517 : vector<1x16xf32> to vector<16xf32>
          %parallel_loop3A_519 = arith.index_cast %parallel_loop3A_404 : i32 to index
          %parallel_loop3A_520 = arith.constant 80 : index
          %parallel_loop3A_521 = tpu.vector_load %arg20[%parallel_loop3A_519, %parallel_loop3A_520] {strides = array<i32>} : memref<64x128xf32, #tpu.memory_space<vmem>>, vector<1x16xf32>,
          %parallel_loop3A_522 = vector.shape_cast %parallel_loop3A_521 : vector<1x16xf32> to vector<16xf32>
          %parallel_loop3A_523 = arith.addf %parallel_loop3A_518, %parallel_loop3A_522 : vector<16xf32>
          %parallel_loop3A_524 = arith.index_cast %parallel_loop3A_404 : i32 to index
          %parallel_loop3A_525 = arith.constant 80 : index
          %parallel_loop3A_526 = tpu.vector_load %arg21[%parallel_loop3A_524, %parallel_loop3A_525] {strides = array<i32>} : memref<64x128xf32, #tpu.memory_space<vmem>>, vector<1x16xf32>,
          %parallel_loop3A_527 = vector.shape_cast %parallel_loop3A_526 : vector<1x16xf32> to vector<16xf32>
          %parallel_loop3A_528 = arith.addf %parallel_loop3A_523, %parallel_loop3A_527 : vector<16xf32>
          %parallel_loop3A_529 = arith.constant 0.000000e+00 : f32
          %parallel_loop3A_530 = vector.broadcast %parallel_loop3A_529 : f32 to vector<16xf32>
          %parallel_loop3A_531 = arith.maximumf %parallel_loop3A_528, %parallel_loop3A_530 : vector<16xf32>
          %parallel_loop3A_532 = arith.index_cast %parallel_loop3A_404 : i32 to index
          %parallel_loop3A_533 = arith.constant 80 : index
          %parallel_loop3A_534 = tpu.vector_load %arg19[%parallel_loop3A_532, %parallel_loop3A_533] {strides = array<i32>} : memref<64x128xf32, #tpu.memory_space<vmem>>, vector<1x16xf32>,
          %parallel_loop3A_535 = vector.shape_cast %parallel_loop3A_534 : vector<1x16xf32> to vector<16xf32>
          %parallel_loop3A_536 = vector.shape_cast %parallel_loop3A_531 : vector<16xf32> to vector<1x16xf32>
          tpu.vector_store %arg19[%parallel_loop3A_532, %parallel_loop3A_533], %parallel_loop3A_536 {strides = array<i32>} : memref<64x128xf32, #tpu.memory_space<vmem>>, vector<1x16xf32>,
          %parallel_loop3A_537 = arith.index_cast %parallel_loop3A_404 : i32 to index
          %parallel_loop3A_538 = arith.constant 96 : index
          %parallel_loop3A_539 = tpu.vector_load %arg19[%parallel_loop3A_537, %parallel_loop3A_538] {strides = array<i32>} : memref<64x128xf32, #tpu.memory_space<vmem>>, vector<1x16xf32>,
          %parallel_loop3A_540 = vector.shape_cast %parallel_loop3A_539 : vector<1x16xf32> to vector<16xf32>
          %parallel_loop3A_541 = arith.index_cast %parallel_loop3A_404 : i32 to index
          %parallel_loop3A_542 = arith.constant 96 : index
          %parallel_loop3A_543 = tpu.vector_load %arg20[%parallel_loop3A_541, %parallel_loop3A_542] {strides = array<i32>} : memref<64x128xf32, #tpu.memory_space<vmem>>, vector<1x16xf32>,
          %parallel_loop3A_544 = vector.shape_cast %parallel_loop3A_543 : vector<1x16xf32> to vector<16xf32>
          %parallel_loop3A_545 = arith.addf %parallel_loop3A_540, %parallel_loop3A_544 : vector<16xf32>
          %parallel_loop3A_546 = arith.index_cast %parallel_loop3A_404 : i32 to index
          %parallel_loop3A_547 = arith.constant 96 : index
          %parallel_loop3A_548 = tpu.vector_load %arg21[%parallel_loop3A_546, %parallel_loop3A_547] {strides = array<i32>} : memref<64x128xf32, #tpu.memory_space<vmem>>, vector<1x16xf32>,
          %parallel_loop3A_549 = vector.shape_cast %parallel_loop3A_548 : vector<1x16xf32> to vector<16xf32>
          %parallel_loop3A_550 = arith.addf %parallel_loop3A_545, %parallel_loop3A_549 : vector<16xf32>
          %parallel_loop3A_551 = arith.constant 0.000000e+00 : f32
          %parallel_loop3A_552 = vector.broadcast %parallel_loop3A_551 : f32 to vector<16xf32>
          %parallel_loop3A_553 = arith.maximumf %parallel_loop3A_550, %parallel_loop3A_552 : vector<16xf32>
          %parallel_loop3A_554 = arith.index_cast %parallel_loop3A_404 : i32 to index
          %parallel_loop3A_555 = arith.constant 96 : index
          %parallel_loop3A_556 = tpu.vector_load %arg19[%parallel_loop3A_554, %parallel_loop3A_555] {strides = array<i32>} : memref<64x128xf32, #tpu.memory_space<vmem>>, vector<1x16xf32>,
          %parallel_loop3A_557 = vector.shape_cast %parallel_loop3A_556 : vector<1x16xf32> to vector<16xf32>
          %parallel_loop3A_558 = vector.shape_cast %parallel_loop3A_553 : vector<16xf32> to vector<1x16xf32>
          tpu.vector_store %arg19[%parallel_loop3A_554, %parallel_loop3A_555], %parallel_loop3A_558 {strides = array<i32>} : memref<64x128xf32, #tpu.memory_space<vmem>>, vector<1x16xf32>,
          %parallel_loop3A_559 = arith.index_cast %parallel_loop3A_404 : i32 to index
          %parallel_loop3A_560 = arith.constant 112 : index
          %parallel_loop3A_561 = tpu.vector_load %arg19[%parallel_loop3A_559, %parallel_loop3A_560] {strides = array<i32>} : memref<64x128xf32, #tpu.memory_space<vmem>>, vector<1x16xf32>,
          %parallel_loop3A_562 = vector.shape_cast %parallel_loop3A_561 : vector<1x16xf32> to vector<16xf32>
          %parallel_loop3A_563 = arith.index_cast %parallel_loop3A_404 : i32 to index
          %parallel_loop3A_564 = arith.constant 112 : index
          %parallel_loop3A_565 = tpu.vector_load %arg20[%parallel_loop3A_563, %parallel_loop3A_564] {strides = array<i32>} : memref<64x128xf32, #tpu.memory_space<vmem>>, vector<1x16xf32>,
          %parallel_loop3A_566 = vector.shape_cast %parallel_loop3A_565 : vector<1x16xf32> to vector<16xf32>
          %parallel_loop3A_567 = arith.addf %parallel_loop3A_562, %parallel_loop3A_566 : vector<16xf32>
          %parallel_loop3A_568 = arith.index_cast %parallel_loop3A_404 : i32 to index
          %parallel_loop3A_569 = arith.constant 112 : index
          %parallel_loop3A_570 = tpu.vector_load %arg21[%parallel_loop3A_568, %parallel_loop3A_569] {strides = array<i32>} : memref<64x128xf32, #tpu.memory_space<vmem>>, vector<1x16xf32>,
          %parallel_loop3A_571 = vector.shape_cast %parallel_loop3A_570 : vector<1x16xf32> to vector<16xf32>
          %parallel_loop3A_572 = arith.addf %parallel_loop3A_567, %parallel_loop3A_571 : vector<16xf32>
          %parallel_loop3A_573 = arith.constant 0.000000e+00 : f32
          %parallel_loop3A_574 = vector.broadcast %parallel_loop3A_573 : f32 to vector<16xf32>
          %parallel_loop3A_575 = arith.maximumf %parallel_loop3A_572, %parallel_loop3A_574 : vector<16xf32>
          %parallel_loop3A_576 = arith.index_cast %parallel_loop3A_404 : i32 to index
          %parallel_loop3A_577 = arith.constant 112 : index
          %parallel_loop3A_578 = tpu.vector_load %arg19[%parallel_loop3A_576, %parallel_loop3A_577] {strides = array<i32>} : memref<64x128xf32, #tpu.memory_space<vmem>>, vector<1x16xf32>,
          %parallel_loop3A_579 = vector.shape_cast %parallel_loop3A_578 : vector<1x16xf32> to vector<16xf32>
          %parallel_loop3A_580 = vector.shape_cast %parallel_loop3A_575 : vector<16xf32> to vector<1x16xf32>
          tpu.vector_store %arg19[%parallel_loop3A_576, %parallel_loop3A_577], %parallel_loop3A_580 {strides = array<i32>} : memref<64x128xf32, #tpu.memory_space<vmem>>, vector<1x16xf32>,
        } {sc.loop_unroll_factor = 4 : i64, sc.parallel_access}
        "tpu.region"() ({
          %run_scoped3A = tpu.sem_alloc : memref<!tpu.dma_semaphore, #tpu.memory_space<semaphore_mem>>
          %dma_start3A_404 = arith.constant 0 : i32
          %dma_start3A_405 = arith.constant 0 : i32
          %dma_start3A_406 = tpu.memref_slice %arg22[%dma_start3A_404, %dma_start3A_405] : memref<10112x128xf32, #tpu.memory_space<vmem_shared>> -> memref<10112x128xf32, #tpu.memory_space<vmem_shared>>
          tpu.enqueue_indirect_dma source(%arg19 : memref<64x128xf32, #tpu.memory_space<vmem>>) target(%dma_start3A_406 : memref<10112x128xf32, #tpu.memory_space<vmem_shared>>) offsets(%arg11 : memref<64xi32, #tpu.memory_space<vmem>>) semaphore(%run_scoped3A : memref<!tpu.dma_semaphore, #tpu.memory_space<semaphore_mem>>) {add = true}
          %dma_wait3A_407 = arith.constant 0 : i32
          %dma_wait3A_408 = arith.constant 0 : i32
          %dma_wait3A_409 = tpu.memref_slice %arg22[%dma_wait3A_407, %dma_wait3A_408] : memref<10112x128xf32, #tpu.memory_space<vmem_shared>> -> memref<10112x128xf32, #tpu.memory_space<vmem_shared>>
          tpu.wait_indirect_dma semaphore(%run_scoped3A : memref<!tpu.dma_semaphore, #tpu.memory_space<semaphore_mem>>) src(%arg19 : memref<64x128xf32, #tpu.memory_space<vmem>>) dst(%dma_wait3A_409 : memref<10112x128xf32, #tpu.memory_space<vmem_shared>>)
          tpu.yield
        }) : () -> ()
      } else {
      }
      %add3A_278 = arith.constant 2 : i32
      %add3A_279 = arith.addi %mul3A_156, %add3A_278 : i32
      %add3A_280 = arith.constant 3 : i32
      %add3A_281 = arith.addi %add3A_279, %add3A_280 : i32
      %mul3A_282 = arith.constant 32 : i32
      %mul3A_283 = arith.muli %add3A_281, %mul3A_282 : i32
      %add3A_284 = arith.addi %mul3A_283, %add3A : i32
      %min3A_285 = arith.constant 4999 : i32
      %min3A_286 = arith.minsi %add3A_284, %min3A_285 : i32
      %mul3A_287 = arith.constant 64 : i32
      %mul3A_288 = arith.muli %min3A_286, %mul3A_287 : i32
      %dma_start3A_289 = tpu.memref_slice %arg5[%mul3A_288] : memref<320000xi32, #tpu.memory_space<hbm>> -> memref<64xi32, #tpu.memory_space<hbm>>
      %dma_start3A_290 = tpu.memref_slice %arg5[%mul3A_288] : memref<320000xi32, #tpu.memory_space<hbm>> -> memref<64xi32, #tpu.memory_space<hbm>>
      tpu.enqueue_dma source(%dma_start3A_290 : memref<64xi32, #tpu.memory_space<hbm>>) target(%arg10 : memref<64xi32, #tpu.memory_space<vmem>>) target_semaphore(%arg24 : memref<!tpu.dma_semaphore, #tpu.memory_space<semaphore_mem>>)
      %dma_start3A_291 = tpu.memref_slice %arg6[%mul3A_288] : memref<320000xi32, #tpu.memory_space<hbm>> -> memref<64xi32, #tpu.memory_space<hbm>>
      %dma_start3A_292 = tpu.memref_slice %arg6[%mul3A_288] : memref<320000xi32, #tpu.memory_space<hbm>> -> memref<64xi32, #tpu.memory_space<hbm>>
      tpu.enqueue_dma source(%dma_start3A_292 : memref<64xi32, #tpu.memory_space<hbm>>) target(%arg11 : memref<64xi32, #tpu.memory_space<vmem>>) target_semaphore(%arg24 : memref<!tpu.dma_semaphore, #tpu.memory_space<semaphore_mem>>)
      %dma_wait3A_293 = arith.constant 0 : i32
      %dma_wait3A_294 = tpu.memref_slice %arg5[%dma_wait3A_293] : memref<320000xi32, #tpu.memory_space<hbm>> -> memref<64xi32, #tpu.memory_space<hbm>>
      %dma_wait3A_295 = arith.constant 0 : i32
      %dma_wait3A_296 = tpu.memref_slice %arg5[%dma_wait3A_295] : memref<320000xi32, #tpu.memory_space<hbm>> -> memref<64xi32, #tpu.memory_space<hbm>>
      tpu.wait_dma2 semaphore(%arg26 : memref<!tpu.dma_semaphore, #tpu.memory_space<semaphore_mem>>) src(%dma_wait3A_296 : memref<64xi32, #tpu.memory_space<hbm>>) dst(%arg14 : memref<64xi32, #tpu.memory_space<vmem>>)
      %dma_wait3A_297 = arith.constant 0 : i32
      %dma_wait3A_298 = tpu.memref_slice %arg6[%dma_wait3A_297] : memref<320000xi32, #tpu.memory_space<hbm>> -> memref<64xi32, #tpu.memory_space<hbm>>
      %dma_wait3A_299 = arith.constant 0 : i32
      %dma_wait3A_300 = tpu.memref_slice %arg6[%dma_wait3A_299] : memref<320000xi32, #tpu.memory_space<hbm>> -> memref<64xi32, #tpu.memory_space<hbm>>
      tpu.wait_dma2 semaphore(%arg26 : memref<!tpu.dma_semaphore, #tpu.memory_space<semaphore_mem>>) src(%dma_wait3A_300 : memref<64xi32, #tpu.memory_space<hbm>>) dst(%arg15 : memref<64xi32, #tpu.memory_space<vmem>>)
      %add3A_301 = arith.constant 1 : i32
      %add3A_302 = arith.addi %add3A_279, %add3A_301 : i32
      %mul3A_303 = arith.constant 32 : i32
      %mul3A_304 = arith.muli %add3A_302, %mul3A_303 : i32
      %add3A_305 = arith.addi %mul3A_304, %add3A : i32
      %min3A_306 = arith.constant 4999 : i32
      %min3A_307 = arith.minsi %add3A_305, %min3A_306 : i32
      %mul3A_308 = arith.constant 64 : i32
      %mul3A_309 = arith.muli %min3A_307, %mul3A_308 : i32
      %dma_start3A_310 = arith.constant 0 : i32
      %dma_start3A_311 = arith.constant 0 : i32
      %dma_start3A_312 = tpu.memref_slice %arg2[%dma_start3A_310, %dma_start3A_311] : memref<10000x128xf32, #tpu.memory_space<hbm>> -> memref<10000x128xf32, #tpu.memory_space<hbm>>
      tpu.enqueue_indirect_dma source(%dma_start3A_312 : memref<10000x128xf32, #tpu.memory_space<hbm>>) target(%arg19 : memref<64x128xf32, #tpu.memory_space<vmem>>) offsets(%arg14 : memref<64xi32, #tpu.memory_space<vmem>>) semaphore(%arg28 : memref<!tpu.dma_semaphore, #tpu.memory_space<semaphore_mem>>)
      %dma_start3A_313 = arith.constant 0 : i32
      %dma_start3A_314 = arith.constant 0 : i32
      %dma_start3A_315 = tpu.memref_slice %arg3[%dma_start3A_313, %dma_start3A_314] : memref<10000x128xf32, #tpu.memory_space<hbm>> -> memref<10000x128xf32, #tpu.memory_space<hbm>>
      tpu.enqueue_indirect_dma source(%dma_start3A_315 : memref<10000x128xf32, #tpu.memory_space<hbm>>) target(%arg20 : memref<64x128xf32, #tpu.memory_space<vmem>>) offsets(%arg15 : memref<64xi32, #tpu.memory_space<vmem>>) semaphore(%arg28 : memref<!tpu.dma_semaphore, #tpu.memory_space<semaphore_mem>>)
      %dma_start3A_316 = arith.constant 0 : i32
      %dma_start3A_317 = tpu.memref_slice %arg4[%mul3A_309, %dma_start3A_316] : memref<320000x128xf32, #tpu.memory_space<hbm>> -> memref<64x128xf32, #tpu.memory_space<hbm>>
      %dma_start3A_318 = arith.constant 0 : i32
      %dma_start3A_319 = tpu.memref_slice %arg4[%mul3A_309, %dma_start3A_318] : memref<320000x128xf32, #tpu.memory_space<hbm>> -> memref<64x128xf32, #tpu.memory_space<hbm>>
      tpu.enqueue_dma source(%dma_start3A_319 : memref<64x128xf32, #tpu.memory_space<hbm>>) target(%arg21 : memref<64x128xf32, #tpu.memory_space<vmem>>) target_semaphore(%arg28 : memref<!tpu.dma_semaphore, #tpu.memory_space<semaphore_mem>>)
      %dma_wait3A_320 = arith.constant 0 : i32
      %dma_wait3A_321 = arith.constant 0 : i32
      %dma_wait3A_322 = tpu.memref_slice %arg2[%dma_wait3A_320, %dma_wait3A_321] : memref<10000x128xf32, #tpu.memory_space<hbm>> -> memref<10000x128xf32, #tpu.memory_space<hbm>>
      tpu.wait_indirect_dma semaphore(%arg27 : memref<!tpu.dma_semaphore, #tpu.memory_space<semaphore_mem>>) src(%dma_wait3A_322 : memref<10000x128xf32, #tpu.memory_space<hbm>>) dst(%arg16 : memref<64x128xf32, #tpu.memory_space<vmem>>)
      %dma_wait3A_323 = arith.constant 0 : i32
      %dma_wait3A_324 = arith.constant 0 : i32
      %dma_wait3A_325 = tpu.memref_slice %arg3[%dma_wait3A_323, %dma_wait3A_324] : memref<10000x128xf32, #tpu.memory_space<hbm>> -> memref<10000x128xf32, #tpu.memory_space<hbm>>
      tpu.wait_indirect_dma semaphore(%arg27 : memref<!tpu.dma_semaphore, #tpu.memory_space<semaphore_mem>>) src(%dma_wait3A_325 : memref<10000x128xf32, #tpu.memory_space<hbm>>) dst(%arg17 : memref<64x128xf32, #tpu.memory_space<vmem>>)
      %dma_wait3A_326 = arith.constant 0 : i32
      %dma_wait3A_327 = arith.constant 0 : i32
      %dma_wait3A_328 = tpu.memref_slice %arg4[%dma_wait3A_326, %dma_wait3A_327] : memref<320000x128xf32, #tpu.memory_space<hbm>> -> memref<64x128xf32, #tpu.memory_space<hbm>>
      %dma_wait3A_329 = arith.constant 0 : i32
      %dma_wait3A_330 = arith.constant 0 : i32
      %dma_wait3A_331 = tpu.memref_slice %arg4[%dma_wait3A_329, %dma_wait3A_330] : memref<320000x128xf32, #tpu.memory_space<hbm>> -> memref<64x128xf32, #tpu.memory_space<hbm>>
      tpu.wait_dma2 semaphore(%arg27 : memref<!tpu.dma_semaphore, #tpu.memory_space<semaphore_mem>>) src(%dma_wait3A_331 : memref<64x128xf32, #tpu.memory_space<hbm>>) dst(%arg18 : memref<64x128xf32, #tpu.memory_space<vmem>>)
      %mul3A_332 = arith.constant 32 : i32
      %mul3A_333 = arith.muli %add3A_279, %mul3A_332 : i32
      %add3A_334 = arith.addi %mul3A_333, %add3A : i32
      %lt3A_335 = arith.constant 5000 : i32
      %lt3A_336 = arith.cmpi slt, %add3A_334, %lt3A_335 : i32
      %convert_element_type3A_337 = arith.extui %lt3A_336 : i1 to i32
      %cond3A_338 = arith.constant 0 : i32
      %cond3A_339 = arith.cmpi ne, %convert_element_type3A_337, %cond3A_338 : i32
      scf.if %cond3A_339 {
        %parallel_loop3A = arith.constant 0 : i32
        %parallel_loop3A_402 = arith.constant 64 : i32
        %parallel_loop3A_403 = arith.constant 1 : i32
        scf.for %parallel_loop3A_404 = %parallel_loop3A to %parallel_loop3A_402 step %parallel_loop3A_403  : i32 {
          %parallel_loop3A_405 = arith.index_cast %parallel_loop3A_404 : i32 to index
          %parallel_loop3A_406 = arith.constant 0 : index
          %parallel_loop3A_407 = tpu.vector_load %arg16[%parallel_loop3A_405, %parallel_loop3A_406] {strides = array<i32>} : memref<64x128xf32, #tpu.memory_space<vmem>>, vector<1x16xf32>,
          %parallel_loop3A_408 = vector.shape_cast %parallel_loop3A_407 : vector<1x16xf32> to vector<16xf32>
          %parallel_loop3A_409 = arith.index_cast %parallel_loop3A_404 : i32 to index
          %parallel_loop3A_410 = arith.constant 0 : index
          %parallel_loop3A_411 = tpu.vector_load %arg17[%parallel_loop3A_409, %parallel_loop3A_410] {strides = array<i32>} : memref<64x128xf32, #tpu.memory_space<vmem>>, vector<1x16xf32>,
          %parallel_loop3A_412 = vector.shape_cast %parallel_loop3A_411 : vector<1x16xf32> to vector<16xf32>
          %parallel_loop3A_413 = arith.addf %parallel_loop3A_408, %parallel_loop3A_412 : vector<16xf32>
          %parallel_loop3A_414 = arith.index_cast %parallel_loop3A_404 : i32 to index
          %parallel_loop3A_415 = arith.constant 0 : index
          %parallel_loop3A_416 = tpu.vector_load %arg18[%parallel_loop3A_414, %parallel_loop3A_415] {strides = array<i32>} : memref<64x128xf32, #tpu.memory_space<vmem>>, vector<1x16xf32>,
          %parallel_loop3A_417 = vector.shape_cast %parallel_loop3A_416 : vector<1x16xf32> to vector<16xf32>
          %parallel_loop3A_418 = arith.addf %parallel_loop3A_413, %parallel_loop3A_417 : vector<16xf32>
          %parallel_loop3A_419 = arith.constant 0.000000e+00 : f32
          %parallel_loop3A_420 = vector.broadcast %parallel_loop3A_419 : f32 to vector<16xf32>
          %parallel_loop3A_421 = arith.maximumf %parallel_loop3A_418, %parallel_loop3A_420 : vector<16xf32>
          %parallel_loop3A_422 = arith.index_cast %parallel_loop3A_404 : i32 to index
          %parallel_loop3A_423 = arith.constant 0 : index
          %parallel_loop3A_424 = tpu.vector_load %arg16[%parallel_loop3A_422, %parallel_loop3A_423] {strides = array<i32>} : memref<64x128xf32, #tpu.memory_space<vmem>>, vector<1x16xf32>,
          %parallel_loop3A_425 = vector.shape_cast %parallel_loop3A_424 : vector<1x16xf32> to vector<16xf32>
          %parallel_loop3A_426 = vector.shape_cast %parallel_loop3A_421 : vector<16xf32> to vector<1x16xf32>
          tpu.vector_store %arg16[%parallel_loop3A_422, %parallel_loop3A_423], %parallel_loop3A_426 {strides = array<i32>} : memref<64x128xf32, #tpu.memory_space<vmem>>, vector<1x16xf32>,
          %parallel_loop3A_427 = arith.index_cast %parallel_loop3A_404 : i32 to index
          %parallel_loop3A_428 = arith.constant 16 : index
          %parallel_loop3A_429 = tpu.vector_load %arg16[%parallel_loop3A_427, %parallel_loop3A_428] {strides = array<i32>} : memref<64x128xf32, #tpu.memory_space<vmem>>, vector<1x16xf32>,
          %parallel_loop3A_430 = vector.shape_cast %parallel_loop3A_429 : vector<1x16xf32> to vector<16xf32>
          %parallel_loop3A_431 = arith.index_cast %parallel_loop3A_404 : i32 to index
          %parallel_loop3A_432 = arith.constant 16 : index
          %parallel_loop3A_433 = tpu.vector_load %arg17[%parallel_loop3A_431, %parallel_loop3A_432] {strides = array<i32>} : memref<64x128xf32, #tpu.memory_space<vmem>>, vector<1x16xf32>,
          %parallel_loop3A_434 = vector.shape_cast %parallel_loop3A_433 : vector<1x16xf32> to vector<16xf32>
          %parallel_loop3A_435 = arith.addf %parallel_loop3A_430, %parallel_loop3A_434 : vector<16xf32>
          %parallel_loop3A_436 = arith.index_cast %parallel_loop3A_404 : i32 to index
          %parallel_loop3A_437 = arith.constant 16 : index
          %parallel_loop3A_438 = tpu.vector_load %arg18[%parallel_loop3A_436, %parallel_loop3A_437] {strides = array<i32>} : memref<64x128xf32, #tpu.memory_space<vmem>>, vector<1x16xf32>,
          %parallel_loop3A_439 = vector.shape_cast %parallel_loop3A_438 : vector<1x16xf32> to vector<16xf32>
          %parallel_loop3A_440 = arith.addf %parallel_loop3A_435, %parallel_loop3A_439 : vector<16xf32>
          %parallel_loop3A_441 = arith.constant 0.000000e+00 : f32
          %parallel_loop3A_442 = vector.broadcast %parallel_loop3A_441 : f32 to vector<16xf32>
          %parallel_loop3A_443 = arith.maximumf %parallel_loop3A_440, %parallel_loop3A_442 : vector<16xf32>
          %parallel_loop3A_444 = arith.index_cast %parallel_loop3A_404 : i32 to index
          %parallel_loop3A_445 = arith.constant 16 : index
          %parallel_loop3A_446 = tpu.vector_load %arg16[%parallel_loop3A_444, %parallel_loop3A_445] {strides = array<i32>} : memref<64x128xf32, #tpu.memory_space<vmem>>, vector<1x16xf32>,
          %parallel_loop3A_447 = vector.shape_cast %parallel_loop3A_446 : vector<1x16xf32> to vector<16xf32>
          %parallel_loop3A_448 = vector.shape_cast %parallel_loop3A_443 : vector<16xf32> to vector<1x16xf32>
          tpu.vector_store %arg16[%parallel_loop3A_444, %parallel_loop3A_445], %parallel_loop3A_448 {strides = array<i32>} : memref<64x128xf32, #tpu.memory_space<vmem>>, vector<1x16xf32>,
          %parallel_loop3A_449 = arith.index_cast %parallel_loop3A_404 : i32 to index
          %parallel_loop3A_450 = arith.constant 32 : index
          %parallel_loop3A_451 = tpu.vector_load %arg16[%parallel_loop3A_449, %parallel_loop3A_450] {strides = array<i32>} : memref<64x128xf32, #tpu.memory_space<vmem>>, vector<1x16xf32>,
          %parallel_loop3A_452 = vector.shape_cast %parallel_loop3A_451 : vector<1x16xf32> to vector<16xf32>
          %parallel_loop3A_453 = arith.index_cast %parallel_loop3A_404 : i32 to index
          %parallel_loop3A_454 = arith.constant 32 : index
          %parallel_loop3A_455 = tpu.vector_load %arg17[%parallel_loop3A_453, %parallel_loop3A_454] {strides = array<i32>} : memref<64x128xf32, #tpu.memory_space<vmem>>, vector<1x16xf32>,
          %parallel_loop3A_456 = vector.shape_cast %parallel_loop3A_455 : vector<1x16xf32> to vector<16xf32>
          %parallel_loop3A_457 = arith.addf %parallel_loop3A_452, %parallel_loop3A_456 : vector<16xf32>
          %parallel_loop3A_458 = arith.index_cast %parallel_loop3A_404 : i32 to index
          %parallel_loop3A_459 = arith.constant 32 : index
          %parallel_loop3A_460 = tpu.vector_load %arg18[%parallel_loop3A_458, %parallel_loop3A_459] {strides = array<i32>} : memref<64x128xf32, #tpu.memory_space<vmem>>, vector<1x16xf32>,
          %parallel_loop3A_461 = vector.shape_cast %parallel_loop3A_460 : vector<1x16xf32> to vector<16xf32>
          %parallel_loop3A_462 = arith.addf %parallel_loop3A_457, %parallel_loop3A_461 : vector<16xf32>
          %parallel_loop3A_463 = arith.constant 0.000000e+00 : f32
          %parallel_loop3A_464 = vector.broadcast %parallel_loop3A_463 : f32 to vector<16xf32>
          %parallel_loop3A_465 = arith.maximumf %parallel_loop3A_462, %parallel_loop3A_464 : vector<16xf32>
          %parallel_loop3A_466 = arith.index_cast %parallel_loop3A_404 : i32 to index
          %parallel_loop3A_467 = arith.constant 32 : index
          %parallel_loop3A_468 = tpu.vector_load %arg16[%parallel_loop3A_466, %parallel_loop3A_467] {strides = array<i32>} : memref<64x128xf32, #tpu.memory_space<vmem>>, vector<1x16xf32>,
          %parallel_loop3A_469 = vector.shape_cast %parallel_loop3A_468 : vector<1x16xf32> to vector<16xf32>
          %parallel_loop3A_470 = vector.shape_cast %parallel_loop3A_465 : vector<16xf32> to vector<1x16xf32>
          tpu.vector_store %arg16[%parallel_loop3A_466, %parallel_loop3A_467], %parallel_loop3A_470 {strides = array<i32>} : memref<64x128xf32, #tpu.memory_space<vmem>>, vector<1x16xf32>,
          %parallel_loop3A_471 = arith.index_cast %parallel_loop3A_404 : i32 to index
          %parallel_loop3A_472 = arith.constant 48 : index
          %parallel_loop3A_473 = tpu.vector_load %arg16[%parallel_loop3A_471, %parallel_loop3A_472] {strides = array<i32>} : memref<64x128xf32, #tpu.memory_space<vmem>>, vector<1x16xf32>,
          %parallel_loop3A_474 = vector.shape_cast %parallel_loop3A_473 : vector<1x16xf32> to vector<16xf32>
          %parallel_loop3A_475 = arith.index_cast %parallel_loop3A_404 : i32 to index
          %parallel_loop3A_476 = arith.constant 48 : index
          %parallel_loop3A_477 = tpu.vector_load %arg17[%parallel_loop3A_475, %parallel_loop3A_476] {strides = array<i32>} : memref<64x128xf32, #tpu.memory_space<vmem>>, vector<1x16xf32>,
          %parallel_loop3A_478 = vector.shape_cast %parallel_loop3A_477 : vector<1x16xf32> to vector<16xf32>
          %parallel_loop3A_479 = arith.addf %parallel_loop3A_474, %parallel_loop3A_478 : vector<16xf32>
          %parallel_loop3A_480 = arith.index_cast %parallel_loop3A_404 : i32 to index
          %parallel_loop3A_481 = arith.constant 48 : index
          %parallel_loop3A_482 = tpu.vector_load %arg18[%parallel_loop3A_480, %parallel_loop3A_481] {strides = array<i32>} : memref<64x128xf32, #tpu.memory_space<vmem>>, vector<1x16xf32>,
          %parallel_loop3A_483 = vector.shape_cast %parallel_loop3A_482 : vector<1x16xf32> to vector<16xf32>
          %parallel_loop3A_484 = arith.addf %parallel_loop3A_479, %parallel_loop3A_483 : vector<16xf32>
          %parallel_loop3A_485 = arith.constant 0.000000e+00 : f32
          %parallel_loop3A_486 = vector.broadcast %parallel_loop3A_485 : f32 to vector<16xf32>
          %parallel_loop3A_487 = arith.maximumf %parallel_loop3A_484, %parallel_loop3A_486 : vector<16xf32>
          %parallel_loop3A_488 = arith.index_cast %parallel_loop3A_404 : i32 to index
          %parallel_loop3A_489 = arith.constant 48 : index
          %parallel_loop3A_490 = tpu.vector_load %arg16[%parallel_loop3A_488, %parallel_loop3A_489] {strides = array<i32>} : memref<64x128xf32, #tpu.memory_space<vmem>>, vector<1x16xf32>,
          %parallel_loop3A_491 = vector.shape_cast %parallel_loop3A_490 : vector<1x16xf32> to vector<16xf32>
          %parallel_loop3A_492 = vector.shape_cast %parallel_loop3A_487 : vector<16xf32> to vector<1x16xf32>
          tpu.vector_store %arg16[%parallel_loop3A_488, %parallel_loop3A_489], %parallel_loop3A_492 {strides = array<i32>} : memref<64x128xf32, #tpu.memory_space<vmem>>, vector<1x16xf32>,
          %parallel_loop3A_493 = arith.index_cast %parallel_loop3A_404 : i32 to index
          %parallel_loop3A_494 = arith.constant 64 : index
          %parallel_loop3A_495 = tpu.vector_load %arg16[%parallel_loop3A_493, %parallel_loop3A_494] {strides = array<i32>} : memref<64x128xf32, #tpu.memory_space<vmem>>, vector<1x16xf32>,
          %parallel_loop3A_496 = vector.shape_cast %parallel_loop3A_495 : vector<1x16xf32> to vector<16xf32>
          %parallel_loop3A_497 = arith.index_cast %parallel_loop3A_404 : i32 to index
          %parallel_loop3A_498 = arith.constant 64 : index
          %parallel_loop3A_499 = tpu.vector_load %arg17[%parallel_loop3A_497, %parallel_loop3A_498] {strides = array<i32>} : memref<64x128xf32, #tpu.memory_space<vmem>>, vector<1x16xf32>,
          %parallel_loop3A_500 = vector.shape_cast %parallel_loop3A_499 : vector<1x16xf32> to vector<16xf32>
          %parallel_loop3A_501 = arith.addf %parallel_loop3A_496, %parallel_loop3A_500 : vector<16xf32>
          %parallel_loop3A_502 = arith.index_cast %parallel_loop3A_404 : i32 to index
          %parallel_loop3A_503 = arith.constant 64 : index
          %parallel_loop3A_504 = tpu.vector_load %arg18[%parallel_loop3A_502, %parallel_loop3A_503] {strides = array<i32>} : memref<64x128xf32, #tpu.memory_space<vmem>>, vector<1x16xf32>,
          %parallel_loop3A_505 = vector.shape_cast %parallel_loop3A_504 : vector<1x16xf32> to vector<16xf32>
          %parallel_loop3A_506 = arith.addf %parallel_loop3A_501, %parallel_loop3A_505 : vector<16xf32>
          %parallel_loop3A_507 = arith.constant 0.000000e+00 : f32
          %parallel_loop3A_508 = vector.broadcast %parallel_loop3A_507 : f32 to vector<16xf32>
          %parallel_loop3A_509 = arith.maximumf %parallel_loop3A_506, %parallel_loop3A_508 : vector<16xf32>
          %parallel_loop3A_510 = arith.index_cast %parallel_loop3A_404 : i32 to index
          %parallel_loop3A_511 = arith.constant 64 : index
          %parallel_loop3A_512 = tpu.vector_load %arg16[%parallel_loop3A_510, %parallel_loop3A_511] {strides = array<i32>} : memref<64x128xf32, #tpu.memory_space<vmem>>, vector<1x16xf32>,
          %parallel_loop3A_513 = vector.shape_cast %parallel_loop3A_512 : vector<1x16xf32> to vector<16xf32>
          %parallel_loop3A_514 = vector.shape_cast %parallel_loop3A_509 : vector<16xf32> to vector<1x16xf32>
          tpu.vector_store %arg16[%parallel_loop3A_510, %parallel_loop3A_511], %parallel_loop3A_514 {strides = array<i32>} : memref<64x128xf32, #tpu.memory_space<vmem>>, vector<1x16xf32>,
          %parallel_loop3A_515 = arith.index_cast %parallel_loop3A_404 : i32 to index
          %parallel_loop3A_516 = arith.constant 80 : index
          %parallel_loop3A_517 = tpu.vector_load %arg16[%parallel_loop3A_515, %parallel_loop3A_516] {strides = array<i32>} : memref<64x128xf32, #tpu.memory_space<vmem>>, vector<1x16xf32>,
          %parallel_loop3A_518 = vector.shape_cast %parallel_loop3A_517 : vector<1x16xf32> to vector<16xf32>
          %parallel_loop3A_519 = arith.index_cast %parallel_loop3A_404 : i32 to index
          %parallel_loop3A_520 = arith.constant 80 : index
          %parallel_loop3A_521 = tpu.vector_load %arg17[%parallel_loop3A_519, %parallel_loop3A_520] {strides = array<i32>} : memref<64x128xf32, #tpu.memory_space<vmem>>, vector<1x16xf32>,
          %parallel_loop3A_522 = vector.shape_cast %parallel_loop3A_521 : vector<1x16xf32> to vector<16xf32>
          %parallel_loop3A_523 = arith.addf %parallel_loop3A_518, %parallel_loop3A_522 : vector<16xf32>
          %parallel_loop3A_524 = arith.index_cast %parallel_loop3A_404 : i32 to index
          %parallel_loop3A_525 = arith.constant 80 : index
          %parallel_loop3A_526 = tpu.vector_load %arg18[%parallel_loop3A_524, %parallel_loop3A_525] {strides = array<i32>} : memref<64x128xf32, #tpu.memory_space<vmem>>, vector<1x16xf32>,
          %parallel_loop3A_527 = vector.shape_cast %parallel_loop3A_526 : vector<1x16xf32> to vector<16xf32>
          %parallel_loop3A_528 = arith.addf %parallel_loop3A_523, %parallel_loop3A_527 : vector<16xf32>
          %parallel_loop3A_529 = arith.constant 0.000000e+00 : f32
          %parallel_loop3A_530 = vector.broadcast %parallel_loop3A_529 : f32 to vector<16xf32>
          %parallel_loop3A_531 = arith.maximumf %parallel_loop3A_528, %parallel_loop3A_530 : vector<16xf32>
          %parallel_loop3A_532 = arith.index_cast %parallel_loop3A_404 : i32 to index
          %parallel_loop3A_533 = arith.constant 80 : index
          %parallel_loop3A_534 = tpu.vector_load %arg16[%parallel_loop3A_532, %parallel_loop3A_533] {strides = array<i32>} : memref<64x128xf32, #tpu.memory_space<vmem>>, vector<1x16xf32>,
          %parallel_loop3A_535 = vector.shape_cast %parallel_loop3A_534 : vector<1x16xf32> to vector<16xf32>
          %parallel_loop3A_536 = vector.shape_cast %parallel_loop3A_531 : vector<16xf32> to vector<1x16xf32>
          tpu.vector_store %arg16[%parallel_loop3A_532, %parallel_loop3A_533], %parallel_loop3A_536 {strides = array<i32>} : memref<64x128xf32, #tpu.memory_space<vmem>>, vector<1x16xf32>,
          %parallel_loop3A_537 = arith.index_cast %parallel_loop3A_404 : i32 to index
          %parallel_loop3A_538 = arith.constant 96 : index
          %parallel_loop3A_539 = tpu.vector_load %arg16[%parallel_loop3A_537, %parallel_loop3A_538] {strides = array<i32>} : memref<64x128xf32, #tpu.memory_space<vmem>>, vector<1x16xf32>,
          %parallel_loop3A_540 = vector.shape_cast %parallel_loop3A_539 : vector<1x16xf32> to vector<16xf32>
          %parallel_loop3A_541 = arith.index_cast %parallel_loop3A_404 : i32 to index
          %parallel_loop3A_542 = arith.constant 96 : index
          %parallel_loop3A_543 = tpu.vector_load %arg17[%parallel_loop3A_541, %parallel_loop3A_542] {strides = array<i32>} : memref<64x128xf32, #tpu.memory_space<vmem>>, vector<1x16xf32>,
          %parallel_loop3A_544 = vector.shape_cast %parallel_loop3A_543 : vector<1x16xf32> to vector<16xf32>
          %parallel_loop3A_545 = arith.addf %parallel_loop3A_540, %parallel_loop3A_544 : vector<16xf32>
          %parallel_loop3A_546 = arith.index_cast %parallel_loop3A_404 : i32 to index
          %parallel_loop3A_547 = arith.constant 96 : index
          %parallel_loop3A_548 = tpu.vector_load %arg18[%parallel_loop3A_546, %parallel_loop3A_547] {strides = array<i32>} : memref<64x128xf32, #tpu.memory_space<vmem>>, vector<1x16xf32>,
          %parallel_loop3A_549 = vector.shape_cast %parallel_loop3A_548 : vector<1x16xf32> to vector<16xf32>
          %parallel_loop3A_550 = arith.addf %parallel_loop3A_545, %parallel_loop3A_549 : vector<16xf32>
          %parallel_loop3A_551 = arith.constant 0.000000e+00 : f32
          %parallel_loop3A_552 = vector.broadcast %parallel_loop3A_551 : f32 to vector<16xf32>
          %parallel_loop3A_553 = arith.maximumf %parallel_loop3A_550, %parallel_loop3A_552 : vector<16xf32>
          %parallel_loop3A_554 = arith.index_cast %parallel_loop3A_404 : i32 to index
          %parallel_loop3A_555 = arith.constant 96 : index
          %parallel_loop3A_556 = tpu.vector_load %arg16[%parallel_loop3A_554, %parallel_loop3A_555] {strides = array<i32>} : memref<64x128xf32, #tpu.memory_space<vmem>>, vector<1x16xf32>,
          %parallel_loop3A_557 = vector.shape_cast %parallel_loop3A_556 : vector<1x16xf32> to vector<16xf32>
          %parallel_loop3A_558 = vector.shape_cast %parallel_loop3A_553 : vector<16xf32> to vector<1x16xf32>
          tpu.vector_store %arg16[%parallel_loop3A_554, %parallel_loop3A_555], %parallel_loop3A_558 {strides = array<i32>} : memref<64x128xf32, #tpu.memory_space<vmem>>, vector<1x16xf32>,
          %parallel_loop3A_559 = arith.index_cast %parallel_loop3A_404 : i32 to index
          %parallel_loop3A_560 = arith.constant 112 : index
          %parallel_loop3A_561 = tpu.vector_load %arg16[%parallel_loop3A_559, %parallel_loop3A_560] {strides = array<i32>} : memref<64x128xf32, #tpu.memory_space<vmem>>, vector<1x16xf32>,
          %parallel_loop3A_562 = vector.shape_cast %parallel_loop3A_561 : vector<1x16xf32> to vector<16xf32>
          %parallel_loop3A_563 = arith.index_cast %parallel_loop3A_404 : i32 to index
          %parallel_loop3A_564 = arith.constant 112 : index
          %parallel_loop3A_565 = tpu.vector_load %arg17[%parallel_loop3A_563, %parallel_loop3A_564] {strides = array<i32>} : memref<64x128xf32, #tpu.memory_space<vmem>>, vector<1x16xf32>,
          %parallel_loop3A_566 = vector.shape_cast %parallel_loop3A_565 : vector<1x16xf32> to vector<16xf32>
          %parallel_loop3A_567 = arith.addf %parallel_loop3A_562, %parallel_loop3A_566 : vector<16xf32>
          %parallel_loop3A_568 = arith.index_cast %parallel_loop3A_404 : i32 to index
          %parallel_loop3A_569 = arith.constant 112 : index
          %parallel_loop3A_570 = tpu.vector_load %arg18[%parallel_loop3A_568, %parallel_loop3A_569] {strides = array<i32>} : memref<64x128xf32, #tpu.memory_space<vmem>>, vector<1x16xf32>,
          %parallel_loop3A_571 = vector.shape_cast %parallel_loop3A_570 : vector<1x16xf32> to vector<16xf32>
          %parallel_loop3A_572 = arith.addf %parallel_loop3A_567, %parallel_loop3A_571 : vector<16xf32>
          %parallel_loop3A_573 = arith.constant 0.000000e+00 : f32
          %parallel_loop3A_574 = vector.broadcast %parallel_loop3A_573 : f32 to vector<16xf32>
          %parallel_loop3A_575 = arith.maximumf %parallel_loop3A_572, %parallel_loop3A_574 : vector<16xf32>
          %parallel_loop3A_576 = arith.index_cast %parallel_loop3A_404 : i32 to index
          %parallel_loop3A_577 = arith.constant 112 : index
          %parallel_loop3A_578 = tpu.vector_load %arg16[%parallel_loop3A_576, %parallel_loop3A_577] {strides = array<i32>} : memref<64x128xf32, #tpu.memory_space<vmem>>, vector<1x16xf32>,
          %parallel_loop3A_579 = vector.shape_cast %parallel_loop3A_578 : vector<1x16xf32> to vector<16xf32>
          %parallel_loop3A_580 = vector.shape_cast %parallel_loop3A_575 : vector<16xf32> to vector<1x16xf32>
          tpu.vector_store %arg16[%parallel_loop3A_576, %parallel_loop3A_577], %parallel_loop3A_580 {strides = array<i32>} : memref<64x128xf32, #tpu.memory_space<vmem>>, vector<1x16xf32>,
        } {sc.loop_unroll_factor = 4 : i64, sc.parallel_access}
        "tpu.region"() ({
          %run_scoped3A = tpu.sem_alloc : memref<!tpu.dma_semaphore, #tpu.memory_space<semaphore_mem>>
          %dma_start3A_404 = arith.constant 0 : i32
          %dma_start3A_405 = arith.constant 0 : i32
          %dma_start3A_406 = tpu.memref_slice %arg22[%dma_start3A_404, %dma_start3A_405] : memref<10112x128xf32, #tpu.memory_space<vmem_shared>> -> memref<10112x128xf32, #tpu.memory_space<vmem_shared>>
          tpu.enqueue_indirect_dma source(%arg16 : memref<64x128xf32, #tpu.memory_space<vmem>>) target(%dma_start3A_406 : memref<10112x128xf32, #tpu.memory_space<vmem_shared>>) offsets(%arg13 : memref<64xi32, #tpu.memory_space<vmem>>) semaphore(%run_scoped3A : memref<!tpu.dma_semaphore, #tpu.memory_space<semaphore_mem>>) {add = true}
          %dma_wait3A_407 = arith.constant 0 : i32
          %dma_wait3A_408 = arith.constant 0 : i32
          %dma_wait3A_409 = tpu.memref_slice %arg22[%dma_wait3A_407, %dma_wait3A_408] : memref<10112x128xf32, #tpu.memory_space<vmem_shared>> -> memref<10112x128xf32, #tpu.memory_space<vmem_shared>>
          tpu.wait_indirect_dma semaphore(%run_scoped3A : memref<!tpu.dma_semaphore, #tpu.memory_space<semaphore_mem>>) src(%arg16 : memref<64x128xf32, #tpu.memory_space<vmem>>) dst(%dma_wait3A_409 : memref<10112x128xf32, #tpu.memory_space<vmem_shared>>)
          tpu.yield
        }) : () -> ()
      } else {
      }
      %add3A_340 = arith.constant 3 : i32
      %add3A_341 = arith.addi %mul3A_156, %add3A_340 : i32
      %add3A_342 = arith.constant 3 : i32
      %add3A_343 = arith.addi %add3A_341, %add3A_342 : i32
      %mul3A_344 = arith.constant 32 : i32
      %mul3A_345 = arith.muli %add3A_343, %mul3A_344 : i32
      %add3A_346 = arith.addi %mul3A_345, %add3A : i32
      %min3A_347 = arith.constant 4999 : i32
      %min3A_348 = arith.minsi %add3A_346, %min3A_347 : i32
      %mul3A_349 = arith.constant 64 : i32
      %mul3A_350 = arith.muli %min3A_348, %mul3A_349 : i32
      %dma_start3A_351 = tpu.memref_slice %arg5[%mul3A_350] : memref<320000xi32, #tpu.memory_space<hbm>> -> memref<64xi32, #tpu.memory_space<hbm>>
      %dma_start3A_352 = tpu.memref_slice %arg5[%mul3A_350] : memref<320000xi32, #tpu.memory_space<hbm>> -> memref<64xi32, #tpu.memory_space<hbm>>
      tpu.enqueue_dma source(%dma_start3A_352 : memref<64xi32, #tpu.memory_space<hbm>>) target(%arg12 : memref<64xi32, #tpu.memory_space<vmem>>) target_semaphore(%arg25 : memref<!tpu.dma_semaphore, #tpu.memory_space<semaphore_mem>>)
      %dma_start3A_353 = tpu.memref_slice %arg6[%mul3A_350] : memref<320000xi32, #tpu.memory_space<hbm>> -> memref<64xi32, #tpu.memory_space<hbm>>
      %dma_start3A_354 = tpu.memref_slice %arg6[%mul3A_350] : memref<320000xi32, #tpu.memory_space<hbm>> -> memref<64xi32, #tpu.memory_space<hbm>>
      tpu.enqueue_dma source(%dma_start3A_354 : memref<64xi32, #tpu.memory_space<hbm>>) target(%arg13 : memref<64xi32, #tpu.memory_space<vmem>>) target_semaphore(%arg25 : memref<!tpu.dma_semaphore, #tpu.memory_space<semaphore_mem>>)
      %dma_wait3A_355 = arith.constant 0 : i32
      %dma_wait3A_356 = tpu.memref_slice %arg5[%dma_wait3A_355] : memref<320000xi32, #tpu.memory_space<hbm>> -> memref<64xi32, #tpu.memory_space<hbm>>
      %dma_wait3A_357 = arith.constant 0 : i32
      %dma_wait3A_358 = tpu.memref_slice %arg5[%dma_wait3A_357] : memref<320000xi32, #tpu.memory_space<hbm>> -> memref<64xi32, #tpu.memory_space<hbm>>
      tpu.wait_dma2 semaphore(%arg23 : memref<!tpu.dma_semaphore, #tpu.memory_space<semaphore_mem>>) src(%dma_wait3A_358 : memref<64xi32, #tpu.memory_space<hbm>>) dst(%arg8 : memref<64xi32, #tpu.memory_space<vmem>>)
      %dma_wait3A_359 = arith.constant 0 : i32
      %dma_wait3A_360 = tpu.memref_slice %arg6[%dma_wait3A_359] : memref<320000xi32, #tpu.memory_space<hbm>> -> memref<64xi32, #tpu.memory_space<hbm>>
      %dma_wait3A_361 = arith.constant 0 : i32
      %dma_wait3A_362 = tpu.memref_slice %arg6[%dma_wait3A_361] : memref<320000xi32, #tpu.memory_space<hbm>> -> memref<64xi32, #tpu.memory_space<hbm>>
      tpu.wait_dma2 semaphore(%arg23 : memref<!tpu.dma_semaphore, #tpu.memory_space<semaphore_mem>>) src(%dma_wait3A_362 : memref<64xi32, #tpu.memory_space<hbm>>) dst(%arg9 : memref<64xi32, #tpu.memory_space<vmem>>)
      %add3A_363 = arith.constant 1 : i32
      %add3A_364 = arith.addi %add3A_341, %add3A_363 : i32
      %mul3A_365 = arith.constant 32 : i32
      %mul3A_366 = arith.muli %add3A_364, %mul3A_365 : i32
      %add3A_367 = arith.addi %mul3A_366, %add3A : i32
      %min3A_368 = arith.constant 4999 : i32
      %min3A_369 = arith.minsi %add3A_367, %min3A_368 : i32
      %mul3A_370 = arith.constant 64 : i32
      %mul3A_371 = arith.muli %min3A_369, %mul3A_370 : i32
      %dma_start3A_372 = arith.constant 0 : i32
      %dma_start3A_373 = arith.constant 0 : i32
      %dma_start3A_374 = tpu.memref_slice %arg2[%dma_start3A_372, %dma_start3A_373] : memref<10000x128xf32, #tpu.memory_space<hbm>> -> memref<10000x128xf32, #tpu.memory_space<hbm>>
      tpu.enqueue_indirect_dma source(%dma_start3A_374 : memref<10000x128xf32, #tpu.memory_space<hbm>>) target(%arg16 : memref<64x128xf32, #tpu.memory_space<vmem>>) offsets(%arg8 : memref<64xi32, #tpu.memory_space<vmem>>) semaphore(%arg27 : memref<!tpu.dma_semaphore, #tpu.memory_space<semaphore_mem>>)
      %dma_start3A_375 = arith.constant 0 : i32
      %dma_start3A_376 = arith.constant 0 : i32
      %dma_start3A_377 = tpu.memref_slice %arg3[%dma_start3A_375, %dma_start3A_376] : memref<10000x128xf32, #tpu.memory_space<hbm>> -> memref<10000x128xf32, #tpu.memory_space<hbm>>
      tpu.enqueue_indirect_dma source(%dma_start3A_377 : memref<10000x128xf32, #tpu.memory_space<hbm>>) target(%arg17 : memref<64x128xf32, #tpu.memory_space<vmem>>) offsets(%arg9 : memref<64xi32, #tpu.memory_space<vmem>>) semaphore(%arg27 : memref<!tpu.dma_semaphore, #tpu.memory_space<semaphore_mem>>)
      %dma_start3A_378 = arith.constant 0 : i32
      %dma_start3A_379 = tpu.memref_slice %arg4[%mul3A_371, %dma_start3A_378] : memref<320000x128xf32, #tpu.memory_space<hbm>> -> memref<64x128xf32, #tpu.memory_space<hbm>>
      %dma_start3A_380 = arith.constant 0 : i32
      %dma_start3A_381 = tpu.memref_slice %arg4[%mul3A_371, %dma_start3A_380] : memref<320000x128xf32, #tpu.memory_space<hbm>> -> memref<64x128xf32, #tpu.memory_space<hbm>>
      tpu.enqueue_dma source(%dma_start3A_381 : memref<64x128xf32, #tpu.memory_space<hbm>>) target(%arg18 : memref<64x128xf32, #tpu.memory_space<vmem>>) target_semaphore(%arg27 : memref<!tpu.dma_semaphore, #tpu.memory_space<semaphore_mem>>)
      %dma_wait3A_382 = arith.constant 0 : i32
      %dma_wait3A_383 = arith.constant 0 : i32
      %dma_wait3A_384 = tpu.memref_slice %arg2[%dma_wait3A_382, %dma_wait3A_383] : memref<10000x128xf32, #tpu.memory_space<hbm>> -> memref<10000x128xf32, #tpu.memory_space<hbm>>
      tpu.wait_indirect_dma semaphore(%arg28 : memref<!tpu.dma_semaphore, #tpu.memory_space<semaphore_mem>>) src(%dma_wait3A_384 : memref<10000x128xf32, #tpu.memory_space<hbm>>) dst(%arg19 : memref<64x128xf32, #tpu.memory_space<vmem>>)
      %dma_wait3A_385 = arith.constant 0 : i32
      %dma_wait3A_386 = arith.constant 0 : i32
      %dma_wait3A_387 = tpu.memref_slice %arg3[%dma_wait3A_385, %dma_wait3A_386] : memref<10000x128xf32, #tpu.memory_space<hbm>> -> memref<10000x128xf32, #tpu.memory_space<hbm>>
      tpu.wait_indirect_dma semaphore(%arg28 : memref<!tpu.dma_semaphore, #tpu.memory_space<semaphore_mem>>) src(%dma_wait3A_387 : memref<10000x128xf32, #tpu.memory_space<hbm>>) dst(%arg20 : memref<64x128xf32, #tpu.memory_space<vmem>>)
      %dma_wait3A_388 = arith.constant 0 : i32
      %dma_wait3A_389 = arith.constant 0 : i32
      %dma_wait3A_390 = tpu.memref_slice %arg4[%dma_wait3A_388, %dma_wait3A_389] : memref<320000x128xf32, #tpu.memory_space<hbm>> -> memref<64x128xf32, #tpu.memory_space<hbm>>
      %dma_wait3A_391 = arith.constant 0 : i32
      %dma_wait3A_392 = arith.constant 0 : i32
      %dma_wait3A_393 = tpu.memref_slice %arg4[%dma_wait3A_391, %dma_wait3A_392] : memref<320000x128xf32, #tpu.memory_space<hbm>> -> memref<64x128xf32, #tpu.memory_space<hbm>>
      tpu.wait_dma2 semaphore(%arg28 : memref<!tpu.dma_semaphore, #tpu.memory_space<semaphore_mem>>) src(%dma_wait3A_393 : memref<64x128xf32, #tpu.memory_space<hbm>>) dst(%arg21 : memref<64x128xf32, #tpu.memory_space<vmem>>)
      %mul3A_394 = arith.constant 32 : i32
      %mul3A_395 = arith.muli %add3A_341, %mul3A_394 : i32
      %add3A_396 = arith.addi %mul3A_395, %add3A : i32
      %lt3A_397 = arith.constant 5000 : i32
      %lt3A_398 = arith.cmpi slt, %add3A_396, %lt3A_397 : i32
      %convert_element_type3A_399 = arith.extui %lt3A_398 : i1 to i32
      %cond3A_400 = arith.constant 0 : i32
      %cond3A_401 = arith.cmpi ne, %convert_element_type3A_399, %cond3A_400 : i32
      scf.if %cond3A_401 {
        %parallel_loop3A = arith.constant 0 : i32
        %parallel_loop3A_402 = arith.constant 64 : i32
        %parallel_loop3A_403 = arith.constant 1 : i32
        scf.for %parallel_loop3A_404 = %parallel_loop3A to %parallel_loop3A_402 step %parallel_loop3A_403  : i32 {
          %parallel_loop3A_405 = arith.index_cast %parallel_loop3A_404 : i32 to index
          %parallel_loop3A_406 = arith.constant 0 : index
          %parallel_loop3A_407 = tpu.vector_load %arg19[%parallel_loop3A_405, %parallel_loop3A_406] {strides = array<i32>} : memref<64x128xf32, #tpu.memory_space<vmem>>, vector<1x16xf32>,
          %parallel_loop3A_408 = vector.shape_cast %parallel_loop3A_407 : vector<1x16xf32> to vector<16xf32>
          %parallel_loop3A_409 = arith.index_cast %parallel_loop3A_404 : i32 to index
          %parallel_loop3A_410 = arith.constant 0 : index
          %parallel_loop3A_411 = tpu.vector_load %arg20[%parallel_loop3A_409, %parallel_loop3A_410] {strides = array<i32>} : memref<64x128xf32, #tpu.memory_space<vmem>>, vector<1x16xf32>,
          %parallel_loop3A_412 = vector.shape_cast %parallel_loop3A_411 : vector<1x16xf32> to vector<16xf32>
          %parallel_loop3A_413 = arith.addf %parallel_loop3A_408, %parallel_loop3A_412 : vector<16xf32>
          %parallel_loop3A_414 = arith.index_cast %parallel_loop3A_404 : i32 to index
          %parallel_loop3A_415 = arith.constant 0 : index
          %parallel_loop3A_416 = tpu.vector_load %arg21[%parallel_loop3A_414, %parallel_loop3A_415] {strides = array<i32>} : memref<64x128xf32, #tpu.memory_space<vmem>>, vector<1x16xf32>,
          %parallel_loop3A_417 = vector.shape_cast %parallel_loop3A_416 : vector<1x16xf32> to vector<16xf32>
          %parallel_loop3A_418 = arith.addf %parallel_loop3A_413, %parallel_loop3A_417 : vector<16xf32>
          %parallel_loop3A_419 = arith.constant 0.000000e+00 : f32
          %parallel_loop3A_420 = vector.broadcast %parallel_loop3A_419 : f32 to vector<16xf32>
          %parallel_loop3A_421 = arith.maximumf %parallel_loop3A_418, %parallel_loop3A_420 : vector<16xf32>
          %parallel_loop3A_422 = arith.index_cast %parallel_loop3A_404 : i32 to index
          %parallel_loop3A_423 = arith.constant 0 : index
          %parallel_loop3A_424 = tpu.vector_load %arg19[%parallel_loop3A_422, %parallel_loop3A_423] {strides = array<i32>} : memref<64x128xf32, #tpu.memory_space<vmem>>, vector<1x16xf32>,
          %parallel_loop3A_425 = vector.shape_cast %parallel_loop3A_424 : vector<1x16xf32> to vector<16xf32>
          %parallel_loop3A_426 = vector.shape_cast %parallel_loop3A_421 : vector<16xf32> to vector<1x16xf32>
          tpu.vector_store %arg19[%parallel_loop3A_422, %parallel_loop3A_423], %parallel_loop3A_426 {strides = array<i32>} : memref<64x128xf32, #tpu.memory_space<vmem>>, vector<1x16xf32>,
          %parallel_loop3A_427 = arith.index_cast %parallel_loop3A_404 : i32 to index
          %parallel_loop3A_428 = arith.constant 16 : index
          %parallel_loop3A_429 = tpu.vector_load %arg19[%parallel_loop3A_427, %parallel_loop3A_428] {strides = array<i32>} : memref<64x128xf32, #tpu.memory_space<vmem>>, vector<1x16xf32>,
          %parallel_loop3A_430 = vector.shape_cast %parallel_loop3A_429 : vector<1x16xf32> to vector<16xf32>
          %parallel_loop3A_431 = arith.index_cast %parallel_loop3A_404 : i32 to index
          %parallel_loop3A_432 = arith.constant 16 : index
          %parallel_loop3A_433 = tpu.vector_load %arg20[%parallel_loop3A_431, %parallel_loop3A_432] {strides = array<i32>} : memref<64x128xf32, #tpu.memory_space<vmem>>, vector<1x16xf32>,
          %parallel_loop3A_434 = vector.shape_cast %parallel_loop3A_433 : vector<1x16xf32> to vector<16xf32>
          %parallel_loop3A_435 = arith.addf %parallel_loop3A_430, %parallel_loop3A_434 : vector<16xf32>
          %parallel_loop3A_436 = arith.index_cast %parallel_loop3A_404 : i32 to index
          %parallel_loop3A_437 = arith.constant 16 : index
          %parallel_loop3A_438 = tpu.vector_load %arg21[%parallel_loop3A_436, %parallel_loop3A_437] {strides = array<i32>} : memref<64x128xf32, #tpu.memory_space<vmem>>, vector<1x16xf32>,
          %parallel_loop3A_439 = vector.shape_cast %parallel_loop3A_438 : vector<1x16xf32> to vector<16xf32>
          %parallel_loop3A_440 = arith.addf %parallel_loop3A_435, %parallel_loop3A_439 : vector<16xf32>
          %parallel_loop3A_441 = arith.constant 0.000000e+00 : f32
          %parallel_loop3A_442 = vector.broadcast %parallel_loop3A_441 : f32 to vector<16xf32>
          %parallel_loop3A_443 = arith.maximumf %parallel_loop3A_440, %parallel_loop3A_442 : vector<16xf32>
          %parallel_loop3A_444 = arith.index_cast %parallel_loop3A_404 : i32 to index
          %parallel_loop3A_445 = arith.constant 16 : index
          %parallel_loop3A_446 = tpu.vector_load %arg19[%parallel_loop3A_444, %parallel_loop3A_445] {strides = array<i32>} : memref<64x128xf32, #tpu.memory_space<vmem>>, vector<1x16xf32>,
          %parallel_loop3A_447 = vector.shape_cast %parallel_loop3A_446 : vector<1x16xf32> to vector<16xf32>
          %parallel_loop3A_448 = vector.shape_cast %parallel_loop3A_443 : vector<16xf32> to vector<1x16xf32>
          tpu.vector_store %arg19[%parallel_loop3A_444, %parallel_loop3A_445], %parallel_loop3A_448 {strides = array<i32>} : memref<64x128xf32, #tpu.memory_space<vmem>>, vector<1x16xf32>,
          %parallel_loop3A_449 = arith.index_cast %parallel_loop3A_404 : i32 to index
          %parallel_loop3A_450 = arith.constant 32 : index
          %parallel_loop3A_451 = tpu.vector_load %arg19[%parallel_loop3A_449, %parallel_loop3A_450] {strides = array<i32>} : memref<64x128xf32, #tpu.memory_space<vmem>>, vector<1x16xf32>,
          %parallel_loop3A_452 = vector.shape_cast %parallel_loop3A_451 : vector<1x16xf32> to vector<16xf32>
          %parallel_loop3A_453 = arith.index_cast %parallel_loop3A_404 : i32 to index
          %parallel_loop3A_454 = arith.constant 32 : index
          %parallel_loop3A_455 = tpu.vector_load %arg20[%parallel_loop3A_453, %parallel_loop3A_454] {strides = array<i32>} : memref<64x128xf32, #tpu.memory_space<vmem>>, vector<1x16xf32>,
          %parallel_loop3A_456 = vector.shape_cast %parallel_loop3A_455 : vector<1x16xf32> to vector<16xf32>
          %parallel_loop3A_457 = arith.addf %parallel_loop3A_452, %parallel_loop3A_456 : vector<16xf32>
          %parallel_loop3A_458 = arith.index_cast %parallel_loop3A_404 : i32 to index
          %parallel_loop3A_459 = arith.constant 32 : index
          %parallel_loop3A_460 = tpu.vector_load %arg21[%parallel_loop3A_458, %parallel_loop3A_459] {strides = array<i32>} : memref<64x128xf32, #tpu.memory_space<vmem>>, vector<1x16xf32>,
          %parallel_loop3A_461 = vector.shape_cast %parallel_loop3A_460 : vector<1x16xf32> to vector<16xf32>
          %parallel_loop3A_462 = arith.addf %parallel_loop3A_457, %parallel_loop3A_461 : vector<16xf32>
          %parallel_loop3A_463 = arith.constant 0.000000e+00 : f32
          %parallel_loop3A_464 = vector.broadcast %parallel_loop3A_463 : f32 to vector<16xf32>
          %parallel_loop3A_465 = arith.maximumf %parallel_loop3A_462, %parallel_loop3A_464 : vector<16xf32>
          %parallel_loop3A_466 = arith.index_cast %parallel_loop3A_404 : i32 to index
          %parallel_loop3A_467 = arith.constant 32 : index
          %parallel_loop3A_468 = tpu.vector_load %arg19[%parallel_loop3A_466, %parallel_loop3A_467] {strides = array<i32>} : memref<64x128xf32, #tpu.memory_space<vmem>>, vector<1x16xf32>,
          %parallel_loop3A_469 = vector.shape_cast %parallel_loop3A_468 : vector<1x16xf32> to vector<16xf32>
          %parallel_loop3A_470 = vector.shape_cast %parallel_loop3A_465 : vector<16xf32> to vector<1x16xf32>
          tpu.vector_store %arg19[%parallel_loop3A_466, %parallel_loop3A_467], %parallel_loop3A_470 {strides = array<i32>} : memref<64x128xf32, #tpu.memory_space<vmem>>, vector<1x16xf32>,
          %parallel_loop3A_471 = arith.index_cast %parallel_loop3A_404 : i32 to index
          %parallel_loop3A_472 = arith.constant 48 : index
          %parallel_loop3A_473 = tpu.vector_load %arg19[%parallel_loop3A_471, %parallel_loop3A_472] {strides = array<i32>} : memref<64x128xf32, #tpu.memory_space<vmem>>, vector<1x16xf32>,
          %parallel_loop3A_474 = vector.shape_cast %parallel_loop3A_473 : vector<1x16xf32> to vector<16xf32>
          %parallel_loop3A_475 = arith.index_cast %parallel_loop3A_404 : i32 to index
          %parallel_loop3A_476 = arith.constant 48 : index
          %parallel_loop3A_477 = tpu.vector_load %arg20[%parallel_loop3A_475, %parallel_loop3A_476] {strides = array<i32>} : memref<64x128xf32, #tpu.memory_space<vmem>>, vector<1x16xf32>,
          %parallel_loop3A_478 = vector.shape_cast %parallel_loop3A_477 : vector<1x16xf32> to vector<16xf32>
          %parallel_loop3A_479 = arith.addf %parallel_loop3A_474, %parallel_loop3A_478 : vector<16xf32>
          %parallel_loop3A_480 = arith.index_cast %parallel_loop3A_404 : i32 to index
          %parallel_loop3A_481 = arith.constant 48 : index
          %parallel_loop3A_482 = tpu.vector_load %arg21[%parallel_loop3A_480, %parallel_loop3A_481] {strides = array<i32>} : memref<64x128xf32, #tpu.memory_space<vmem>>, vector<1x16xf32>,
          %parallel_loop3A_483 = vector.shape_cast %parallel_loop3A_482 : vector<1x16xf32> to vector<16xf32>
          %parallel_loop3A_484 = arith.addf %parallel_loop3A_479, %parallel_loop3A_483 : vector<16xf32>
          %parallel_loop3A_485 = arith.constant 0.000000e+00 : f32
          %parallel_loop3A_486 = vector.broadcast %parallel_loop3A_485 : f32 to vector<16xf32>
          %parallel_loop3A_487 = arith.maximumf %parallel_loop3A_484, %parallel_loop3A_486 : vector<16xf32>
          %parallel_loop3A_488 = arith.index_cast %parallel_loop3A_404 : i32 to index
          %parallel_loop3A_489 = arith.constant 48 : index
          %parallel_loop3A_490 = tpu.vector_load %arg19[%parallel_loop3A_488, %parallel_loop3A_489] {strides = array<i32>} : memref<64x128xf32, #tpu.memory_space<vmem>>, vector<1x16xf32>,
          %parallel_loop3A_491 = vector.shape_cast %parallel_loop3A_490 : vector<1x16xf32> to vector<16xf32>
          %parallel_loop3A_492 = vector.shape_cast %parallel_loop3A_487 : vector<16xf32> to vector<1x16xf32>
          tpu.vector_store %arg19[%parallel_loop3A_488, %parallel_loop3A_489], %parallel_loop3A_492 {strides = array<i32>} : memref<64x128xf32, #tpu.memory_space<vmem>>, vector<1x16xf32>,
          %parallel_loop3A_493 = arith.index_cast %parallel_loop3A_404 : i32 to index
          %parallel_loop3A_494 = arith.constant 64 : index
          %parallel_loop3A_495 = tpu.vector_load %arg19[%parallel_loop3A_493, %parallel_loop3A_494] {strides = array<i32>} : memref<64x128xf32, #tpu.memory_space<vmem>>, vector<1x16xf32>,
          %parallel_loop3A_496 = vector.shape_cast %parallel_loop3A_495 : vector<1x16xf32> to vector<16xf32>
          %parallel_loop3A_497 = arith.index_cast %parallel_loop3A_404 : i32 to index
          %parallel_loop3A_498 = arith.constant 64 : index
          %parallel_loop3A_499 = tpu.vector_load %arg20[%parallel_loop3A_497, %parallel_loop3A_498] {strides = array<i32>} : memref<64x128xf32, #tpu.memory_space<vmem>>, vector<1x16xf32>,
          %parallel_loop3A_500 = vector.shape_cast %parallel_loop3A_499 : vector<1x16xf32> to vector<16xf32>
          %parallel_loop3A_501 = arith.addf %parallel_loop3A_496, %parallel_loop3A_500 : vector<16xf32>
          %parallel_loop3A_502 = arith.index_cast %parallel_loop3A_404 : i32 to index
          %parallel_loop3A_503 = arith.constant 64 : index
          %parallel_loop3A_504 = tpu.vector_load %arg21[%parallel_loop3A_502, %parallel_loop3A_503] {strides = array<i32>} : memref<64x128xf32, #tpu.memory_space<vmem>>, vector<1x16xf32>,
          %parallel_loop3A_505 = vector.shape_cast %parallel_loop3A_504 : vector<1x16xf32> to vector<16xf32>
          %parallel_loop3A_506 = arith.addf %parallel_loop3A_501, %parallel_loop3A_505 : vector<16xf32>
          %parallel_loop3A_507 = arith.constant 0.000000e+00 : f32
          %parallel_loop3A_508 = vector.broadcast %parallel_loop3A_507 : f32 to vector<16xf32>
          %parallel_loop3A_509 = arith.maximumf %parallel_loop3A_506, %parallel_loop3A_508 : vector<16xf32>
          %parallel_loop3A_510 = arith.index_cast %parallel_loop3A_404 : i32 to index
          %parallel_loop3A_511 = arith.constant 64 : index
          %parallel_loop3A_512 = tpu.vector_load %arg19[%parallel_loop3A_510, %parallel_loop3A_511] {strides = array<i32>} : memref<64x128xf32, #tpu.memory_space<vmem>>, vector<1x16xf32>,
          %parallel_loop3A_513 = vector.shape_cast %parallel_loop3A_512 : vector<1x16xf32> to vector<16xf32>
          %parallel_loop3A_514 = vector.shape_cast %parallel_loop3A_509 : vector<16xf32> to vector<1x16xf32>
          tpu.vector_store %arg19[%parallel_loop3A_510, %parallel_loop3A_511], %parallel_loop3A_514 {strides = array<i32>} : memref<64x128xf32, #tpu.memory_space<vmem>>, vector<1x16xf32>,
          %parallel_loop3A_515 = arith.index_cast %parallel_loop3A_404 : i32 to index
          %parallel_loop3A_516 = arith.constant 80 : index
          %parallel_loop3A_517 = tpu.vector_load %arg19[%parallel_loop3A_515, %parallel_loop3A_516] {strides = array<i32>} : memref<64x128xf32, #tpu.memory_space<vmem>>, vector<1x16xf32>,
          %parallel_loop3A_518 = vector.shape_cast %parallel_loop3A_517 : vector<1x16xf32> to vector<16xf32>
          %parallel_loop3A_519 = arith.index_cast %parallel_loop3A_404 : i32 to index
          %parallel_loop3A_520 = arith.constant 80 : index
          %parallel_loop3A_521 = tpu.vector_load %arg20[%parallel_loop3A_519, %parallel_loop3A_520] {strides = array<i32>} : memref<64x128xf32, #tpu.memory_space<vmem>>, vector<1x16xf32>,
          %parallel_loop3A_522 = vector.shape_cast %parallel_loop3A_521 : vector<1x16xf32> to vector<16xf32>
          %parallel_loop3A_523 = arith.addf %parallel_loop3A_518, %parallel_loop3A_522 : vector<16xf32>
          %parallel_loop3A_524 = arith.index_cast %parallel_loop3A_404 : i32 to index
          %parallel_loop3A_525 = arith.constant 80 : index
          %parallel_loop3A_526 = tpu.vector_load %arg21[%parallel_loop3A_524, %parallel_loop3A_525] {strides = array<i32>} : memref<64x128xf32, #tpu.memory_space<vmem>>, vector<1x16xf32>,
          %parallel_loop3A_527 = vector.shape_cast %parallel_loop3A_526 : vector<1x16xf32> to vector<16xf32>
          %parallel_loop3A_528 = arith.addf %parallel_loop3A_523, %parallel_loop3A_527 : vector<16xf32>
          %parallel_loop3A_529 = arith.constant 0.000000e+00 : f32
          %parallel_loop3A_530 = vector.broadcast %parallel_loop3A_529 : f32 to vector<16xf32>
          %parallel_loop3A_531 = arith.maximumf %parallel_loop3A_528, %parallel_loop3A_530 : vector<16xf32>
          %parallel_loop3A_532 = arith.index_cast %parallel_loop3A_404 : i32 to index
          %parallel_loop3A_533 = arith.constant 80 : index
          %parallel_loop3A_534 = tpu.vector_load %arg19[%parallel_loop3A_532, %parallel_loop3A_533] {strides = array<i32>} : memref<64x128xf32, #tpu.memory_space<vmem>>, vector<1x16xf32>,
          %parallel_loop3A_535 = vector.shape_cast %parallel_loop3A_534 : vector<1x16xf32> to vector<16xf32>
          %parallel_loop3A_536 = vector.shape_cast %parallel_loop3A_531 : vector<16xf32> to vector<1x16xf32>
          tpu.vector_store %arg19[%parallel_loop3A_532, %parallel_loop3A_533], %parallel_loop3A_536 {strides = array<i32>} : memref<64x128xf32, #tpu.memory_space<vmem>>, vector<1x16xf32>,
          %parallel_loop3A_537 = arith.index_cast %parallel_loop3A_404 : i32 to index
          %parallel_loop3A_538 = arith.constant 96 : index
          %parallel_loop3A_539 = tpu.vector_load %arg19[%parallel_loop3A_537, %parallel_loop3A_538] {strides = array<i32>} : memref<64x128xf32, #tpu.memory_space<vmem>>, vector<1x16xf32>,
          %parallel_loop3A_540 = vector.shape_cast %parallel_loop3A_539 : vector<1x16xf32> to vector<16xf32>
          %parallel_loop3A_541 = arith.index_cast %parallel_loop3A_404 : i32 to index
          %parallel_loop3A_542 = arith.constant 96 : index
          %parallel_loop3A_543 = tpu.vector_load %arg20[%parallel_loop3A_541, %parallel_loop3A_542] {strides = array<i32>} : memref<64x128xf32, #tpu.memory_space<vmem>>, vector<1x16xf32>,
          %parallel_loop3A_544 = vector.shape_cast %parallel_loop3A_543 : vector<1x16xf32> to vector<16xf32>
          %parallel_loop3A_545 = arith.addf %parallel_loop3A_540, %parallel_loop3A_544 : vector<16xf32>
          %parallel_loop3A_546 = arith.index_cast %parallel_loop3A_404 : i32 to index
          %parallel_loop3A_547 = arith.constant 96 : index
          %parallel_loop3A_548 = tpu.vector_load %arg21[%parallel_loop3A_546, %parallel_loop3A_547] {strides = array<i32>} : memref<64x128xf32, #tpu.memory_space<vmem>>, vector<1x16xf32>,
          %parallel_loop3A_549 = vector.shape_cast %parallel_loop3A_548 : vector<1x16xf32> to vector<16xf32>
          %parallel_loop3A_550 = arith.addf %parallel_loop3A_545, %parallel_loop3A_549 : vector<16xf32>
          %parallel_loop3A_551 = arith.constant 0.000000e+00 : f32
          %parallel_loop3A_552 = vector.broadcast %parallel_loop3A_551 : f32 to vector<16xf32>
          %parallel_loop3A_553 = arith.maximumf %parallel_loop3A_550, %parallel_loop3A_552 : vector<16xf32>
          %parallel_loop3A_554 = arith.index_cast %parallel_loop3A_404 : i32 to index
          %parallel_loop3A_555 = arith.constant 96 : index
          %parallel_loop3A_556 = tpu.vector_load %arg19[%parallel_loop3A_554, %parallel_loop3A_555] {strides = array<i32>} : memref<64x128xf32, #tpu.memory_space<vmem>>, vector<1x16xf32>,
          %parallel_loop3A_557 = vector.shape_cast %parallel_loop3A_556 : vector<1x16xf32> to vector<16xf32>
          %parallel_loop3A_558 = vector.shape_cast %parallel_loop3A_553 : vector<16xf32> to vector<1x16xf32>
          tpu.vector_store %arg19[%parallel_loop3A_554, %parallel_loop3A_555], %parallel_loop3A_558 {strides = array<i32>} : memref<64x128xf32, #tpu.memory_space<vmem>>, vector<1x16xf32>,
          %parallel_loop3A_559 = arith.index_cast %parallel_loop3A_404 : i32 to index
          %parallel_loop3A_560 = arith.constant 112 : index
          %parallel_loop3A_561 = tpu.vector_load %arg19[%parallel_loop3A_559, %parallel_loop3A_560] {strides = array<i32>} : memref<64x128xf32, #tpu.memory_space<vmem>>, vector<1x16xf32>,
          %parallel_loop3A_562 = vector.shape_cast %parallel_loop3A_561 : vector<1x16xf32> to vector<16xf32>
          %parallel_loop3A_563 = arith.index_cast %parallel_loop3A_404 : i32 to index
          %parallel_loop3A_564 = arith.constant 112 : index
          %parallel_loop3A_565 = tpu.vector_load %arg20[%parallel_loop3A_563, %parallel_loop3A_564] {strides = array<i32>} : memref<64x128xf32, #tpu.memory_space<vmem>>, vector<1x16xf32>,
          %parallel_loop3A_566 = vector.shape_cast %parallel_loop3A_565 : vector<1x16xf32> to vector<16xf32>
          %parallel_loop3A_567 = arith.addf %parallel_loop3A_562, %parallel_loop3A_566 : vector<16xf32>
          %parallel_loop3A_568 = arith.index_cast %parallel_loop3A_404 : i32 to index
          %parallel_loop3A_569 = arith.constant 112 : index
          %parallel_loop3A_570 = tpu.vector_load %arg21[%parallel_loop3A_568, %parallel_loop3A_569] {strides = array<i32>} : memref<64x128xf32, #tpu.memory_space<vmem>>, vector<1x16xf32>,
          %parallel_loop3A_571 = vector.shape_cast %parallel_loop3A_570 : vector<1x16xf32> to vector<16xf32>
          %parallel_loop3A_572 = arith.addf %parallel_loop3A_567, %parallel_loop3A_571 : vector<16xf32>
          %parallel_loop3A_573 = arith.constant 0.000000e+00 : f32
          %parallel_loop3A_574 = vector.broadcast %parallel_loop3A_573 : f32 to vector<16xf32>
          %parallel_loop3A_575 = arith.maximumf %parallel_loop3A_572, %parallel_loop3A_574 : vector<16xf32>
          %parallel_loop3A_576 = arith.index_cast %parallel_loop3A_404 : i32 to index
          %parallel_loop3A_577 = arith.constant 112 : index
          %parallel_loop3A_578 = tpu.vector_load %arg19[%parallel_loop3A_576, %parallel_loop3A_577] {strides = array<i32>} : memref<64x128xf32, #tpu.memory_space<vmem>>, vector<1x16xf32>,
          %parallel_loop3A_579 = vector.shape_cast %parallel_loop3A_578 : vector<1x16xf32> to vector<16xf32>
          %parallel_loop3A_580 = vector.shape_cast %parallel_loop3A_575 : vector<16xf32> to vector<1x16xf32>
          tpu.vector_store %arg19[%parallel_loop3A_576, %parallel_loop3A_577], %parallel_loop3A_580 {strides = array<i32>} : memref<64x128xf32, #tpu.memory_space<vmem>>, vector<1x16xf32>,
        } {sc.loop_unroll_factor = 4 : i64, sc.parallel_access}
        "tpu.region"() ({
          %run_scoped3A = tpu.sem_alloc : memref<!tpu.dma_semaphore, #tpu.memory_space<semaphore_mem>>
          %dma_start3A_404 = arith.constant 0 : i32
          %dma_start3A_405 = arith.constant 0 : i32
          %dma_start3A_406 = tpu.memref_slice %arg22[%dma_start3A_404, %dma_start3A_405] : memref<10112x128xf32, #tpu.memory_space<vmem_shared>> -> memref<10112x128xf32, #tpu.memory_space<vmem_shared>>
          tpu.enqueue_indirect_dma source(%arg19 : memref<64x128xf32, #tpu.memory_space<vmem>>) target(%dma_start3A_406 : memref<10112x128xf32, #tpu.memory_space<vmem_shared>>) offsets(%arg15 : memref<64xi32, #tpu.memory_space<vmem>>) semaphore(%run_scoped3A : memref<!tpu.dma_semaphore, #tpu.memory_space<semaphore_mem>>) {add = true}
          %dma_wait3A_407 = arith.constant 0 : i32
          %dma_wait3A_408 = arith.constant 0 : i32
          %dma_wait3A_409 = tpu.memref_slice %arg22[%dma_wait3A_407, %dma_wait3A_408] : memref<10112x128xf32, #tpu.memory_space<vmem_shared>> -> memref<10112x128xf32, #tpu.memory_space<vmem_shared>>
          tpu.wait_indirect_dma semaphore(%run_scoped3A : memref<!tpu.dma_semaphore, #tpu.memory_space<semaphore_mem>>) src(%arg19 : memref<64x128xf32, #tpu.memory_space<vmem>>) dst(%dma_wait3A_409 : memref<10112x128xf32, #tpu.memory_space<vmem_shared>>)
          tpu.yield
        }) : () -> ()
      } else {
      }
    }
    %scan3A_84 = arith.constant 40 : i32
    %dma_wait3A_85 = arith.constant 0 : i32
    %dma_wait3A_86 = arith.constant 0 : i32
    %dma_wait3A_87 = tpu.memref_slice %arg2[%dma_wait3A_85, %dma_wait3A_86] : memref<10000x128xf32, #tpu.memory_space<hbm>> -> memref<10000x128xf32, #tpu.memory_space<hbm>>
    tpu.wait_indirect_dma semaphore(%arg27 : memref<!tpu.dma_semaphore, #tpu.memory_space<semaphore_mem>>) src(%dma_wait3A_87 : memref<10000x128xf32, #tpu.memory_space<hbm>>) dst(%arg16 : memref<64x128xf32, #tpu.memory_space<vmem>>)
    %dma_wait3A_88 = arith.constant 0 : i32
    %dma_wait3A_89 = arith.constant 0 : i32
    %dma_wait3A_90 = tpu.memref_slice %arg3[%dma_wait3A_88, %dma_wait3A_89] : memref<10000x128xf32, #tpu.memory_space<hbm>> -> memref<10000x128xf32, #tpu.memory_space<hbm>>
    tpu.wait_indirect_dma semaphore(%arg27 : memref<!tpu.dma_semaphore, #tpu.memory_space<semaphore_mem>>) src(%dma_wait3A_90 : memref<10000x128xf32, #tpu.memory_space<hbm>>) dst(%arg17 : memref<64x128xf32, #tpu.memory_space<vmem>>)
    %dma_wait3A_91 = arith.constant 0 : i32
    %dma_wait3A_92 = arith.constant 0 : i32
    %dma_wait3A_93 = tpu.memref_slice %arg4[%dma_wait3A_91, %dma_wait3A_92] : memref<320000x128xf32, #tpu.memory_space<hbm>> -> memref<64x128xf32, #tpu.memory_space<hbm>>
    %dma_wait3A_94 = arith.constant 0 : i32
    %dma_wait3A_95 = arith.constant 0 : i32
    %dma_wait3A_96 = tpu.memref_slice %arg4[%dma_wait3A_94, %dma_wait3A_95] : memref<320000x128xf32, #tpu.memory_space<hbm>> -> memref<64x128xf32, #tpu.memory_space<hbm>>
    tpu.wait_dma2 semaphore(%arg27 : memref<!tpu.dma_semaphore, #tpu.memory_space<semaphore_mem>>) src(%dma_wait3A_96 : memref<64x128xf32, #tpu.memory_space<hbm>>) dst(%arg18 : memref<64x128xf32, #tpu.memory_space<vmem>>)
    %dma_wait3A_97 = arith.constant 0 : i32
    %dma_wait3A_98 = tpu.memref_slice %arg5[%dma_wait3A_97] : memref<320000xi32, #tpu.memory_space<hbm>> -> memref<64xi32, #tpu.memory_space<hbm>>
    %dma_wait3A_99 = arith.constant 0 : i32
    %dma_wait3A_100 = tpu.memref_slice %arg5[%dma_wait3A_99] : memref<320000xi32, #tpu.memory_space<hbm>> -> memref<64xi32, #tpu.memory_space<hbm>>
    tpu.wait_dma2 semaphore(%arg24 : memref<!tpu.dma_semaphore, #tpu.memory_space<semaphore_mem>>) src(%dma_wait3A_100 : memref<64xi32, #tpu.memory_space<hbm>>) dst(%arg10 : memref<64xi32, #tpu.memory_space<vmem>>)
    %dma_wait3A_101 = arith.constant 0 : i32
    %dma_wait3A_102 = tpu.memref_slice %arg6[%dma_wait3A_101] : memref<320000xi32, #tpu.memory_space<hbm>> -> memref<64xi32, #tpu.memory_space<hbm>>
    %dma_wait3A_103 = arith.constant 0 : i32
    %dma_wait3A_104 = tpu.memref_slice %arg6[%dma_wait3A_103] : memref<320000xi32, #tpu.memory_space<hbm>> -> memref<64xi32, #tpu.memory_space<hbm>>
    tpu.wait_dma2 semaphore(%arg24 : memref<!tpu.dma_semaphore, #tpu.memory_space<semaphore_mem>>) src(%dma_wait3A_104 : memref<64xi32, #tpu.memory_space<hbm>>) dst(%arg11 : memref<64xi32, #tpu.memory_space<vmem>>)
    %dma_wait3A_105 = arith.constant 0 : i32
    %dma_wait3A_106 = tpu.memref_slice %arg5[%dma_wait3A_105] : memref<320000xi32, #tpu.memory_space<hbm>> -> memref<64xi32, #tpu.memory_space<hbm>>
    %dma_wait3A_107 = arith.constant 0 : i32
    %dma_wait3A_108 = tpu.memref_slice %arg5[%dma_wait3A_107] : memref<320000xi32, #tpu.memory_space<hbm>> -> memref<64xi32, #tpu.memory_space<hbm>>
    tpu.wait_dma2 semaphore(%arg25 : memref<!tpu.dma_semaphore, #tpu.memory_space<semaphore_mem>>) src(%dma_wait3A_108 : memref<64xi32, #tpu.memory_space<hbm>>) dst(%arg12 : memref<64xi32, #tpu.memory_space<vmem>>)
    %dma_wait3A_109 = arith.constant 0 : i32
    %dma_wait3A_110 = tpu.memref_slice %arg6[%dma_wait3A_109] : memref<320000xi32, #tpu.memory_space<hbm>> -> memref<64xi32, #tpu.memory_space<hbm>>
    %dma_wait3A_111 = arith.constant 0 : i32
    %dma_wait3A_112 = tpu.memref_slice %arg6[%dma_wait3A_111] : memref<320000xi32, #tpu.memory_space<hbm>> -> memref<64xi32, #tpu.memory_space<hbm>>
    tpu.wait_dma2 semaphore(%arg25 : memref<!tpu.dma_semaphore, #tpu.memory_space<semaphore_mem>>) src(%dma_wait3A_112 : memref<64xi32, #tpu.memory_space<hbm>>) dst(%arg13 : memref<64xi32, #tpu.memory_space<vmem>>)
    %barrier3A_113 = arith.constant 0 : index
    tpu.barrier barrier_id(%barrier3A_113)
    %add3A_114 = arith.constant 0 : i32
    %add3A_115 = arith.addi %mul3A_7, %add3A_114 : i32
    "tpu.region"() ({
      %run_scoped3A = tpu.sem_alloc : memref<!tpu.dma_semaphore, #tpu.memory_space<semaphore_mem>>
      %dma_start3A_154 = arith.constant 0 : i32
      %dma_start3A_155 = arith.constant 0 : i32
      %dma_start3A_156 = tpu.memref_slice %arg16[%dma_start3A_154, %dma_start3A_155] : memref<64x128xf32, #tpu.memory_space<vmem>> -> memref<64x128xf32, #tpu.memory_space<vmem>>
      %dma_start3A_157 = arith.constant 0 : i32
      %dma_start3A_158 = tpu.memref_slice %arg22[%add3A_115, %dma_start3A_157] : memref<10112x128xf32, #tpu.memory_space<vmem_shared>> -> memref<64x128xf32, #tpu.memory_space<vmem_shared>>
      %dma_start3A_159 = arith.constant 0 : i32
      %dma_start3A_160 = arith.constant 0 : i32
      %dma_start3A_161 = tpu.memref_slice %arg16[%dma_start3A_159, %dma_start3A_160] : memref<64x128xf32, #tpu.memory_space<vmem>> -> memref<64x128xf32, #tpu.memory_space<vmem>>
      %dma_start3A_162 = arith.constant 0 : i32
      %dma_start3A_163 = tpu.memref_slice %arg22[%add3A_115, %dma_start3A_162] : memref<10112x128xf32, #tpu.memory_space<vmem_shared>> -> memref<64x128xf32, #tpu.memory_space<vmem_shared>>
      tpu.enqueue_dma source(%dma_start3A_163 : memref<64x128xf32, #tpu.memory_space<vmem_shared>>) target(%dma_start3A_161 : memref<64x128xf32, #tpu.memory_space<vmem>>) target_semaphore(%run_scoped3A : memref<!tpu.dma_semaphore, #tpu.memory_space<semaphore_mem>>)
      %dma_wait3A_164 = arith.constant 0 : i32
      %dma_wait3A_165 = arith.constant 0 : i32
      %dma_wait3A_166 = tpu.memref_slice %arg16[%dma_wait3A_164, %dma_wait3A_165] : memref<64x128xf32, #tpu.memory_space<vmem>> -> memref<64x128xf32, #tpu.memory_space<vmem>>
      %dma_wait3A_167 = arith.constant 0 : i32
      %dma_wait3A_168 = tpu.memref_slice %arg22[%add3A_115, %dma_wait3A_167] : memref<10112x128xf32, #tpu.memory_space<vmem_shared>> -> memref<64x128xf32, #tpu.memory_space<vmem_shared>>
      %dma_wait3A_169 = arith.constant 0 : i32
      %dma_wait3A_170 = arith.constant 0 : i32
      %dma_wait3A_171 = tpu.memref_slice %arg16[%dma_wait3A_169, %dma_wait3A_170] : memref<64x128xf32, #tpu.memory_space<vmem>> -> memref<64x128xf32, #tpu.memory_space<vmem>>
      %dma_wait3A_172 = arith.constant 0 : i32
      %dma_wait3A_173 = tpu.memref_slice %arg22[%add3A_115, %dma_wait3A_172] : memref<10112x128xf32, #tpu.memory_space<vmem_shared>> -> memref<64x128xf32, #tpu.memory_space<vmem_shared>>
      tpu.wait_dma2 semaphore(%run_scoped3A : memref<!tpu.dma_semaphore, #tpu.memory_space<semaphore_mem>>) src(%dma_wait3A_173 : memref<64x128xf32, #tpu.memory_space<vmem_shared>>) dst(%dma_wait3A_171 : memref<64x128xf32, #tpu.memory_space<vmem>>)
      tpu.yield
    }) : () -> ()
    %add3A_116 = arith.constant 0 : i32
    %add3A_117 = arith.addi %mul3A_7, %add3A_116 : i32
    "tpu.region"() ({
      %run_scoped3A = tpu.sem_alloc : memref<!tpu.dma_semaphore, #tpu.memory_space<semaphore_mem>>
      %dma_start3A_154 = arith.constant 0 : i32
      %dma_start3A_155 = arith.constant 0 : i32
      %dma_start3A_156 = tpu.memref_slice %arg16[%dma_start3A_154, %dma_start3A_155] : memref<64x128xf32, #tpu.memory_space<vmem>> -> memref<64x128xf32, #tpu.memory_space<vmem>>
      %dma_start3A_157 = arith.constant 0 : i32
      %dma_start3A_158 = tpu.memref_slice %arg7[%arg0, %add3A_117, %dma_start3A_157] : memref<2x10112x128xf32, #tpu.memory_space<hbm>> -> memref<1x64x128xf32, #tpu.memory_space<hbm>>
      %dma_start3A_159 = tpu.memref_squeeze %dma_start3A_158 : memref<1x64x128xf32, #tpu.memory_space<hbm>> -> memref<64x128xf32, #tpu.memory_space<hbm>>
      %dma_start3A_160 = arith.constant 0 : i32
      %dma_start3A_161 = tpu.memref_slice %arg7[%arg0, %add3A_117, %dma_start3A_160] : memref<2x10112x128xf32, #tpu.memory_space<hbm>> -> memref<1x64x128xf32, #tpu.memory_space<hbm>>
      %dma_start3A_162 = tpu.memref_squeeze %dma_start3A_161 : memref<1x64x128xf32, #tpu.memory_space<hbm>> -> memref<64x128xf32, #tpu.memory_space<hbm>>
      %dma_start3A_163 = arith.constant 0 : i32
      %dma_start3A_164 = arith.constant 0 : i32
      %dma_start3A_165 = tpu.memref_slice %arg16[%dma_start3A_163, %dma_start3A_164] : memref<64x128xf32, #tpu.memory_space<vmem>> -> memref<64x128xf32, #tpu.memory_space<vmem>>
      tpu.enqueue_dma source(%dma_start3A_165 : memref<64x128xf32, #tpu.memory_space<vmem>>) target(%dma_start3A_162 : memref<64x128xf32, #tpu.memory_space<hbm>>) target_semaphore(%run_scoped3A : memref<!tpu.dma_semaphore, #tpu.memory_space<semaphore_mem>>)
      %dma_wait3A_166 = arith.constant 0 : i32
      %dma_wait3A_167 = arith.constant 0 : i32
      %dma_wait3A_168 = tpu.memref_slice %arg16[%dma_wait3A_166, %dma_wait3A_167] : memref<64x128xf32, #tpu.memory_space<vmem>> -> memref<64x128xf32, #tpu.memory_space<vmem>>
      %dma_wait3A_169 = arith.constant 0 : i32
      %dma_wait3A_170 = tpu.memref_slice %arg7[%arg0, %add3A_117, %dma_wait3A_169] : memref<2x10112x128xf32, #tpu.memory_space<hbm>> -> memref<1x64x128xf32, #tpu.memory_space<hbm>>
      %dma_wait3A_171 = tpu.memref_squeeze %dma_wait3A_170 : memref<1x64x128xf32, #tpu.memory_space<hbm>> -> memref<64x128xf32, #tpu.memory_space<hbm>>
      %dma_wait3A_172 = arith.constant 0 : i32
      %dma_wait3A_173 = tpu.memref_slice %arg7[%arg0, %add3A_117, %dma_wait3A_172] : memref<2x10112x128xf32, #tpu.memory_space<hbm>> -> memref<1x64x128xf32, #tpu.memory_space<hbm>>
      %dma_wait3A_174 = tpu.memref_squeeze %dma_wait3A_173 : memref<1x64x128xf32, #tpu.memory_space<hbm>> -> memref<64x128xf32, #tpu.memory_space<hbm>>
      %dma_wait3A_175 = arith.constant 0 : i32
      %dma_wait3A_176 = arith.constant 0 : i32
      %dma_wait3A_177 = tpu.memref_slice %arg16[%dma_wait3A_175, %dma_wait3A_176] : memref<64x128xf32, #tpu.memory_space<vmem>> -> memref<64x128xf32, #tpu.memory_space<vmem>>
      tpu.wait_dma2 semaphore(%run_scoped3A : memref<!tpu.dma_semaphore, #tpu.memory_space<semaphore_mem>>) src(%dma_wait3A_177 : memref<64x128xf32, #tpu.memory_space<vmem>>) dst(%dma_wait3A_174 : memref<64x128xf32, #tpu.memory_space<hbm>>)
      tpu.yield
    }) : () -> ()
    %add3A_118 = arith.constant 64 : i32
    %add3A_119 = arith.addi %mul3A_7, %add3A_118 : i32
    "tpu.region"() ({
      %run_scoped3A = tpu.sem_alloc : memref<!tpu.dma_semaphore, #tpu.memory_space<semaphore_mem>>
      %dma_start3A_154 = arith.constant 0 : i32
      %dma_start3A_155 = arith.constant 0 : i32
      %dma_start3A_156 = tpu.memref_slice %arg16[%dma_start3A_154, %dma_start3A_155] : memref<64x128xf32, #tpu.memory_space<vmem>> -> memref<64x128xf32, #tpu.memory_space<vmem>>
      %dma_start3A_157 = arith.constant 0 : i32
      %dma_start3A_158 = tpu.memref_slice %arg22[%add3A_119, %dma_start3A_157] : memref<10112x128xf32, #tpu.memory_space<vmem_shared>> -> memref<64x128xf32, #tpu.memory_space<vmem_shared>>
      %dma_start3A_159 = arith.constant 0 : i32
      %dma_start3A_160 = arith.constant 0 : i32
      %dma_start3A_161 = tpu.memref_slice %arg16[%dma_start3A_159, %dma_start3A_160] : memref<64x128xf32, #tpu.memory_space<vmem>> -> memref<64x128xf32, #tpu.memory_space<vmem>>
      %dma_start3A_162 = arith.constant 0 : i32
      %dma_start3A_163 = tpu.memref_slice %arg22[%add3A_119, %dma_start3A_162] : memref<10112x128xf32, #tpu.memory_space<vmem_shared>> -> memref<64x128xf32, #tpu.memory_space<vmem_shared>>
      tpu.enqueue_dma source(%dma_start3A_163 : memref<64x128xf32, #tpu.memory_space<vmem_shared>>) target(%dma_start3A_161 : memref<64x128xf32, #tpu.memory_space<vmem>>) target_semaphore(%run_scoped3A : memref<!tpu.dma_semaphore, #tpu.memory_space<semaphore_mem>>)
      %dma_wait3A_164 = arith.constant 0 : i32
      %dma_wait3A_165 = arith.constant 0 : i32
      %dma_wait3A_166 = tpu.memref_slice %arg16[%dma_wait3A_164, %dma_wait3A_165] : memref<64x128xf32, #tpu.memory_space<vmem>> -> memref<64x128xf32, #tpu.memory_space<vmem>>
      %dma_wait3A_167 = arith.constant 0 : i32
      %dma_wait3A_168 = tpu.memref_slice %arg22[%add3A_119, %dma_wait3A_167] : memref<10112x128xf32, #tpu.memory_space<vmem_shared>> -> memref<64x128xf32, #tpu.memory_space<vmem_shared>>
      %dma_wait3A_169 = arith.constant 0 : i32
      %dma_wait3A_170 = arith.constant 0 : i32
      %dma_wait3A_171 = tpu.memref_slice %arg16[%dma_wait3A_169, %dma_wait3A_170] : memref<64x128xf32, #tpu.memory_space<vmem>> -> memref<64x128xf32, #tpu.memory_space<vmem>>
      %dma_wait3A_172 = arith.constant 0 : i32
      %dma_wait3A_173 = tpu.memref_slice %arg22[%add3A_119, %dma_wait3A_172] : memref<10112x128xf32, #tpu.memory_space<vmem_shared>> -> memref<64x128xf32, #tpu.memory_space<vmem_shared>>
      tpu.wait_dma2 semaphore(%run_scoped3A : memref<!tpu.dma_semaphore, #tpu.memory_space<semaphore_mem>>) src(%dma_wait3A_173 : memref<64x128xf32, #tpu.memory_space<vmem_shared>>) dst(%dma_wait3A_171 : memref<64x128xf32, #tpu.memory_space<vmem>>)
      tpu.yield
    }) : () -> ()
    %add3A_120 = arith.constant 64 : i32
    %add3A_121 = arith.addi %mul3A_7, %add3A_120 : i32
    "tpu.region"() ({
      %run_scoped3A = tpu.sem_alloc : memref<!tpu.dma_semaphore, #tpu.memory_space<semaphore_mem>>
      %dma_start3A_154 = arith.constant 0 : i32
      %dma_start3A_155 = arith.constant 0 : i32
      %dma_start3A_156 = tpu.memref_slice %arg16[%dma_start3A_154, %dma_start3A_155] : memref<64x128xf32, #tpu.memory_space<vmem>> -> memref<64x128xf32, #tpu.memory_space<vmem>>
      %dma_start3A_157 = arith.constant 0 : i32
      %dma_start3A_158 = tpu.memref_slice %arg7[%arg0, %add3A_121, %dma_start3A_157] : memref<2x10112x128xf32, #tpu.memory_space<hbm>> -> memref<1x64x128xf32, #tpu.memory_space<hbm>>
      %dma_start3A_159 = tpu.memref_squeeze %dma_start3A_158 : memref<1x64x128xf32, #tpu.memory_space<hbm>> -> memref<64x128xf32, #tpu.memory_space<hbm>>
      %dma_start3A_160 = arith.constant 0 : i32
      %dma_start3A_161 = tpu.memref_slice %arg7[%arg0, %add3A_121, %dma_start3A_160] : memref<2x10112x128xf32, #tpu.memory_space<hbm>> -> memref<1x64x128xf32, #tpu.memory_space<hbm>>
      %dma_start3A_162 = tpu.memref_squeeze %dma_start3A_161 : memref<1x64x128xf32, #tpu.memory_space<hbm>> -> memref<64x128xf32, #tpu.memory_space<hbm>>
      %dma_start3A_163 = arith.constant 0 : i32
      %dma_start3A_164 = arith.constant 0 : i32
      %dma_start3A_165 = tpu.memref_slice %arg16[%dma_start3A_163, %dma_start3A_164] : memref<64x128xf32, #tpu.memory_space<vmem>> -> memref<64x128xf32, #tpu.memory_space<vmem>>
      tpu.enqueue_dma source(%dma_start3A_165 : memref<64x128xf32, #tpu.memory_space<vmem>>) target(%dma_start3A_162 : memref<64x128xf32, #tpu.memory_space<hbm>>) target_semaphore(%run_scoped3A : memref<!tpu.dma_semaphore, #tpu.memory_space<semaphore_mem>>)
      %dma_wait3A_166 = arith.constant 0 : i32
      %dma_wait3A_167 = arith.constant 0 : i32
      %dma_wait3A_168 = tpu.memref_slice %arg16[%dma_wait3A_166, %dma_wait3A_167] : memref<64x128xf32, #tpu.memory_space<vmem>> -> memref<64x128xf32, #tpu.memory_space<vmem>>
      %dma_wait3A_169 = arith.constant 0 : i32
      %dma_wait3A_170 = tpu.memref_slice %arg7[%arg0, %add3A_121, %dma_wait3A_169] : memref<2x10112x128xf32, #tpu.memory_space<hbm>> -> memref<1x64x128xf32, #tpu.memory_space<hbm>>
      %dma_wait3A_171 = tpu.memref_squeeze %dma_wait3A_170 : memref<1x64x128xf32, #tpu.memory_space<hbm>> -> memref<64x128xf32, #tpu.memory_space<hbm>>
      %dma_wait3A_172 = arith.constant 0 : i32
      %dma_wait3A_173 = tpu.memref_slice %arg7[%arg0, %add3A_121, %dma_wait3A_172] : memref<2x10112x128xf32, #tpu.memory_space<hbm>> -> memref<1x64x128xf32, #tpu.memory_space<hbm>>
      %dma_wait3A_174 = tpu.memref_squeeze %dma_wait3A_173 : memref<1x64x128xf32, #tpu.memory_space<hbm>> -> memref<64x128xf32, #tpu.memory_space<hbm>>
      %dma_wait3A_175 = arith.constant 0 : i32
      %dma_wait3A_176 = arith.constant 0 : i32
      %dma_wait3A_177 = tpu.memref_slice %arg16[%dma_wait3A_175, %dma_wait3A_176] : memref<64x128xf32, #tpu.memory_space<vmem>> -> memref<64x128xf32, #tpu.memory_space<vmem>>
      tpu.wait_dma2 semaphore(%run_scoped3A : memref<!tpu.dma_semaphore, #tpu.memory_space<semaphore_mem>>) src(%dma_wait3A_177 : memref<64x128xf32, #tpu.memory_space<vmem>>) dst(%dma_wait3A_174 : memref<64x128xf32, #tpu.memory_space<hbm>>)
      tpu.yield
    }) : () -> ()
    %add3A_122 = arith.constant 128 : i32
    %add3A_123 = arith.addi %mul3A_7, %add3A_122 : i32
    "tpu.region"() ({
      %run_scoped3A = tpu.sem_alloc : memref<!tpu.dma_semaphore, #tpu.memory_space<semaphore_mem>>
      %dma_start3A_154 = arith.constant 0 : i32
      %dma_start3A_155 = arith.constant 0 : i32
      %dma_start3A_156 = tpu.memref_slice %arg16[%dma_start3A_154, %dma_start3A_155] : memref<64x128xf32, #tpu.memory_space<vmem>> -> memref<64x128xf32, #tpu.memory_space<vmem>>
      %dma_start3A_157 = arith.constant 0 : i32
      %dma_start3A_158 = tpu.memref_slice %arg22[%add3A_123, %dma_start3A_157] : memref<10112x128xf32, #tpu.memory_space<vmem_shared>> -> memref<64x128xf32, #tpu.memory_space<vmem_shared>>
      %dma_start3A_159 = arith.constant 0 : i32
      %dma_start3A_160 = arith.constant 0 : i32
      %dma_start3A_161 = tpu.memref_slice %arg16[%dma_start3A_159, %dma_start3A_160] : memref<64x128xf32, #tpu.memory_space<vmem>> -> memref<64x128xf32, #tpu.memory_space<vmem>>
      %dma_start3A_162 = arith.constant 0 : i32
      %dma_start3A_163 = tpu.memref_slice %arg22[%add3A_123, %dma_start3A_162] : memref<10112x128xf32, #tpu.memory_space<vmem_shared>> -> memref<64x128xf32, #tpu.memory_space<vmem_shared>>
      tpu.enqueue_dma source(%dma_start3A_163 : memref<64x128xf32, #tpu.memory_space<vmem_shared>>) target(%dma_start3A_161 : memref<64x128xf32, #tpu.memory_space<vmem>>) target_semaphore(%run_scoped3A : memref<!tpu.dma_semaphore, #tpu.memory_space<semaphore_mem>>)
      %dma_wait3A_164 = arith.constant 0 : i32
      %dma_wait3A_165 = arith.constant 0 : i32
      %dma_wait3A_166 = tpu.memref_slice %arg16[%dma_wait3A_164, %dma_wait3A_165] : memref<64x128xf32, #tpu.memory_space<vmem>> -> memref<64x128xf32, #tpu.memory_space<vmem>>
      %dma_wait3A_167 = arith.constant 0 : i32
      %dma_wait3A_168 = tpu.memref_slice %arg22[%add3A_123, %dma_wait3A_167] : memref<10112x128xf32, #tpu.memory_space<vmem_shared>> -> memref<64x128xf32, #tpu.memory_space<vmem_shared>>
      %dma_wait3A_169 = arith.constant 0 : i32
      %dma_wait3A_170 = arith.constant 0 : i32
      %dma_wait3A_171 = tpu.memref_slice %arg16[%dma_wait3A_169, %dma_wait3A_170] : memref<64x128xf32, #tpu.memory_space<vmem>> -> memref<64x128xf32, #tpu.memory_space<vmem>>
      %dma_wait3A_172 = arith.constant 0 : i32
      %dma_wait3A_173 = tpu.memref_slice %arg22[%add3A_123, %dma_wait3A_172] : memref<10112x128xf32, #tpu.memory_space<vmem_shared>> -> memref<64x128xf32, #tpu.memory_space<vmem_shared>>
      tpu.wait_dma2 semaphore(%run_scoped3A : memref<!tpu.dma_semaphore, #tpu.memory_space<semaphore_mem>>) src(%dma_wait3A_173 : memref<64x128xf32, #tpu.memory_space<vmem_shared>>) dst(%dma_wait3A_171 : memref<64x128xf32, #tpu.memory_space<vmem>>)
      tpu.yield
    }) : () -> ()
    %add3A_124 = arith.constant 128 : i32
    %add3A_125 = arith.addi %mul3A_7, %add3A_124 : i32
    "tpu.region"() ({
      %run_scoped3A = tpu.sem_alloc : memref<!tpu.dma_semaphore, #tpu.memory_space<semaphore_mem>>
      %dma_start3A_154 = arith.constant 0 : i32
      %dma_start3A_155 = arith.constant 0 : i32
      %dma_start3A_156 = tpu.memref_slice %arg16[%dma_start3A_154, %dma_start3A_155] : memref<64x128xf32, #tpu.memory_space<vmem>> -> memref<64x128xf32, #tpu.memory_space<vmem>>
      %dma_start3A_157 = arith.constant 0 : i32
      %dma_start3A_158 = tpu.memref_slice %arg7[%arg0, %add3A_125, %dma_start3A_157] : memref<2x10112x128xf32, #tpu.memory_space<hbm>> -> memref<1x64x128xf32, #tpu.memory_space<hbm>>
      %dma_start3A_159 = tpu.memref_squeeze %dma_start3A_158 : memref<1x64x128xf32, #tpu.memory_space<hbm>> -> memref<64x128xf32, #tpu.memory_space<hbm>>
      %dma_start3A_160 = arith.constant 0 : i32
      %dma_start3A_161 = tpu.memref_slice %arg7[%arg0, %add3A_125, %dma_start3A_160] : memref<2x10112x128xf32, #tpu.memory_space<hbm>> -> memref<1x64x128xf32, #tpu.memory_space<hbm>>
      %dma_start3A_162 = tpu.memref_squeeze %dma_start3A_161 : memref<1x64x128xf32, #tpu.memory_space<hbm>> -> memref<64x128xf32, #tpu.memory_space<hbm>>
      %dma_start3A_163 = arith.constant 0 : i32
      %dma_start3A_164 = arith.constant 0 : i32
      %dma_start3A_165 = tpu.memref_slice %arg16[%dma_start3A_163, %dma_start3A_164] : memref<64x128xf32, #tpu.memory_space<vmem>> -> memref<64x128xf32, #tpu.memory_space<vmem>>
      tpu.enqueue_dma source(%dma_start3A_165 : memref<64x128xf32, #tpu.memory_space<vmem>>) target(%dma_start3A_162 : memref<64x128xf32, #tpu.memory_space<hbm>>) target_semaphore(%run_scoped3A : memref<!tpu.dma_semaphore, #tpu.memory_space<semaphore_mem>>)
      %dma_wait3A_166 = arith.constant 0 : i32
      %dma_wait3A_167 = arith.constant 0 : i32
      %dma_wait3A_168 = tpu.memref_slice %arg16[%dma_wait3A_166, %dma_wait3A_167] : memref<64x128xf32, #tpu.memory_space<vmem>> -> memref<64x128xf32, #tpu.memory_space<vmem>>
      %dma_wait3A_169 = arith.constant 0 : i32
      %dma_wait3A_170 = tpu.memref_slice %arg7[%arg0, %add3A_125, %dma_wait3A_169] : memref<2x10112x128xf32, #tpu.memory_space<hbm>> -> memref<1x64x128xf32, #tpu.memory_space<hbm>>
      %dma_wait3A_171 = tpu.memref_squeeze %dma_wait3A_170 : memref<1x64x128xf32, #tpu.memory_space<hbm>> -> memref<64x128xf32, #tpu.memory_space<hbm>>
      %dma_wait3A_172 = arith.constant 0 : i32
      %dma_wait3A_173 = tpu.memref_slice %arg7[%arg0, %add3A_125, %dma_wait3A_172] : memref<2x10112x128xf32, #tpu.memory_space<hbm>> -> memref<1x64x128xf32, #tpu.memory_space<hbm>>
      %dma_wait3A_174 = tpu.memref_squeeze %dma_wait3A_173 : memref<1x64x128xf32, #tpu.memory_space<hbm>> -> memref<64x128xf32, #tpu.memory_space<hbm>>
      %dma_wait3A_175 = arith.constant 0 : i32
      %dma_wait3A_176 = arith.constant 0 : i32
      %dma_wait3A_177 = tpu.memref_slice %arg16[%dma_wait3A_175, %dma_wait3A_176] : memref<64x128xf32, #tpu.memory_space<vmem>> -> memref<64x128xf32, #tpu.memory_space<vmem>>
      tpu.wait_dma2 semaphore(%run_scoped3A : memref<!tpu.dma_semaphore, #tpu.memory_space<semaphore_mem>>) src(%dma_wait3A_177 : memref<64x128xf32, #tpu.memory_space<vmem>>) dst(%dma_wait3A_174 : memref<64x128xf32, #tpu.memory_space<hbm>>)
      tpu.yield
    }) : () -> ()
    %add3A_126 = arith.constant 192 : i32
    %add3A_127 = arith.addi %mul3A_7, %add3A_126 : i32
    "tpu.region"() ({
      %run_scoped3A = tpu.sem_alloc : memref<!tpu.dma_semaphore, #tpu.memory_space<semaphore_mem>>
      %dma_start3A_154 = arith.constant 0 : i32
      %dma_start3A_155 = arith.constant 0 : i32
      %dma_start3A_156 = tpu.memref_slice %arg16[%dma_start3A_154, %dma_start3A_155] : memref<64x128xf32, #tpu.memory_space<vmem>> -> memref<64x128xf32, #tpu.memory_space<vmem>>
      %dma_start3A_157 = arith.constant 0 : i32
      %dma_start3A_158 = tpu.memref_slice %arg22[%add3A_127, %dma_start3A_157] : memref<10112x128xf32, #tpu.memory_space<vmem_shared>> -> memref<64x128xf32, #tpu.memory_space<vmem_shared>>
      %dma_start3A_159 = arith.constant 0 : i32
      %dma_start3A_160 = arith.constant 0 : i32
      %dma_start3A_161 = tpu.memref_slice %arg16[%dma_start3A_159, %dma_start3A_160] : memref<64x128xf32, #tpu.memory_space<vmem>> -> memref<64x128xf32, #tpu.memory_space<vmem>>
      %dma_start3A_162 = arith.constant 0 : i32
      %dma_start3A_163 = tpu.memref_slice %arg22[%add3A_127, %dma_start3A_162] : memref<10112x128xf32, #tpu.memory_space<vmem_shared>> -> memref<64x128xf32, #tpu.memory_space<vmem_shared>>
      tpu.enqueue_dma source(%dma_start3A_163 : memref<64x128xf32, #tpu.memory_space<vmem_shared>>) target(%dma_start3A_161 : memref<64x128xf32, #tpu.memory_space<vmem>>) target_semaphore(%run_scoped3A : memref<!tpu.dma_semaphore, #tpu.memory_space<semaphore_mem>>)
      %dma_wait3A_164 = arith.constant 0 : i32
      %dma_wait3A_165 = arith.constant 0 : i32
      %dma_wait3A_166 = tpu.memref_slice %arg16[%dma_wait3A_164, %dma_wait3A_165] : memref<64x128xf32, #tpu.memory_space<vmem>> -> memref<64x128xf32, #tpu.memory_space<vmem>>
      %dma_wait3A_167 = arith.constant 0 : i32
      %dma_wait3A_168 = tpu.memref_slice %arg22[%add3A_127, %dma_wait3A_167] : memref<10112x128xf32, #tpu.memory_space<vmem_shared>> -> memref<64x128xf32, #tpu.memory_space<vmem_shared>>
      %dma_wait3A_169 = arith.constant 0 : i32
      %dma_wait3A_170 = arith.constant 0 : i32
      %dma_wait3A_171 = tpu.memref_slice %arg16[%dma_wait3A_169, %dma_wait3A_170] : memref<64x128xf32, #tpu.memory_space<vmem>> -> memref<64x128xf32, #tpu.memory_space<vmem>>
      %dma_wait3A_172 = arith.constant 0 : i32
      %dma_wait3A_173 = tpu.memref_slice %arg22[%add3A_127, %dma_wait3A_172] : memref<10112x128xf32, #tpu.memory_space<vmem_shared>> -> memref<64x128xf32, #tpu.memory_space<vmem_shared>>
      tpu.wait_dma2 semaphore(%run_scoped3A : memref<!tpu.dma_semaphore, #tpu.memory_space<semaphore_mem>>) src(%dma_wait3A_173 : memref<64x128xf32, #tpu.memory_space<vmem_shared>>) dst(%dma_wait3A_171 : memref<64x128xf32, #tpu.memory_space<vmem>>)
      tpu.yield
    }) : () -> ()
    %add3A_128 = arith.constant 192 : i32
    %add3A_129 = arith.addi %mul3A_7, %add3A_128 : i32
    "tpu.region"() ({
      %run_scoped3A = tpu.sem_alloc : memref<!tpu.dma_semaphore, #tpu.memory_space<semaphore_mem>>
      %dma_start3A_154 = arith.constant 0 : i32
      %dma_start3A_155 = arith.constant 0 : i32
      %dma_start3A_156 = tpu.memref_slice %arg16[%dma_start3A_154, %dma_start3A_155] : memref<64x128xf32, #tpu.memory_space<vmem>> -> memref<64x128xf32, #tpu.memory_space<vmem>>
      %dma_start3A_157 = arith.constant 0 : i32
      %dma_start3A_158 = tpu.memref_slice %arg7[%arg0, %add3A_129, %dma_start3A_157] : memref<2x10112x128xf32, #tpu.memory_space<hbm>> -> memref<1x64x128xf32, #tpu.memory_space<hbm>>
      %dma_start3A_159 = tpu.memref_squeeze %dma_start3A_158 : memref<1x64x128xf32, #tpu.memory_space<hbm>> -> memref<64x128xf32, #tpu.memory_space<hbm>>
      %dma_start3A_160 = arith.constant 0 : i32
      %dma_start3A_161 = tpu.memref_slice %arg7[%arg0, %add3A_129, %dma_start3A_160] : memref<2x10112x128xf32, #tpu.memory_space<hbm>> -> memref<1x64x128xf32, #tpu.memory_space<hbm>>
      %dma_start3A_162 = tpu.memref_squeeze %dma_start3A_161 : memref<1x64x128xf32, #tpu.memory_space<hbm>> -> memref<64x128xf32, #tpu.memory_space<hbm>>
      %dma_start3A_163 = arith.constant 0 : i32
      %dma_start3A_164 = arith.constant 0 : i32
      %dma_start3A_165 = tpu.memref_slice %arg16[%dma_start3A_163, %dma_start3A_164] : memref<64x128xf32, #tpu.memory_space<vmem>> -> memref<64x128xf32, #tpu.memory_space<vmem>>
      tpu.enqueue_dma source(%dma_start3A_165 : memref<64x128xf32, #tpu.memory_space<vmem>>) target(%dma_start3A_162 : memref<64x128xf32, #tpu.memory_space<hbm>>) target_semaphore(%run_scoped3A : memref<!tpu.dma_semaphore, #tpu.memory_space<semaphore_mem>>)
      %dma_wait3A_166 = arith.constant 0 : i32
      %dma_wait3A_167 = arith.constant 0 : i32
      %dma_wait3A_168 = tpu.memref_slice %arg16[%dma_wait3A_166, %dma_wait3A_167] : memref<64x128xf32, #tpu.memory_space<vmem>> -> memref<64x128xf32, #tpu.memory_space<vmem>>
      %dma_wait3A_169 = arith.constant 0 : i32
      %dma_wait3A_170 = tpu.memref_slice %arg7[%arg0, %add3A_129, %dma_wait3A_169] : memref<2x10112x128xf32, #tpu.memory_space<hbm>> -> memref<1x64x128xf32, #tpu.memory_space<hbm>>
      %dma_wait3A_171 = tpu.memref_squeeze %dma_wait3A_170 : memref<1x64x128xf32, #tpu.memory_space<hbm>> -> memref<64x128xf32, #tpu.memory_space<hbm>>
      %dma_wait3A_172 = arith.constant 0 : i32
      %dma_wait3A_173 = tpu.memref_slice %arg7[%arg0, %add3A_129, %dma_wait3A_172] : memref<2x10112x128xf32, #tpu.memory_space<hbm>> -> memref<1x64x128xf32, #tpu.memory_space<hbm>>
      %dma_wait3A_174 = tpu.memref_squeeze %dma_wait3A_173 : memref<1x64x128xf32, #tpu.memory_space<hbm>> -> memref<64x128xf32, #tpu.memory_space<hbm>>
      %dma_wait3A_175 = arith.constant 0 : i32
      %dma_wait3A_176 = arith.constant 0 : i32
      %dma_wait3A_177 = tpu.memref_slice %arg16[%dma_wait3A_175, %dma_wait3A_176] : memref<64x128xf32, #tpu.memory_space<vmem>> -> memref<64x128xf32, #tpu.memory_space<vmem>>
      tpu.wait_dma2 semaphore(%run_scoped3A : memref<!tpu.dma_semaphore, #tpu.memory_space<semaphore_mem>>) src(%dma_wait3A_177 : memref<64x128xf32, #tpu.memory_space<vmem>>) dst(%dma_wait3A_174 : memref<64x128xf32, #tpu.memory_space<hbm>>)
      tpu.yield
    }) : () -> ()
    %add3A_130 = arith.constant 256 : i32
    %add3A_131 = arith.addi %mul3A_7, %add3A_130 : i32
    "tpu.region"() ({
      %run_scoped3A = tpu.sem_alloc : memref<!tpu.dma_semaphore, #tpu.memory_space<semaphore_mem>>
      %dma_start3A_154 = arith.constant 0 : i32
      %dma_start3A_155 = arith.constant 0 : i32
      %dma_start3A_156 = tpu.memref_slice %arg16[%dma_start3A_154, %dma_start3A_155] : memref<64x128xf32, #tpu.memory_space<vmem>> -> memref<64x128xf32, #tpu.memory_space<vmem>>
      %dma_start3A_157 = arith.constant 0 : i32
      %dma_start3A_158 = tpu.memref_slice %arg22[%add3A_131, %dma_start3A_157] : memref<10112x128xf32, #tpu.memory_space<vmem_shared>> -> memref<64x128xf32, #tpu.memory_space<vmem_shared>>
      %dma_start3A_159 = arith.constant 0 : i32
      %dma_start3A_160 = arith.constant 0 : i32
      %dma_start3A_161 = tpu.memref_slice %arg16[%dma_start3A_159, %dma_start3A_160] : memref<64x128xf32, #tpu.memory_space<vmem>> -> memref<64x128xf32, #tpu.memory_space<vmem>>
      %dma_start3A_162 = arith.constant 0 : i32
      %dma_start3A_163 = tpu.memref_slice %arg22[%add3A_131, %dma_start3A_162] : memref<10112x128xf32, #tpu.memory_space<vmem_shared>> -> memref<64x128xf32, #tpu.memory_space<vmem_shared>>
      tpu.enqueue_dma source(%dma_start3A_163 : memref<64x128xf32, #tpu.memory_space<vmem_shared>>) target(%dma_start3A_161 : memref<64x128xf32, #tpu.memory_space<vmem>>) target_semaphore(%run_scoped3A : memref<!tpu.dma_semaphore, #tpu.memory_space<semaphore_mem>>)
      %dma_wait3A_164 = arith.constant 0 : i32
      %dma_wait3A_165 = arith.constant 0 : i32
      %dma_wait3A_166 = tpu.memref_slice %arg16[%dma_wait3A_164, %dma_wait3A_165] : memref<64x128xf32, #tpu.memory_space<vmem>> -> memref<64x128xf32, #tpu.memory_space<vmem>>
      %dma_wait3A_167 = arith.constant 0 : i32
      %dma_wait3A_168 = tpu.memref_slice %arg22[%add3A_131, %dma_wait3A_167] : memref<10112x128xf32, #tpu.memory_space<vmem_shared>> -> memref<64x128xf32, #tpu.memory_space<vmem_shared>>
      %dma_wait3A_169 = arith.constant 0 : i32
      %dma_wait3A_170 = arith.constant 0 : i32
      %dma_wait3A_171 = tpu.memref_slice %arg16[%dma_wait3A_169, %dma_wait3A_170] : memref<64x128xf32, #tpu.memory_space<vmem>> -> memref<64x128xf32, #tpu.memory_space<vmem>>
      %dma_wait3A_172 = arith.constant 0 : i32
      %dma_wait3A_173 = tpu.memref_slice %arg22[%add3A_131, %dma_wait3A_172] : memref<10112x128xf32, #tpu.memory_space<vmem_shared>> -> memref<64x128xf32, #tpu.memory_space<vmem_shared>>
      tpu.wait_dma2 semaphore(%run_scoped3A : memref<!tpu.dma_semaphore, #tpu.memory_space<semaphore_mem>>) src(%dma_wait3A_173 : memref<64x128xf32, #tpu.memory_space<vmem_shared>>) dst(%dma_wait3A_171 : memref<64x128xf32, #tpu.memory_space<vmem>>)
      tpu.yield
    }) : () -> ()
    %add3A_132 = arith.constant 256 : i32
    %add3A_133 = arith.addi %mul3A_7, %add3A_132 : i32
    "tpu.region"() ({
      %run_scoped3A = tpu.sem_alloc : memref<!tpu.dma_semaphore, #tpu.memory_space<semaphore_mem>>
      %dma_start3A_154 = arith.constant 0 : i32
      %dma_start3A_155 = arith.constant 0 : i32
      %dma_start3A_156 = tpu.memref_slice %arg16[%dma_start3A_154, %dma_start3A_155] : memref<64x128xf32, #tpu.memory_space<vmem>> -> memref<64x128xf32, #tpu.memory_space<vmem>>
      %dma_start3A_157 = arith.constant 0 : i32
      %dma_start3A_158 = tpu.memref_slice %arg7[%arg0, %add3A_133, %dma_start3A_157] : memref<2x10112x128xf32, #tpu.memory_space<hbm>> -> memref<1x64x128xf32, #tpu.memory_space<hbm>>
      %dma_start3A_159 = tpu.memref_squeeze %dma_start3A_158 : memref<1x64x128xf32, #tpu.memory_space<hbm>> -> memref<64x128xf32, #tpu.memory_space<hbm>>
      %dma_start3A_160 = arith.constant 0 : i32
      %dma_start3A_161 = tpu.memref_slice %arg7[%arg0, %add3A_133, %dma_start3A_160] : memref<2x10112x128xf32, #tpu.memory_space<hbm>> -> memref<1x64x128xf32, #tpu.memory_space<hbm>>
      %dma_start3A_162 = tpu.memref_squeeze %dma_start3A_161 : memref<1x64x128xf32, #tpu.memory_space<hbm>> -> memref<64x128xf32, #tpu.memory_space<hbm>>
      %dma_start3A_163 = arith.constant 0 : i32
      %dma_start3A_164 = arith.constant 0 : i32
      %dma_start3A_165 = tpu.memref_slice %arg16[%dma_start3A_163, %dma_start3A_164] : memref<64x128xf32, #tpu.memory_space<vmem>> -> memref<64x128xf32, #tpu.memory_space<vmem>>
      tpu.enqueue_dma source(%dma_start3A_165 : memref<64x128xf32, #tpu.memory_space<vmem>>) target(%dma_start3A_162 : memref<64x128xf32, #tpu.memory_space<hbm>>) target_semaphore(%run_scoped3A : memref<!tpu.dma_semaphore, #tpu.memory_space<semaphore_mem>>)
      %dma_wait3A_166 = arith.constant 0 : i32
      %dma_wait3A_167 = arith.constant 0 : i32
      %dma_wait3A_168 = tpu.memref_slice %arg16[%dma_wait3A_166, %dma_wait3A_167] : memref<64x128xf32, #tpu.memory_space<vmem>> -> memref<64x128xf32, #tpu.memory_space<vmem>>
      %dma_wait3A_169 = arith.constant 0 : i32
      %dma_wait3A_170 = tpu.memref_slice %arg7[%arg0, %add3A_133, %dma_wait3A_169] : memref<2x10112x128xf32, #tpu.memory_space<hbm>> -> memref<1x64x128xf32, #tpu.memory_space<hbm>>
      %dma_wait3A_171 = tpu.memref_squeeze %dma_wait3A_170 : memref<1x64x128xf32, #tpu.memory_space<hbm>> -> memref<64x128xf32, #tpu.memory_space<hbm>>
      %dma_wait3A_172 = arith.constant 0 : i32
      %dma_wait3A_173 = tpu.memref_slice %arg7[%arg0, %add3A_133, %dma_wait3A_172] : memref<2x10112x128xf32, #tpu.memory_space<hbm>> -> memref<1x64x128xf32, #tpu.memory_space<hbm>>
      %dma_wait3A_174 = tpu.memref_squeeze %dma_wait3A_173 : memref<1x64x128xf32, #tpu.memory_space<hbm>> -> memref<64x128xf32, #tpu.memory_space<hbm>>
      %dma_wait3A_175 = arith.constant 0 : i32
      %dma_wait3A_176 = arith.constant 0 : i32
      %dma_wait3A_177 = tpu.memref_slice %arg16[%dma_wait3A_175, %dma_wait3A_176] : memref<64x128xf32, #tpu.memory_space<vmem>> -> memref<64x128xf32, #tpu.memory_space<vmem>>
      tpu.wait_dma2 semaphore(%run_scoped3A : memref<!tpu.dma_semaphore, #tpu.memory_space<semaphore_mem>>) src(%dma_wait3A_177 : memref<64x128xf32, #tpu.memory_space<vmem>>) dst(%dma_wait3A_174 : memref<64x128xf32, #tpu.memory_space<hbm>>)
      tpu.yield
    }) : () -> ()
    %add3A_134 = arith.constant 320 : i32
    %add3A_135 = arith.addi %mul3A_7, %add3A_134 : i32
    "tpu.region"() ({
      %run_scoped3A = tpu.sem_alloc : memref<!tpu.dma_semaphore, #tpu.memory_space<semaphore_mem>>
      %dma_start3A_154 = arith.constant 0 : i32
      %dma_start3A_155 = arith.constant 0 : i32
      %dma_start3A_156 = tpu.memref_slice %arg16[%dma_start3A_154, %dma_start3A_155] : memref<64x128xf32, #tpu.memory_space<vmem>> -> memref<64x128xf32, #tpu.memory_space<vmem>>
      %dma_start3A_157 = arith.constant 0 : i32
      %dma_start3A_158 = tpu.memref_slice %arg22[%add3A_135, %dma_start3A_157] : memref<10112x128xf32, #tpu.memory_space<vmem_shared>> -> memref<64x128xf32, #tpu.memory_space<vmem_shared>>
      %dma_start3A_159 = arith.constant 0 : i32
      %dma_start3A_160 = arith.constant 0 : i32
      %dma_start3A_161 = tpu.memref_slice %arg16[%dma_start3A_159, %dma_start3A_160] : memref<64x128xf32, #tpu.memory_space<vmem>> -> memref<64x128xf32, #tpu.memory_space<vmem>>
      %dma_start3A_162 = arith.constant 0 : i32
      %dma_start3A_163 = tpu.memref_slice %arg22[%add3A_135, %dma_start3A_162] : memref<10112x128xf32, #tpu.memory_space<vmem_shared>> -> memref<64x128xf32, #tpu.memory_space<vmem_shared>>
      tpu.enqueue_dma source(%dma_start3A_163 : memref<64x128xf32, #tpu.memory_space<vmem_shared>>) target(%dma_start3A_161 : memref<64x128xf32, #tpu.memory_space<vmem>>) target_semaphore(%run_scoped3A : memref<!tpu.dma_semaphore, #tpu.memory_space<semaphore_mem>>)
      %dma_wait3A_164 = arith.constant 0 : i32
      %dma_wait3A_165 = arith.constant 0 : i32
      %dma_wait3A_166 = tpu.memref_slice %arg16[%dma_wait3A_164, %dma_wait3A_165] : memref<64x128xf32, #tpu.memory_space<vmem>> -> memref<64x128xf32, #tpu.memory_space<vmem>>
      %dma_wait3A_167 = arith.constant 0 : i32
      %dma_wait3A_168 = tpu.memref_slice %arg22[%add3A_135, %dma_wait3A_167] : memref<10112x128xf32, #tpu.memory_space<vmem_shared>> -> memref<64x128xf32, #tpu.memory_space<vmem_shared>>
      %dma_wait3A_169 = arith.constant 0 : i32
      %dma_wait3A_170 = arith.constant 0 : i32
      %dma_wait3A_171 = tpu.memref_slice %arg16[%dma_wait3A_169, %dma_wait3A_170] : memref<64x128xf32, #tpu.memory_space<vmem>> -> memref<64x128xf32, #tpu.memory_space<vmem>>
      %dma_wait3A_172 = arith.constant 0 : i32
      %dma_wait3A_173 = tpu.memref_slice %arg22[%add3A_135, %dma_wait3A_172] : memref<10112x128xf32, #tpu.memory_space<vmem_shared>> -> memref<64x128xf32, #tpu.memory_space<vmem_shared>>
      tpu.wait_dma2 semaphore(%run_scoped3A : memref<!tpu.dma_semaphore, #tpu.memory_space<semaphore_mem>>) src(%dma_wait3A_173 : memref<64x128xf32, #tpu.memory_space<vmem_shared>>) dst(%dma_wait3A_171 : memref<64x128xf32, #tpu.memory_space<vmem>>)
      tpu.yield
    }) : () -> ()
    %add3A_136 = arith.constant 320 : i32
    %add3A_137 = arith.addi %mul3A_7, %add3A_136 : i32
    "tpu.region"() ({
      %run_scoped3A = tpu.sem_alloc : memref<!tpu.dma_semaphore, #tpu.memory_space<semaphore_mem>>
      %dma_start3A_154 = arith.constant 0 : i32
      %dma_start3A_155 = arith.constant 0 : i32
      %dma_start3A_156 = tpu.memref_slice %arg16[%dma_start3A_154, %dma_start3A_155] : memref<64x128xf32, #tpu.memory_space<vmem>> -> memref<64x128xf32, #tpu.memory_space<vmem>>
      %dma_start3A_157 = arith.constant 0 : i32
      %dma_start3A_158 = tpu.memref_slice %arg7[%arg0, %add3A_137, %dma_start3A_157] : memref<2x10112x128xf32, #tpu.memory_space<hbm>> -> memref<1x64x128xf32, #tpu.memory_space<hbm>>
      %dma_start3A_159 = tpu.memref_squeeze %dma_start3A_158 : memref<1x64x128xf32, #tpu.memory_space<hbm>> -> memref<64x128xf32, #tpu.memory_space<hbm>>
      %dma_start3A_160 = arith.constant 0 : i32
      %dma_start3A_161 = tpu.memref_slice %arg7[%arg0, %add3A_137, %dma_start3A_160] : memref<2x10112x128xf32, #tpu.memory_space<hbm>> -> memref<1x64x128xf32, #tpu.memory_space<hbm>>
      %dma_start3A_162 = tpu.memref_squeeze %dma_start3A_161 : memref<1x64x128xf32, #tpu.memory_space<hbm>> -> memref<64x128xf32, #tpu.memory_space<hbm>>
      %dma_start3A_163 = arith.constant 0 : i32
      %dma_start3A_164 = arith.constant 0 : i32
      %dma_start3A_165 = tpu.memref_slice %arg16[%dma_start3A_163, %dma_start3A_164] : memref<64x128xf32, #tpu.memory_space<vmem>> -> memref<64x128xf32, #tpu.memory_space<vmem>>
      tpu.enqueue_dma source(%dma_start3A_165 : memref<64x128xf32, #tpu.memory_space<vmem>>) target(%dma_start3A_162 : memref<64x128xf32, #tpu.memory_space<hbm>>) target_semaphore(%run_scoped3A : memref<!tpu.dma_semaphore, #tpu.memory_space<semaphore_mem>>)
      %dma_wait3A_166 = arith.constant 0 : i32
      %dma_wait3A_167 = arith.constant 0 : i32
      %dma_wait3A_168 = tpu.memref_slice %arg16[%dma_wait3A_166, %dma_wait3A_167] : memref<64x128xf32, #tpu.memory_space<vmem>> -> memref<64x128xf32, #tpu.memory_space<vmem>>
      %dma_wait3A_169 = arith.constant 0 : i32
      %dma_wait3A_170 = tpu.memref_slice %arg7[%arg0, %add3A_137, %dma_wait3A_169] : memref<2x10112x128xf32, #tpu.memory_space<hbm>> -> memref<1x64x128xf32, #tpu.memory_space<hbm>>
      %dma_wait3A_171 = tpu.memref_squeeze %dma_wait3A_170 : memref<1x64x128xf32, #tpu.memory_space<hbm>> -> memref<64x128xf32, #tpu.memory_space<hbm>>
      %dma_wait3A_172 = arith.constant 0 : i32
      %dma_wait3A_173 = tpu.memref_slice %arg7[%arg0, %add3A_137, %dma_wait3A_172] : memref<2x10112x128xf32, #tpu.memory_space<hbm>> -> memref<1x64x128xf32, #tpu.memory_space<hbm>>
      %dma_wait3A_174 = tpu.memref_squeeze %dma_wait3A_173 : memref<1x64x128xf32, #tpu.memory_space<hbm>> -> memref<64x128xf32, #tpu.memory_space<hbm>>
      %dma_wait3A_175 = arith.constant 0 : i32
      %dma_wait3A_176 = arith.constant 0 : i32
      %dma_wait3A_177 = tpu.memref_slice %arg16[%dma_wait3A_175, %dma_wait3A_176] : memref<64x128xf32, #tpu.memory_space<vmem>> -> memref<64x128xf32, #tpu.memory_space<vmem>>
      tpu.wait_dma2 semaphore(%run_scoped3A : memref<!tpu.dma_semaphore, #tpu.memory_space<semaphore_mem>>) src(%dma_wait3A_177 : memref<64x128xf32, #tpu.memory_space<vmem>>) dst(%dma_wait3A_174 : memref<64x128xf32, #tpu.memory_space<hbm>>)
      tpu.yield
    }) : () -> ()
    %add3A_138 = arith.constant 384 : i32
    %add3A_139 = arith.addi %mul3A_7, %add3A_138 : i32
    "tpu.region"() ({
      %run_scoped3A = tpu.sem_alloc : memref<!tpu.dma_semaphore, #tpu.memory_space<semaphore_mem>>
      %dma_start3A_154 = arith.constant 0 : i32
      %dma_start3A_155 = arith.constant 0 : i32
      %dma_start3A_156 = tpu.memref_slice %arg16[%dma_start3A_154, %dma_start3A_155] : memref<64x128xf32, #tpu.memory_space<vmem>> -> memref<64x128xf32, #tpu.memory_space<vmem>>
      %dma_start3A_157 = arith.constant 0 : i32
      %dma_start3A_158 = tpu.memref_slice %arg22[%add3A_139, %dma_start3A_157] : memref<10112x128xf32, #tpu.memory_space<vmem_shared>> -> memref<64x128xf32, #tpu.memory_space<vmem_shared>>
      %dma_start3A_159 = arith.constant 0 : i32
      %dma_start3A_160 = arith.constant 0 : i32
      %dma_start3A_161 = tpu.memref_slice %arg16[%dma_start3A_159, %dma_start3A_160] : memref<64x128xf32, #tpu.memory_space<vmem>> -> memref<64x128xf32, #tpu.memory_space<vmem>>
      %dma_start3A_162 = arith.constant 0 : i32
      %dma_start3A_163 = tpu.memref_slice %arg22[%add3A_139, %dma_start3A_162] : memref<10112x128xf32, #tpu.memory_space<vmem_shared>> -> memref<64x128xf32, #tpu.memory_space<vmem_shared>>
      tpu.enqueue_dma source(%dma_start3A_163 : memref<64x128xf32, #tpu.memory_space<vmem_shared>>) target(%dma_start3A_161 : memref<64x128xf32, #tpu.memory_space<vmem>>) target_semaphore(%run_scoped3A : memref<!tpu.dma_semaphore, #tpu.memory_space<semaphore_mem>>)
      %dma_wait3A_164 = arith.constant 0 : i32
      %dma_wait3A_165 = arith.constant 0 : i32
      %dma_wait3A_166 = tpu.memref_slice %arg16[%dma_wait3A_164, %dma_wait3A_165] : memref<64x128xf32, #tpu.memory_space<vmem>> -> memref<64x128xf32, #tpu.memory_space<vmem>>
      %dma_wait3A_167 = arith.constant 0 : i32
      %dma_wait3A_168 = tpu.memref_slice %arg22[%add3A_139, %dma_wait3A_167] : memref<10112x128xf32, #tpu.memory_space<vmem_shared>> -> memref<64x128xf32, #tpu.memory_space<vmem_shared>>
      %dma_wait3A_169 = arith.constant 0 : i32
      %dma_wait3A_170 = arith.constant 0 : i32
      %dma_wait3A_171 = tpu.memref_slice %arg16[%dma_wait3A_169, %dma_wait3A_170] : memref<64x128xf32, #tpu.memory_space<vmem>> -> memref<64x128xf32, #tpu.memory_space<vmem>>
      %dma_wait3A_172 = arith.constant 0 : i32
      %dma_wait3A_173 = tpu.memref_slice %arg22[%add3A_139, %dma_wait3A_172] : memref<10112x128xf32, #tpu.memory_space<vmem_shared>> -> memref<64x128xf32, #tpu.memory_space<vmem_shared>>
      tpu.wait_dma2 semaphore(%run_scoped3A : memref<!tpu.dma_semaphore, #tpu.memory_space<semaphore_mem>>) src(%dma_wait3A_173 : memref<64x128xf32, #tpu.memory_space<vmem_shared>>) dst(%dma_wait3A_171 : memref<64x128xf32, #tpu.memory_space<vmem>>)
      tpu.yield
    }) : () -> ()
    %add3A_140 = arith.constant 384 : i32
    %add3A_141 = arith.addi %mul3A_7, %add3A_140 : i32
    "tpu.region"() ({
      %run_scoped3A = tpu.sem_alloc : memref<!tpu.dma_semaphore, #tpu.memory_space<semaphore_mem>>
      %dma_start3A_154 = arith.constant 0 : i32
      %dma_start3A_155 = arith.constant 0 : i32
      %dma_start3A_156 = tpu.memref_slice %arg16[%dma_start3A_154, %dma_start3A_155] : memref<64x128xf32, #tpu.memory_space<vmem>> -> memref<64x128xf32, #tpu.memory_space<vmem>>
      %dma_start3A_157 = arith.constant 0 : i32
      %dma_start3A_158 = tpu.memref_slice %arg7[%arg0, %add3A_141, %dma_start3A_157] : memref<2x10112x128xf32, #tpu.memory_space<hbm>> -> memref<1x64x128xf32, #tpu.memory_space<hbm>>
      %dma_start3A_159 = tpu.memref_squeeze %dma_start3A_158 : memref<1x64x128xf32, #tpu.memory_space<hbm>> -> memref<64x128xf32, #tpu.memory_space<hbm>>
      %dma_start3A_160 = arith.constant 0 : i32
      %dma_start3A_161 = tpu.memref_slice %arg7[%arg0, %add3A_141, %dma_start3A_160] : memref<2x10112x128xf32, #tpu.memory_space<hbm>> -> memref<1x64x128xf32, #tpu.memory_space<hbm>>
      %dma_start3A_162 = tpu.memref_squeeze %dma_start3A_161 : memref<1x64x128xf32, #tpu.memory_space<hbm>> -> memref<64x128xf32, #tpu.memory_space<hbm>>
      %dma_start3A_163 = arith.constant 0 : i32
      %dma_start3A_164 = arith.constant 0 : i32
      %dma_start3A_165 = tpu.memref_slice %arg16[%dma_start3A_163, %dma_start3A_164] : memref<64x128xf32, #tpu.memory_space<vmem>> -> memref<64x128xf32, #tpu.memory_space<vmem>>
      tpu.enqueue_dma source(%dma_start3A_165 : memref<64x128xf32, #tpu.memory_space<vmem>>) target(%dma_start3A_162 : memref<64x128xf32, #tpu.memory_space<hbm>>) target_semaphore(%run_scoped3A : memref<!tpu.dma_semaphore, #tpu.memory_space<semaphore_mem>>)
      %dma_wait3A_166 = arith.constant 0 : i32
      %dma_wait3A_167 = arith.constant 0 : i32
      %dma_wait3A_168 = tpu.memref_slice %arg16[%dma_wait3A_166, %dma_wait3A_167] : memref<64x128xf32, #tpu.memory_space<vmem>> -> memref<64x128xf32, #tpu.memory_space<vmem>>
      %dma_wait3A_169 = arith.constant 0 : i32
      %dma_wait3A_170 = tpu.memref_slice %arg7[%arg0, %add3A_141, %dma_wait3A_169] : memref<2x10112x128xf32, #tpu.memory_space<hbm>> -> memref<1x64x128xf32, #tpu.memory_space<hbm>>
      %dma_wait3A_171 = tpu.memref_squeeze %dma_wait3A_170 : memref<1x64x128xf32, #tpu.memory_space<hbm>> -> memref<64x128xf32, #tpu.memory_space<hbm>>
      %dma_wait3A_172 = arith.constant 0 : i32
      %dma_wait3A_173 = tpu.memref_slice %arg7[%arg0, %add3A_141, %dma_wait3A_172] : memref<2x10112x128xf32, #tpu.memory_space<hbm>> -> memref<1x64x128xf32, #tpu.memory_space<hbm>>
      %dma_wait3A_174 = tpu.memref_squeeze %dma_wait3A_173 : memref<1x64x128xf32, #tpu.memory_space<hbm>> -> memref<64x128xf32, #tpu.memory_space<hbm>>
      %dma_wait3A_175 = arith.constant 0 : i32
      %dma_wait3A_176 = arith.constant 0 : i32
      %dma_wait3A_177 = tpu.memref_slice %arg16[%dma_wait3A_175, %dma_wait3A_176] : memref<64x128xf32, #tpu.memory_space<vmem>> -> memref<64x128xf32, #tpu.memory_space<vmem>>
      tpu.wait_dma2 semaphore(%run_scoped3A : memref<!tpu.dma_semaphore, #tpu.memory_space<semaphore_mem>>) src(%dma_wait3A_177 : memref<64x128xf32, #tpu.memory_space<vmem>>) dst(%dma_wait3A_174 : memref<64x128xf32, #tpu.memory_space<hbm>>)
      tpu.yield
    }) : () -> ()
    %add3A_142 = arith.constant 448 : i32
    %add3A_143 = arith.addi %mul3A_7, %add3A_142 : i32
    "tpu.region"() ({
      %run_scoped3A = tpu.sem_alloc : memref<!tpu.dma_semaphore, #tpu.memory_space<semaphore_mem>>
      %dma_start3A_154 = arith.constant 0 : i32
      %dma_start3A_155 = arith.constant 0 : i32
      %dma_start3A_156 = tpu.memref_slice %arg16[%dma_start3A_154, %dma_start3A_155] : memref<64x128xf32, #tpu.memory_space<vmem>> -> memref<64x128xf32, #tpu.memory_space<vmem>>
      %dma_start3A_157 = arith.constant 0 : i32
      %dma_start3A_158 = tpu.memref_slice %arg22[%add3A_143, %dma_start3A_157] : memref<10112x128xf32, #tpu.memory_space<vmem_shared>> -> memref<64x128xf32, #tpu.memory_space<vmem_shared>>
      %dma_start3A_159 = arith.constant 0 : i32
      %dma_start3A_160 = arith.constant 0 : i32
      %dma_start3A_161 = tpu.memref_slice %arg16[%dma_start3A_159, %dma_start3A_160] : memref<64x128xf32, #tpu.memory_space<vmem>> -> memref<64x128xf32, #tpu.memory_space<vmem>>
      %dma_start3A_162 = arith.constant 0 : i32
      %dma_start3A_163 = tpu.memref_slice %arg22[%add3A_143, %dma_start3A_162] : memref<10112x128xf32, #tpu.memory_space<vmem_shared>> -> memref<64x128xf32, #tpu.memory_space<vmem_shared>>
      tpu.enqueue_dma source(%dma_start3A_163 : memref<64x128xf32, #tpu.memory_space<vmem_shared>>) target(%dma_start3A_161 : memref<64x128xf32, #tpu.memory_space<vmem>>) target_semaphore(%run_scoped3A : memref<!tpu.dma_semaphore, #tpu.memory_space<semaphore_mem>>)
      %dma_wait3A_164 = arith.constant 0 : i32
      %dma_wait3A_165 = arith.constant 0 : i32
      %dma_wait3A_166 = tpu.memref_slice %arg16[%dma_wait3A_164, %dma_wait3A_165] : memref<64x128xf32, #tpu.memory_space<vmem>> -> memref<64x128xf32, #tpu.memory_space<vmem>>
      %dma_wait3A_167 = arith.constant 0 : i32
      %dma_wait3A_168 = tpu.memref_slice %arg22[%add3A_143, %dma_wait3A_167] : memref<10112x128xf32, #tpu.memory_space<vmem_shared>> -> memref<64x128xf32, #tpu.memory_space<vmem_shared>>
      %dma_wait3A_169 = arith.constant 0 : i32
      %dma_wait3A_170 = arith.constant 0 : i32
      %dma_wait3A_171 = tpu.memref_slice %arg16[%dma_wait3A_169, %dma_wait3A_170] : memref<64x128xf32, #tpu.memory_space<vmem>> -> memref<64x128xf32, #tpu.memory_space<vmem>>
      %dma_wait3A_172 = arith.constant 0 : i32
      %dma_wait3A_173 = tpu.memref_slice %arg22[%add3A_143, %dma_wait3A_172] : memref<10112x128xf32, #tpu.memory_space<vmem_shared>> -> memref<64x128xf32, #tpu.memory_space<vmem_shared>>
      tpu.wait_dma2 semaphore(%run_scoped3A : memref<!tpu.dma_semaphore, #tpu.memory_space<semaphore_mem>>) src(%dma_wait3A_173 : memref<64x128xf32, #tpu.memory_space<vmem_shared>>) dst(%dma_wait3A_171 : memref<64x128xf32, #tpu.memory_space<vmem>>)
      tpu.yield
    }) : () -> ()
    %add3A_144 = arith.constant 448 : i32
    %add3A_145 = arith.addi %mul3A_7, %add3A_144 : i32
    "tpu.region"() ({
      %run_scoped3A = tpu.sem_alloc : memref<!tpu.dma_semaphore, #tpu.memory_space<semaphore_mem>>
      %dma_start3A_154 = arith.constant 0 : i32
      %dma_start3A_155 = arith.constant 0 : i32
      %dma_start3A_156 = tpu.memref_slice %arg16[%dma_start3A_154, %dma_start3A_155] : memref<64x128xf32, #tpu.memory_space<vmem>> -> memref<64x128xf32, #tpu.memory_space<vmem>>
      %dma_start3A_157 = arith.constant 0 : i32
      %dma_start3A_158 = tpu.memref_slice %arg7[%arg0, %add3A_145, %dma_start3A_157] : memref<2x10112x128xf32, #tpu.memory_space<hbm>> -> memref<1x64x128xf32, #tpu.memory_space<hbm>>
      %dma_start3A_159 = tpu.memref_squeeze %dma_start3A_158 : memref<1x64x128xf32, #tpu.memory_space<hbm>> -> memref<64x128xf32, #tpu.memory_space<hbm>>
      %dma_start3A_160 = arith.constant 0 : i32
      %dma_start3A_161 = tpu.memref_slice %arg7[%arg0, %add3A_145, %dma_start3A_160] : memref<2x10112x128xf32, #tpu.memory_space<hbm>> -> memref<1x64x128xf32, #tpu.memory_space<hbm>>
      %dma_start3A_162 = tpu.memref_squeeze %dma_start3A_161 : memref<1x64x128xf32, #tpu.memory_space<hbm>> -> memref<64x128xf32, #tpu.memory_space<hbm>>
      %dma_start3A_163 = arith.constant 0 : i32
      %dma_start3A_164 = arith.constant 0 : i32
      %dma_start3A_165 = tpu.memref_slice %arg16[%dma_start3A_163, %dma_start3A_164] : memref<64x128xf32, #tpu.memory_space<vmem>> -> memref<64x128xf32, #tpu.memory_space<vmem>>
      tpu.enqueue_dma source(%dma_start3A_165 : memref<64x128xf32, #tpu.memory_space<vmem>>) target(%dma_start3A_162 : memref<64x128xf32, #tpu.memory_space<hbm>>) target_semaphore(%run_scoped3A : memref<!tpu.dma_semaphore, #tpu.memory_space<semaphore_mem>>)
      %dma_wait3A_166 = arith.constant 0 : i32
      %dma_wait3A_167 = arith.constant 0 : i32
      %dma_wait3A_168 = tpu.memref_slice %arg16[%dma_wait3A_166, %dma_wait3A_167] : memref<64x128xf32, #tpu.memory_space<vmem>> -> memref<64x128xf32, #tpu.memory_space<vmem>>
      %dma_wait3A_169 = arith.constant 0 : i32
      %dma_wait3A_170 = tpu.memref_slice %arg7[%arg0, %add3A_145, %dma_wait3A_169] : memref<2x10112x128xf32, #tpu.memory_space<hbm>> -> memref<1x64x128xf32, #tpu.memory_space<hbm>>
      %dma_wait3A_171 = tpu.memref_squeeze %dma_wait3A_170 : memref<1x64x128xf32, #tpu.memory_space<hbm>> -> memref<64x128xf32, #tpu.memory_space<hbm>>
      %dma_wait3A_172 = arith.constant 0 : i32
      %dma_wait3A_173 = tpu.memref_slice %arg7[%arg0, %add3A_145, %dma_wait3A_172] : memref<2x10112x128xf32, #tpu.memory_space<hbm>> -> memref<1x64x128xf32, #tpu.memory_space<hbm>>
      %dma_wait3A_174 = tpu.memref_squeeze %dma_wait3A_173 : memref<1x64x128xf32, #tpu.memory_space<hbm>> -> memref<64x128xf32, #tpu.memory_space<hbm>>
      %dma_wait3A_175 = arith.constant 0 : i32
      %dma_wait3A_176 = arith.constant 0 : i32
      %dma_wait3A_177 = tpu.memref_slice %arg16[%dma_wait3A_175, %dma_wait3A_176] : memref<64x128xf32, #tpu.memory_space<vmem>> -> memref<64x128xf32, #tpu.memory_space<vmem>>
      tpu.wait_dma2 semaphore(%run_scoped3A : memref<!tpu.dma_semaphore, #tpu.memory_space<semaphore_mem>>) src(%dma_wait3A_177 : memref<64x128xf32, #tpu.memory_space<vmem>>) dst(%dma_wait3A_174 : memref<64x128xf32, #tpu.memory_space<hbm>>)
      tpu.yield
    }) : () -> ()
    %add3A_146 = arith.constant 512 : i32
    %add3A_147 = arith.addi %mul3A_7, %add3A_146 : i32
    "tpu.region"() ({
      %run_scoped3A = tpu.sem_alloc : memref<!tpu.dma_semaphore, #tpu.memory_space<semaphore_mem>>
      %dma_start3A_154 = arith.constant 0 : i32
      %dma_start3A_155 = arith.constant 0 : i32
      %dma_start3A_156 = tpu.memref_slice %arg16[%dma_start3A_154, %dma_start3A_155] : memref<64x128xf32, #tpu.memory_space<vmem>> -> memref<64x128xf32, #tpu.memory_space<vmem>>
      %dma_start3A_157 = arith.constant 0 : i32
      %dma_start3A_158 = tpu.memref_slice %arg22[%add3A_147, %dma_start3A_157] : memref<10112x128xf32, #tpu.memory_space<vmem_shared>> -> memref<64x128xf32, #tpu.memory_space<vmem_shared>>
      %dma_start3A_159 = arith.constant 0 : i32
      %dma_start3A_160 = arith.constant 0 : i32
      %dma_start3A_161 = tpu.memref_slice %arg16[%dma_start3A_159, %dma_start3A_160] : memref<64x128xf32, #tpu.memory_space<vmem>> -> memref<64x128xf32, #tpu.memory_space<vmem>>
      %dma_start3A_162 = arith.constant 0 : i32
      %dma_start3A_163 = tpu.memref_slice %arg22[%add3A_147, %dma_start3A_162] : memref<10112x128xf32, #tpu.memory_space<vmem_shared>> -> memref<64x128xf32, #tpu.memory_space<vmem_shared>>
      tpu.enqueue_dma source(%dma_start3A_163 : memref<64x128xf32, #tpu.memory_space<vmem_shared>>) target(%dma_start3A_161 : memref<64x128xf32, #tpu.memory_space<vmem>>) target_semaphore(%run_scoped3A : memref<!tpu.dma_semaphore, #tpu.memory_space<semaphore_mem>>)
      %dma_wait3A_164 = arith.constant 0 : i32
      %dma_wait3A_165 = arith.constant 0 : i32
      %dma_wait3A_166 = tpu.memref_slice %arg16[%dma_wait3A_164, %dma_wait3A_165] : memref<64x128xf32, #tpu.memory_space<vmem>> -> memref<64x128xf32, #tpu.memory_space<vmem>>
      %dma_wait3A_167 = arith.constant 0 : i32
      %dma_wait3A_168 = tpu.memref_slice %arg22[%add3A_147, %dma_wait3A_167] : memref<10112x128xf32, #tpu.memory_space<vmem_shared>> -> memref<64x128xf32, #tpu.memory_space<vmem_shared>>
      %dma_wait3A_169 = arith.constant 0 : i32
      %dma_wait3A_170 = arith.constant 0 : i32
      %dma_wait3A_171 = tpu.memref_slice %arg16[%dma_wait3A_169, %dma_wait3A_170] : memref<64x128xf32, #tpu.memory_space<vmem>> -> memref<64x128xf32, #tpu.memory_space<vmem>>
      %dma_wait3A_172 = arith.constant 0 : i32
      %dma_wait3A_173 = tpu.memref_slice %arg22[%add3A_147, %dma_wait3A_172] : memref<10112x128xf32, #tpu.memory_space<vmem_shared>> -> memref<64x128xf32, #tpu.memory_space<vmem_shared>>
      tpu.wait_dma2 semaphore(%run_scoped3A : memref<!tpu.dma_semaphore, #tpu.memory_space<semaphore_mem>>) src(%dma_wait3A_173 : memref<64x128xf32, #tpu.memory_space<vmem_shared>>) dst(%dma_wait3A_171 : memref<64x128xf32, #tpu.memory_space<vmem>>)
      tpu.yield
    }) : () -> ()
    %add3A_148 = arith.constant 512 : i32
    %add3A_149 = arith.addi %mul3A_7, %add3A_148 : i32
    "tpu.region"() ({
      %run_scoped3A = tpu.sem_alloc : memref<!tpu.dma_semaphore, #tpu.memory_space<semaphore_mem>>
      %dma_start3A_154 = arith.constant 0 : i32
      %dma_start3A_155 = arith.constant 0 : i32
      %dma_start3A_156 = tpu.memref_slice %arg16[%dma_start3A_154, %dma_start3A_155] : memref<64x128xf32, #tpu.memory_space<vmem>> -> memref<64x128xf32, #tpu.memory_space<vmem>>
      %dma_start3A_157 = arith.constant 0 : i32
      %dma_start3A_158 = tpu.memref_slice %arg7[%arg0, %add3A_149, %dma_start3A_157] : memref<2x10112x128xf32, #tpu.memory_space<hbm>> -> memref<1x64x128xf32, #tpu.memory_space<hbm>>
      %dma_start3A_159 = tpu.memref_squeeze %dma_start3A_158 : memref<1x64x128xf32, #tpu.memory_space<hbm>> -> memref<64x128xf32, #tpu.memory_space<hbm>>
      %dma_start3A_160 = arith.constant 0 : i32
      %dma_start3A_161 = tpu.memref_slice %arg7[%arg0, %add3A_149, %dma_start3A_160] : memref<2x10112x128xf32, #tpu.memory_space<hbm>> -> memref<1x64x128xf32, #tpu.memory_space<hbm>>
      %dma_start3A_162 = tpu.memref_squeeze %dma_start3A_161 : memref<1x64x128xf32, #tpu.memory_space<hbm>> -> memref<64x128xf32, #tpu.memory_space<hbm>>
      %dma_start3A_163 = arith.constant 0 : i32
      %dma_start3A_164 = arith.constant 0 : i32
      %dma_start3A_165 = tpu.memref_slice %arg16[%dma_start3A_163, %dma_start3A_164] : memref<64x128xf32, #tpu.memory_space<vmem>> -> memref<64x128xf32, #tpu.memory_space<vmem>>
      tpu.enqueue_dma source(%dma_start3A_165 : memref<64x128xf32, #tpu.memory_space<vmem>>) target(%dma_start3A_162 : memref<64x128xf32, #tpu.memory_space<hbm>>) target_semaphore(%run_scoped3A : memref<!tpu.dma_semaphore, #tpu.memory_space<semaphore_mem>>)
      %dma_wait3A_166 = arith.constant 0 : i32
      %dma_wait3A_167 = arith.constant 0 : i32
      %dma_wait3A_168 = tpu.memref_slice %arg16[%dma_wait3A_166, %dma_wait3A_167] : memref<64x128xf32, #tpu.memory_space<vmem>> -> memref<64x128xf32, #tpu.memory_space<vmem>>
      %dma_wait3A_169 = arith.constant 0 : i32
      %dma_wait3A_170 = tpu.memref_slice %arg7[%arg0, %add3A_149, %dma_wait3A_169] : memref<2x10112x128xf32, #tpu.memory_space<hbm>> -> memref<1x64x128xf32, #tpu.memory_space<hbm>>
      %dma_wait3A_171 = tpu.memref_squeeze %dma_wait3A_170 : memref<1x64x128xf32, #tpu.memory_space<hbm>> -> memref<64x128xf32, #tpu.memory_space<hbm>>
      %dma_wait3A_172 = arith.constant 0 : i32
      %dma_wait3A_173 = tpu.memref_slice %arg7[%arg0, %add3A_149, %dma_wait3A_172] : memref<2x10112x128xf32, #tpu.memory_space<hbm>> -> memref<1x64x128xf32, #tpu.memory_space<hbm>>
      %dma_wait3A_174 = tpu.memref_squeeze %dma_wait3A_173 : memref<1x64x128xf32, #tpu.memory_space<hbm>> -> memref<64x128xf32, #tpu.memory_space<hbm>>
      %dma_wait3A_175 = arith.constant 0 : i32
      %dma_wait3A_176 = arith.constant 0 : i32
      %dma_wait3A_177 = tpu.memref_slice %arg16[%dma_wait3A_175, %dma_wait3A_176] : memref<64x128xf32, #tpu.memory_space<vmem>> -> memref<64x128xf32, #tpu.memory_space<vmem>>
      tpu.wait_dma2 semaphore(%run_scoped3A : memref<!tpu.dma_semaphore, #tpu.memory_space<semaphore_mem>>) src(%dma_wait3A_177 : memref<64x128xf32, #tpu.memory_space<vmem>>) dst(%dma_wait3A_174 : memref<64x128xf32, #tpu.memory_space<hbm>>)
      tpu.yield
    }) : () -> ()
    %add3A_150 = arith.constant 576 : i32
    %add3A_151 = arith.addi %mul3A_7, %add3A_150 : i32
    "tpu.region"() ({
      %run_scoped3A = tpu.sem_alloc : memref<!tpu.dma_semaphore, #tpu.memory_space<semaphore_mem>>
      %dma_start3A_154 = arith.constant 0 : i32
      %dma_start3A_155 = arith.constant 0 : i32
      %dma_start3A_156 = tpu.memref_slice %arg16[%dma_start3A_154, %dma_start3A_155] : memref<64x128xf32, #tpu.memory_space<vmem>> -> memref<56x128xf32, #tpu.memory_space<vmem>>
      %dma_start3A_157 = arith.constant 0 : i32
      %dma_start3A_158 = tpu.memref_slice %arg22[%add3A_151, %dma_start3A_157] : memref<10112x128xf32, #tpu.memory_space<vmem_shared>> -> memref<56x128xf32, #tpu.memory_space<vmem_shared>>
      %dma_start3A_159 = arith.constant 0 : i32
      %dma_start3A_160 = arith.constant 0 : i32
      %dma_start3A_161 = tpu.memref_slice %arg16[%dma_start3A_159, %dma_start3A_160] : memref<64x128xf32, #tpu.memory_space<vmem>> -> memref<56x128xf32, #tpu.memory_space<vmem>>
      %dma_start3A_162 = arith.constant 0 : i32
      %dma_start3A_163 = tpu.memref_slice %arg22[%add3A_151, %dma_start3A_162] : memref<10112x128xf32, #tpu.memory_space<vmem_shared>> -> memref<56x128xf32, #tpu.memory_space<vmem_shared>>
      tpu.enqueue_dma source(%dma_start3A_163 : memref<56x128xf32, #tpu.memory_space<vmem_shared>>) target(%dma_start3A_161 : memref<56x128xf32, #tpu.memory_space<vmem>>) target_semaphore(%run_scoped3A : memref<!tpu.dma_semaphore, #tpu.memory_space<semaphore_mem>>)
      %dma_wait3A_164 = arith.constant 0 : i32
      %dma_wait3A_165 = arith.constant 0 : i32
      %dma_wait3A_166 = tpu.memref_slice %arg16[%dma_wait3A_164, %dma_wait3A_165] : memref<64x128xf32, #tpu.memory_space<vmem>> -> memref<56x128xf32, #tpu.memory_space<vmem>>
      %dma_wait3A_167 = arith.constant 0 : i32
      %dma_wait3A_168 = tpu.memref_slice %arg22[%add3A_151, %dma_wait3A_167] : memref<10112x128xf32, #tpu.memory_space<vmem_shared>> -> memref<56x128xf32, #tpu.memory_space<vmem_shared>>
      %dma_wait3A_169 = arith.constant 0 : i32
      %dma_wait3A_170 = arith.constant 0 : i32
      %dma_wait3A_171 = tpu.memref_slice %arg16[%dma_wait3A_169, %dma_wait3A_170] : memref<64x128xf32, #tpu.memory_space<vmem>> -> memref<56x128xf32, #tpu.memory_space<vmem>>
      %dma_wait3A_172 = arith.constant 0 : i32
      %dma_wait3A_173 = tpu.memref_slice %arg22[%add3A_151, %dma_wait3A_172] : memref<10112x128xf32, #tpu.memory_space<vmem_shared>> -> memref<56x128xf32, #tpu.memory_space<vmem_shared>>
      tpu.wait_dma2 semaphore(%run_scoped3A : memref<!tpu.dma_semaphore, #tpu.memory_space<semaphore_mem>>) src(%dma_wait3A_173 : memref<56x128xf32, #tpu.memory_space<vmem_shared>>) dst(%dma_wait3A_171 : memref<56x128xf32, #tpu.memory_space<vmem>>)
      tpu.yield
    }) : () -> ()
    %add3A_152 = arith.constant 576 : i32
    %add3A_153 = arith.addi %mul3A_7, %add3A_152 : i32
    "tpu.region"() ({
      %run_scoped3A = tpu.sem_alloc : memref<!tpu.dma_semaphore, #tpu.memory_space<semaphore_mem>>
      %dma_start3A_154 = arith.constant 0 : i32
      %dma_start3A_155 = arith.constant 0 : i32
      %dma_start3A_156 = tpu.memref_slice %arg16[%dma_start3A_154, %dma_start3A_155] : memref<64x128xf32, #tpu.memory_space<vmem>> -> memref<56x128xf32, #tpu.memory_space<vmem>>
      %dma_start3A_157 = arith.constant 0 : i32
      %dma_start3A_158 = tpu.memref_slice %arg7[%arg0, %add3A_153, %dma_start3A_157] : memref<2x10112x128xf32, #tpu.memory_space<hbm>> -> memref<1x56x128xf32, #tpu.memory_space<hbm>>
      %dma_start3A_159 = tpu.memref_squeeze %dma_start3A_158 : memref<1x56x128xf32, #tpu.memory_space<hbm>> -> memref<56x128xf32, #tpu.memory_space<hbm>>
      %dma_start3A_160 = arith.constant 0 : i32
      %dma_start3A_161 = tpu.memref_slice %arg7[%arg0, %add3A_153, %dma_start3A_160] : memref<2x10112x128xf32, #tpu.memory_space<hbm>> -> memref<1x56x128xf32, #tpu.memory_space<hbm>>
      %dma_start3A_162 = tpu.memref_squeeze %dma_start3A_161 : memref<1x56x128xf32, #tpu.memory_space<hbm>> -> memref<56x128xf32, #tpu.memory_space<hbm>>
      %dma_start3A_163 = arith.constant 0 : i32
      %dma_start3A_164 = arith.constant 0 : i32
      %dma_start3A_165 = tpu.memref_slice %arg16[%dma_start3A_163, %dma_start3A_164] : memref<64x128xf32, #tpu.memory_space<vmem>> -> memref<56x128xf32, #tpu.memory_space<vmem>>
      tpu.enqueue_dma source(%dma_start3A_165 : memref<56x128xf32, #tpu.memory_space<vmem>>) target(%dma_start3A_162 : memref<56x128xf32, #tpu.memory_space<hbm>>) target_semaphore(%run_scoped3A : memref<!tpu.dma_semaphore, #tpu.memory_space<semaphore_mem>>)
      %dma_wait3A_166 = arith.constant 0 : i32
      %dma_wait3A_167 = arith.constant 0 : i32
      %dma_wait3A_168 = tpu.memref_slice %arg16[%dma_wait3A_166, %dma_wait3A_167] : memref<64x128xf32, #tpu.memory_space<vmem>> -> memref<56x128xf32, #tpu.memory_space<vmem>>
      %dma_wait3A_169 = arith.constant 0 : i32
      %dma_wait3A_170 = tpu.memref_slice %arg7[%arg0, %add3A_153, %dma_wait3A_169] : memref<2x10112x128xf32, #tpu.memory_space<hbm>> -> memref<1x56x128xf32, #tpu.memory_space<hbm>>
      %dma_wait3A_171 = tpu.memref_squeeze %dma_wait3A_170 : memref<1x56x128xf32, #tpu.memory_space<hbm>> -> memref<56x128xf32, #tpu.memory_space<hbm>>
      %dma_wait3A_172 = arith.constant 0 : i32
      %dma_wait3A_173 = tpu.memref_slice %arg7[%arg0, %add3A_153, %dma_wait3A_172] : memref<2x10112x128xf32, #tpu.memory_space<hbm>> -> memref<1x56x128xf32, #tpu.memory_space<hbm>>
      %dma_wait3A_174 = tpu.memref_squeeze %dma_wait3A_173 : memref<1x56x128xf32, #tpu.memory_space<hbm>> -> memref<56x128xf32, #tpu.memory_space<hbm>>
      %dma_wait3A_175 = arith.constant 0 : i32
      %dma_wait3A_176 = arith.constant 0 : i32
      %dma_wait3A_177 = tpu.memref_slice %arg16[%dma_wait3A_175, %dma_wait3A_176] : memref<64x128xf32, #tpu.memory_space<vmem>> -> memref<56x128xf32, #tpu.memory_space<vmem>>
      tpu.wait_dma2 semaphore(%run_scoped3A : memref<!tpu.dma_semaphore, #tpu.memory_space<semaphore_mem>>) src(%dma_wait3A_177 : memref<56x128xf32, #tpu.memory_space<vmem>>) dst(%dma_wait3A_174 : memref<56x128xf32, #tpu.memory_space<hbm>>)
      tpu.yield
    }) : () -> ()
    return
  }
}

module attributes {stable_mosaic.version = 14 : i64} {
  func.func @_proj_body(%arg0: i32, %arg1: memref<10000x128xf32, #tpu.memory_space<vmem>>, %arg2: memref<128x128xf32, #tpu.memory_space<vmem>>, %arg3: memref<128x128xf32, #tpu.memory_space<vmem>>, %arg4: memref<16x12800xf32, #tpu.memory_space<vmem>>, %arg5: memref<16x128xf32, #tpu.memory_space<vmem>>, %arg6: memref<1x128xf32, #tpu.memory_space<vmem>>, %arg7: memref<10000x128xf32, #tpu.memory_space<vmem>>, %arg8: memref<10000x128xf32, #tpu.memory_space<vmem>>, %arg9: memref<12800x128xf32, #tpu.memory_space<vmem>>) attributes {dimension_semantics = [#tpu.dimension_semantics<arbitrary>], iteration_bounds = array<i64: 25>, scalar_prefetch = 0 : i64, scratch_operands = 0 : i64, tpu.core_type = #tpu.core_type<tc>, window_params = [{pipeline_mode = #tpu.pipeline_mode<synchronous>, transform_indices = @transform_0, window_bounds = array<i64: 10000, 128>}, {pipeline_mode = #tpu.pipeline_mode<synchronous>, transform_indices = @transform_1, window_bounds = array<i64: 128, 128>}, {pipeline_mode = #tpu.pipeline_mode<synchronous>, transform_indices = @transform_2, window_bounds = array<i64: 128, 128>}, {transform_indices = @transform_3, window_bounds = array<i64: 16, 12800>}, {pipeline_mode = #tpu.pipeline_mode<synchronous>, transform_indices = @transform_4, window_bounds = array<i64: 16, 128>}, {pipeline_mode = #tpu.pipeline_mode<synchronous>, transform_indices = @transform_5, window_bounds = array<i64: 1, 128>}, {pipeline_mode = #tpu.pipeline_mode<synchronous>, transform_indices = @transform_6, window_bounds = array<i64: 10000, 128>}, {pipeline_mode = #tpu.pipeline_mode<synchronous>, transform_indices = @transform_7, window_bounds = array<i64: 10000, 128>}, {transform_indices = @transform_8, window_bounds = array<i64: 12800, 128>}]} {
    %eq3A = arith.constant 0 : i32
    %eq3A_0 = arith.cmpi eq, %arg0, %eq3A : i32
    %convert_element_type3A = arith.extui %eq3A_0 : i1 to i32
    %cond3A = arith.constant 0 : i32
    %cond3A_1 = arith.cmpi ne, %convert_element_type3A, %cond3A : i32
    scf.if %cond3A_1 {
      %get3A_14 = arith.constant 0 : index
      %get3A_15 = arith.constant 0 : index
      %get3A_16 = vector.load %arg1[%get3A_14, %get3A_15] : memref<10000x128xf32, #tpu.memory_space<vmem>>, vector<10000x128xf32>
      %get3A_17 = arith.constant 0 : index
      %get3A_18 = arith.constant 0 : index
      %get3A_19 = vector.load %arg2[%get3A_17, %get3A_18] : memref<128x128xf32, #tpu.memory_space<vmem>>, vector<128x128xf32>
      %dot_general3A_20 = arith.constant dense<0.000000e+00> : vector<10000x128xf32>
      %dot_general3A_21 = tpu.matmul %get3A_16, %get3A_19, %dot_general3A_20 {dimension_numbers = #tpu.dot_dimension_numbers<[1], [0], [0], [1], [0, 0, 1, 1], [], []>, transpose_lhs_hint = false} : vector<10000x128xf32>, vector<128x128xf32>, vector<10000x128xf32> -> vector<10000x128xf32>
      %swap3A_22 = arith.constant 0 : index
      %swap3A_23 = arith.constant 0 : index
      %swap3A_24 = vector.load %arg7[%swap3A_22, %swap3A_23] : memref<10000x128xf32, #tpu.memory_space<vmem>>, vector<10000x128xf32>
      tpu.vector_store %arg7[%swap3A_22, %swap3A_23], %dot_general3A_21 {strides = array<i32>} : memref<10000x128xf32, #tpu.memory_space<vmem>>, vector<10000x128xf32>,
      %get3A_25 = arith.constant 0 : index
      %get3A_26 = arith.constant 0 : index
      %get3A_27 = vector.load %arg3[%get3A_25, %get3A_26] : memref<128x128xf32, #tpu.memory_space<vmem>>, vector<128x128xf32>
      %dot_general3A_28 = arith.constant dense<0.000000e+00> : vector<10000x128xf32>
      %dot_general3A_29 = tpu.matmul %get3A_16, %get3A_27, %dot_general3A_28 {dimension_numbers = #tpu.dot_dimension_numbers<[1], [0], [0], [1], [0, 0, 1, 1], [], []>, transpose_lhs_hint = false} : vector<10000x128xf32>, vector<128x128xf32>, vector<10000x128xf32> -> vector<10000x128xf32>
      %swap3A_30 = arith.constant 0 : index
      %swap3A_31 = arith.constant 0 : index
      %swap3A_32 = vector.load %arg8[%swap3A_30, %swap3A_31] : memref<10000x128xf32, #tpu.memory_space<vmem>>, vector<10000x128xf32>
      tpu.vector_store %arg8[%swap3A_30, %swap3A_31], %dot_general3A_29 {strides = array<i32>} : memref<10000x128xf32, #tpu.memory_space<vmem>>, vector<10000x128xf32>,
    } else {
    }
    %get3A = arith.constant 0 : index
    %get3A_2 = arith.constant 0 : index
    %get3A_3 = vector.load %arg4[%get3A, %get3A_2] : memref<16x12800xf32, #tpu.memory_space<vmem>>, vector<16x12800xf32>
    %get3A_4 = arith.constant 0 : index
    %get3A_5 = arith.constant 0 : index
    %get3A_6 = vector.load %arg5[%get3A_4, %get3A_5] : memref<16x128xf32, #tpu.memory_space<vmem>>, vector<16x128xf32>
    %dot_general3A = arith.constant dense<0.000000e+00> : vector<12800x128xf32>
    %dot_general3A_7 = tpu.matmul %get3A_3, %get3A_6, %dot_general3A {dimension_numbers = #tpu.dot_dimension_numbers<[0], [0], [1], [1], [0, 1, 1, 1], [], []>, transpose_lhs_hint = false} : vector<16x12800xf32>, vector<16x128xf32>, vector<12800x128xf32> -> vector<12800x128xf32>
    %get3A_8 = arith.constant 0 : index
    %get3A_9 = arith.constant 0 : index
    %get3A_10 = vector.load %arg6[%get3A_8, %get3A_9] : memref<1x128xf32, #tpu.memory_space<vmem>>, vector<1x128xf32>
    %add3A = vector.broadcast %get3A_10 : vector<1x128xf32> to vector<12800x128xf32>
    %add3A_11 = arith.addf %dot_general3A_7, %add3A : vector<12800x128xf32>
    %swap3A = arith.constant 0 : index
    %swap3A_12 = arith.constant 0 : index
    %swap3A_13 = vector.load %arg9[%swap3A, %swap3A_12] : memref<12800x128xf32, #tpu.memory_space<vmem>>, vector<12800x128xf32>
    tpu.vector_store %arg9[%swap3A, %swap3A_12], %add3A_11 {strides = array<i32>} : memref<12800x128xf32, #tpu.memory_space<vmem>>, vector<12800x128xf32>,
    return
  }
  func.func @transform_0(%arg0: i32) -> (i32, i32) {
    %c0_i32 = arith.constant 0 : i32
    %c0_i32_0 = arith.constant 0 : i32
    %c0_i32_1 = arith.constant 0 : i32
    return %c0_i32, %c0_i32_0 : i32, i32
  }
  func.func @transform_1(%arg0: i32) -> (i32, i32) {
    %c0_i32 = arith.constant 0 : i32
    %c0_i32_0 = arith.constant 0 : i32
    %c0_i32_1 = arith.constant 0 : i32
    return %c0_i32, %c0_i32_0 : i32, i32
  }
  func.func @transform_2(%arg0: i32) -> (i32, i32) {
    %c0_i32 = arith.constant 0 : i32
    %c0_i32_0 = arith.constant 0 : i32
    %c0_i32_1 = arith.constant 0 : i32
    return %c0_i32, %c0_i32_0 : i32, i32
  }
  func.func @transform_3(%arg0: i32) -> (i32, i32) {
    %c0_i32 = arith.constant 0 : i32
    %c0_i32_0 = arith.constant 0 : i32
    return %c0_i32, %arg0 : i32, i32
  }
  func.func @transform_4(%arg0: i32) -> (i32, i32) {
    %c0_i32 = arith.constant 0 : i32
    %c0_i32_0 = arith.constant 0 : i32
    %c0_i32_1 = arith.constant 0 : i32
    return %c0_i32, %c0_i32_0 : i32, i32
  }
  func.func @transform_5(%arg0: i32) -> (i32, i32) {
    %c0_i32 = arith.constant 0 : i32
    %c0_i32_0 = arith.constant 0 : i32
    %c0_i32_1 = arith.constant 0 : i32
    return %c0_i32, %c0_i32_0 : i32, i32
  }
  func.func @transform_6(%arg0: i32) -> (i32, i32) {
    %c0_i32 = arith.constant 0 : i32
    %c0_i32_0 = arith.constant 0 : i32
    %c0_i32_1 = arith.constant 0 : i32
    return %c0_i32, %c0_i32_0 : i32, i32
  }
  func.func @transform_7(%arg0: i32) -> (i32, i32) {
    %c0_i32 = arith.constant 0 : i32
    %c0_i32_0 = arith.constant 0 : i32
    %c0_i32_1 = arith.constant 0 : i32
    return %c0_i32, %c0_i32_0 : i32, i32
  }
  func.func @transform_8(%arg0: i32) -> (i32, i32) {
    %c0_i32 = arith.constant 0 : i32
    %c0_i32_0 = arith.constant 0 : i32
    return %arg0, %c0_i32 : i32, i32
  }
}

module attributes {stable_mosaic.version = 14 : i64} {
  func.func @_update_body(%arg0: i32, %arg1: memref<2000x128xf32, #tpu.memory_space<vmem>>, %arg2: memref<2x2000x128xf32, #tpu.memory_space<vmem>>, %arg3: memref<128x128xf32, #tpu.memory_space<vmem>>, %arg4: memref<128x128xf32, #tpu.memory_space<vmem>>, %arg5: memref<128x128xf32, #tpu.memory_space<vmem>>, %arg6: memref<1x128xf32, #tpu.memory_space<vmem>>, %arg7: memref<128x128xf32, #tpu.memory_space<vmem>>, %arg8: memref<1x128xf32, #tpu.memory_space<vmem>>, %arg9: memref<2000x128xf32, #tpu.memory_space<vmem>>) attributes {dimension_semantics = [#tpu.dimension_semantics<arbitrary>], iteration_bounds = array<i64: 5>, scalar_prefetch = 0 : i64, scratch_operands = 0 : i64, tpu.core_type = #tpu.core_type<tc>, window_params = [{transform_indices = @transform_0, window_bounds = array<i64: 2000, 128>}, {transform_indices = @transform_1, window_bounds = array<i64: 2, 2000, 128>}, {pipeline_mode = #tpu.pipeline_mode<synchronous>, transform_indices = @transform_2, window_bounds = array<i64: 128, 128>}, {pipeline_mode = #tpu.pipeline_mode<synchronous>, transform_indices = @transform_3, window_bounds = array<i64: 128, 128>}, {pipeline_mode = #tpu.pipeline_mode<synchronous>, transform_indices = @transform_4, window_bounds = array<i64: 128, 128>}, {pipeline_mode = #tpu.pipeline_mode<synchronous>, transform_indices = @transform_5, window_bounds = array<i64: 1, 128>}, {pipeline_mode = #tpu.pipeline_mode<synchronous>, transform_indices = @transform_6, window_bounds = array<i64: 128, 128>}, {pipeline_mode = #tpu.pipeline_mode<synchronous>, transform_indices = @transform_7, window_bounds = array<i64: 1, 128>}, {transform_indices = @transform_8, window_bounds = array<i64: 2000, 128>}]} {
    %get3A = arith.constant 0 : index
    %get3A_0 = arith.constant 0 : index
    %get3A_1 = arith.constant 0 : index
    %get3A_2 = vector.load %arg2[%get3A, %get3A_0, %get3A_1] : memref<2x2000x128xf32, #tpu.memory_space<vmem>>, vector<1x2000x128xf32>
    %get3A_3 = vector.shape_cast %get3A_2 : vector<1x2000x128xf32> to vector<2000x128xf32>
    %get3A_4 = arith.constant 1 : index
    %get3A_5 = arith.constant 0 : index
    %get3A_6 = arith.constant 0 : index
    %get3A_7 = vector.load %arg2[%get3A_4, %get3A_5, %get3A_6] : memref<2x2000x128xf32, #tpu.memory_space<vmem>>, vector<1x2000x128xf32>
    %get3A_8 = vector.shape_cast %get3A_7 : vector<1x2000x128xf32> to vector<2000x128xf32>
    %add3A = arith.addf %get3A_3, %get3A_8 : vector<2000x128xf32>
    %get3A_9 = arith.constant 0 : index
    %get3A_10 = arith.constant 0 : index
    %get3A_11 = vector.load %arg3[%get3A_9, %get3A_10] : memref<128x128xf32, #tpu.memory_space<vmem>>, vector<128x128xf32>
    %dot_general3A = arith.constant dense<0.000000e+00> : vector<2000x128xf32>
    %dot_general3A_12 = tpu.matmul %add3A, %get3A_11, %dot_general3A {dimension_numbers = #tpu.dot_dimension_numbers<[1], [0], [0], [1], [0, 0, 1, 1], [], []>, transpose_lhs_hint = false} : vector<2000x128xf32>, vector<128x128xf32>, vector<2000x128xf32> -> vector<2000x128xf32>
    %get3A_13 = arith.constant 0 : index
    %get3A_14 = arith.constant 0 : index
    %get3A_15 = vector.load %arg1[%get3A_13, %get3A_14] : memref<2000x128xf32, #tpu.memory_space<vmem>>, vector<2000x128xf32>
    %get3A_16 = arith.constant 0 : index
    %get3A_17 = arith.constant 0 : index
    %get3A_18 = vector.load %arg4[%get3A_16, %get3A_17] : memref<128x128xf32, #tpu.memory_space<vmem>>, vector<128x128xf32>
    %dot_general3A_19 = arith.constant dense<0.000000e+00> : vector<2000x128xf32>
    %dot_general3A_20 = tpu.matmul %get3A_15, %get3A_18, %dot_general3A_19 {dimension_numbers = #tpu.dot_dimension_numbers<[1], [0], [0], [1], [0, 0, 1, 1], [], []>, transpose_lhs_hint = false} : vector<2000x128xf32>, vector<128x128xf32>, vector<2000x128xf32> -> vector<2000x128xf32>
    %get3A_21 = arith.constant 0 : index
    %get3A_22 = arith.constant 0 : index
    %get3A_23 = vector.load %arg5[%get3A_21, %get3A_22] : memref<128x128xf32, #tpu.memory_space<vmem>>, vector<128x128xf32>
    %dot_general3A_24 = arith.constant dense<0.000000e+00> : vector<2000x128xf32>
    %dot_general3A_25 = tpu.matmul %dot_general3A_12, %get3A_23, %dot_general3A_24 {dimension_numbers = #tpu.dot_dimension_numbers<[1], [0], [0], [1], [0, 0, 1, 1], [], []>, transpose_lhs_hint = false} : vector<2000x128xf32>, vector<128x128xf32>, vector<2000x128xf32> -> vector<2000x128xf32>
    %add3A_26 = arith.addf %dot_general3A_20, %dot_general3A_25 : vector<2000x128xf32>
    %get3A_27 = arith.constant 0 : index
    %get3A_28 = arith.constant 0 : index
    %get3A_29 = vector.load %arg6[%get3A_27, %get3A_28] : memref<1x128xf32, #tpu.memory_space<vmem>>, vector<1x128xf32>
    %add3A_30 = vector.broadcast %get3A_29 : vector<1x128xf32> to vector<2000x128xf32>
    %add3A_31 = arith.addf %add3A_26, %add3A_30 : vector<2000x128xf32>
    %max3A = arith.constant 0.000000e+00 : f32
    %max3A_32 = vector.broadcast %max3A : f32 to vector<2000x128xf32>
    %max3A_33 = arith.maximumf %add3A_31, %max3A_32 : vector<2000x128xf32>
    %get3A_34 = arith.constant 0 : index
    %get3A_35 = arith.constant 0 : index
    %get3A_36 = vector.load %arg7[%get3A_34, %get3A_35] : memref<128x128xf32, #tpu.memory_space<vmem>>, vector<128x128xf32>
    %dot_general3A_37 = arith.constant dense<0.000000e+00> : vector<2000x128xf32>
    %dot_general3A_38 = tpu.matmul %max3A_33, %get3A_36, %dot_general3A_37 {dimension_numbers = #tpu.dot_dimension_numbers<[1], [0], [0], [1], [0, 0, 1, 1], [], []>, transpose_lhs_hint = false} : vector<2000x128xf32>, vector<128x128xf32>, vector<2000x128xf32> -> vector<2000x128xf32>
    %get3A_39 = arith.constant 0 : index
    %get3A_40 = arith.constant 0 : index
    %get3A_41 = vector.load %arg8[%get3A_39, %get3A_40] : memref<1x128xf32, #tpu.memory_space<vmem>>, vector<1x128xf32>
    %add3A_42 = vector.broadcast %get3A_41 : vector<1x128xf32> to vector<2000x128xf32>
    %add3A_43 = arith.addf %dot_general3A_38, %add3A_42 : vector<2000x128xf32>
    %swap3A = arith.constant 0 : index
    %swap3A_44 = arith.constant 0 : index
    %swap3A_45 = vector.load %arg9[%swap3A, %swap3A_44] : memref<2000x128xf32, #tpu.memory_space<vmem>>, vector<2000x128xf32>
    tpu.vector_store %arg9[%swap3A, %swap3A_44], %add3A_43 {strides = array<i32>} : memref<2000x128xf32, #tpu.memory_space<vmem>>, vector<2000x128xf32>,
    return
  }
  func.func @transform_0(%arg0: i32) -> (i32, i32) {
    %c0_i32 = arith.constant 0 : i32
    %c0_i32_0 = arith.constant 0 : i32
    return %arg0, %c0_i32 : i32, i32
  }
  func.func @transform_1(%arg0: i32) -> (i32, i32, i32) {
    %c0_i32 = arith.constant 0 : i32
    %c0_i32_0 = arith.constant 0 : i32
    %c0_i32_1 = arith.constant 0 : i32
    return %c0_i32, %arg0, %c0_i32_0 : i32, i32, i32
  }
  func.func @transform_2(%arg0: i32) -> (i32, i32) {
    %c0_i32 = arith.constant 0 : i32
    %c0_i32_0 = arith.constant 0 : i32
    %c0_i32_1 = arith.constant 0 : i32
    return %c0_i32, %c0_i32_0 : i32, i32
  }
  func.func @transform_3(%arg0: i32) -> (i32, i32) {
    %c0_i32 = arith.constant 0 : i32
    %c0_i32_0 = arith.constant 0 : i32
    %c0_i32_1 = arith.constant 0 : i32
    return %c0_i32, %c0_i32_0 : i32, i32
  }
  func.func @transform_4(%arg0: i32) -> (i32, i32) {
    %c0_i32 = arith.constant 0 : i32
    %c0_i32_0 = arith.constant 0 : i32
    %c0_i32_1 = arith.constant 0 : i32
    return %c0_i32, %c0_i32_0 : i32, i32
  }
  func.func @transform_5(%arg0: i32) -> (i32, i32) {
    %c0_i32 = arith.constant 0 : i32
    %c0_i32_0 = arith.constant 0 : i32
    %c0_i32_1 = arith.constant 0 : i32
    return %c0_i32, %c0_i32_0 : i32, i32
  }
  func.func @transform_6(%arg0: i32) -> (i32, i32) {
    %c0_i32 = arith.constant 0 : i32
    %c0_i32_0 = arith.constant 0 : i32
    %c0_i32_1 = arith.constant 0 : i32
    return %c0_i32, %c0_i32_0 : i32, i32
  }
  func.func @transform_7(%arg0: i32) -> (i32, i32) {
    %c0_i32 = arith.constant 0 : i32
    %c0_i32_0 = arith.constant 0 : i32
    %c0_i32_1 = arith.constant 0 : i32
    return %c0_i32, %c0_i32_0 : i32, i32
  }
  func.func @transform_8(%arg0: i32) -> (i32, i32) {
    %c0_i32 = arith.constant 0 : i32
    %c0_i32_0 = arith.constant 0 : i32
    return %arg0, %c0_i32 : i32, i32
  }
}

</mosaic_0001>

<sc_bundles>
// kernel: kernel.5.cloned.1.call-start
scs
__scs_entry_jumppad:
0x0: {  	(pc) =	sbr.rel $0x88, $3  }
0x1: {  	(tag) =	ssettag $0x0;
	lr =	simm.s32 $0x1  }
0x2: {  	[smem:$0x3F97] =	sst lr;
	_ =	strace $0xD0000000  }
0x3: {  	_ = 	snop  }
0x4: {  	_ = 	snop  }
0x5: {  	_ = 	snop  }
0x6: {  	_ = 	snop  }
0x7: {  	_ = 	snop  }
__scs_overlays_trampoline_lowered:
0x8: {  	[smem:$0x3FA6] =	sst s0  }
0x9: {  	[smem:$0x3FA7] =	sst s1  }
0xa: {  	[smem:$0x3FA8] =	sst s2  }
0xb: {  	[smem:$0x3FA9] =	sst s3  }
0xc: {  	[smem:$0x3FAA] =	sst s4  }
0xd: {  	[smem:$0x3FAB] =	sst s5  }
0xe: {  	[smem:$0x3FAC] =	sst s6  }
0xf: {  	[smem:$0x3FAD] =	sst s7  }
0x10: {  	[smem:$0x3FAE] =	sst s8  }
0x11: {  	[smem:$0x3FAF] =	sst s9;
	s0 =	simm.s32 @!p0 $0x0  }
0x12: {  	s1 =	sld [smem:$0x3F95];
	s0 =	simm.s32 @p0 $0x1  }
0x13: {  	[smem:$0x3FB0] =	sst s0;
	s0 =	simm.s32 @!p1 $0x0  }
0x14: {  	s2 =	sld [smem:$0x3F94];
	s0 =	simm.s32 @p1 $0x1  }
0x15: {  	[smem:$0x3FB1] =	sst s0;
	s0 =	simm.s32 @!p2 $0x0  }
0x16: {  	s3 =	sld [smem:$0x3FDB];
	s0 =	simm.s32 @p2 $0x1  }
0x17: {  	s4 =	simm.s32 $0x1BF5;
	[smem:$0x3FB3] =	sst s0  }
0x18: {  	s0 =	sld [smem:$0x3F96];
	_ =	swait.ge [sflag:s4], $0x0  }
0x19: {  	s7 =	sld [smem:$0x3F97]  }
0x1a: {  	s8 =	sadd.s32 $0xFFFFE003, lr  }
0x1b: {  	s9 =	sadd.s32 $0xFFFFFEF7, lr;
	s5 =	simm.s32 $0xFFFFFFFF;
	p2 =	slt.u32 s8, $0xFFFFF086  }
0x1c: {  	p1 =	slt.u32 s9, $0xF7A;
	s5 =	simm.s32 @!p2 $0x0  }
0x1d: {  	s5 =	simm.s32 @p1 $0x1;
	p0 =	seq.s32 s7, s2  }
0x1e: {  	s7 =	smul.u32 @!p0 $0xF7A, s2;
	p2 =	seq.s32 @!p0 s5, $0x0  }
0x1f: {  	s9 =	smul.u32 $0xF7A, s1;
	s8 =	simm.s32 @!p0 $0x1BF5;
	p2 =	por !p2, p0  }
0x20: {  	[sflag:s8] =	ssyncset.s32 @!p0 $0xFFFFF086;
	s6 =	sadd.s32 @!p0 s3, s7;
	s7 =	simm.s32 @!p0 $0x108  }
0x21: {  	s3 =	sadd.s32 s3, s9;
	s6 =	sadd.s32 @!p0 $0x88, s6;
	s7 =	simm.s32 @p2 $0x1082  }
0x22: {  	[simem:s7], [sflag:s8] =	dma.local @!p0 [hbm:s6], $0xF7A  }
0x23: {  	s9 =	sor.u32 $0xD0000000, s2;
	s6 =	simm.s32 $0x108;
	_ =	swait.ge @!p0 [sflag:s8], $0x0  }
0x24: {  	s3 =	sadd.s32 $0x88, s3;
	s6 =	simm.s32 @!p1 $0x1082;
	[sflag:s4] =	ssyncset.s32 $0xFFFFF086  }
0x25: {  	[simem:s6], [sflag:s4] =	dma.local [hbm:s3], $0xF7A  }
0x26: {  	[smem:$0x3F97] =	sst s1;
	(tag) =	ssettag s2;
	_ =	strace s9  }
0x27: {  	s1 =	sld [smem:$0x3FA7]  }
0x28: {  	s2 =	sld [smem:$0x3FA8]  }
0x29: {  	s4 =	sld [smem:$0x3FAA]  }
0x2a: {  	p0 =	seq.s32 s5, $0x0;
	s5 =	sld [smem:$0x3FAB]  }
0x2b: {  	s6 =	sld [smem:$0x3FAC]  }
0x2c: {  	s7 =	sld [smem:$0x3FAD]  }
0x2d: {  	s3 =	simm.s32 $0x108;
	s8 =	sld [smem:$0x3FAE]  }
0x2e: {  	s3 =	simm.s32 @!p0 $0x1082;
	s9 =	sld [smem:$0x3FAF]  }
0x2f: {  	lr =	sadd.s32 s0, s3;
	s0 =	sld [smem:$0x3FA6]  }
0x30: {  	s3 =	sld [smem:$0x3FA9]  }
0x31: {  	[smem:$0x3FB2] =	sst s10  }
0x32: {  	s10 =	sld [smem:$0x3FB0];
	_ =	sdelay $0x3  }
0x33: {  	p0 =	seq.s32 s10, $0x1;
	s10 =	sld [smem:$0x3FB2];
	_ =	sdelay $0x3  }
0x34: {  	[smem:$0x3FB2] =	sst s10  }
0x35: {  	s10 =	sld [smem:$0x3FB1];
	_ =	sdelay $0x3  }
0x36: {  	p1 =	seq.s32 s10, $0x1;
	s10 =	sld [smem:$0x3FB2];
	_ =	sdelay $0x3  }
0x37: {  	[smem:$0x3FB2] =	sst s10  }
0x38: {  	s10 =	sld [smem:$0x3FB3]  }
0x39: {  	_ = 	snop;
	(pc) =	sbr.ind lr, $3  }
0x3a: {  	_ = 	snop  }
0x3b: {  	_ = 	snop  }
0x3c: {  	p2 =	seq.s32 s10, $0x1;
	s10 =	sld [smem:$0x3FB2]  }
0x3d: {  	_ =	shalt  }
0x3e: {  	_ =	shalt  }
0x3f: {  	_ =	shalt  }
0x40: {  	_ =	shalt  }
0x41: {  	_ =	shalt  }
0x42: {  	_ =	shalt  }
0x43: {  	_ =	shalt  }
0x44: {  	_ =	shalt  }
0x45: {  	_ =	shalt  }
0x46: {  	_ =	shalt  }
0x47: {  	_ =	shalt  }
0x48: {  	_ =	shalt  }
0x49: {  	_ =	shalt  }
0x4a: {  	_ =	shalt  }
0x4b: {  	_ =	shalt  }
0x4c: {  	_ =	shalt  }
0x4d: {  	_ =	shalt  }
0x4e: {  	_ =	shalt  }
0x4f: {  	_ =	shalt  }
0x50: {  	_ =	shalt  }
0x51: {  	_ =	shalt  }
0x52: {  	_ =	shalt  }
0x53: {  	_ =	shalt  }
0x54: {  	_ =	shalt  }
0x55: {  	_ =	shalt  }
0x56: {  	_ =	shalt  }
0x57: {  	_ =	shalt  }
0x58: {  	_ =	shalt  }
0x59: {  	_ =	shalt  }
0x5a: {  	_ =	shalt  }
0x5b: {  	_ =	shalt  }
0x5c: {  	_ =	shalt  }
0x5d: {  	_ =	shalt  }
0x5e: {  	_ =	shalt  }
0x5f: {  	_ =	shalt  }
0x60: {  	_ =	shalt  }
0x61: {  	_ =	shalt  }
0x62: {  	_ =	shalt  }
0x63: {  	_ =	shalt  }
0x64: {  	_ =	shalt  }
0x65: {  	_ =	shalt  }
0x66: {  	_ =	shalt  }
0x67: {  	_ =	shalt  }
0x68: {  	_ =	shalt  }
0x69: {  	_ =	shalt  }
0x6a: {  	_ =	shalt  }
0x6b: {  	_ =	shalt  }
0x6c: {  	_ =	shalt  }
0x6d: {  	_ =	shalt  }
0x6e: {  	_ =	shalt  }
0x6f: {  	_ =	shalt  }
0x70: {  	_ =	shalt  }
0x71: {  	_ =	shalt  }
0x72: {  	_ =	shalt  }
0x73: {  	_ =	shalt  }
0x74: {  	_ =	shalt  }
0x75: {  	_ =	shalt  }
0x76: {  	_ =	shalt  }
0x77: {  	_ =	shalt  }
0x78: {  	_ =	shalt  }
0x79: {  	_ =	shalt  }
0x7a: {  	_ =	shalt  }
0x7b: {  	_ =	shalt  }
0x7c: {  	_ =	shalt  }
0x7d: {  	_ =	shalt  }
0x7e: {  	_ =	shalt  }
0x7f: {  	_ =	shalt  }
0x80: {  	_ =	shalt  }
0x81: {  	_ =	shalt  }
0x82: {  	_ =	shalt  }
0x83: {  	_ =	shalt  }
0x84: {  	_ =	shalt  }
0x85: {  	_ =	shalt  }
0x86: {  	_ =	shalt  }
0x87: {  	_ =	shalt  }
.Lfunc_end0:
.L_simem_size_0:
called_computation_lowered:
.L_overlay_start_0:
0x88: {  	s2 =	sld [smem:$0x3FD9]  }
0x89: {  	s3 =	sld [smem:$0x3FFE];
	_ =	sdelay $0x1  }
0x8a: {  	s1 =	srdreg.scid  }
0x8b: {  	s0 =	sand.u32 $0x1, s1  }
0x8c: {  	s17 =	sshll.u32 s0, $0xA;
	s2 =	sadd.s32 s3, s2  }
0x8d: {  	s2 =	sadd.s32 s2, s17  }
0x8e: {  	[smem:$0x3FBE] =	sst s2  }
0x8f: {  	_ = 	snop  }
0x90: {  	s2 =	sld [smem:$0x3FD0];
	(tm) =	ssettm $0x1  }
0x91: {  	s18 =	sld [smem:$0x3FFB];
	_ =	sdelay $0x3  }
0x92: {  	_ =	strace s18  }
0x93: {  	s3 =	sld [smem:$0x3FFC];
	_ =	sdelay $0x3  }
0x94: {  	_ =	strace s3  }
0x95: {  	s3 =	sld [smem:$0x3FFD];
	_ =	sdelay $0x3  }
0x96: {  	_ =	strace s3  }
0x97: {  	_ =	strace $0x8FFFFFFF  }
0x98: {  	s19 =	sld [smem:$0x3FDB];
	_ =	sdelay $0x1  }
0x99: {  	s4 =	simm.s32 $_scs_section_size  }
0x9a: {  	s5 =	simm.s32 $_size__tile_overlayer_lowered;
	s6 =	simm.s32 $_tile_overlayer_lowered  }
0x9b: {  	s22 =	simm.s32 $0x1BFF;
	s21 =	sshll.u32 s6, $0x1;
	s3 =	sadd.s32 s4, s19  }
0x9c: {  	s7 =	simm.s32 $0x0;
	s20 =	sshll.u32 s5, $0x1;
	s5 =	sadd.s32 s21, s3  }
0x9d: {  	[timem:s7], [sflag:s22] =	dma.local [hbm:s5], s20  }
0x9e: {  	_ =	swait.ge [sflag:s22], s20  }
0x9f: {  	s4 =	ssub.s32 $0x0, s20;
	[sflag:s22] =	ssyncset.done $0x0  }
0xa0: {  	[sflag:s22] =	ssyncadd.s32 s4;
	_ =	sdelay $0x1  }
0xa1: {  	s23 =	simm.s32 $0x1B8B  }
0xa2: {  	_ =	swait.ge [sflag:s23], $0x1  }
0xa3: {  	[sflag:s23] =	ssyncset.done $0x0  }
0xa4: {  	s25 =	simm.s32 $0x1B8E;
	s24 =	sld [smem:$0x3FFE];
	[sflag:s23] =	ssyncadd.s32 $0xFFFFFFFF  }
0xa5: {  	s26 =	simm.s32 $execute0_lowered;
	[smem:$0x3FD2] =	sst s25  }
0xa6: {  	s5 =	sshll.u32 s26, $0x1;
	_ =	strace $0x80000046;
	[dreg:$0x1] =	wrdreg $0xFFFFFFFF  }
0xa7: {  	s28 =	simm.s32 $_size_execute0_lowered;
	s3 =	sadd.s32 s3, s5;
	[dreg:$0x0] =	wrdreg $0x0  }
0xa8: {  	s5 =	sshll.u32 s28, $0x1;
	[dreg:$0x2] =	wrdreg s3  }
0xa9: {  	[dreg:$0x3] =	wrdreg s5  }
0xaa: {  	[dreg:$0x4] =	wrdreg $0xC0  }
0xab: {  	_ =	task [dreg:s7], $0x5FFFF  }
0xac: {  	[dreg:$0x1] =	wrdreg $0xFFFFFFFF  }
0xad: {  	[dreg:$0x0] =	wrdreg $0x60  }
0xae: {  	[dreg:$0x2] =	wrdreg s2  }
0xaf: {  	[dreg:$0x3] =	wrdreg s24  }
0xb0: {  	[dreg:$0x4] =	wrdreg $0xC4000  }
0xb1: {  	[dreg:$0x5] =	wrdreg $0x9  }
0xb2: {  	_ =	task.clear_ibuf [dreg:s7], $0x6FFFF;
	_ =	strace $0x90000046  }
0xb3: {  	s29 =	simm.s32 $0x9;
	_ =	strace $0x80000048  }
0xb4: {  	_ =	swait.ge [sflag:s29], $0x1  }
0xb5: {  	[sflag:s29] =	ssyncadd.s32 $0xFFFFFFFF  }
0xb6: {  	_ =	strace $0x90000048  }
0xb7: {  	_ =	sfence  }
0xb8: {  	s30 =	sld [smem:$0x0];
	_ =	sdelay $0x2  }
0xb9: {  	s31 =	sshll.u32 s1, $0xD;
	s1 =	sshrl.u32 s1, $0x2  }
0xba: {  	s3 =	sand.u32 $0x4000, s31;
	s1 =	sadd.s32 s1, s30  }
0xbb: {  	s0 =	sor.u32 s3, s0;
	s1 =	sshll.u32 s1, $0x11  }
0xbc: {  	s0 =	sor.u32 s1, s0  }
0xbd: {  	s0 =	sadd.s32 $0x8F2B, s0  }
0xbe: {  	[sflag:s0] =	ssyncadd.remote.s32 $0x1  }
0xbf: {  	_ =	sfence.sel $0xFFFF  }
0xc0: {  	[dreg:$0x0] =	wrdreg $0xFFFFFFFF;
	(pc) =	sbr.abs _section_cstart, $3  }
0xc1: {  	[dreg:$0x1] =	wrdreg $0xFFFFFFFF  }
0xc2: {  	_ =	task.clear_ibuf [dreg:s7], $0x2FFFF;
	_ =	strace $0x9FFFFFFF  }
0xc3: {  	(tm) =	ssettm $0x7FFFFFFF  }
tec
execute0_lowered:
.L_overlay_start_1:
0x0: {  	(tag) =	ssettag $0x1  }
0x1: {  	s0 =	srdreg.scid;
	s1 =	rddreg [dreg:$0x0]  }
0x2: {  	s4 =	rddreg [dreg:$0x1];
	s20 =	stileid.u32;
	s2 =	simm.s32 $0x0  }
0x3: {  	s3 =	sand.u32 $0x1, s0;
	s6 =	smul.u32 $0x13C00, s20;
	[smem:$0x7FF] =	sst s2  }
0x4: {  	s7 =	sadd.s32 $0x51E600, s4;
	s0 =	ssub.s32 $0x2, s3;
	s9 =	smul.u32 $0x13C000, s3  }
0x5: {  	s3 =	sshll.u32 s3, $0x4;
	s5 =	sshrl.u32 s0, $0x1;
	s8 =	sadd.s32 $0x4000, s6  }
0x6: {  	s10 =	sadd.s32 $0x6000, s6;
	s11 =	sadd.s32 $0x8000, s6;
	s12 =	sadd.s32 $0xA000, s6  }
0x7: {  	s13 =	sadd.s32 $0xC000, s6;
	s14 =	sadd.s32 $0xE000, s6;
	s19 =	sadd.s32 $0x10000, s6  }
0x8: {  	s0 =	ssub.s32 s0, s5;
	s5 =	sadd.s32 $0x2000, s6;
	s15 =	sadd.s32 s6, s9  }
0x9: {  	s6 =	sadd.s32 $0x12000, s6;
	s25 =	sadd.s32 s9, s8;
	s26 =	sadd.s32 s9, s10  }
0xa: {  	s17 =	sadd.s32 s9, s11;
	s18 =	sadd.s32 s9, s12;
	s15 =	sshrl.u32 s15, $0x3  }
0xb: {  	s22 =	sadd.s32 s9, s14;
	s16 =	sadd.s32 s9, s5;
	s15 =	sadd.s32 s7, s15  }
0xc: {  	s24 =	sshrl.u32 s16, $0x3;
	s16 =	sshrl.u32 s26, $0x3;
	[dreg:$0x4] =	wrdreg s15  }
0xd: {  	s15 =	sadd.s32 s7, s24;
	s24 =	sshrl.u32 s22, $0x3;
	s22 =	rddreg [dreg:$0x2]  }
0xe: {  	s16 =	sadd.s32 s7, s16;
	[dreg:$0x5] =	wrdreg s15;
	s15 =	sshrl.u32 s25, $0x3  }
0xf: {  	s17 =	sshrl.u32 s17, $0x3;
	[dreg:$0x7] =	wrdreg s16;
	s15 =	sadd.s32 s7, s15  }
0x10: {  	s21 =	sadd.s32 s9, s13;
	[dreg:$0x6] =	wrdreg s15;
	s15 =	sadd.s32 s7, s17  }
0x11: {  	s26 =	smul.u32 $0x4F000, s20;
	[dreg:$0x8] =	wrdreg s15;
	s15 =	sshrl.u32 s18, $0x3  }
0x12: {  	s16 =	sshrl.u32 s21, $0x3;
	s25 =	sadd.s32 s9, s19;
	s15 =	sadd.s32 s7, s15  }
0x13: {  	s9 =	sadd.s32 s9, s6;
	[dreg:$0x9] =	wrdreg s15;
	s15 =	sadd.s32 s7, s24  }
0x14: {  	s23 =	sadd.s32 s7, s16;
	[dreg:$0xb] =	wrdreg s15;
	s15 =	sshrl.u32 s25, $0x3  }
0x15: {  	s9 =	sshrl.u32 s9, $0x3;
	[dreg:$0xa] =	wrdreg s23;
	s15 =	sadd.s32 s7, s15  }
0x16: {  	s21 =	sshrl.u32 s26, $0x2;
	s7 =	sadd.s32 s7, s9;
	[dreg:$0xc] =	wrdreg s15  }
0x17: {  	s9 =	sor.u32 s20, s3;
	s3 =	sadd.s32 s21, s22;
	[dreg:$0xd] =	wrdreg s7  }
0x18: {  	s23 =	sadd.s32 s5, s22;
	_ =	strace $0x80000047;
	[dreg:$0xf] =	wrdreg s3  }
0x19: {  	s24 =	sadd.s32 s13, s22;
	[dreg:$0x10] =	wrdreg s23  }
0x1a: {  	s31 =	simm.s32 $0x80;
	s25 =	sadd.s32 s14, s22;
	[dreg:$0x15] =	wrdreg s24  }
0x1b: {  	s28 =	simm.s32 $0x5;
	s5 =	sadd.s32 s19, s22;
	[dreg:$0x16] =	wrdreg s25  }
0x1c: {  	s29 =	simm.s32 $0x8;
	s6 =	sadd.s32 s6, s22;
	[dreg:$0x17] =	wrdreg s5  }
0x1d: {  	s30 =	simm.s32 $0x3;
	s0 =	smax.u32 s0, $0x1;
	[dreg:$0x18] =	wrdreg s6  }
0x1e: {  	s16 =	sadd.s32 $0x15400, s4;
	s17 =	sadd.s32 $0xB600, s4;
	[smem:$0x7FA] =	sst s0  }
0x1f: {  	s18 =	sadd.s32 $0x1800, s4;
	s7 =	sadd.s32 s8, s22;
	[dreg:$0xe] =	wrdreg s9  }
0x20: {  	s15 =	sadd.s32 $0x4F7400, s4;
	s8 =	sadd.s32 s10, s22;
	[dreg:$0x11] =	wrdreg s7  }
0x21: {  	s10 =	sadd.s32 s11, s22;
	s11 =	sadd.s32 s12, s22;
	[dreg:$0x12] =	wrdreg s8  }
0x22: {  	s26 =	sshll.u32 s9, $0x3;
	s20 =	sshll.u32 s9, $0xA;
	[dreg:$0x13] =	wrdreg s10  }
0x23: {  	s12 =	sor.u32 $0x100, s26;
	s14 =	sadd.s32 s17, s26;
	[dreg:$0x14] =	wrdreg s11  }
0x24: {  	s19 =	sadd.s32 s18, s26;
	s3 =	sor.u32 $0x200, s26;
	[dreg:$0x1b] =	wrdreg s14  }
0x25: {  	s23 =	sadd.s32 s16, s20;
	s24 =	sor.u32 $0x80, s9;
	[dreg:$0x1c] =	wrdreg s19  }
0x26: {  	s25 =	sor.u32 $0xA0, s9;
	s26 =	sor.u32 $0xC0, s9;
	[dreg:$0x1f] =	wrdreg s23  }
0x27: {  	s5 =	simm.s32 $0x1;
	s6 =	simm.s32 $0x40;
	[smem:$0x7FB] =	sst s24  }
0x28: {  	s13 =	sadd.s32 s17, s12;
	s4 =	sadd.s32 s18, s12;
	[smem:$0x7FC] =	sst s25  }
.Ltmp0:
0x29: {  	s21 =	sadd.s32 s17, s3;
	[smem:$0x7FD] =	sst s26;
	(pc) =	sbr.rel .LBB2_1-.Ltmp0, $4  }
0x2a: {  	s3 =	sadd.s32 s18, s3;
	s14 =	simm.s32 $0x7;
	[dreg:$0x19] =	wrdreg s13  }
0x2b: {  	s23 =	simm.s32 $0x2;
	s24 =	simm.s32 $0x6400;
	[dreg:$0x1a] =	wrdreg s4  }
0x2c: {  	s12 =	simm.s32 $0x6;
	s19 =	simm.s32 $0x4;
	[dreg:$0x1d] =	wrdreg s21  }
0x2d: {  	v0 =	vimm.f32 $0.0e+00;
	[dreg:$0x1e] =	wrdreg s3;
	s13 =	simm.s32 $0x400;
	s3 =	simm.s32 $0x0  }
.LBB2_21:
0x2e: {  	_ =	swait.ge [sflag:s28], $0x2000  }
0x2f: {  	[sflag:s28] =	ssyncset.done $0x0  }
0x30: {  	[sflag:s28] =	ssyncadd.s32 $0xFFFFE000  }
0x31: {  	_ =	swait.ge [sflag:s28], $0x2000  }
0x32: {  	[sflag:s28] =	ssyncset.done $0x0  }
0x33: {  	[sflag:s28] =	ssyncadd.s32 $0xFFFFE000  }
0x34: {  	_ =	swait.ge [sflag:s28], $0x2000  }
0x35: {  	[sflag:s28] =	ssyncset.done $0x0  }
0x36: {  	[sflag:s28] =	ssyncadd.s32 $0xFFFFE000  }
0x37: {  	_ =	swait.ge [sflag:s23], $0x40  }
0x38: {  	[sflag:s23] =	ssyncset.done $0x0  }
0x39: {  	[sflag:s23] =	ssyncadd.s32 $0xFFFFFFC0  }
0x3a: {  	_ =	swait.ge [sflag:s23], $0x40  }
0x3b: {  	[sflag:s23] =	ssyncset.done $0x0  }
0x3c: {  	[sflag:s23] =	ssyncadd.s32 $0xFFFFFFC0  }
0x3d: {  	_ =	swait.ge [sflag:s30], $0x40  }
0x3e: {  	[sflag:s30] =	ssyncset.done $0x0  }
0x3f: {  	[sflag:s30] =	ssyncadd.s32 $0xFFFFFFC0  }
0x40: {  	_ =	swait.ge [sflag:s30], $0x40  }
0x41: {  	[sflag:s30] =	ssyncset.done $0x0  }
0x42: {  	[sflag:s30] =	ssyncadd.s32 $0xFFFFFFC0  }
0x43: {  	[bflag:$0x0] =	sbarrier.arrive $0xFFFF  }
0x44: {  	s0 =	rddreg [dreg:$0xf]  }
0x45: {  	[tilespmem:s13], [sflag:$0x7] =	stream.linear.gather [spmem:s0], $0x2000, $0x38;
	v63 =	vld [tilespmem:$0x0]  }
0x46: {  	_ =	swait.ge [sflag:s14], $0x2000  }
0x47: {  	[sflag:s14] =	ssyncset.done $0x0  }
0x48: {  	s7 =	rddreg [dreg:$0x4];
	[sflag:s14] =	ssyncadd.s32 $0xFFFFE000  }
0x49: {  	[hbm4b:s7+s2] =	stream.linear.scatter [tilespmem:s13], [sflag:$0x7], $0x2000, $0x38;
	v63 =	vld [tilespmem:$0x0]  }
0x4a: {  	_ =	swait.ge [sflag:s14], $0x2000  }
0x4b: {  	[sflag:s14] =	ssyncset.done $0x0  }
0x4c: {  	s8 =	rddreg [dreg:$0x10];
	[sflag:s14] =	ssyncadd.s32 $0xFFFFE000  }
0x4d: {  	[tilespmem:s13], [sflag:$0x7] =	stream.linear.gather [spmem:s8], $0x2000, $0x38;
	v63 =	vld [tilespmem:$0x0]  }
0x4e: {  	_ =	swait.ge [sflag:s14], $0x2000  }
0x4f: {  	[sflag:s14] =	ssyncset.done $0x0  }
0x50: {  	s9 =	rddreg [dreg:$0x5];
	[sflag:s14] =	ssyncadd.s32 $0xFFFFE000  }
0x51: {  	[hbm4b:s9+s2] =	stream.linear.scatter [tilespmem:s13], [sflag:$0x7], $0x2000, $0x38;
	v63 =	vld [tilespmem:$0x0]  }
0x52: {  	_ =	swait.ge [sflag:s14], $0x2000  }
0x53: {  	[sflag:s14] =	ssyncset.done $0x0  }
0x54: {  	s7 =	rddreg [dreg:$0x11];
	[sflag:s14] =	ssyncadd.s32 $0xFFFFE000  }
0x55: {  	[tilespmem:s13], [sflag:$0x7] =	stream.linear.gather [spmem:s7], $0x2000, $0x38;
	v63 =	vld [tilespmem:$0x0]  }
0x56: {  	_ =	swait.ge [sflag:s14], $0x2000  }
0x57: {  	[sflag:s14] =	ssyncset.done $0x0  }
0x58: {  	s10 =	rddreg [dreg:$0x6];
	[sflag:s14] =	ssyncadd.s32 $0xFFFFE000  }
0x59: {  	[hbm4b:s10+s2] =	stream.linear.scatter [tilespmem:s13], [sflag:$0x7], $0x2000, $0x38;
	v63 =	vld [tilespmem:$0x0]  }
0x5a: {  	_ =	swait.ge [sflag:s14], $0x2000  }
0x5b: {  	[sflag:s14] =	ssyncset.done $0x0  }
0x5c: {  	s8 =	rddreg [dreg:$0x12];
	[sflag:s14] =	ssyncadd.s32 $0xFFFFE000  }
0x5d: {  	[tilespmem:s13], [sflag:$0x7] =	stream.linear.gather [spmem:s8], $0x2000, $0x38;
	v63 =	vld [tilespmem:$0x0]  }
0x5e: {  	_ =	swait.ge [sflag:s14], $0x2000  }
0x5f: {  	[sflag:s14] =	ssyncset.done $0x0  }
0x60: {  	s11 =	rddreg [dreg:$0x7];
	[sflag:s14] =	ssyncadd.s32 $0xFFFFE000  }
0x61: {  	[hbm4b:s11+s2] =	stream.linear.scatter [tilespmem:s13], [sflag:$0x7], $0x2000, $0x38;
	v63 =	vld [tilespmem:$0x0]  }
0x62: {  	_ =	swait.ge [sflag:s14], $0x2000  }
0x63: {  	[sflag:s14] =	ssyncset.done $0x0  }
0x64: {  	s10 =	rddreg [dreg:$0x13];
	[sflag:s14] =	ssyncadd.s32 $0xFFFFE000  }
0x65: {  	[tilespmem:s13], [sflag:$0x7] =	stream.linear.gather [spmem:s10], $0x2000, $0x38;
	v63 =	vld [tilespmem:$0x0]  }
0x66: {  	_ =	swait.ge [sflag:s14], $0x2000  }
0x67: {  	[sflag:s14] =	ssyncset.done $0x0  }
0x68: {  	s20 =	rddreg [dreg:$0x8];
	[sflag:s14] =	ssyncadd.s32 $0xFFFFE000  }
0x69: {  	[hbm4b:s20+s2] =	stream.linear.scatter [tilespmem:s13], [sflag:$0x7], $0x2000, $0x38;
	v63 =	vld [tilespmem:$0x0]  }
0x6a: {  	_ =	swait.ge [sflag:s14], $0x2000  }
0x6b: {  	[sflag:s14] =	ssyncset.done $0x0  }
0x6c: {  	s11 =	rddreg [dreg:$0x14];
	[sflag:s14] =	ssyncadd.s32 $0xFFFFE000  }
0x6d: {  	[tilespmem:s13], [sflag:$0x7] =	stream.linear.gather [spmem:s11], $0x2000, $0x38;
	v63 =	vld [tilespmem:$0x0]  }
0x6e: {  	_ =	swait.ge [sflag:s14], $0x2000  }
0x6f: {  	[sflag:s14] =	ssyncset.done $0x0  }
0x70: {  	s21 =	rddreg [dreg:$0x9];
	[sflag:s14] =	ssyncadd.s32 $0xFFFFE000  }
0x71: {  	[hbm4b:s21+s2] =	stream.linear.scatter [tilespmem:s13], [sflag:$0x7], $0x2000, $0x38;
	v63 =	vld [tilespmem:$0x0]  }
0x72: {  	_ =	swait.ge [sflag:s14], $0x2000  }
0x73: {  	[sflag:s14] =	ssyncset.done $0x0  }
0x74: {  	s25 =	rddreg [dreg:$0x15];
	[sflag:s14] =	ssyncadd.s32 $0xFFFFE000  }
0x75: {  	[tilespmem:s13], [sflag:$0x7] =	stream.linear.gather [spmem:s25], $0x2000, $0x38;
	v63 =	vld [tilespmem:$0x0]  }
0x76: {  	_ =	swait.ge [sflag:s14], $0x2000  }
0x77: {  	[sflag:s14] =	ssyncset.done $0x0  }
0x78: {  	s26 =	rddreg [dreg:$0xa];
	[sflag:s14] =	ssyncadd.s32 $0xFFFFE000  }
0x79: {  	[hbm4b:s26+s2] =	stream.linear.scatter [tilespmem:s13], [sflag:$0x7], $0x2000, $0x38;
	v63 =	vld [tilespmem:$0x0]  }
0x7a: {  	_ =	swait.ge [sflag:s14], $0x2000  }
0x7b: {  	[sflag:s14] =	ssyncset.done $0x0  }
0x7c: {  	s3 =	rddreg [dreg:$0x16];
	[sflag:s14] =	ssyncadd.s32 $0xFFFFE000  }
0x7d: {  	[tilespmem:s13], [sflag:$0x7] =	stream.linear.gather [spmem:s3], $0x2000, $0x38;
	v63 =	vld [tilespmem:$0x0]  }
0x7e: {  	_ =	swait.ge [sflag:s14], $0x2000  }
0x7f: {  	[sflag:s14] =	ssyncset.done $0x0  }
0x80: {  	s4 =	rddreg [dreg:$0xb];
	[sflag:s14] =	ssyncadd.s32 $0xFFFFE000  }
0x81: {  	[hbm4b:s4+s2] =	stream.linear.scatter [tilespmem:s13], [sflag:$0x7], $0x2000, $0x38;
	v63 =	vld [tilespmem:$0x0]  }
0x82: {  	_ =	swait.ge [sflag:s14], $0x2000  }
0x83: {  	[sflag:s14] =	ssyncset.done $0x0  }
0x84: {  	s9 =	rddreg [dreg:$0x17];
	[sflag:s14] =	ssyncadd.s32 $0xFFFFE000  }
0x85: {  	[tilespmem:s13], [sflag:$0x7] =	stream.linear.gather [spmem:s9], $0x2000, $0x38;
	v63 =	vld [tilespmem:$0x0]  }
0x86: {  	_ =	swait.ge [sflag:s14], $0x2000  }
0x87: {  	[sflag:s14] =	ssyncset.done $0x0  }
0x88: {  	s20 =	rddreg [dreg:$0xc];
	[sflag:s14] =	ssyncadd.s32 $0xFFFFE000  }
0x89: {  	[hbm4b:s20+s2] =	stream.linear.scatter [tilespmem:s13], [sflag:$0x7], $0x2000, $0x38;
	v63 =	vld [tilespmem:$0x0]  }
0x8a: {  	_ =	swait.ge [sflag:s14], $0x2000  }
0x8b: {  	[sflag:s14] =	ssyncset.done $0x0  }
0x8c: {  	s21 =	rddreg [dreg:$0x18];
	[sflag:s14] =	ssyncadd.s32 $0xFFFFE000  }
0x8d: {  	[tilespmem:s13], [sflag:$0x7] =	stream.linear.gather [spmem:s21], $0x1C00, $0x38;
	v63 =	vld [tilespmem:$0x0]  }
0x8e: {  	_ =	swait.ge [sflag:s14], $0x1C00  }
0x8f: {  	[sflag:s14] =	ssyncset.done $0x0  }
0x90: {  	s25 =	rddreg [dreg:$0xd];
	[sflag:s14] =	ssyncadd.s32 $0xFFFFE400  }
0x91: {  	[hbm4b:s25+s2] =	stream.linear.scatter [tilespmem:s13], [sflag:$0x7], $0x1C00, $0x38;
	v63 =	vld [tilespmem:$0x0]  }
0x92: {  	_ =	swait.ge [sflag:s14], $0x1C00  }
0x93: {  	s3 =	sld [smem:$0x7F9]  }
0x94: {  	s26 =	sld [smem:$0x7FA];
	_ =	sdelay $0x1  }
0x95: {  	s3 =	sadd.s32 $0x1, s3  }
0x96: {  	p0 =	sne.s32 s3, s26  }
.Ltmp1:
0x97: {  	_ = 	snop;
	(pc) =	sbr.rel @!p0 .LBB2_22-.Ltmp1, $3  }
0x98: {  	_ =	sdelay $0x1  }
0x99: {  	[sflag:s14] =	ssyncset.done $0x0  }
0x9a: {  	[sflag:s14] =	ssyncadd.s32 $0xFFFFE400  }
.LBB2_1:
0x9b: {  	[smem:$0x7F9] =	sst s3;
	s0 =	simm.s32 $0x0;
	s3 =	simm.s32 $0x200  }
.LBB2_2:
0x9c: {  	p0 =	sne.s32 s3, $0x7E00;
	[tilespmem:s0+$0x470] =	vst v0  }
0x9d: {  	[tilespmem:s0+$0x400] =	vst v0  }
0x9e: {  	[tilespmem:s0+$0x410] =	vst v0  }
.Ltmp2:
0x9f: {  	[tilespmem:s0+$0x420] =	vst v0;
	(pc) =	sbr.rel @p0 .LBB2_2-.Ltmp2, $4  }
0xa0: {  	[tilespmem:s0+$0x430] =	vst v0  }
0xa1: {  	[tilespmem:s0+$0x440] =	vst v0  }
0xa2: {  	[tilespmem:s0+$0x450] =	vst v0  }
0xa3: {  	[tilespmem:s0+$0x460] =	vst v0;
	s0 =	sshra.s32 s3, $0x2;
	s3 =	sadd.s32 $0x200, s3  }
0xa4: {  	[tilespmem:s0+$0x470] =	vst v0  }
0xa5: {  	[tilespmem:s0+$0x400] =	vst v0  }
0xa6: {  	[tilespmem:s0+$0x410] =	vst v0  }
0xa7: {  	[tilespmem:s0+$0x420] =	vst v0  }
0xa8: {  	[tilespmem:s0+$0x430] =	vst v0  }
0xa9: {  	[tilespmem:s0+$0x440] =	vst v0  }
0xaa: {  	[tilespmem:s0+$0x450] =	vst v0  }
0xab: {  	[tilespmem:s0+$0x460] =	vst v0;
	s3 =	rddreg [dreg:$0xf]  }
0xac: {  	[spmem:s3] =	stream.linear.scatter [tilespmem:s13], [sflag:$0x7], $0x2000, $0x38;
	v63 =	vld [tilespmem:$0x0]  }
0xad: {  	_ =	swait.ge [sflag:s14], $0x2000  }
0xae: {  	[sflag:s14] =	ssyncset.done $0x0  }
0xaf: {  	s4 =	rddreg [dreg:$0x10];
	[sflag:s14] =	ssyncadd.s32 $0xFFFFE000  }
0xb0: {  	[spmem:s4] =	stream.linear.scatter [tilespmem:s13], [sflag:$0x7], $0x2000, $0x38;
	v63 =	vld [tilespmem:$0x0]  }
0xb1: {  	_ =	swait.ge [sflag:s14], $0x2000  }
0xb2: {  	[sflag:s14] =	ssyncset.done $0x0  }
0xb3: {  	[sflag:s14] =	ssyncadd.s32 $0xFFFFE000  }
0xb4: {  	[spmem:s7] =	stream.linear.scatter [tilespmem:s13], [sflag:$0x7], $0x2000, $0x38;
	v63 =	vld [tilespmem:$0x0]  }
0xb5: {  	_ =	swait.ge [sflag:s14], $0x2000  }
0xb6: {  	[sflag:s14] =	ssyncset.done $0x0  }
0xb7: {  	[sflag:s14] =	ssyncadd.s32 $0xFFFFE000  }
0xb8: {  	[spmem:s8] =	stream.linear.scatter [tilespmem:s13], [sflag:$0x7], $0x2000, $0x38;
	v63 =	vld [tilespmem:$0x0]  }
0xb9: {  	_ =	swait.ge [sflag:s14], $0x2000  }
0xba: {  	[sflag:s14] =	ssyncset.done $0x0  }
0xbb: {  	[sflag:s14] =	ssyncadd.s32 $0xFFFFE000  }
0xbc: {  	[spmem:s10] =	stream.linear.scatter [tilespmem:s13], [sflag:$0x7], $0x2000, $0x38;
	v63 =	vld [tilespmem:$0x0]  }
0xbd: {  	_ =	swait.ge [sflag:s14], $0x2000  }
0xbe: {  	[sflag:s14] =	ssyncset.done $0x0  }
0xbf: {  	[sflag:s14] =	ssyncadd.s32 $0xFFFFE000  }
0xc0: {  	[spmem:s11] =	stream.linear.scatter [tilespmem:s13], [sflag:$0x7], $0x2000, $0x38;
	v63 =	vld [tilespmem:$0x0]  }
0xc1: {  	_ =	swait.ge [sflag:s14], $0x2000  }
0xc2: {  	[sflag:s14] =	ssyncset.done $0x0  }
0xc3: {  	s9 =	rddreg [dreg:$0x15];
	[sflag:s14] =	ssyncadd.s32 $0xFFFFE000  }
0xc4: {  	[spmem:s9] =	stream.linear.scatter [tilespmem:s13], [sflag:$0x7], $0x2000, $0x38;
	v63 =	vld [tilespmem:$0x0]  }
0xc5: {  	_ =	swait.ge [sflag:s14], $0x2000  }
0xc6: {  	[sflag:s14] =	ssyncset.done $0x0  }
0xc7: {  	s10 =	rddreg [dreg:$0x16];
	[sflag:s14] =	ssyncadd.s32 $0xFFFFE000  }
0xc8: {  	[spmem:s10] =	stream.linear.scatter [tilespmem:s13], [sflag:$0x7], $0x2000, $0x38;
	v63 =	vld [tilespmem:$0x0]  }
0xc9: {  	_ =	swait.ge [sflag:s14], $0x2000  }
0xca: {  	[sflag:s14] =	ssyncset.done $0x0  }
0xcb: {  	s11 =	rddreg [dreg:$0x17];
	[sflag:s14] =	ssyncadd.s32 $0xFFFFE000  }
0xcc: {  	[spmem:s11] =	stream.linear.scatter [tilespmem:s13], [sflag:$0x7], $0x2000, $0x38;
	v63 =	vld [tilespmem:$0x0]  }
0xcd: {  	_ =	swait.ge [sflag:s14], $0x2000  }
0xce: {  	[sflag:s14] =	ssyncset.done $0x0  }
0xcf: {  	s20 =	rddreg [dreg:$0x18];
	[sflag:s14] =	ssyncadd.s32 $0xFFFFE000  }
0xd0: {  	[spmem:s20] =	stream.linear.scatter [tilespmem:s13], [sflag:$0x7], $0x1C00, $0x38;
	v63 =	vld [tilespmem:$0x0]  }
0xd1: {  	_ =	swait.ge [sflag:s14], $0x1C00  }
0xd2: {  	[sflag:s14] =	ssyncset.done $0x0  }
0xd3: {  	[sflag:s14] =	ssyncadd.s32 $0xFFFFE400  }
0xd4: {  	[bflag:$0x0] =	sbarrier.arrive $0xFFFF  }
0xd5: {  	s8 =	simm.s32 $0x0;
	s21 =	rddreg [dreg:$0x1b]  }
0xd6: {  	[tilespmem:s8], [sflag:$0x1] =	stream.linear.gather [hbm4b:s21+s8], $0x40, $0x38;
	v63 =	vld [tilespmem:$0x0]  }
0xd7: {  	s25 =	rddreg [dreg:$0x1c]  }
0xd8: {  	[tilespmem:s31], [sflag:$0x1] =	stream.linear.gather [hbm4b:s25+s8], $0x40, $0x38;
	v63 =	vld [tilespmem:$0x0]  }
0xd9: {  	s3 =	simm.s32 $0x100;
	s26 =	rddreg [dreg:$0x19]  }
0xda: {  	[tilespmem:s3], [sflag:$0x2] =	stream.linear.gather [hbm4b:s26+s8], $0x40, $0x38;
	v63 =	vld [tilespmem:$0x0]  }
0xdb: {  	s7 =	simm.s32 $0x180;
	s4 =	rddreg [dreg:$0x1a]  }
0xdc: {  	[tilespmem:s7], [sflag:$0x2] =	stream.linear.gather [hbm4b:s4+s8], $0x40, $0x38;
	v63 =	vld [tilespmem:$0x0]  }
0xdd: {  	s10 =	simm.s32 $0x200;
	s9 =	rddreg [dreg:$0x1d]  }
0xde: {  	[tilespmem:s10], [sflag:$0x3] =	stream.linear.gather [hbm4b:s9+s8], $0x40, $0x38;
	v63 =	vld [tilespmem:$0x0]  }
0xdf: {  	s20 =	simm.s32 $0x280;
	s11 =	rddreg [dreg:$0x1e]  }
0xe0: {  	[tilespmem:s20], [sflag:$0x3] =	stream.linear.gather [hbm4b:s11+s8], $0x40, $0x38;
	v63 =	vld [tilespmem:$0x0]  }
0xe1: {  	_ =	swait.ge [sflag:s5], $0x40  }
0xe2: {  	[sflag:s5] =	ssyncset.done $0x0  }
0xe3: {  	[sflag:s5] =	ssyncadd.s32 $0xFFFFFFC0  }
0xe4: {  	_ =	swait.ge [sflag:s5], $0x40  }
0xe5: {  	[sflag:s5] =	ssyncset.done $0x0  }
0xe6: {  	[sflag:s5] =	ssyncadd.s32 $0xFFFFFFC0  }
0xe7: {  	[tilespmem:s13], [sflag:$0x5] =	stream.indirect.gather [hbm4b:s1+s6], $0x80, s8, s6, $0xb8;
	v63 =	vld [tilespmem:$0x0]  }
.Ltmp3:
0xe8: {  	_ = 	snop;
	(pc) =	sbr.rel .LBB2_4-.Ltmp3, $4  }
0xe9: {  	s21 =	simm.s32 $0x2400  }
0xea: {  	[tilespmem:s21], [sflag:$0x5] =	stream.indirect.gather [hbm4b:s15+s6], $0x80, s31, s6, $0xb8;
	v63 =	vld [tilespmem:$0x0]  }
0xeb: {  	s26 =	simm.s32 $0x4400;
	s25 =	rddreg [dreg:$0x1f]  }
0xec: {  	[tilespmem:s26], [sflag:$0x5] =	stream.linear.gather [hbm4b:s25+s8], $0x2000, $0x38;
	v63 =	vld [tilespmem:$0x0]  }
.LBB2_20:
0xed: {  	s8 =	sadd.s32 $0x1, s8  }
0xee: {  	p0 =	sne.s32 s8, $0x28  }
.Ltmp4:
0xef: {  	_ = 	snop;
	(pc) =	sbr.rel @!p0 .LBB2_21-.Ltmp4, $1  }
0xf0: {  	_ =	sdelay $0x3  }
.LBB2_4:
0xf1: {  	s10 =	sshll.u32 s8, $0x7;
	s0 =	rddreg [dreg:$0xe]  }
0xf2: {  	s26 =	sor.u32 s0, s10  }
0xf3: {  	s9 =	sor.u32 $0x60, s26  }
0xf4: {  	s21 =	smin.u32 s9, $0x1387  }
0xf5: {  	s20 =	sshll.u32 s21, $0x3  }
0xf6: {  	s4 =	simm.s32 $0x300;
	s3 =	sadd.s32 s17, s20  }
0xf7: {  	[tilespmem:s4], [sflag:$0x4] =	stream.linear.gather [hbm4b:s3+s2], $0x40, $0x38;
	v63 =	vld [tilespmem:$0x0]  }
0xf8: {  	s25 =	simm.s32 $0x380;
	s0 =	sadd.s32 s18, s20  }
0xf9: {  	[tilespmem:s25], [sflag:$0x4] =	stream.linear.gather [hbm4b:s0+s2], $0x40, $0x38;
	v63 =	vld [tilespmem:$0x0]  }
0xfa: {  	_ =	swait.ge [sflag:s23], $0x40  }
0xfb: {  	[sflag:s23] =	ssyncset.done $0x0  }
0xfc: {  	[sflag:s23] =	ssyncadd.s32 $0xFFFFFFC0  }
0xfd: {  	_ =	swait.ge [sflag:s23], $0x40  }
0xfe: {  	s11 =	sor.u32 $0x20, s26;
	[sflag:s23] =	ssyncset.done $0x0  }
0xff: {  	s20 =	smin.u32 s11, $0x1387;
	s3 =	simm.s32 $0x100;
	[sflag:s23] =	ssyncadd.s32 $0xFFFFFFC0  }
0x100: {  	[tilespmem:s24], [sflag:$0x6] =	stream.indirect.gather [hbm4b:s1+s6], $0x80, s3, s6, $0xb8;
	v63 =	vld [tilespmem:$0x0]  }
0x101: {  	s7 =	simm.s32 $0x8400;
	s4 =	simm.s32 $0x180;
	s0 =	sshll.u32 s20, $0xA  }
0x102: {  	[tilespmem:s7], [sflag:$0x6] =	stream.indirect.gather [hbm4b:s15+s6], $0x80, s4, s6, $0xb8;
	v63 =	vld [tilespmem:$0x0]  }
0x103: {  	s25 =	simm.s32 $0xA400;
	s0 =	sadd.s32 s16, s0  }
0x104: {  	[tilespmem:s25], [sflag:$0x6] =	stream.linear.gather [hbm4b:s0+s2], $0x2000, $0x38;
	v63 =	vld [tilespmem:$0x0]  }
0x105: {  	_ =	swait.ge [sflag:s28], $0x2000  }
0x106: {  	[sflag:s28] =	ssyncset.done $0x0  }
0x107: {  	[sflag:s28] =	ssyncadd.s32 $0xFFFFE000  }
0x108: {  	p0 =	sgt.u32 s26, $0x1387;
	_ =	swait.ge [sflag:s28], $0x2000  }
.Ltmp5:
0x109: {  	[sflag:s28] =	ssyncset.done $0x0;
	(pc) =	sbr.rel @p0 .LBB2_8-.Ltmp5, $4  }
0x10a: {  	[sflag:s28] =	ssyncadd.s32 $0xFFFFE000  }
0x10b: {  	_ =	swait.ge [sflag:s28], $0x2000  }
0x10c: {  	[sflag:s28] =	ssyncset.done $0x0  }
0x10d: {  	[sflag:s28] =	ssyncadd.s32 $0xFFFFE000  }
0x10e: {  	s25 =	simm.s32 $0x500  }
0x10f: {  	s0 =	simm.s32 $0x2500;
	v1 =	vld [tilespmem:s25+$0x80]  }
0x110: {  	s22 =	simm.s32 $0x4500;
	v2 =	vld [tilespmem:s0+$0x80]  }
0x111: {  	v3 =	vld [tilespmem:s22+$0x80]  }
0x112: {  	v4 =	vld [tilespmem:s22+$0xFFFFFF00]  }
0x113: {  	v6 =	vld [tilespmem:s25+$0xFFFFFF80]  }
0x114: {  	v8 =	vld [tilespmem:s0+$0xFFFFFF80]  }
0x115: {  	s3 =	simm.s32 $0x700;
	v9 =	vld [tilespmem:s0+$0x0]  }
0x116: {  	s7 =	simm.s32 $0x2700;
	v13 =	vld [tilespmem:s3+$0x80]  }
0x117: {  	v14 =	vld [tilespmem:s7+$0x80]  }
0x118: {  	v16 =	vld [tilespmem:s3+$0xFFFFFF80];
	v1 =	vadd.f32 v2, v1  }
0x119: {  	v17 =	vld [tilespmem:s7+$0xFFFFFF80]  }
0x11a: {  	v2 =	vld [tilespmem:s0+$0xFFFFFF00];
	v1 =	vadd.f32 v3, v1  }
0x11b: {  	s20 =	simm.s32 $0x4700;
	v3 =	vld [tilespmem:s25+$0xFFFFFF00]  }
0x11c: {  	v18 =	vld [tilespmem:s20+$0x0];
	v1 =	vmax.f32 v1, $0.0e+00  }
0x11d: {  	[tilespmem:s25+$0x80] =	vst v1;
	v1 =	vld [tilespmem:s25+$0x90]  }
0x11e: {  	v5 =	vld [tilespmem:s0+$0x90]  }
0x11f: {  	v7 =	vld [tilespmem:s22+$0x90]  }
0x120: {  	v2 =	vadd.f32 v2, v3;
	v3 =	vld [tilespmem:s25+$0x0]  }
0x121: {  	v19 =	vld [tilespmem:s3+$0xFFFFFF90]  }
0x122: {  	v37 =	vld [tilespmem:s3+$0x10]  }
0x123: {  	v2 =	vadd.f32 v4, v2;
	v4 =	vld [tilespmem:s22+$0xFFFFFF80];
	v1 =	vadd.f32 v5, v1  }
0x124: {  	v5 =	vld [tilespmem:s25+$0xFFFFFF10]  }
0x125: {  	v2 =	vmax.f32 v2, $0.0e+00;
	v3 =	vadd.f32 v9, v3;
	v9 =	vld [tilespmem:s25+$0x10];
	v1 =	vadd.f32 v7, v1  }
0x126: {  	[tilespmem:s25+$0xFFFFFF00] =	vst v2;
	v7 =	vld [tilespmem:s22+$0x0]  }
0x127: {  	v2 =	vld [tilespmem:s0+$0xFFFFFF10];
	v1 =	vmax.f32 v1, $0.0e+00  }
0x128: {  	v10 =	vld [tilespmem:s22+$0xFFFFFF10];
	[tilespmem:s25+$0x90] =	vst v1;
	v1 =	vadd.f32 v8, v6  }
0x129: {  	v6 =	vld [tilespmem:s25+$0xA0]  }
0x12a: {  	v8 =	vld [tilespmem:s0+$0xA0];
	v1 =	vadd.f32 v4, v1  }
0x12b: {  	v4 =	vld [tilespmem:s25+$0xFFFFFF90];
	v3 =	vadd.f32 v7, v3  }
0x12c: {  	v7 =	vld [tilespmem:s22+$0xA0];
	v2 =	vadd.f32 v2, v5;
	v1 =	vmax.f32 v1, $0.0e+00  }
0x12d: {  	v5 =	vld [tilespmem:s25+$0xFFFFFF20];
	[tilespmem:s25+$0xFFFFFF80] =	vst v1;
	v1 =	vmax.f32 v3, $0.0e+00  }
0x12e: {  	v3 =	vld [tilespmem:s0+$0xFFFFFF90];
	[tilespmem:s25+$0x0] =	vst v1;
	v1 =	vadd.f32 v10, v2  }
0x12f: {  	v2 =	vadd.f32 v8, v6;
	v8 =	vld [tilespmem:s22+$0xFFFFFF90]  }
0x130: {  	v6 =	vld [tilespmem:s0+$0x10];
	v1 =	vmax.f32 v1, $0.0e+00  }
0x131: {  	v2 =	vadd.f32 v7, v2;
	v7 =	vld [tilespmem:s22+$0x10];
	[tilespmem:s25+$0xFFFFFF10] =	vst v1  }
0x132: {  	v1 =	vld [tilespmem:s0+$0xFFFFFF20]  }
0x133: {  	v2 =	vmax.f32 v2, $0.0e+00;
	v10 =	vld [tilespmem:s22+$0xFFFFFF20]  }
0x134: {  	[tilespmem:s25+$0xA0] =	vst v2;
	v2 =	vadd.f32 v3, v4;
	v3 =	vld [tilespmem:s25+$0xB0]  }
0x135: {  	v4 =	vadd.f32 v6, v9;
	v6 =	vld [tilespmem:s0+$0xB0]  }
0x136: {  	v9 =	vld [tilespmem:s25+$0xFFFFFFA0];
	v2 =	vadd.f32 v8, v2  }
0x137: {  	v8 =	vld [tilespmem:s25+$0x20]  }
0x138: {  	v4 =	vadd.f32 v7, v4;
	v7 =	vld [tilespmem:s22+$0xB0];
	v2 =	vmax.f32 v2, $0.0e+00;
	v1 =	vadd.f32 v1, v5  }
0x139: {  	v5 =	vld [tilespmem:s25+$0xFFFFFF30];
	[tilespmem:s25+$0xFFFFFF90] =	vst v2  }
0x13a: {  	v2 =	vmax.f32 v4, $0.0e+00;
	v4 =	vld [tilespmem:s0+$0xFFFFFFA0];
	v1 =	vadd.f32 v10, v1  }
0x13b: {  	[tilespmem:s25+$0x10] =	vst v2;
	v2 =	vadd.f32 v6, v3;
	v6 =	vld [tilespmem:s22+$0xFFFFFFA0]  }
0x13c: {  	v3 =	vld [tilespmem:s0+$0x20];
	v1 =	vmax.f32 v1, $0.0e+00  }
0x13d: {  	v2 =	vadd.f32 v7, v2;
	v7 =	vld [tilespmem:s22+$0x20];
	[tilespmem:s25+$0xFFFFFF20] =	vst v1  }
0x13e: {  	v1 =	vld [tilespmem:s0+$0xFFFFFF30]  }
0x13f: {  	v2 =	vmax.f32 v2, $0.0e+00;
	v10 =	vld [tilespmem:s22+$0xFFFFFF30]  }
0x140: {  	[tilespmem:s25+$0xB0] =	vst v2;
	v2 =	vadd.f32 v4, v9;
	v4 =	vld [tilespmem:s25+$0xC0]  }
0x141: {  	v9 =	vld [tilespmem:s25+$0xFFFFFFB0];
	v3 =	vadd.f32 v3, v8  }
0x142: {  	v8 =	vld [tilespmem:s0+$0xC0];
	v2 =	vadd.f32 v6, v2  }
0x143: {  	v6 =	vld [tilespmem:s22+$0xC0];
	v3 =	vadd.f32 v7, v3  }
0x144: {  	v7 =	vld [tilespmem:s25+$0x30];
	v2 =	vmax.f32 v2, $0.0e+00;
	v1 =	vadd.f32 v1, v5  }
0x145: {  	v5 =	vld [tilespmem:s25+$0xFFFFFF40];
	[tilespmem:s25+$0xFFFFFFA0] =	vst v2;
	v2 =	vmax.f32 v3, $0.0e+00  }
0x146: {  	[tilespmem:s25+$0x20] =	vst v2;
	v1 =	vadd.f32 v10, v1;
	v2 =	vld [tilespmem:s0+$0xFFFFFFB0]  }
0x147: {  	v3 =	vadd.f32 v8, v4;
	v4 =	vld [tilespmem:s0+$0x30]  }
0x148: {  	v8 =	vld [tilespmem:s22+$0xFFFFFFB0];
	v1 =	vmax.f32 v1, $0.0e+00  }
0x149: {  	v3 =	vadd.f32 v6, v3;
	[tilespmem:s25+$0xFFFFFF30] =	vst v1;
	v1 =	vld [tilespmem:s22+$0x30]  }
0x14a: {  	v6 =	vld [tilespmem:s0+$0xFFFFFF40]  }
0x14b: {  	v3 =	vmax.f32 v3, $0.0e+00;
	v10 =	vld [tilespmem:s22+$0xFFFFFF40];
	v2 =	vadd.f32 v2, v9  }
0x14c: {  	[tilespmem:s25+$0xC0] =	vst v3;
	v3 =	vadd.f32 v4, v7;
	v4 =	vld [tilespmem:s25+$0xD0]  }
0x14d: {  	v7 =	vld [tilespmem:s0+$0xD0];
	v2 =	vadd.f32 v8, v2  }
0x14e: {  	v9 =	vld [tilespmem:s25+$0xFFFFFFC0]  }
0x14f: {  	v1 =	vadd.f32 v1, v3;
	v3 =	vld [tilespmem:s22+$0xD0];
	v2 =	vmax.f32 v2, $0.0e+00  }
0x150: {  	v8 =	vld [tilespmem:s25+$0x40];
	[tilespmem:s25+$0xFFFFFFB0] =	vst v2  }
0x151: {  	v1 =	vmax.f32 v1, $0.0e+00;
	v2 =	vld [tilespmem:s0+$0xFFFFFFC0]  }
0x152: {  	[tilespmem:s25+$0x30] =	vst v1;
	v4 =	vadd.f32 v7, v4;
	v7 =	vld [tilespmem:s22+$0xFFFFFFC0]  }
0x153: {  	v5 =	vadd.f32 v6, v5;
	v1 =	vld [tilespmem:s0+$0x40]  }
0x154: {  	v6 =	vld [tilespmem:s22+$0x40];
	v3 =	vadd.f32 v3, v4  }
0x155: {  	v5 =	vadd.f32 v10, v5;
	v4 =	vld [tilespmem:s25+$0xFFFFFF50]  }
0x156: {  	v3 =	vmax.f32 v3, $0.0e+00;
	v2 =	vadd.f32 v2, v9;
	v9 =	vld [tilespmem:s25+$0xFFFFFFD0]  }
0x157: {  	[tilespmem:s25+$0xD0] =	vst v3;
	v3 =	vmax.f32 v5, $0.0e+00;
	v5 =	vld [tilespmem:s25+$0xE0]  }
0x158: {  	v1 =	vadd.f32 v1, v8;
	v8 =	vld [tilespmem:s25+$0x50];
	v2 =	vadd.f32 v7, v2  }
0x159: {  	[tilespmem:s25+$0xFFFFFF40] =	vst v3;
	v3 =	vld [tilespmem:s0+$0xE0]  }
0x15a: {  	v1 =	vadd.f32 v6, v1;
	v6 =	vld [tilespmem:s0+$0xFFFFFF50];
	v2 =	vmax.f32 v2, $0.0e+00  }
0x15b: {  	[tilespmem:s25+$0xFFFFFFC0] =	vst v2;
	v2 =	vld [tilespmem:s22+$0xE0]  }
0x15c: {  	v10 =	vld [tilespmem:s22+$0xFFFFFF50];
	v1 =	vmax.f32 v1, $0.0e+00  }
0x15d: {  	v7 =	vld [tilespmem:s0+$0xFFFFFFD0];
	[tilespmem:s25+$0x40] =	vst v1  }
0x15e: {  	v3 =	vadd.f32 v3, v5;
	v1 =	vld [tilespmem:s0+$0x50]  }
0x15f: {  	v5 =	vld [tilespmem:s22+$0xFFFFFFD0]  }
0x160: {  	v11 =	vld [tilespmem:s22+$0x50];
	v2 =	vadd.f32 v2, v3;
	v3 =	vadd.f32 v6, v4  }
0x161: {  	v41 =	vld [tilespmem:s3+$0xFFFFFFA0]  }
0x162: {  	v42 =	vld [tilespmem:s3+$0x20];
	v6 =	vadd.f32 v7, v9;
	v3 =	vadd.f32 v10, v3  }
0x163: {  	v4 =	vld [tilespmem:s25+$0xFFFFFF60];
	v8 =	vadd.f32 v1, v8  }
0x164: {  	v7 =	vld [tilespmem:s25+$0xFFFFFFE0];
	v5 =	vadd.f32 v5, v6;
	v3 =	vmax.f32 v3, $0.0e+00  }
0x165: {  	v6 =	vadd.f32 v11, v8;
	v8 =	vld [tilespmem:s25+$0x60];
	[tilespmem:s25+$0xFFFFFF50] =	vst v3  }
0x166: {  	v3 =	vmax.f32 v5, $0.0e+00;
	v5 =	vld [tilespmem:s0+$0xFFFFFF60]  }
0x167: {  	[tilespmem:s25+$0xFFFFFFD0] =	vst v3;
	v3 =	vmax.f32 v6, $0.0e+00;
	v10 =	vld [tilespmem:s22+$0xFFFFFF60]  }
0x168: {  	v6 =	vld [tilespmem:s0+$0xFFFFFFE0];
	[tilespmem:s25+$0x50] =	vst v3  }
0x169: {  	v3 =	vld [tilespmem:s0+$0x60]  }
0x16a: {  	v11 =	vld [tilespmem:s22+$0xFFFFFFE0]  }
0x16b: {  	v12 =	vld [tilespmem:s22+$0x60];
	v4 =	vadd.f32 v5, v4  }
0x16c: {  	v46 =	vld [tilespmem:s3+$0xFFFFFFB0]  }
0x16d: {  	v6 =	vadd.f32 v6, v7;
	v7 =	vadd.f32 v10, v4;
	v10 =	vld [tilespmem:s20+$0x80]  }
0x16e: {  	v47 =	vld [tilespmem:s3+$0x30];
	v3 =	vadd.f32 v3, v8  }
0x16f: {  	v50 =	vld [tilespmem:s3+$0xFFFFFFC0];
	v6 =	vadd.f32 v11, v6  }
0x170: {  	v53 =	vld [tilespmem:s3+$0xFFFFFF50];
	v11 =	vadd.f32 v12, v3;
	v12 =	vadd.f32 v14, v13  }
0x171: {  	v54 =	vld [tilespmem:s3+$0xFFFFFFD0]  }
0x172: {  	v14 =	vld [tilespmem:s20+$0xFFFFFF00];
	v6 =	vmax.f32 v6, $0.0e+00;
	v10 =	vadd.f32 v10, v12  }
0x173: {  	[tilespmem:s25+$0xFFFFFFE0] =	vst v6;
	v6 =	vmax.f32 v11, $0.0e+00;
	v11 =	vld [tilespmem:s7+$0xFFFFFF00]  }
0x174: {  	v12 =	vld [tilespmem:s3+$0xFFFFFF00];
	v10 =	vmax.f32 v10, $0.0e+00  }
0x175: {  	[tilespmem:s3+$0x80] =	vst v10;
	v10 =	vld [tilespmem:s3+$0x90]  }
0x176: {  	v13 =	vld [tilespmem:s7+$0x90]  }
0x177: {  	v55 =	vld [tilespmem:s3+$0x50]  }
0x178: {  	v15 =	vld [tilespmem:s20+$0x90]  }
0x179: {  	v57 =	vld [tilespmem:s3+$0xFFFFFF60];
	v11 =	vadd.f32 v11, v12  }
0x17a: {  	v1 =	vld [tilespmem:s25+$0xF0]  }
0x17b: {  	v12 =	vld [tilespmem:s3+$0x0];
	v11 =	vadd.f32 v14, v11;
	v10 =	vadd.f32 v13, v10  }
0x17c: {  	v13 =	vld [tilespmem:s7+$0x0]  }
0x17d: {  	v14 =	vld [tilespmem:s20+$0xFFFFFF80];
	v11 =	vmax.f32 v11, $0.0e+00;
	v10 =	vadd.f32 v15, v10  }
0x17e: {  	[tilespmem:s3+$0xFFFFFF00] =	vst v11;
	v15 =	vld [tilespmem:s3+$0xFFFFFF10]  }
0x17f: {  	v11 =	vld [tilespmem:s7+$0xFFFFFF10];
	v10 =	vmax.f32 v10, $0.0e+00  }
0x180: {  	v16 =	vadd.f32 v17, v16;
	[tilespmem:s3+$0x90] =	vst v10;
	v10 =	vld [tilespmem:s3+$0xA0]  }
0x181: {  	v2 =	vmax.f32 v2, $0.0e+00;
	v12 =	vadd.f32 v13, v12;
	v13 =	vld [tilespmem:s20+$0xFFFFFF10]  }
0x182: {  	[tilespmem:s25+$0xE0] =	vst v2;
	v14 =	vadd.f32 v14, v16;
	v35 =	vld [tilespmem:s7+$0xA0]  }
0x183: {  	v2 =	vld [tilespmem:s0+$0xF0];
	v12 =	vadd.f32 v18, v12  }
0x184: {  	v14 =	vmax.f32 v14, $0.0e+00;
	v36 =	vld [tilespmem:s20+$0xA0];
	v11 =	vadd.f32 v11, v15  }
0x185: {  	[tilespmem:s3+$0xFFFFFF80] =	vst v14;
	v15 =	vld [tilespmem:s3+$0xFFFFFF20];
	v12 =	vmax.f32 v12, $0.0e+00  }
0x186: {  	v14 =	vld [tilespmem:s7+$0xFFFFFF90];
	[tilespmem:s3+$0x0] =	vst v12;
	v11 =	vadd.f32 v13, v11  }
0x187: {  	v10 =	vadd.f32 v35, v10;
	v12 =	vld [tilespmem:s7+$0x10]  }
0x188: {  	v13 =	vld [tilespmem:s20+$0xFFFFFF90];
	v11 =	vmax.f32 v11, $0.0e+00  }
0x189: {  	v38 =	vld [tilespmem:s20+$0x10];
	v10 =	vadd.f32 v36, v10;
	[tilespmem:s3+$0xFFFFFF10] =	vst v11  }
0x18a: {  	v11 =	vld [tilespmem:s7+$0xFFFFFF20]  }
0x18b: {  	v14 =	vadd.f32 v14, v19;
	v40 =	vld [tilespmem:s20+$0xFFFFFF20];
	v10 =	vmax.f32 v10, $0.0e+00  }
0x18c: {  	[tilespmem:s3+$0xA0] =	vst v10;
	v10 =	vld [tilespmem:s3+$0xB0];
	v12 =	vadd.f32 v12, v37  }
0x18d: {  	v13 =	vadd.f32 v13, v14;
	v39 =	vld [tilespmem:s7+$0xB0]  }
0x18e: {  	v9 =	vld [tilespmem:s22+$0xF0];
	v12 =	vadd.f32 v38, v12  }
0x18f: {  	v14 =	vld [tilespmem:s20+$0xB0];
	v13 =	vmax.f32 v13, $0.0e+00;
	v11 =	vadd.f32 v11, v15  }
0x190: {  	[tilespmem:s3+$0xFFFFFF90] =	vst v13;
	v15 =	vld [tilespmem:s3+$0xFFFFFF30];
	v12 =	vmax.f32 v12, $0.0e+00  }
0x191: {  	v13 =	vld [tilespmem:s7+$0xFFFFFFA0];
	[tilespmem:s3+$0x10] =	vst v12;
	v11 =	vadd.f32 v40, v11  }
0x192: {  	v10 =	vadd.f32 v39, v10;
	v12 =	vld [tilespmem:s7+$0x20]  }
0x193: {  	v43 =	vld [tilespmem:s20+$0x20];
	v11 =	vmax.f32 v11, $0.0e+00  }
0x194: {  	v10 =	vadd.f32 v14, v10;
	v14 =	vld [tilespmem:s20+$0xFFFFFFA0];
	[tilespmem:s3+$0xFFFFFF20] =	vst v11  }
0x195: {  	v11 =	vld [tilespmem:s7+$0xFFFFFF30]  }
0x196: {  	v45 =	vld [tilespmem:s20+$0xFFFFFF30];
	v10 =	vmax.f32 v10, $0.0e+00  }
0x197: {  	v13 =	vadd.f32 v13, v41;
	[tilespmem:s3+$0xB0] =	vst v10;
	v10 =	vld [tilespmem:s3+$0xC0]  }
0x198: {  	v12 =	vadd.f32 v12, v42;
	v44 =	vld [tilespmem:s7+$0xC0]  }
0x199: {  	v58 =	vld [tilespmem:s3+$0xFFFFFFE0];
	v13 =	vadd.f32 v14, v13  }
0x19a: {  	v1 =	vadd.f32 v2, v1;
	v14 =	vld [tilespmem:s20+$0xC0];
	v12 =	vadd.f32 v43, v12  }
0x19b: {  	v5 =	vld [tilespmem:s25+$0xFFFFFF70];
	v11 =	vadd.f32 v11, v15;
	v13 =	vmax.f32 v13, $0.0e+00  }
0x19c: {  	v1 =	vadd.f32 v9, v1;
	v9 =	vld [tilespmem:s3+$0xFFFFFFF0];
	v12 =	vmax.f32 v12, $0.0e+00;
	[tilespmem:s3+$0xFFFFFFA0] =	vst v13  }
0x19d: {  	[tilespmem:s3+$0x20] =	vst v12;
	v11 =	vadd.f32 v45, v11;
	v10 =	vadd.f32 v44, v10;
	v12 =	vld [tilespmem:s7+$0xFFFFFFB0]  }
0x19e: {  	v13 =	vld [tilespmem:s7+$0x30]  }
0x19f: {  	v11 =	vmax.f32 v11, $0.0e+00;
	v10 =	vadd.f32 v14, v10;
	v14 =	vld [tilespmem:s20+$0xFFFFFFB0]  }
0x1a0: {  	[tilespmem:s3+$0xFFFFFF30] =	vst v11;
	v11 =	vld [tilespmem:s20+$0x30]  }
0x1a1: {  	v15 =	vld [tilespmem:s3+$0xFFFFFF40];
	v10 =	vmax.f32 v10, $0.0e+00  }
0x1a2: {  	v48 =	vld [tilespmem:s7+$0xFFFFFF40];
	[tilespmem:s3+$0xC0] =	vst v10;
	v10 =	vadd.f32 v12, v46  }
0x1a3: {  	v12 =	vld [tilespmem:s3+$0xD0];
	v13 =	vadd.f32 v13, v47  }
0x1a4: {  	v49 =	vld [tilespmem:s7+$0xD0];
	v10 =	vadd.f32 v14, v10  }
0x1a5: {  	v51 =	vld [tilespmem:s20+$0xFFFFFF40];
	v11 =	vadd.f32 v11, v13  }
0x1a6: {  	v13 =	vld [tilespmem:s20+$0xD0];
	v10 =	vmax.f32 v10, $0.0e+00  }
0x1a7: {  	v14 =	vld [tilespmem:s3+$0x40];
	[tilespmem:s3+$0xFFFFFFB0] =	vst v10;
	v10 =	vmax.f32 v11, $0.0e+00  }
0x1a8: {  	v11 =	vld [tilespmem:s7+$0xFFFFFFC0];
	[tilespmem:s3+$0x30] =	vst v10  }
0x1a9: {  	v10 =	vadd.f32 v49, v12;
	v12 =	vld [tilespmem:s7+$0x40]  }
0x1aa: {  	v52 =	vld [tilespmem:s20+$0xFFFFFFC0]  }
0x1ab: {  	v4 =	vld [tilespmem:s25+$0xFFFFFFF0];
	v10 =	vadd.f32 v13, v10  }
0x1ac: {  	v15 =	vadd.f32 v48, v15;
	v13 =	vld [tilespmem:s20+$0x40]  }
0x1ad: {  	v3 =	vld [tilespmem:s25+$0x70];
	v10 =	vmax.f32 v10, $0.0e+00;
	v11 =	vadd.f32 v11, v50  }
0x1ae: {  	v7 =	vmax.f32 v7, $0.0e+00;
	[tilespmem:s3+$0xD0] =	vst v10;
	v10 =	vadd.f32 v51, v15;
	v12 =	vadd.f32 v12, v14;
	v14 =	vld [tilespmem:s3+$0xE0]  }
0x1af: {  	[tilespmem:s25+$0xFFFFFF60] =	vst v7;
	v15 =	vld [tilespmem:s7+$0xE0];
	v11 =	vadd.f32 v52, v11  }
0x1b0: {  	v8 =	vld [tilespmem:s0+$0xFFFFFF70];
	v10 =	vmax.f32 v10, $0.0e+00  }
0x1b1: {  	v12 =	vadd.f32 v13, v12;
	[tilespmem:s3+$0xFFFFFF40] =	vst v10;
	v10 =	vmax.f32 v11, $0.0e+00;
	v11 =	vld [tilespmem:s20+$0xE0]  }
0x1b2: {  	v13 =	vld [tilespmem:s7+$0xFFFFFF50];
	[tilespmem:s3+$0xFFFFFFC0] =	vst v10  }
0x1b3: {  	v10 =	vmax.f32 v12, $0.0e+00;
	v12 =	vld [tilespmem:s7+$0xFFFFFFD0]  }
0x1b4: {  	[tilespmem:s3+$0x40] =	vst v10;
	v14 =	vadd.f32 v15, v14;
	v15 =	vld [tilespmem:s20+$0xFFFFFF50]  }
0x1b5: {  	v10 =	vld [tilespmem:s7+$0x50]  }
0x1b6: {  	v56 =	vld [tilespmem:s20+$0xFFFFFFD0];
	v11 =	vadd.f32 v11, v14  }
0x1b7: {  	v14 =	vld [tilespmem:s20+$0x50];
	v13 =	vadd.f32 v13, v53  }
0x1b8: {  	v62 =	vld [tilespmem:s22+$0xFFFFFF70];
	v11 =	vmax.f32 v11, $0.0e+00  }
0x1b9: {  	v7 =	vld [tilespmem:s0+$0xFFFFFFF0];
	v12 =	vadd.f32 v12, v54;
	[tilespmem:s3+$0xE0] =	vst v11;
	v11 =	vadd.f32 v15, v13  }
0x1ba: {  	v10 =	vadd.f32 v10, v55;
	v13 =	vld [tilespmem:s3+$0xF0]  }
0x1bb: {  	v12 =	vadd.f32 v56, v12;
	v15 =	vld [tilespmem:s7+$0xF0];
	v11 =	vmax.f32 v11, $0.0e+00  }
0x1bc: {  	v10 =	vadd.f32 v14, v10;
	v14 =	vld [tilespmem:s3+$0x60];
	[tilespmem:s3+$0xFFFFFF50] =	vst v11  }
0x1bd: {  	v11 =	vmax.f32 v12, $0.0e+00;
	v12 =	vld [tilespmem:s7+$0xFFFFFF60]  }
0x1be: {  	[tilespmem:s3+$0xFFFFFFD0] =	vst v11;
	v10 =	vmax.f32 v10, $0.0e+00;
	v20 =	vld [tilespmem:s20+$0xFFFFFF60]  }
0x1bf: {  	v60 =	vld [tilespmem:s7+$0xFFFFFFE0];
	[tilespmem:s3+$0x50] =	vst v10  }
0x1c0: {  	v10 =	vld [tilespmem:s7+$0x60]  }
0x1c1: {  	v21 =	vld [tilespmem:s20+$0xFFFFFFE0]  }
0x1c2: {  	v2 =	vld [tilespmem:s20+$0x60]  }
0x1c3: {  	[tilespmem:s25+$0x60] =	vst v6;
	v59 =	vld [tilespmem:s20+$0xF0];
	v12 =	vadd.f32 v12, v57  }
0x1c4: {  	v6 =	vld [tilespmem:s0+$0x70];
	v61 =	vadd.f32 v60, v58  }
0x1c5: {  	v11 =	vld [tilespmem:s3+$0xFFFFFF70];
	v14 =	vadd.f32 v10, v14;
	v12 =	vadd.f32 v20, v12  }
0x1c6: {  	v1 =	vmax.f32 v1, $0.0e+00;
	v13 =	vadd.f32 v15, v13;
	v10 =	vld [tilespmem:s3+$0x70];
	v15 =	vadd.f32 v21, v61  }
0x1c7: {  	[tilespmem:s25+$0xF0] =	vst v1;
	v1 =	vmax.f32 v12, $0.0e+00;
	v2 =	vadd.f32 v2, v14;
	v12 =	vld [tilespmem:s22+$0xFFFFFFF0]  }
0x1c8: {  	v14 =	vadd.f32 v59, v13;
	v13 =	vld [tilespmem:s22+$0x70];
	[tilespmem:s3+$0xFFFFFF60] =	vst v1;
	v1 =	vmax.f32 v15, $0.0e+00  }
0x1c9: {  	v15 =	vadd.f32 v8, v5;
	[tilespmem:s3+$0xFFFFFFE0] =	vst v1;
	v8 =	vld [tilespmem:s7+$0xFFFFFF70];
	v2 =	vmax.f32 v2, $0.0e+00  }
0x1ca: {  	v1 =	vadd.f32 v7, v4;
	v5 =	vmax.f32 v14, $0.0e+00;
	v4 =	vld [tilespmem:s7+$0xFFFFFFF0];
	[tilespmem:s3+$0x60] =	vst v2  }
0x1cb: {  	s4 =	simm.s32 $0x900;
	s0 =	simm.s32 $0x4700;
	s22 =	simm.s32 $0x4;
	v2 =	vadd.f32 v6, v3;
	[tilespmem:s3+$0xF0] =	vst v5;
	v3 =	vadd.f32 v62, v15;
	v5 =	vld [tilespmem:s7+$0x70]  }
.LBB2_6:
0x1cc: {  	v6 =	vld [tilespmem:s4+$0x80];
	s7 =	sadd.s32 $0x200, s7;
	v1 =	vadd.f32 v12, v1  }
0x1cd: {  	s22 =	sadd.s32 $0x4, s22;
	v7 =	vld [tilespmem:s7+$0x80];
	v12 =	vmax.f32 v3, $0.0e+00;
	v2 =	vadd.f32 v13, v2  }
0x1ce: {  	s20 =	sadd.s32 $0x200, s20;
	p0 =	slt.u32 s22, $0x3C;
	v13 =	vld [tilespmem:s7+$0xFFFFFF00];
	v3 =	vadd.f32 v8, v11;
	[tilespmem:s25+$0xFFFFFF70] =	vst v12;
	v8 =	vmax.f32 v1, $0.0e+00  }
0x1cf: {  	v11 =	vld [tilespmem:s20+$0x80];
	v1 =	vadd.f32 v4, v9;
	[tilespmem:s25+$0xFFFFFFF0] =	vst v8;
	v4 =	vmax.f32 v2, $0.0e+00  }
0x1d0: {  	v8 =	vld [tilespmem:s4+$0xFFFFFF80];
	v2 =	vadd.f32 v5, v10;
	[tilespmem:s25+$0x70] =	vst v4;
	s25 =	smov.u32 s3;
	s3 =	smov.u32 s4  }
0x1d1: {  	v4 =	vld [tilespmem:s7+$0xFFFFFF80]  }
0x1d2: {  	v5 =	vld [tilespmem:s4+$0x0];
	v6 =	vadd.f32 v7, v6  }
0x1d3: {  	v7 =	vld [tilespmem:s7+$0x0]  }
0x1d4: {  	v9 =	vld [tilespmem:s4+$0xFFFFFF00];
	v6 =	vadd.f32 v11, v6  }
0x1d5: {  	v10 =	vld [tilespmem:s20+$0xFFFFFF00]  }
0x1d6: {  	v4 =	vadd.f32 v4, v8;
	v8 =	vld [tilespmem:s20+$0xFFFFFF80];
	v6 =	vmax.f32 v6, $0.0e+00  }
0x1d7: {  	[tilespmem:s4+$0x80] =	vst v6;
	v6 =	vld [tilespmem:s4+$0x90]  }
0x1d8: {  	v5 =	vadd.f32 v7, v5;
	v7 =	vld [tilespmem:s7+$0x90]  }
0x1d9: {  	v9 =	vadd.f32 v13, v9;
	v11 =	vld [tilespmem:s20+$0x0]  }
0x1da: {  	v12 =	vld [tilespmem:s20+$0x90]  }
0x1db: {  	v9 =	vadd.f32 v10, v9;
	v10 =	vld [tilespmem:s4+$0xFFFFFF10];
	v4 =	vadd.f32 v8, v4  }
0x1dc: {  	v8 =	vld [tilespmem:s4+$0xFFFFFF90]  }
0x1dd: {  	v9 =	vmax.f32 v9, $0.0e+00;
	v4 =	vmax.f32 v4, $0.0e+00;
	v13 =	vld [tilespmem:s4+$0x10];
	v6 =	vadd.f32 v7, v6  }
0x1de: {  	[tilespmem:s4+$0xFFFFFF00] =	vst v9;
	v7 =	vld [tilespmem:s4+$0xFFFFFF20];
	v5 =	vadd.f32 v11, v5  }
0x1df: {  	v9 =	vld [tilespmem:s7+$0xFFFFFF10];
	[tilespmem:s4+$0xFFFFFF80] =	vst v4;
	v4 =	vadd.f32 v12, v6  }
0x1e0: {  	v6 =	vld [tilespmem:s7+$0xFFFFFF90];
	v5 =	vmax.f32 v5, $0.0e+00  }
0x1e1: {  	v11 =	vld [tilespmem:s20+$0xFFFFFF10];
	[tilespmem:s4+$0x0] =	vst v5;
	v4 =	vmax.f32 v4, $0.0e+00  }
0x1e2: {  	[tilespmem:s4+$0x90] =	vst v4;
	v4 =	vld [tilespmem:s4+$0xA0]  }
0x1e3: {  	v5 =	vld [tilespmem:s7+$0xA0]  }
0x1e4: {  	v9 =	vadd.f32 v9, v10;
	v10 =	vld [tilespmem:s7+$0x10]  }
0x1e5: {  	v6 =	vadd.f32 v6, v8;
	v8 =	vld [tilespmem:s20+$0xA0]  }
0x1e6: {  	v9 =	vadd.f32 v11, v9;
	v11 =	vld [tilespmem:s20+$0xFFFFFF90]  }
0x1e7: {  	v12 =	vld [tilespmem:s20+$0x10]  }
0x1e8: {  	v9 =	vmax.f32 v9, $0.0e+00;
	v14 =	vld [tilespmem:s4+$0xFFFFFFA0];
	v4 =	vadd.f32 v5, v4  }
0x1e9: {  	[tilespmem:s4+$0xFFFFFF10] =	vst v9;
	v5 =	vadd.f32 v10, v13;
	v9 =	vld [tilespmem:s4+$0x20]  }
0x1ea: {  	v10 =	vld [tilespmem:s7+$0xFFFFFF20];
	v4 =	vadd.f32 v8, v4  }
0x1eb: {  	v8 =	vld [tilespmem:s20+$0xFFFFFF20];
	v6 =	vadd.f32 v11, v6  }
0x1ec: {  	v11 =	vld [tilespmem:s4+$0xFFFFFF30];
	v5 =	vadd.f32 v12, v5;
	v4 =	vmax.f32 v4, $0.0e+00  }
0x1ed: {  	v6 =	vmax.f32 v6, $0.0e+00;
	[tilespmem:s4+$0xA0] =	vst v4;
	v4 =	vld [tilespmem:s4+$0xB0]  }
0x1ee: {  	[tilespmem:s4+$0xFFFFFF90] =	vst v6;
	v5 =	vmax.f32 v5, $0.0e+00;
	v6 =	vld [tilespmem:s7+$0xB0]  }
0x1ef: {  	v7 =	vadd.f32 v10, v7;
	v10 =	vld [tilespmem:s7+$0xFFFFFFA0];
	[tilespmem:s4+$0x10] =	vst v5  }
0x1f0: {  	v5 =	vld [tilespmem:s20+$0xB0]  }
0x1f1: {  	v7 =	vadd.f32 v8, v7;
	v8 =	vld [tilespmem:s7+$0x20]  }
0x1f2: {  	v12 =	vld [tilespmem:s20+$0xFFFFFFA0]  }
0x1f3: {  	v7 =	vmax.f32 v7, $0.0e+00;
	v13 =	vld [tilespmem:s20+$0x20];
	v4 =	vadd.f32 v6, v4  }
0x1f4: {  	[tilespmem:s4+$0xFFFFFF20] =	vst v7;
	v6 =	vadd.f32 v10, v14;
	v7 =	vld [tilespmem:s4+$0xFFFFFFB0]  }
0x1f5: {  	v10 =	vld [tilespmem:s7+$0xFFFFFF30];
	v4 =	vadd.f32 v5, v4  }
0x1f6: {  	v5 =	vadd.f32 v8, v9;
	v8 =	vld [tilespmem:s4+$0x30]  }
0x1f7: {  	v9 =	vld [tilespmem:s20+$0xFFFFFF30];
	v6 =	vadd.f32 v12, v6;
	v4 =	vmax.f32 v4, $0.0e+00  }
0x1f8: {  	v5 =	vadd.f32 v13, v5;
	[tilespmem:s4+$0xB0] =	vst v4;
	v4 =	vld [tilespmem:s4+$0xC0]  }
0x1f9: {  	v6 =	vmax.f32 v6, $0.0e+00;
	v12 =	vld [tilespmem:s7+$0xC0]  }
0x1fa: {  	v10 =	vadd.f32 v10, v11;
	v11 =	vld [tilespmem:s4+$0xFFFFFF40];
	[tilespmem:s4+$0xFFFFFFA0] =	vst v6;
	v5 =	vmax.f32 v5, $0.0e+00  }
0x1fb: {  	[tilespmem:s4+$0x20] =	vst v5;
	v5 =	vld [tilespmem:s20+$0xC0]  }
0x1fc: {  	v6 =	vadd.f32 v9, v10;
	v9 =	vld [tilespmem:s7+$0xFFFFFFB0]  }
0x1fd: {  	v10 =	vld [tilespmem:s7+$0x30]  }
0x1fe: {  	v6 =	vmax.f32 v6, $0.0e+00;
	v13 =	vld [tilespmem:s20+$0xFFFFFFB0];
	v4 =	vadd.f32 v12, v4  }
0x1ff: {  	[tilespmem:s4+$0xFFFFFF30] =	vst v6;
	v6 =	vld [tilespmem:s20+$0x30]  }
0x200: {  	v12 =	vld [tilespmem:s7+$0xFFFFFF40];
	v4 =	vadd.f32 v5, v4  }
0x201: {  	v5 =	vadd.f32 v9, v7;
	v7 =	vld [tilespmem:s4+$0xFFFFFFC0]  }
0x202: {  	v8 =	vadd.f32 v10, v8;
	v9 =	vld [tilespmem:s4+$0x40];
	v4 =	vmax.f32 v4, $0.0e+00  }
0x203: {  	v5 =	vadd.f32 v13, v5;
	[tilespmem:s4+$0xC0] =	vst v4;
	v4 =	vld [tilespmem:s4+$0xD0]  }
0x204: {  	v6 =	vadd.f32 v6, v8;
	v8 =	vld [tilespmem:s7+$0xD0]  }
0x205: {  	v10 =	vadd.f32 v12, v11;
	v11 =	vld [tilespmem:s20+$0xFFFFFF40];
	v5 =	vmax.f32 v5, $0.0e+00  }
0x206: {  	[tilespmem:s4+$0xFFFFFFB0] =	vst v5;
	v5 =	vmax.f32 v6, $0.0e+00;
	v6 =	vld [tilespmem:s20+$0xD0]  }
0x207: {  	v12 =	vld [tilespmem:s7+$0xFFFFFFC0];
	[tilespmem:s4+$0x30] =	vst v5  }
0x208: {  	v5 =	vld [tilespmem:s7+$0x40]  }
0x209: {  	v13 =	vld [tilespmem:s20+$0xFFFFFFC0];
	v4 =	vadd.f32 v8, v4  }
0x20a: {  	v8 =	vadd.f32 v11, v10;
	v10 =	vld [tilespmem:s20+$0x40]  }
0x20b: {  	v11 =	vld [tilespmem:s4+$0xFFFFFF50];
	v4 =	vadd.f32 v6, v4  }
0x20c: {  	v6 =	vmax.f32 v8, $0.0e+00;
	v7 =	vadd.f32 v12, v7;
	v8 =	vld [tilespmem:s4+$0xFFFFFFD0]  }
0x20d: {  	[tilespmem:s4+$0xFFFFFF40] =	vst v6;
	v5 =	vadd.f32 v5, v9;
	v6 =	vld [tilespmem:s4+$0x50];
	v4 =	vmax.f32 v4, $0.0e+00  }
0x20e: {  	v7 =	vadd.f32 v13, v7;
	[tilespmem:s4+$0xD0] =	vst v4;
	v4 =	vld [tilespmem:s4+$0xE0]  }
0x20f: {  	v5 =	vadd.f32 v10, v5;
	v9 =	vld [tilespmem:s7+$0xE0]  }
0x210: {  	v10 =	vld [tilespmem:s7+$0xFFFFFF50];
	v7 =	vmax.f32 v7, $0.0e+00  }
0x211: {  	[tilespmem:s4+$0xFFFFFFC0] =	vst v7;
	v5 =	vmax.f32 v5, $0.0e+00;
	v7 =	vld [tilespmem:s20+$0xE0]  }
0x212: {  	v12 =	vld [tilespmem:s7+$0xFFFFFFD0];
	[tilespmem:s4+$0x40] =	vst v5  }
0x213: {  	v5 =	vld [tilespmem:s7+$0x50]  }
0x214: {  	v13 =	vld [tilespmem:s20+$0xFFFFFF50];
	v4 =	vadd.f32 v9, v4  }
0x215: {  	v9 =	vadd.f32 v10, v11;
	v10 =	vld [tilespmem:s20+$0xFFFFFFD0]  }
0x216: {  	v11 =	vld [tilespmem:s20+$0x50];
	v4 =	vadd.f32 v7, v4  }
0x217: {  	v7 =	vld [tilespmem:s4+$0xFFFFFF60];
	v8 =	vadd.f32 v12, v8  }
0x218: {  	v12 =	vld [tilespmem:s4+$0xFFFFFFE0];
	v5 =	vadd.f32 v5, v6;
	v4 =	vmax.f32 v4, $0.0e+00  }
0x219: {  	v6 =	vadd.f32 v13, v9;
	[tilespmem:s4+$0xE0] =	vst v4;
	v4 =	vld [tilespmem:s4+$0xF0]  }
0x21a: {  	v8 =	vadd.f32 v10, v8;
	v9 =	vld [tilespmem:s7+$0xF0]  }
0x21b: {  	v6 =	vmax.f32 v6, $0.0e+00;
	v5 =	vadd.f32 v11, v5;
	v10 =	vld [tilespmem:s4+$0x60]  }
0x21c: {  	[tilespmem:s4+$0xFFFFFF50] =	vst v6;
	v6 =	vmax.f32 v8, $0.0e+00;
	v8 =	vld [tilespmem:s20+$0xF0]  }
0x21d: {  	v11 =	vld [tilespmem:s7+$0xFFFFFF60];
	[tilespmem:s4+$0xFFFFFFD0] =	vst v6;
	v5 =	vmax.f32 v5, $0.0e+00  }
0x21e: {  	v6 =	vld [tilespmem:s7+$0xFFFFFFE0];
	[tilespmem:s4+$0x50] =	vst v5  }
0x21f: {  	v5 =	vld [tilespmem:s7+$0x60];
	v4 =	vadd.f32 v9, v4  }
0x220: {  	v13 =	vld [tilespmem:s20+$0xFFFFFF60]  }
0x221: {  	v14 =	vld [tilespmem:s20+$0xFFFFFFE0];
	v4 =	vadd.f32 v8, v4  }
0x222: {  	v7 =	vadd.f32 v11, v7;
	v8 =	vld [tilespmem:s20+$0x60]  }
0x223: {  	v11 =	vld [tilespmem:s4+$0xFFFFFF70];
	v6 =	vadd.f32 v6, v12;
	v4 =	vmax.f32 v4, $0.0e+00  }
0x224: {  	v9 =	vld [tilespmem:s4+$0xFFFFFFF0];
	v5 =	vadd.f32 v5, v10;
	[tilespmem:s4+$0xF0] =	vst v4  }
0x225: {  	v4 =	vadd.f32 v13, v7;
	v10 =	vld [tilespmem:s4+$0x70]  }
0x226: {  	v6 =	vadd.f32 v14, v6;
	v7 =	vld [tilespmem:s0+$0xFFFFFF70]  }
.Ltmp6:
0x227: {  	v4 =	vmax.f32 v4, $0.0e+00;
	v5 =	vadd.f32 v8, v5;
	v12 =	vld [tilespmem:s0+$0xFFFFFFF0];
	(pc) =	sbr.rel @p0 .LBB2_6-.Ltmp6, $4  }
0x228: {  	[tilespmem:s4+$0xFFFFFF60] =	vst v4;
	v4 =	vmax.f32 v6, $0.0e+00;
	v13 =	vld [tilespmem:s0+$0x70];
	s0 =	smov.u32 s20  }
0x229: {  	v8 =	vld [tilespmem:s7+$0xFFFFFF70];
	[tilespmem:s4+$0xFFFFFFE0] =	vst v4;
	v5 =	vmax.f32 v5, $0.0e+00  }
0x22a: {  	v4 =	vld [tilespmem:s7+$0xFFFFFFF0];
	[tilespmem:s4+$0x60] =	vst v5  }
0x22b: {  	s4 =	sadd.s32 $0x200, s4;
	v5 =	vld [tilespmem:s7+$0x70];
	v3 =	vadd.f32 v7, v3  }
0x22c: {  	v6 =	vld [tilespmem:s0+$0xFFFFFF70]  }
0x22d: {  	v7 =	vld [tilespmem:s0+$0xFFFFFFF0]  }
0x22e: {  	v14 =	vld [tilespmem:s0+$0x70]  }
0x22f: {  	v1 =	vadd.f32 v12, v1;
	v8 =	vadd.f32 v8, v11  }
0x230: {  	v2 =	vadd.f32 v13, v2;
	v3 =	vmax.f32 v3, $0.0e+00;
	v4 =	vadd.f32 v4, v9  }
0x231: {  	[tilespmem:s25+$0xFFFFFF70] =	vst v3;
	v1 =	vmax.f32 v1, $0.0e+00;
	v3 =	vadd.f32 v5, v10;
	v62 =	vadd.f32 v6, v8  }
0x232: {  	[tilespmem:s25+$0xFFFFFFF0] =	vst v1;
	v1 =	vmax.f32 v2, $0.0e+00;
	v2 =	vadd.f32 v7, v4  }
0x233: {  	[tilespmem:s25+$0x70] =	vst v1;
	v3 =	vadd.f32 v14, v3;
	v1 =	vmax.f32 v62, $0.0e+00  }
0x234: {  	[tilespmem:s3+$0xFFFFFF70] =	vst v1;
	v1 =	vmax.f32 v2, $0.0e+00  }
0x235: {  	[tilespmem:s3+$0xFFFFFFF0] =	vst v1;
	v1 =	vmax.f32 v3, $0.0e+00  }
0x236: {  	s22 =	rddreg [dreg:$0x2];
	[tilespmem:s3+$0x70] =	vst v1  }
0x237: {  	[spmem:s22] =	stream.indirect.scatter.add.f32 [tilespmem:s13], [sflag:$0x8], $0x80, s31, s6, $0xb8;
	v63 =	vld [tilespmem:$0x0]  }
0x238: {  	_ =	swait.ge [sflag:s29], $0x2000  }
0x239: {  	[sflag:s29] =	ssyncset.done $0x0  }
0x23a: {  	[sflag:s29] =	ssyncadd.s32 $0xFFFFE000  }
.LBB2_8:
0x23b: {  	s0 =	sld [smem:$0x7FB];
	_ =	sdelay $0x2  }
0x23c: {  	s0 =	sadd.s32 s0, s10  }
0x23d: {  	s25 =	smin.u32 s0, $0x1387  }
0x23e: {  	s0 =	sshll.u32 s25, $0x3  }
0x23f: {  	s3 =	sadd.s32 s17, s0  }
0x240: {  	[tilespmem:s2], [sflag:$0x1] =	stream.linear.gather [hbm4b:s3+s2], $0x40, $0x38;
	v63 =	vld [tilespmem:$0x0]  }
0x241: {  	s0 =	sadd.s32 s18, s0  }
0x242: {  	[tilespmem:s31], [sflag:$0x1] =	stream.linear.gather [hbm4b:s0+s2], $0x40, $0x38;
	v63 =	vld [tilespmem:$0x0]  }
0x243: {  	_ =	swait.ge [sflag:s30], $0x40  }
0x244: {  	[sflag:s30] =	ssyncset.done $0x0  }
0x245: {  	[sflag:s30] =	ssyncadd.s32 $0xFFFFFFC0  }
0x246: {  	_ =	swait.ge [sflag:s30], $0x40  }
0x247: {  	s26 =	sor.u32 $0x40, s26;
	[sflag:s30] =	ssyncset.done $0x0  }
0x248: {  	s20 =	simm.s32 $0x200;
	s7 =	smin.u32 s26, $0x1387;
	[sflag:s30] =	ssyncadd.s32 $0xFFFFFFC0  }
0x249: {  	[tilespmem:s13], [sflag:$0x5] =	stream.indirect.gather [hbm4b:s1+s6], $0x80, s20, s6, $0xb8;
	v63 =	vld [tilespmem:$0x0]  }
0x24a: {  	s4 =	simm.s32 $0x2400;
	s3 =	simm.s32 $0x280;
	s0 =	sshll.u32 s7, $0xA  }
0x24b: {  	[tilespmem:s4], [sflag:$0x5] =	stream.indirect.gather [hbm4b:s15+s6], $0x80, s3, s6, $0xb8;
	v63 =	vld [tilespmem:$0x0]  }
0x24c: {  	s0 =	sadd.s32 s16, s0;
	s20 =	simm.s32 $0x4400  }
0x24d: {  	[tilespmem:s20], [sflag:$0x5] =	stream.linear.gather [hbm4b:s0+s2], $0x2000, $0x38;
	v63 =	vld [tilespmem:$0x0]  }
0x24e: {  	_ =	swait.ge [sflag:s12], $0x2000  }
0x24f: {  	[sflag:s12] =	ssyncset.done $0x0  }
0x250: {  	[sflag:s12] =	ssyncadd.s32 $0xFFFFE000  }
0x251: {  	p0 =	sgt.u32 s11, $0x1387;
	_ =	swait.ge [sflag:s12], $0x2000  }
.Ltmp7:
0x252: {  	[sflag:s12] =	ssyncset.done $0x0;
	(pc) =	sbr.rel @p0 .LBB2_12-.Ltmp7, $4  }
0x253: {  	[sflag:s12] =	ssyncadd.s32 $0xFFFFE000  }
0x254: {  	_ =	swait.ge [sflag:s12], $0x2000  }
0x255: {  	[sflag:s12] =	ssyncset.done $0x0  }
0x256: {  	[sflag:s12] =	ssyncadd.s32 $0xFFFFE000  }
0x257: {  	s11 =	simm.s32 $0x6500  }
0x258: {  	s0 =	simm.s32 $0x8500;
	v1 =	vld [tilespmem:s11+$0x80]  }
0x259: {  	s22 =	simm.s32 $0xA500;
	v2 =	vld [tilespmem:s0+$0x80]  }
0x25a: {  	v3 =	vld [tilespmem:s22+$0x80]  }
0x25b: {  	v4 =	vld [tilespmem:s22+$0xFFFFFF00]  }
0x25c: {  	v6 =	vld [tilespmem:s11+$0xFFFFFF80]  }
0x25d: {  	v8 =	vld [tilespmem:s0+$0xFFFFFF80]  }
0x25e: {  	s3 =	simm.s32 $0x6700;
	v9 =	vld [tilespmem:s0+$0x0]  }
0x25f: {  	s7 =	simm.s32 $0x8700;
	v13 =	vld [tilespmem:s3+$0x80]  }
0x260: {  	v14 =	vld [tilespmem:s7+$0x80]  }
0x261: {  	v16 =	vld [tilespmem:s3+$0xFFFFFF80];
	v1 =	vadd.f32 v2, v1  }
0x262: {  	v17 =	vld [tilespmem:s7+$0xFFFFFF80]  }
0x263: {  	v2 =	vld [tilespmem:s0+$0xFFFFFF00];
	v1 =	vadd.f32 v3, v1  }
0x264: {  	s20 =	simm.s32 $0xA700;
	v3 =	vld [tilespmem:s11+$0xFFFFFF00]  }
0x265: {  	v18 =	vld [tilespmem:s20+$0x0];
	v1 =	vmax.f32 v1, $0.0e+00  }
0x266: {  	[tilespmem:s11+$0x80] =	vst v1;
	v1 =	vld [tilespmem:s11+$0x90]  }
0x267: {  	v5 =	vld [tilespmem:s0+$0x90]  }
0x268: {  	v7 =	vld [tilespmem:s22+$0x90]  }
0x269: {  	v2 =	vadd.f32 v2, v3;
	v3 =	vld [tilespmem:s11+$0x0]  }
0x26a: {  	v19 =	vld [tilespmem:s3+$0xFFFFFF90]  }
0x26b: {  	v37 =	vld [tilespmem:s3+$0x10]  }
0x26c: {  	v2 =	vadd.f32 v4, v2;
	v4 =	vld [tilespmem:s22+$0xFFFFFF80];
	v1 =	vadd.f32 v5, v1  }
0x26d: {  	v5 =	vld [tilespmem:s11+$0xFFFFFF10]  }
0x26e: {  	v2 =	vmax.f32 v2, $0.0e+00;
	v3 =	vadd.f32 v9, v3;
	v9 =	vld [tilespmem:s11+$0x10];
	v1 =	vadd.f32 v7, v1  }
0x26f: {  	[tilespmem:s11+$0xFFFFFF00] =	vst v2;
	v7 =	vld [tilespmem:s22+$0x0]  }
0x270: {  	v2 =	vld [tilespmem:s0+$0xFFFFFF10];
	v1 =	vmax.f32 v1, $0.0e+00  }
0x271: {  	v10 =	vld [tilespmem:s22+$0xFFFFFF10];
	[tilespmem:s11+$0x90] =	vst v1;
	v1 =	vadd.f32 v8, v6  }
0x272: {  	v6 =	vld [tilespmem:s11+$0xA0]  }
0x273: {  	v8 =	vld [tilespmem:s0+$0xA0];
	v1 =	vadd.f32 v4, v1  }
0x274: {  	v4 =	vld [tilespmem:s11+$0xFFFFFF90];
	v3 =	vadd.f32 v7, v3  }
0x275: {  	v7 =	vld [tilespmem:s22+$0xA0];
	v2 =	vadd.f32 v2, v5;
	v1 =	vmax.f32 v1, $0.0e+00  }
0x276: {  	v5 =	vld [tilespmem:s11+$0xFFFFFF20];
	[tilespmem:s11+$0xFFFFFF80] =	vst v1;
	v1 =	vmax.f32 v3, $0.0e+00  }
0x277: {  	v3 =	vld [tilespmem:s0+$0xFFFFFF90];
	[tilespmem:s11+$0x0] =	vst v1;
	v1 =	vadd.f32 v10, v2  }
0x278: {  	v2 =	vadd.f32 v8, v6;
	v8 =	vld [tilespmem:s22+$0xFFFFFF90]  }
0x279: {  	v6 =	vld [tilespmem:s0+$0x10];
	v1 =	vmax.f32 v1, $0.0e+00  }
0x27a: {  	v2 =	vadd.f32 v7, v2;
	v7 =	vld [tilespmem:s22+$0x10];
	[tilespmem:s11+$0xFFFFFF10] =	vst v1  }
0x27b: {  	v1 =	vld [tilespmem:s0+$0xFFFFFF20]  }
0x27c: {  	v2 =	vmax.f32 v2, $0.0e+00;
	v10 =	vld [tilespmem:s22+$0xFFFFFF20]  }
0x27d: {  	[tilespmem:s11+$0xA0] =	vst v2;
	v2 =	vadd.f32 v3, v4;
	v3 =	vld [tilespmem:s11+$0xB0]  }
0x27e: {  	v4 =	vadd.f32 v6, v9;
	v6 =	vld [tilespmem:s0+$0xB0]  }
0x27f: {  	v9 =	vld [tilespmem:s11+$0xFFFFFFA0];
	v2 =	vadd.f32 v8, v2  }
0x280: {  	v8 =	vld [tilespmem:s11+$0x20]  }
0x281: {  	v4 =	vadd.f32 v7, v4;
	v7 =	vld [tilespmem:s22+$0xB0];
	v2 =	vmax.f32 v2, $0.0e+00;
	v1 =	vadd.f32 v1, v5  }
0x282: {  	v5 =	vld [tilespmem:s11+$0xFFFFFF30];
	[tilespmem:s11+$0xFFFFFF90] =	vst v2  }
0x283: {  	v2 =	vmax.f32 v4, $0.0e+00;
	v4 =	vld [tilespmem:s0+$0xFFFFFFA0];
	v1 =	vadd.f32 v10, v1  }
0x284: {  	[tilespmem:s11+$0x10] =	vst v2;
	v2 =	vadd.f32 v6, v3;
	v6 =	vld [tilespmem:s22+$0xFFFFFFA0]  }
0x285: {  	v3 =	vld [tilespmem:s0+$0x20];
	v1 =	vmax.f32 v1, $0.0e+00  }
0x286: {  	v2 =	vadd.f32 v7, v2;
	v7 =	vld [tilespmem:s22+$0x20];
	[tilespmem:s11+$0xFFFFFF20] =	vst v1  }
0x287: {  	v1 =	vld [tilespmem:s0+$0xFFFFFF30]  }
0x288: {  	v2 =	vmax.f32 v2, $0.0e+00;
	v10 =	vld [tilespmem:s22+$0xFFFFFF30]  }
0x289: {  	[tilespmem:s11+$0xB0] =	vst v2;
	v2 =	vadd.f32 v4, v9;
	v4 =	vld [tilespmem:s11+$0xC0]  }
0x28a: {  	v9 =	vld [tilespmem:s11+$0xFFFFFFB0];
	v3 =	vadd.f32 v3, v8  }
0x28b: {  	v8 =	vld [tilespmem:s0+$0xC0];
	v2 =	vadd.f32 v6, v2  }
0x28c: {  	v6 =	vld [tilespmem:s22+$0xC0];
	v3 =	vadd.f32 v7, v3  }
0x28d: {  	v7 =	vld [tilespmem:s11+$0x30];
	v2 =	vmax.f32 v2, $0.0e+00;
	v1 =	vadd.f32 v1, v5  }
0x28e: {  	v5 =	vld [tilespmem:s11+$0xFFFFFF40];
	[tilespmem:s11+$0xFFFFFFA0] =	vst v2;
	v2 =	vmax.f32 v3, $0.0e+00  }
0x28f: {  	[tilespmem:s11+$0x20] =	vst v2;
	v1 =	vadd.f32 v10, v1;
	v2 =	vld [tilespmem:s0+$0xFFFFFFB0]  }
0x290: {  	v3 =	vadd.f32 v8, v4;
	v4 =	vld [tilespmem:s0+$0x30]  }
0x291: {  	v8 =	vld [tilespmem:s22+$0xFFFFFFB0];
	v1 =	vmax.f32 v1, $0.0e+00  }
0x292: {  	v3 =	vadd.f32 v6, v3;
	[tilespmem:s11+$0xFFFFFF30] =	vst v1;
	v1 =	vld [tilespmem:s22+$0x30]  }
0x293: {  	v6 =	vld [tilespmem:s0+$0xFFFFFF40]  }
0x294: {  	v3 =	vmax.f32 v3, $0.0e+00;
	v10 =	vld [tilespmem:s22+$0xFFFFFF40];
	v2 =	vadd.f32 v2, v9  }
0x295: {  	[tilespmem:s11+$0xC0] =	vst v3;
	v3 =	vadd.f32 v4, v7;
	v4 =	vld [tilespmem:s11+$0xD0]  }
0x296: {  	v7 =	vld [tilespmem:s0+$0xD0];
	v2 =	vadd.f32 v8, v2  }
0x297: {  	v9 =	vld [tilespmem:s11+$0xFFFFFFC0]  }
0x298: {  	v1 =	vadd.f32 v1, v3;
	v3 =	vld [tilespmem:s22+$0xD0];
	v2 =	vmax.f32 v2, $0.0e+00  }
0x299: {  	v8 =	vld [tilespmem:s11+$0x40];
	[tilespmem:s11+$0xFFFFFFB0] =	vst v2  }
0x29a: {  	v1 =	vmax.f32 v1, $0.0e+00;
	v2 =	vld [tilespmem:s0+$0xFFFFFFC0]  }
0x29b: {  	[tilespmem:s11+$0x30] =	vst v1;
	v4 =	vadd.f32 v7, v4;
	v7 =	vld [tilespmem:s22+$0xFFFFFFC0]  }
0x29c: {  	v5 =	vadd.f32 v6, v5;
	v1 =	vld [tilespmem:s0+$0x40]  }
0x29d: {  	v6 =	vld [tilespmem:s22+$0x40];
	v3 =	vadd.f32 v3, v4  }
0x29e: {  	v5 =	vadd.f32 v10, v5;
	v4 =	vld [tilespmem:s11+$0xFFFFFF50]  }
0x29f: {  	v3 =	vmax.f32 v3, $0.0e+00;
	v2 =	vadd.f32 v2, v9;
	v9 =	vld [tilespmem:s11+$0xFFFFFFD0]  }
0x2a0: {  	[tilespmem:s11+$0xD0] =	vst v3;
	v3 =	vmax.f32 v5, $0.0e+00;
	v5 =	vld [tilespmem:s11+$0xE0]  }
0x2a1: {  	v1 =	vadd.f32 v1, v8;
	v8 =	vld [tilespmem:s11+$0x50];
	v2 =	vadd.f32 v7, v2  }
0x2a2: {  	[tilespmem:s11+$0xFFFFFF40] =	vst v3;
	v3 =	vld [tilespmem:s0+$0xE0]  }
0x2a3: {  	v1 =	vadd.f32 v6, v1;
	v6 =	vld [tilespmem:s0+$0xFFFFFF50];
	v2 =	vmax.f32 v2, $0.0e+00  }
0x2a4: {  	[tilespmem:s11+$0xFFFFFFC0] =	vst v2;
	v2 =	vld [tilespmem:s22+$0xE0]  }
0x2a5: {  	v10 =	vld [tilespmem:s22+$0xFFFFFF50];
	v1 =	vmax.f32 v1, $0.0e+00  }
0x2a6: {  	v7 =	vld [tilespmem:s0+$0xFFFFFFD0];
	[tilespmem:s11+$0x40] =	vst v1  }
0x2a7: {  	v3 =	vadd.f32 v3, v5;
	v1 =	vld [tilespmem:s0+$0x50]  }
0x2a8: {  	v5 =	vld [tilespmem:s22+$0xFFFFFFD0]  }
0x2a9: {  	v11 =	vld [tilespmem:s22+$0x50];
	v2 =	vadd.f32 v2, v3;
	v3 =	vadd.f32 v6, v4  }
0x2aa: {  	v41 =	vld [tilespmem:s3+$0xFFFFFFA0]  }
0x2ab: {  	v42 =	vld [tilespmem:s3+$0x20];
	v6 =	vadd.f32 v7, v9;
	v3 =	vadd.f32 v10, v3  }
0x2ac: {  	v4 =	vld [tilespmem:s11+$0xFFFFFF60];
	v8 =	vadd.f32 v1, v8  }
0x2ad: {  	v7 =	vld [tilespmem:s11+$0xFFFFFFE0];
	v5 =	vadd.f32 v5, v6;
	v3 =	vmax.f32 v3, $0.0e+00  }
0x2ae: {  	v6 =	vadd.f32 v11, v8;
	v8 =	vld [tilespmem:s11+$0x60];
	[tilespmem:s11+$0xFFFFFF50] =	vst v3  }
0x2af: {  	v3 =	vmax.f32 v5, $0.0e+00;
	v5 =	vld [tilespmem:s0+$0xFFFFFF60]  }
0x2b0: {  	[tilespmem:s11+$0xFFFFFFD0] =	vst v3;
	v3 =	vmax.f32 v6, $0.0e+00;
	v10 =	vld [tilespmem:s22+$0xFFFFFF60]  }
0x2b1: {  	v6 =	vld [tilespmem:s0+$0xFFFFFFE0];
	[tilespmem:s11+$0x50] =	vst v3  }
0x2b2: {  	v3 =	vld [tilespmem:s0+$0x60]  }
0x2b3: {  	v11 =	vld [tilespmem:s22+$0xFFFFFFE0]  }
0x2b4: {  	v12 =	vld [tilespmem:s22+$0x60];
	v4 =	vadd.f32 v5, v4  }
0x2b5: {  	v46 =	vld [tilespmem:s3+$0xFFFFFFB0]  }
0x2b6: {  	v6 =	vadd.f32 v6, v7;
	v7 =	vadd.f32 v10, v4;
	v10 =	vld [tilespmem:s20+$0x80]  }
0x2b7: {  	v47 =	vld [tilespmem:s3+$0x30];
	v3 =	vadd.f32 v3, v8  }
0x2b8: {  	v50 =	vld [tilespmem:s3+$0xFFFFFFC0];
	v6 =	vadd.f32 v11, v6  }
0x2b9: {  	v53 =	vld [tilespmem:s3+$0xFFFFFF50];
	v11 =	vadd.f32 v12, v3;
	v12 =	vadd.f32 v14, v13  }
0x2ba: {  	v54 =	vld [tilespmem:s3+$0xFFFFFFD0]  }
0x2bb: {  	v14 =	vld [tilespmem:s20+$0xFFFFFF00];
	v6 =	vmax.f32 v6, $0.0e+00;
	v10 =	vadd.f32 v10, v12  }
0x2bc: {  	[tilespmem:s11+$0xFFFFFFE0] =	vst v6;
	v6 =	vmax.f32 v11, $0.0e+00;
	v11 =	vld [tilespmem:s7+$0xFFFFFF00]  }
0x2bd: {  	v12 =	vld [tilespmem:s3+$0xFFFFFF00];
	v10 =	vmax.f32 v10, $0.0e+00  }
0x2be: {  	[tilespmem:s3+$0x80] =	vst v10;
	v10 =	vld [tilespmem:s3+$0x90]  }
0x2bf: {  	v13 =	vld [tilespmem:s7+$0x90]  }
0x2c0: {  	v55 =	vld [tilespmem:s3+$0x50]  }
0x2c1: {  	v15 =	vld [tilespmem:s20+$0x90]  }
0x2c2: {  	v57 =	vld [tilespmem:s3+$0xFFFFFF60];
	v11 =	vadd.f32 v11, v12  }
0x2c3: {  	v1 =	vld [tilespmem:s11+$0xF0]  }
0x2c4: {  	v12 =	vld [tilespmem:s3+$0x0];
	v11 =	vadd.f32 v14, v11;
	v10 =	vadd.f32 v13, v10  }
0x2c5: {  	v13 =	vld [tilespmem:s7+$0x0]  }
0x2c6: {  	v14 =	vld [tilespmem:s20+$0xFFFFFF80];
	v11 =	vmax.f32 v11, $0.0e+00;
	v10 =	vadd.f32 v15, v10  }
0x2c7: {  	[tilespmem:s3+$0xFFFFFF00] =	vst v11;
	v15 =	vld [tilespmem:s3+$0xFFFFFF10]  }
0x2c8: {  	v11 =	vld [tilespmem:s7+$0xFFFFFF10];
	v10 =	vmax.f32 v10, $0.0e+00  }
0x2c9: {  	v16 =	vadd.f32 v17, v16;
	[tilespmem:s3+$0x90] =	vst v10;
	v10 =	vld [tilespmem:s3+$0xA0]  }
0x2ca: {  	v2 =	vmax.f32 v2, $0.0e+00;
	v12 =	vadd.f32 v13, v12;
	v13 =	vld [tilespmem:s20+$0xFFFFFF10]  }
0x2cb: {  	[tilespmem:s11+$0xE0] =	vst v2;
	v14 =	vadd.f32 v14, v16;
	v35 =	vld [tilespmem:s7+$0xA0]  }
0x2cc: {  	v2 =	vld [tilespmem:s0+$0xF0];
	v12 =	vadd.f32 v18, v12  }
0x2cd: {  	v14 =	vmax.f32 v14, $0.0e+00;
	v36 =	vld [tilespmem:s20+$0xA0];
	v11 =	vadd.f32 v11, v15  }
0x2ce: {  	[tilespmem:s3+$0xFFFFFF80] =	vst v14;
	v15 =	vld [tilespmem:s3+$0xFFFFFF20];
	v12 =	vmax.f32 v12, $0.0e+00  }
0x2cf: {  	v14 =	vld [tilespmem:s7+$0xFFFFFF90];
	[tilespmem:s3+$0x0] =	vst v12;
	v11 =	vadd.f32 v13, v11  }
0x2d0: {  	v10 =	vadd.f32 v35, v10;
	v12 =	vld [tilespmem:s7+$0x10]  }
0x2d1: {  	v13 =	vld [tilespmem:s20+$0xFFFFFF90];
	v11 =	vmax.f32 v11, $0.0e+00  }
0x2d2: {  	v38 =	vld [tilespmem:s20+$0x10];
	v10 =	vadd.f32 v36, v10;
	[tilespmem:s3+$0xFFFFFF10] =	vst v11  }
0x2d3: {  	v11 =	vld [tilespmem:s7+$0xFFFFFF20]  }
0x2d4: {  	v14 =	vadd.f32 v14, v19;
	v40 =	vld [tilespmem:s20+$0xFFFFFF20];
	v10 =	vmax.f32 v10, $0.0e+00  }
0x2d5: {  	[tilespmem:s3+$0xA0] =	vst v10;
	v10 =	vld [tilespmem:s3+$0xB0];
	v12 =	vadd.f32 v12, v37  }
0x2d6: {  	v13 =	vadd.f32 v13, v14;
	v39 =	vld [tilespmem:s7+$0xB0]  }
0x2d7: {  	v9 =	vld [tilespmem:s22+$0xF0];
	v12 =	vadd.f32 v38, v12  }
0x2d8: {  	v14 =	vld [tilespmem:s20+$0xB0];
	v13 =	vmax.f32 v13, $0.0e+00;
	v11 =	vadd.f32 v11, v15  }
0x2d9: {  	[tilespmem:s3+$0xFFFFFF90] =	vst v13;
	v15 =	vld [tilespmem:s3+$0xFFFFFF30];
	v12 =	vmax.f32 v12, $0.0e+00  }
0x2da: {  	v13 =	vld [tilespmem:s7+$0xFFFFFFA0];
	[tilespmem:s3+$0x10] =	vst v12;
	v11 =	vadd.f32 v40, v11  }
0x2db: {  	v10 =	vadd.f32 v39, v10;
	v12 =	vld [tilespmem:s7+$0x20]  }
0x2dc: {  	v43 =	vld [tilespmem:s20+$0x20];
	v11 =	vmax.f32 v11, $0.0e+00  }
0x2dd: {  	v10 =	vadd.f32 v14, v10;
	v14 =	vld [tilespmem:s20+$0xFFFFFFA0];
	[tilespmem:s3+$0xFFFFFF20] =	vst v11  }
0x2de: {  	v11 =	vld [tilespmem:s7+$0xFFFFFF30]  }
0x2df: {  	v45 =	vld [tilespmem:s20+$0xFFFFFF30];
	v10 =	vmax.f32 v10, $0.0e+00  }
0x2e0: {  	v13 =	vadd.f32 v13, v41;
	[tilespmem:s3+$0xB0] =	vst v10;
	v10 =	vld [tilespmem:s3+$0xC0]  }
0x2e1: {  	v12 =	vadd.f32 v12, v42;
	v44 =	vld [tilespmem:s7+$0xC0]  }
0x2e2: {  	v58 =	vld [tilespmem:s3+$0xFFFFFFE0];
	v13 =	vadd.f32 v14, v13  }
0x2e3: {  	v1 =	vadd.f32 v2, v1;
	v14 =	vld [tilespmem:s20+$0xC0];
	v12 =	vadd.f32 v43, v12  }
0x2e4: {  	v5 =	vld [tilespmem:s11+$0xFFFFFF70];
	v11 =	vadd.f32 v11, v15;
	v13 =	vmax.f32 v13, $0.0e+00  }
0x2e5: {  	v1 =	vadd.f32 v9, v1;
	v9 =	vld [tilespmem:s3+$0xFFFFFFF0];
	v12 =	vmax.f32 v12, $0.0e+00;
	[tilespmem:s3+$0xFFFFFFA0] =	vst v13  }
0x2e6: {  	[tilespmem:s3+$0x20] =	vst v12;
	v11 =	vadd.f32 v45, v11;
	v10 =	vadd.f32 v44, v10;
	v12 =	vld [tilespmem:s7+$0xFFFFFFB0]  }
0x2e7: {  	v13 =	vld [tilespmem:s7+$0x30]  }
0x2e8: {  	v11 =	vmax.f32 v11, $0.0e+00;
	v10 =	vadd.f32 v14, v10;
	v14 =	vld [tilespmem:s20+$0xFFFFFFB0]  }
0x2e9: {  	[tilespmem:s3+$0xFFFFFF30] =	vst v11;
	v11 =	vld [tilespmem:s20+$0x30]  }
0x2ea: {  	v15 =	vld [tilespmem:s3+$0xFFFFFF40];
	v10 =	vmax.f32 v10, $0.0e+00  }
0x2eb: {  	v48 =	vld [tilespmem:s7+$0xFFFFFF40];
	[tilespmem:s3+$0xC0] =	vst v10;
	v10 =	vadd.f32 v12, v46  }
0x2ec: {  	v12 =	vld [tilespmem:s3+$0xD0];
	v13 =	vadd.f32 v13, v47  }
0x2ed: {  	v49 =	vld [tilespmem:s7+$0xD0];
	v10 =	vadd.f32 v14, v10  }
0x2ee: {  	v51 =	vld [tilespmem:s20+$0xFFFFFF40];
	v11 =	vadd.f32 v11, v13  }
0x2ef: {  	v13 =	vld [tilespmem:s20+$0xD0];
	v10 =	vmax.f32 v10, $0.0e+00  }
0x2f0: {  	v14 =	vld [tilespmem:s3+$0x40];
	[tilespmem:s3+$0xFFFFFFB0] =	vst v10;
	v10 =	vmax.f32 v11, $0.0e+00  }
0x2f1: {  	v11 =	vld [tilespmem:s7+$0xFFFFFFC0];
	[tilespmem:s3+$0x30] =	vst v10  }
0x2f2: {  	v10 =	vadd.f32 v49, v12;
	v12 =	vld [tilespmem:s7+$0x40]  }
0x2f3: {  	v52 =	vld [tilespmem:s20+$0xFFFFFFC0]  }
0x2f4: {  	v4 =	vld [tilespmem:s11+$0xFFFFFFF0];
	v10 =	vadd.f32 v13, v10  }
0x2f5: {  	v15 =	vadd.f32 v48, v15;
	v13 =	vld [tilespmem:s20+$0x40]  }
0x2f6: {  	v3 =	vld [tilespmem:s11+$0x70];
	v10 =	vmax.f32 v10, $0.0e+00;
	v11 =	vadd.f32 v11, v50  }
0x2f7: {  	v7 =	vmax.f32 v7, $0.0e+00;
	[tilespmem:s3+$0xD0] =	vst v10;
	v10 =	vadd.f32 v51, v15;
	v12 =	vadd.f32 v12, v14;
	v14 =	vld [tilespmem:s3+$0xE0]  }
0x2f8: {  	[tilespmem:s11+$0xFFFFFF60] =	vst v7;
	v15 =	vld [tilespmem:s7+$0xE0];
	v11 =	vadd.f32 v52, v11  }
0x2f9: {  	v8 =	vld [tilespmem:s0+$0xFFFFFF70];
	v10 =	vmax.f32 v10, $0.0e+00  }
0x2fa: {  	v12 =	vadd.f32 v13, v12;
	[tilespmem:s3+$0xFFFFFF40] =	vst v10;
	v10 =	vmax.f32 v11, $0.0e+00;
	v11 =	vld [tilespmem:s20+$0xE0]  }
0x2fb: {  	v13 =	vld [tilespmem:s7+$0xFFFFFF50];
	[tilespmem:s3+$0xFFFFFFC0] =	vst v10  }
0x2fc: {  	v10 =	vmax.f32 v12, $0.0e+00;
	v12 =	vld [tilespmem:s7+$0xFFFFFFD0]  }
0x2fd: {  	[tilespmem:s3+$0x40] =	vst v10;
	v14 =	vadd.f32 v15, v14;
	v15 =	vld [tilespmem:s20+$0xFFFFFF50]  }
0x2fe: {  	v10 =	vld [tilespmem:s7+$0x50]  }
0x2ff: {  	v56 =	vld [tilespmem:s20+$0xFFFFFFD0];
	v11 =	vadd.f32 v11, v14  }
0x300: {  	v14 =	vld [tilespmem:s20+$0x50];
	v13 =	vadd.f32 v13, v53  }
0x301: {  	v62 =	vld [tilespmem:s22+$0xFFFFFF70];
	v11 =	vmax.f32 v11, $0.0e+00  }
0x302: {  	v7 =	vld [tilespmem:s0+$0xFFFFFFF0];
	v12 =	vadd.f32 v12, v54;
	[tilespmem:s3+$0xE0] =	vst v11;
	v11 =	vadd.f32 v15, v13  }
0x303: {  	v10 =	vadd.f32 v10, v55;
	v13 =	vld [tilespmem:s3+$0xF0]  }
0x304: {  	v12 =	vadd.f32 v56, v12;
	v15 =	vld [tilespmem:s7+$0xF0];
	v11 =	vmax.f32 v11, $0.0e+00  }
0x305: {  	v10 =	vadd.f32 v14, v10;
	v14 =	vld [tilespmem:s3+$0x60];
	[tilespmem:s3+$0xFFFFFF50] =	vst v11  }
0x306: {  	v11 =	vmax.f32 v12, $0.0e+00;
	v12 =	vld [tilespmem:s7+$0xFFFFFF60]  }
0x307: {  	[tilespmem:s3+$0xFFFFFFD0] =	vst v11;
	v10 =	vmax.f32 v10, $0.0e+00;
	v20 =	vld [tilespmem:s20+$0xFFFFFF60]  }
0x308: {  	v60 =	vld [tilespmem:s7+$0xFFFFFFE0];
	[tilespmem:s3+$0x50] =	vst v10  }
0x309: {  	v10 =	vld [tilespmem:s7+$0x60]  }
0x30a: {  	v21 =	vld [tilespmem:s20+$0xFFFFFFE0]  }
0x30b: {  	v2 =	vld [tilespmem:s20+$0x60]  }
0x30c: {  	[tilespmem:s11+$0x60] =	vst v6;
	v59 =	vld [tilespmem:s20+$0xF0];
	v12 =	vadd.f32 v12, v57  }
0x30d: {  	v6 =	vld [tilespmem:s0+$0x70];
	v61 =	vadd.f32 v60, v58  }
0x30e: {  	v11 =	vld [tilespmem:s3+$0xFFFFFF70];
	v14 =	vadd.f32 v10, v14;
	v12 =	vadd.f32 v20, v12  }
0x30f: {  	v1 =	vmax.f32 v1, $0.0e+00;
	v13 =	vadd.f32 v15, v13;
	v10 =	vld [tilespmem:s3+$0x70];
	v15 =	vadd.f32 v21, v61  }
0x310: {  	[tilespmem:s11+$0xF0] =	vst v1;
	v1 =	vmax.f32 v12, $0.0e+00;
	v2 =	vadd.f32 v2, v14;
	v12 =	vld [tilespmem:s22+$0xFFFFFFF0]  }
0x311: {  	v14 =	vadd.f32 v59, v13;
	v13 =	vld [tilespmem:s22+$0x70];
	[tilespmem:s3+$0xFFFFFF60] =	vst v1;
	v1 =	vmax.f32 v15, $0.0e+00  }
0x312: {  	v15 =	vadd.f32 v8, v5;
	[tilespmem:s3+$0xFFFFFFE0] =	vst v1;
	v8 =	vld [tilespmem:s7+$0xFFFFFF70];
	v2 =	vmax.f32 v2, $0.0e+00  }
0x313: {  	v1 =	vadd.f32 v7, v4;
	v5 =	vmax.f32 v14, $0.0e+00;
	v4 =	vld [tilespmem:s7+$0xFFFFFFF0];
	[tilespmem:s3+$0x60] =	vst v2  }
0x314: {  	s4 =	simm.s32 $0x6900;
	s0 =	simm.s32 $0xA700;
	s22 =	simm.s32 $0x4;
	v2 =	vadd.f32 v6, v3;
	[tilespmem:s3+$0xF0] =	vst v5;
	v3 =	vadd.f32 v62, v15;
	v5 =	vld [tilespmem:s7+$0x70]  }
.LBB2_10:
0x315: {  	v6 =	vld [tilespmem:s4+$0x80];
	s7 =	sadd.s32 $0x200, s7;
	v1 =	vadd.f32 v12, v1  }
0x316: {  	s22 =	sadd.s32 $0x4, s22;
	v7 =	vld [tilespmem:s7+$0x80];
	v12 =	vmax.f32 v3, $0.0e+00;
	v2 =	vadd.f32 v13, v2  }
0x317: {  	s20 =	sadd.s32 $0x200, s20;
	p0 =	slt.u32 s22, $0x3C;
	v13 =	vld [tilespmem:s7+$0xFFFFFF00];
	v3 =	vadd.f32 v8, v11;
	[tilespmem:s11+$0xFFFFFF70] =	vst v12;
	v8 =	vmax.f32 v1, $0.0e+00  }
0x318: {  	v11 =	vld [tilespmem:s20+$0x80];
	v1 =	vadd.f32 v4, v9;
	[tilespmem:s11+$0xFFFFFFF0] =	vst v8;
	v4 =	vmax.f32 v2, $0.0e+00  }
0x319: {  	v8 =	vld [tilespmem:s4+$0xFFFFFF80];
	v2 =	vadd.f32 v5, v10;
	[tilespmem:s11+$0x70] =	vst v4;
	s11 =	smov.u32 s3;
	s3 =	smov.u32 s4  }
0x31a: {  	v4 =	vld [tilespmem:s7+$0xFFFFFF80]  }
0x31b: {  	v5 =	vld [tilespmem:s4+$0x0];
	v6 =	vadd.f32 v7, v6  }
0x31c: {  	v7 =	vld [tilespmem:s7+$0x0]  }
0x31d: {  	v9 =	vld [tilespmem:s4+$0xFFFFFF00];
	v6 =	vadd.f32 v11, v6  }
0x31e: {  	v10 =	vld [tilespmem:s20+$0xFFFFFF00]  }
0x31f: {  	v4 =	vadd.f32 v4, v8;
	v8 =	vld [tilespmem:s20+$0xFFFFFF80];
	v6 =	vmax.f32 v6, $0.0e+00  }
0x320: {  	[tilespmem:s4+$0x80] =	vst v6;
	v6 =	vld [tilespmem:s4+$0x90]  }
0x321: {  	v5 =	vadd.f32 v7, v5;
	v7 =	vld [tilespmem:s7+$0x90]  }
0x322: {  	v9 =	vadd.f32 v13, v9;
	v11 =	vld [tilespmem:s20+$0x0]  }
0x323: {  	v12 =	vld [tilespmem:s20+$0x90]  }
0x324: {  	v9 =	vadd.f32 v10, v9;
	v10 =	vld [tilespmem:s4+$0xFFFFFF10];
	v4 =	vadd.f32 v8, v4  }
0x325: {  	v8 =	vld [tilespmem:s4+$0xFFFFFF90]  }
0x326: {  	v9 =	vmax.f32 v9, $0.0e+00;
	v4 =	vmax.f32 v4, $0.0e+00;
	v13 =	vld [tilespmem:s4+$0x10];
	v6 =	vadd.f32 v7, v6  }
0x327: {  	[tilespmem:s4+$0xFFFFFF00] =	vst v9;
	v7 =	vld [tilespmem:s4+$0xFFFFFF20];
	v5 =	vadd.f32 v11, v5  }
0x328: {  	v9 =	vld [tilespmem:s7+$0xFFFFFF10];
	[tilespmem:s4+$0xFFFFFF80] =	vst v4;
	v4 =	vadd.f32 v12, v6  }
0x329: {  	v6 =	vld [tilespmem:s7+$0xFFFFFF90];
	v5 =	vmax.f32 v5, $0.0e+00  }
0x32a: {  	v11 =	vld [tilespmem:s20+$0xFFFFFF10];
	[tilespmem:s4+$0x0] =	vst v5;
	v4 =	vmax.f32 v4, $0.0e+00  }
0x32b: {  	[tilespmem:s4+$0x90] =	vst v4;
	v4 =	vld [tilespmem:s4+$0xA0]  }
0x32c: {  	v5 =	vld [tilespmem:s7+$0xA0]  }
0x32d: {  	v9 =	vadd.f32 v9, v10;
	v10 =	vld [tilespmem:s7+$0x10]  }
0x32e: {  	v6 =	vadd.f32 v6, v8;
	v8 =	vld [tilespmem:s20+$0xA0]  }
0x32f: {  	v9 =	vadd.f32 v11, v9;
	v11 =	vld [tilespmem:s20+$0xFFFFFF90]  }
0x330: {  	v12 =	vld [tilespmem:s20+$0x10]  }
0x331: {  	v9 =	vmax.f32 v9, $0.0e+00;
	v14 =	vld [tilespmem:s4+$0xFFFFFFA0];
	v4 =	vadd.f32 v5, v4  }
0x332: {  	[tilespmem:s4+$0xFFFFFF10] =	vst v9;
	v5 =	vadd.f32 v10, v13;
	v9 =	vld [tilespmem:s4+$0x20]  }
0x333: {  	v10 =	vld [tilespmem:s7+$0xFFFFFF20];
	v4 =	vadd.f32 v8, v4  }
0x334: {  	v8 =	vld [tilespmem:s20+$0xFFFFFF20];
	v6 =	vadd.f32 v11, v6  }
0x335: {  	v11 =	vld [tilespmem:s4+$0xFFFFFF30];
	v5 =	vadd.f32 v12, v5;
	v4 =	vmax.f32 v4, $0.0e+00  }
0x336: {  	v6 =	vmax.f32 v6, $0.0e+00;
	[tilespmem:s4+$0xA0] =	vst v4;
	v4 =	vld [tilespmem:s4+$0xB0]  }
0x337: {  	[tilespmem:s4+$0xFFFFFF90] =	vst v6;
	v5 =	vmax.f32 v5, $0.0e+00;
	v6 =	vld [tilespmem:s7+$0xB0]  }
0x338: {  	v7 =	vadd.f32 v10, v7;
	v10 =	vld [tilespmem:s7+$0xFFFFFFA0];
	[tilespmem:s4+$0x10] =	vst v5  }
0x339: {  	v5 =	vld [tilespmem:s20+$0xB0]  }
0x33a: {  	v7 =	vadd.f32 v8, v7;
	v8 =	vld [tilespmem:s7+$0x20]  }
0x33b: {  	v12 =	vld [tilespmem:s20+$0xFFFFFFA0]  }
0x33c: {  	v7 =	vmax.f32 v7, $0.0e+00;
	v13 =	vld [tilespmem:s20+$0x20];
	v4 =	vadd.f32 v6, v4  }
0x33d: {  	[tilespmem:s4+$0xFFFFFF20] =	vst v7;
	v6 =	vadd.f32 v10, v14;
	v7 =	vld [tilespmem:s4+$0xFFFFFFB0]  }
0x33e: {  	v10 =	vld [tilespmem:s7+$0xFFFFFF30];
	v4 =	vadd.f32 v5, v4  }
0x33f: {  	v5 =	vadd.f32 v8, v9;
	v8 =	vld [tilespmem:s4+$0x30]  }
0x340: {  	v9 =	vld [tilespmem:s20+$0xFFFFFF30];
	v6 =	vadd.f32 v12, v6;
	v4 =	vmax.f32 v4, $0.0e+00  }
0x341: {  	v5 =	vadd.f32 v13, v5;
	[tilespmem:s4+$0xB0] =	vst v4;
	v4 =	vld [tilespmem:s4+$0xC0]  }
0x342: {  	v6 =	vmax.f32 v6, $0.0e+00;
	v12 =	vld [tilespmem:s7+$0xC0]  }
0x343: {  	v10 =	vadd.f32 v10, v11;
	v11 =	vld [tilespmem:s4+$0xFFFFFF40];
	[tilespmem:s4+$0xFFFFFFA0] =	vst v6;
	v5 =	vmax.f32 v5, $0.0e+00  }
0x344: {  	[tilespmem:s4+$0x20] =	vst v5;
	v5 =	vld [tilespmem:s20+$0xC0]  }
0x345: {  	v6 =	vadd.f32 v9, v10;
	v9 =	vld [tilespmem:s7+$0xFFFFFFB0]  }
0x346: {  	v10 =	vld [tilespmem:s7+$0x30]  }
0x347: {  	v6 =	vmax.f32 v6, $0.0e+00;
	v13 =	vld [tilespmem:s20+$0xFFFFFFB0];
	v4 =	vadd.f32 v12, v4  }
0x348: {  	[tilespmem:s4+$0xFFFFFF30] =	vst v6;
	v6 =	vld [tilespmem:s20+$0x30]  }
0x349: {  	v12 =	vld [tilespmem:s7+$0xFFFFFF40];
	v4 =	vadd.f32 v5, v4  }
0x34a: {  	v5 =	vadd.f32 v9, v7;
	v7 =	vld [tilespmem:s4+$0xFFFFFFC0]  }
0x34b: {  	v8 =	vadd.f32 v10, v8;
	v9 =	vld [tilespmem:s4+$0x40];
	v4 =	vmax.f32 v4, $0.0e+00  }
0x34c: {  	v5 =	vadd.f32 v13, v5;
	[tilespmem:s4+$0xC0] =	vst v4;
	v4 =	vld [tilespmem:s4+$0xD0]  }
0x34d: {  	v6 =	vadd.f32 v6, v8;
	v8 =	vld [tilespmem:s7+$0xD0]  }
0x34e: {  	v10 =	vadd.f32 v12, v11;
	v11 =	vld [tilespmem:s20+$0xFFFFFF40];
	v5 =	vmax.f32 v5, $0.0e+00  }
0x34f: {  	[tilespmem:s4+$0xFFFFFFB0] =	vst v5;
	v5 =	vmax.f32 v6, $0.0e+00;
	v6 =	vld [tilespmem:s20+$0xD0]  }
0x350: {  	v12 =	vld [tilespmem:s7+$0xFFFFFFC0];
	[tilespmem:s4+$0x30] =	vst v5  }
0x351: {  	v5 =	vld [tilespmem:s7+$0x40]  }
0x352: {  	v13 =	vld [tilespmem:s20+$0xFFFFFFC0];
	v4 =	vadd.f32 v8, v4  }
0x353: {  	v8 =	vadd.f32 v11, v10;
	v10 =	vld [tilespmem:s20+$0x40]  }
0x354: {  	v11 =	vld [tilespmem:s4+$0xFFFFFF50];
	v4 =	vadd.f32 v6, v4  }
0x355: {  	v6 =	vmax.f32 v8, $0.0e+00;
	v7 =	vadd.f32 v12, v7;
	v8 =	vld [tilespmem:s4+$0xFFFFFFD0]  }
0x356: {  	[tilespmem:s4+$0xFFFFFF40] =	vst v6;
	v5 =	vadd.f32 v5, v9;
	v6 =	vld [tilespmem:s4+$0x50];
	v4 =	vmax.f32 v4, $0.0e+00  }
0x357: {  	v7 =	vadd.f32 v13, v7;
	[tilespmem:s4+$0xD0] =	vst v4;
	v4 =	vld [tilespmem:s4+$0xE0]  }
0x358: {  	v5 =	vadd.f32 v10, v5;
	v9 =	vld [tilespmem:s7+$0xE0]  }
0x359: {  	v10 =	vld [tilespmem:s7+$0xFFFFFF50];
	v7 =	vmax.f32 v7, $0.0e+00  }
0x35a: {  	[tilespmem:s4+$0xFFFFFFC0] =	vst v7;
	v5 =	vmax.f32 v5, $0.0e+00;
	v7 =	vld [tilespmem:s20+$0xE0]  }
0x35b: {  	v12 =	vld [tilespmem:s7+$0xFFFFFFD0];
	[tilespmem:s4+$0x40] =	vst v5  }
0x35c: {  	v5 =	vld [tilespmem:s7+$0x50]  }
0x35d: {  	v13 =	vld [tilespmem:s20+$0xFFFFFF50];
	v4 =	vadd.f32 v9, v4  }
0x35e: {  	v9 =	vadd.f32 v10, v11;
	v10 =	vld [tilespmem:s20+$0xFFFFFFD0]  }
0x35f: {  	v11 =	vld [tilespmem:s20+$0x50];
	v4 =	vadd.f32 v7, v4  }
0x360: {  	v7 =	vld [tilespmem:s4+$0xFFFFFF60];
	v8 =	vadd.f32 v12, v8  }
0x361: {  	v12 =	vld [tilespmem:s4+$0xFFFFFFE0];
	v5 =	vadd.f32 v5, v6;
	v4 =	vmax.f32 v4, $0.0e+00  }
0x362: {  	v6 =	vadd.f32 v13, v9;
	[tilespmem:s4+$0xE0] =	vst v4;
	v4 =	vld [tilespmem:s4+$0xF0]  }
0x363: {  	v8 =	vadd.f32 v10, v8;
	v9 =	vld [tilespmem:s7+$0xF0]  }
0x364: {  	v6 =	vmax.f32 v6, $0.0e+00;
	v5 =	vadd.f32 v11, v5;
	v10 =	vld [tilespmem:s4+$0x60]  }
0x365: {  	[tilespmem:s4+$0xFFFFFF50] =	vst v6;
	v6 =	vmax.f32 v8, $0.0e+00;
	v8 =	vld [tilespmem:s20+$0xF0]  }
0x366: {  	v11 =	vld [tilespmem:s7+$0xFFFFFF60];
	[tilespmem:s4+$0xFFFFFFD0] =	vst v6;
	v5 =	vmax.f32 v5, $0.0e+00  }
0x367: {  	v6 =	vld [tilespmem:s7+$0xFFFFFFE0];
	[tilespmem:s4+$0x50] =	vst v5  }
0x368: {  	v5 =	vld [tilespmem:s7+$0x60];
	v4 =	vadd.f32 v9, v4  }
0x369: {  	v13 =	vld [tilespmem:s20+$0xFFFFFF60]  }
0x36a: {  	v14 =	vld [tilespmem:s20+$0xFFFFFFE0];
	v4 =	vadd.f32 v8, v4  }
0x36b: {  	v7 =	vadd.f32 v11, v7;
	v8 =	vld [tilespmem:s20+$0x60]  }
0x36c: {  	v11 =	vld [tilespmem:s4+$0xFFFFFF70];
	v6 =	vadd.f32 v6, v12;
	v4 =	vmax.f32 v4, $0.0e+00  }
0x36d: {  	v9 =	vld [tilespmem:s4+$0xFFFFFFF0];
	v5 =	vadd.f32 v5, v10;
	[tilespmem:s4+$0xF0] =	vst v4  }
0x36e: {  	v4 =	vadd.f32 v13, v7;
	v10 =	vld [tilespmem:s4+$0x70]  }
0x36f: {  	v6 =	vadd.f32 v14, v6;
	v7 =	vld [tilespmem:s0+$0xFFFFFF70]  }
.Ltmp8:
0x370: {  	v4 =	vmax.f32 v4, $0.0e+00;
	v5 =	vadd.f32 v8, v5;
	v12 =	vld [tilespmem:s0+$0xFFFFFFF0];
	(pc) =	sbr.rel @p0 .LBB2_10-.Ltmp8, $4  }
0x371: {  	[tilespmem:s4+$0xFFFFFF60] =	vst v4;
	v4 =	vmax.f32 v6, $0.0e+00;
	v13 =	vld [tilespmem:s0+$0x70];
	s0 =	smov.u32 s20  }
0x372: {  	v8 =	vld [tilespmem:s7+$0xFFFFFF70];
	[tilespmem:s4+$0xFFFFFFE0] =	vst v4;
	v5 =	vmax.f32 v5, $0.0e+00  }
0x373: {  	v4 =	vld [tilespmem:s7+$0xFFFFFFF0];
	[tilespmem:s4+$0x60] =	vst v5  }
0x374: {  	s4 =	sadd.s32 $0x200, s4;
	v5 =	vld [tilespmem:s7+$0x70];
	v3 =	vadd.f32 v7, v3  }
0x375: {  	v6 =	vld [tilespmem:s0+$0xFFFFFF70]  }
0x376: {  	v7 =	vld [tilespmem:s0+$0xFFFFFFF0]  }
0x377: {  	v14 =	vld [tilespmem:s0+$0x70]  }
0x378: {  	v1 =	vadd.f32 v12, v1;
	v8 =	vadd.f32 v8, v11  }
0x379: {  	v2 =	vadd.f32 v13, v2;
	v3 =	vmax.f32 v3, $0.0e+00;
	v4 =	vadd.f32 v4, v9  }
0x37a: {  	[tilespmem:s11+$0xFFFFFF70] =	vst v3;
	v1 =	vmax.f32 v1, $0.0e+00;
	v3 =	vadd.f32 v5, v10;
	v62 =	vadd.f32 v6, v8  }
0x37b: {  	[tilespmem:s11+$0xFFFFFFF0] =	vst v1;
	v1 =	vmax.f32 v2, $0.0e+00;
	v2 =	vadd.f32 v7, v4  }
0x37c: {  	[tilespmem:s11+$0x70] =	vst v1;
	v3 =	vadd.f32 v14, v3;
	v1 =	vmax.f32 v62, $0.0e+00  }
0x37d: {  	[tilespmem:s3+$0xFFFFFF70] =	vst v1;
	v1 =	vmax.f32 v2, $0.0e+00  }
0x37e: {  	[tilespmem:s3+$0xFFFFFFF0] =	vst v1;
	v1 =	vmax.f32 v3, $0.0e+00  }
0x37f: {  	s22 =	rddreg [dreg:$0x2];
	s20 =	simm.s32 $0x180;
	[tilespmem:s3+$0x70] =	vst v1  }
0x380: {  	[spmem:s22] =	stream.indirect.scatter.add.f32 [tilespmem:s24], [sflag:$0x8], $0x80, s20, s6, $0xb8;
	v63 =	vld [tilespmem:$0x0]  }
0x381: {  	_ =	swait.ge [sflag:s29], $0x2000  }
0x382: {  	[sflag:s29] =	ssyncset.done $0x0  }
0x383: {  	[sflag:s29] =	ssyncadd.s32 $0xFFFFE000  }
.LBB2_12:
0x384: {  	s0 =	sld [smem:$0x7FC];
	_ =	sdelay $0x2  }
0x385: {  	s0 =	sadd.s32 s0, s10  }
0x386: {  	s0 =	smin.u32 s0, $0x1387  }
0x387: {  	s0 =	sshll.u32 s0, $0x3  }
0x388: {  	s4 =	simm.s32 $0x100;
	s3 =	sadd.s32 s17, s0  }
0x389: {  	[tilespmem:s4], [sflag:$0x2] =	stream.linear.gather [hbm4b:s3+s2], $0x40, $0x38;
	v63 =	vld [tilespmem:$0x0]  }
0x38a: {  	s20 =	simm.s32 $0x180;
	s0 =	sadd.s32 s18, s0  }
0x38b: {  	[tilespmem:s20], [sflag:$0x2] =	stream.linear.gather [hbm4b:s0+s2], $0x40, $0x38;
	v63 =	vld [tilespmem:$0x0]  }
0x38c: {  	_ =	swait.ge [sflag:s19], $0x40  }
0x38d: {  	[sflag:s19] =	ssyncset.done $0x0  }
0x38e: {  	[sflag:s19] =	ssyncadd.s32 $0xFFFFFFC0  }
0x38f: {  	_ =	swait.ge [sflag:s19], $0x40  }
0x390: {  	[sflag:s19] =	ssyncset.done $0x0  }
0x391: {  	s4 =	simm.s32 $0x300;
	[sflag:s19] =	ssyncadd.s32 $0xFFFFFFC0  }
0x392: {  	[tilespmem:s24], [sflag:$0x6] =	stream.indirect.gather [hbm4b:s1+s6], $0x80, s4, s6, $0xb8;
	v63 =	vld [tilespmem:$0x0]  }
0x393: {  	s7 =	simm.s32 $0x380;
	s11 =	simm.s32 $0x8400;
	s20 =	sshll.u32 s21, $0xA  }
0x394: {  	[tilespmem:s11], [sflag:$0x6] =	stream.indirect.gather [hbm4b:s15+s6], $0x80, s7, s6, $0xb8;
	v63 =	vld [tilespmem:$0x0]  }
0x395: {  	s21 =	simm.s32 $0xA400;
	s0 =	sadd.s32 s16, s20  }
0x396: {  	[tilespmem:s21], [sflag:$0x6] =	stream.linear.gather [hbm4b:s0+s2], $0x2000, $0x38;
	v63 =	vld [tilespmem:$0x0]  }
0x397: {  	_ =	swait.ge [sflag:s28], $0x2000  }
0x398: {  	[sflag:s28] =	ssyncset.done $0x0  }
0x399: {  	[sflag:s28] =	ssyncadd.s32 $0xFFFFE000  }
0x39a: {  	p0 =	sgt.u32 s26, $0x1387;
	_ =	swait.ge [sflag:s28], $0x2000  }
.Ltmp9:
0x39b: {  	[sflag:s28] =	ssyncset.done $0x0;
	(pc) =	sbr.rel @p0 .LBB2_16-.Ltmp9, $4  }
0x39c: {  	[sflag:s28] =	ssyncadd.s32 $0xFFFFE000  }
0x39d: {  	_ =	swait.ge [sflag:s28], $0x2000  }
0x39e: {  	[sflag:s28] =	ssyncset.done $0x0  }
0x39f: {  	[sflag:s28] =	ssyncadd.s32 $0xFFFFE000  }
0x3a0: {  	s11 =	simm.s32 $0x500  }
0x3a1: {  	s0 =	simm.s32 $0x2500;
	v1 =	vld [tilespmem:s11+$0x80]  }
0x3a2: {  	s21 =	simm.s32 $0x4500;
	v2 =	vld [tilespmem:s0+$0x80]  }
0x3a3: {  	v3 =	vld [tilespmem:s21+$0x80]  }
0x3a4: {  	v4 =	vld [tilespmem:s21+$0xFFFFFF00]  }
0x3a5: {  	v6 =	vld [tilespmem:s11+$0xFFFFFF80]  }
0x3a6: {  	v8 =	vld [tilespmem:s0+$0xFFFFFF80]  }
0x3a7: {  	s3 =	simm.s32 $0x700;
	v9 =	vld [tilespmem:s0+$0x0]  }
0x3a8: {  	s7 =	simm.s32 $0x2700;
	v13 =	vld [tilespmem:s3+$0x80]  }
0x3a9: {  	v14 =	vld [tilespmem:s7+$0x80]  }
0x3aa: {  	v16 =	vld [tilespmem:s3+$0xFFFFFF80];
	v1 =	vadd.f32 v2, v1  }
0x3ab: {  	v17 =	vld [tilespmem:s7+$0xFFFFFF80]  }
0x3ac: {  	v2 =	vld [tilespmem:s0+$0xFFFFFF00];
	v1 =	vadd.f32 v3, v1  }
0x3ad: {  	s20 =	simm.s32 $0x4700;
	v3 =	vld [tilespmem:s11+$0xFFFFFF00]  }
0x3ae: {  	v18 =	vld [tilespmem:s20+$0x0];
	v1 =	vmax.f32 v1, $0.0e+00  }
0x3af: {  	[tilespmem:s11+$0x80] =	vst v1;
	v1 =	vld [tilespmem:s11+$0x90]  }
0x3b0: {  	v5 =	vld [tilespmem:s0+$0x90]  }
0x3b1: {  	v7 =	vld [tilespmem:s21+$0x90]  }
0x3b2: {  	v2 =	vadd.f32 v2, v3;
	v3 =	vld [tilespmem:s11+$0x0]  }
0x3b3: {  	v19 =	vld [tilespmem:s3+$0xFFFFFF90]  }
0x3b4: {  	v37 =	vld [tilespmem:s3+$0x10]  }
0x3b5: {  	v2 =	vadd.f32 v4, v2;
	v4 =	vld [tilespmem:s21+$0xFFFFFF80];
	v1 =	vadd.f32 v5, v1  }
0x3b6: {  	v5 =	vld [tilespmem:s11+$0xFFFFFF10]  }
0x3b7: {  	v2 =	vmax.f32 v2, $0.0e+00;
	v3 =	vadd.f32 v9, v3;
	v9 =	vld [tilespmem:s11+$0x10];
	v1 =	vadd.f32 v7, v1  }
0x3b8: {  	[tilespmem:s11+$0xFFFFFF00] =	vst v2;
	v7 =	vld [tilespmem:s21+$0x0]  }
0x3b9: {  	v2 =	vld [tilespmem:s0+$0xFFFFFF10];
	v1 =	vmax.f32 v1, $0.0e+00  }
0x3ba: {  	v10 =	vld [tilespmem:s21+$0xFFFFFF10];
	[tilespmem:s11+$0x90] =	vst v1;
	v1 =	vadd.f32 v8, v6  }
0x3bb: {  	v6 =	vld [tilespmem:s11+$0xA0]  }
0x3bc: {  	v8 =	vld [tilespmem:s0+$0xA0];
	v1 =	vadd.f32 v4, v1  }
0x3bd: {  	v4 =	vld [tilespmem:s11+$0xFFFFFF90];
	v3 =	vadd.f32 v7, v3  }
0x3be: {  	v7 =	vld [tilespmem:s21+$0xA0];
	v2 =	vadd.f32 v2, v5;
	v1 =	vmax.f32 v1, $0.0e+00  }
0x3bf: {  	v5 =	vld [tilespmem:s11+$0xFFFFFF20];
	[tilespmem:s11+$0xFFFFFF80] =	vst v1;
	v1 =	vmax.f32 v3, $0.0e+00  }
0x3c0: {  	v3 =	vld [tilespmem:s0+$0xFFFFFF90];
	[tilespmem:s11+$0x0] =	vst v1;
	v1 =	vadd.f32 v10, v2  }
0x3c1: {  	v2 =	vadd.f32 v8, v6;
	v8 =	vld [tilespmem:s21+$0xFFFFFF90]  }
0x3c2: {  	v6 =	vld [tilespmem:s0+$0x10];
	v1 =	vmax.f32 v1, $0.0e+00  }
0x3c3: {  	v2 =	vadd.f32 v7, v2;
	v7 =	vld [tilespmem:s21+$0x10];
	[tilespmem:s11+$0xFFFFFF10] =	vst v1  }
0x3c4: {  	v1 =	vld [tilespmem:s0+$0xFFFFFF20]  }
0x3c5: {  	v2 =	vmax.f32 v2, $0.0e+00;
	v10 =	vld [tilespmem:s21+$0xFFFFFF20]  }
0x3c6: {  	[tilespmem:s11+$0xA0] =	vst v2;
	v2 =	vadd.f32 v3, v4;
	v3 =	vld [tilespmem:s11+$0xB0]  }
0x3c7: {  	v4 =	vadd.f32 v6, v9;
	v6 =	vld [tilespmem:s0+$0xB0]  }
0x3c8: {  	v9 =	vld [tilespmem:s11+$0xFFFFFFA0];
	v2 =	vadd.f32 v8, v2  }
0x3c9: {  	v8 =	vld [tilespmem:s11+$0x20]  }
0x3ca: {  	v4 =	vadd.f32 v7, v4;
	v7 =	vld [tilespmem:s21+$0xB0];
	v2 =	vmax.f32 v2, $0.0e+00;
	v1 =	vadd.f32 v1, v5  }
0x3cb: {  	v5 =	vld [tilespmem:s11+$0xFFFFFF30];
	[tilespmem:s11+$0xFFFFFF90] =	vst v2  }
0x3cc: {  	v2 =	vmax.f32 v4, $0.0e+00;
	v4 =	vld [tilespmem:s0+$0xFFFFFFA0];
	v1 =	vadd.f32 v10, v1  }
0x3cd: {  	[tilespmem:s11+$0x10] =	vst v2;
	v2 =	vadd.f32 v6, v3;
	v6 =	vld [tilespmem:s21+$0xFFFFFFA0]  }
0x3ce: {  	v3 =	vld [tilespmem:s0+$0x20];
	v1 =	vmax.f32 v1, $0.0e+00  }
0x3cf: {  	v2 =	vadd.f32 v7, v2;
	v7 =	vld [tilespmem:s21+$0x20];
	[tilespmem:s11+$0xFFFFFF20] =	vst v1  }
0x3d0: {  	v1 =	vld [tilespmem:s0+$0xFFFFFF30]  }
0x3d1: {  	v2 =	vmax.f32 v2, $0.0e+00;
	v10 =	vld [tilespmem:s21+$0xFFFFFF30]  }
0x3d2: {  	[tilespmem:s11+$0xB0] =	vst v2;
	v2 =	vadd.f32 v4, v9;
	v4 =	vld [tilespmem:s11+$0xC0]  }
0x3d3: {  	v9 =	vld [tilespmem:s11+$0xFFFFFFB0];
	v3 =	vadd.f32 v3, v8  }
0x3d4: {  	v8 =	vld [tilespmem:s0+$0xC0];
	v2 =	vadd.f32 v6, v2  }
0x3d5: {  	v6 =	vld [tilespmem:s21+$0xC0];
	v3 =	vadd.f32 v7, v3  }
0x3d6: {  	v7 =	vld [tilespmem:s11+$0x30];
	v2 =	vmax.f32 v2, $0.0e+00;
	v1 =	vadd.f32 v1, v5  }
0x3d7: {  	v5 =	vld [tilespmem:s11+$0xFFFFFF40];
	[tilespmem:s11+$0xFFFFFFA0] =	vst v2;
	v2 =	vmax.f32 v3, $0.0e+00  }
0x3d8: {  	[tilespmem:s11+$0x20] =	vst v2;
	v1 =	vadd.f32 v10, v1;
	v2 =	vld [tilespmem:s0+$0xFFFFFFB0]  }
0x3d9: {  	v3 =	vadd.f32 v8, v4;
	v4 =	vld [tilespmem:s0+$0x30]  }
0x3da: {  	v8 =	vld [tilespmem:s21+$0xFFFFFFB0];
	v1 =	vmax.f32 v1, $0.0e+00  }
0x3db: {  	v3 =	vadd.f32 v6, v3;
	[tilespmem:s11+$0xFFFFFF30] =	vst v1;
	v1 =	vld [tilespmem:s21+$0x30]  }
0x3dc: {  	v6 =	vld [tilespmem:s0+$0xFFFFFF40]  }
0x3dd: {  	v3 =	vmax.f32 v3, $0.0e+00;
	v10 =	vld [tilespmem:s21+$0xFFFFFF40];
	v2 =	vadd.f32 v2, v9  }
0x3de: {  	[tilespmem:s11+$0xC0] =	vst v3;
	v3 =	vadd.f32 v4, v7;
	v4 =	vld [tilespmem:s11+$0xD0]  }
0x3df: {  	v7 =	vld [tilespmem:s0+$0xD0];
	v2 =	vadd.f32 v8, v2  }
0x3e0: {  	v9 =	vld [tilespmem:s11+$0xFFFFFFC0]  }
0x3e1: {  	v1 =	vadd.f32 v1, v3;
	v3 =	vld [tilespmem:s21+$0xD0];
	v2 =	vmax.f32 v2, $0.0e+00  }
0x3e2: {  	v8 =	vld [tilespmem:s11+$0x40];
	[tilespmem:s11+$0xFFFFFFB0] =	vst v2  }
0x3e3: {  	v1 =	vmax.f32 v1, $0.0e+00;
	v2 =	vld [tilespmem:s0+$0xFFFFFFC0]  }
0x3e4: {  	[tilespmem:s11+$0x30] =	vst v1;
	v4 =	vadd.f32 v7, v4;
	v7 =	vld [tilespmem:s21+$0xFFFFFFC0]  }
0x3e5: {  	v5 =	vadd.f32 v6, v5;
	v1 =	vld [tilespmem:s0+$0x40]  }
0x3e6: {  	v6 =	vld [tilespmem:s21+$0x40];
	v3 =	vadd.f32 v3, v4  }
0x3e7: {  	v5 =	vadd.f32 v10, v5;
	v4 =	vld [tilespmem:s11+$0xFFFFFF50]  }
0x3e8: {  	v3 =	vmax.f32 v3, $0.0e+00;
	v2 =	vadd.f32 v2, v9;
	v9 =	vld [tilespmem:s11+$0xFFFFFFD0]  }
0x3e9: {  	[tilespmem:s11+$0xD0] =	vst v3;
	v3 =	vmax.f32 v5, $0.0e+00;
	v5 =	vld [tilespmem:s11+$0xE0]  }
0x3ea: {  	v1 =	vadd.f32 v1, v8;
	v8 =	vld [tilespmem:s11+$0x50];
	v2 =	vadd.f32 v7, v2  }
0x3eb: {  	[tilespmem:s11+$0xFFFFFF40] =	vst v3;
	v3 =	vld [tilespmem:s0+$0xE0]  }
0x3ec: {  	v1 =	vadd.f32 v6, v1;
	v6 =	vld [tilespmem:s0+$0xFFFFFF50];
	v2 =	vmax.f32 v2, $0.0e+00  }
0x3ed: {  	[tilespmem:s11+$0xFFFFFFC0] =	vst v2;
	v2 =	vld [tilespmem:s21+$0xE0]  }
0x3ee: {  	v10 =	vld [tilespmem:s21+$0xFFFFFF50];
	v1 =	vmax.f32 v1, $0.0e+00  }
0x3ef: {  	v7 =	vld [tilespmem:s0+$0xFFFFFFD0];
	[tilespmem:s11+$0x40] =	vst v1  }
0x3f0: {  	v3 =	vadd.f32 v3, v5;
	v1 =	vld [tilespmem:s0+$0x50]  }
0x3f1: {  	v5 =	vld [tilespmem:s21+$0xFFFFFFD0]  }
0x3f2: {  	v11 =	vld [tilespmem:s21+$0x50];
	v2 =	vadd.f32 v2, v3;
	v3 =	vadd.f32 v6, v4  }
0x3f3: {  	v41 =	vld [tilespmem:s3+$0xFFFFFFA0]  }
0x3f4: {  	v42 =	vld [tilespmem:s3+$0x20];
	v6 =	vadd.f32 v7, v9;
	v3 =	vadd.f32 v10, v3  }
0x3f5: {  	v4 =	vld [tilespmem:s11+$0xFFFFFF60];
	v8 =	vadd.f32 v1, v8  }
0x3f6: {  	v7 =	vld [tilespmem:s11+$0xFFFFFFE0];
	v5 =	vadd.f32 v5, v6;
	v3 =	vmax.f32 v3, $0.0e+00  }
0x3f7: {  	v6 =	vadd.f32 v11, v8;
	v8 =	vld [tilespmem:s11+$0x60];
	[tilespmem:s11+$0xFFFFFF50] =	vst v3  }
0x3f8: {  	v3 =	vmax.f32 v5, $0.0e+00;
	v5 =	vld [tilespmem:s0+$0xFFFFFF60]  }
0x3f9: {  	[tilespmem:s11+$0xFFFFFFD0] =	vst v3;
	v3 =	vmax.f32 v6, $0.0e+00;
	v10 =	vld [tilespmem:s21+$0xFFFFFF60]  }
0x3fa: {  	v6 =	vld [tilespmem:s0+$0xFFFFFFE0];
	[tilespmem:s11+$0x50] =	vst v3  }
0x3fb: {  	v3 =	vld [tilespmem:s0+$0x60]  }
0x3fc: {  	v11 =	vld [tilespmem:s21+$0xFFFFFFE0]  }
0x3fd: {  	v12 =	vld [tilespmem:s21+$0x60];
	v4 =	vadd.f32 v5, v4  }
0x3fe: {  	v46 =	vld [tilespmem:s3+$0xFFFFFFB0]  }
0x3ff: {  	v6 =	vadd.f32 v6, v7;
	v7 =	vadd.f32 v10, v4;
	v10 =	vld [tilespmem:s20+$0x80]  }
0x400: {  	v47 =	vld [tilespmem:s3+$0x30];
	v3 =	vadd.f32 v3, v8  }
0x401: {  	v50 =	vld [tilespmem:s3+$0xFFFFFFC0];
	v6 =	vadd.f32 v11, v6  }
0x402: {  	v53 =	vld [tilespmem:s3+$0xFFFFFF50];
	v11 =	vadd.f32 v12, v3;
	v12 =	vadd.f32 v14, v13  }
0x403: {  	v54 =	vld [tilespmem:s3+$0xFFFFFFD0]  }
0x404: {  	v14 =	vld [tilespmem:s20+$0xFFFFFF00];
	v6 =	vmax.f32 v6, $0.0e+00;
	v10 =	vadd.f32 v10, v12  }
0x405: {  	[tilespmem:s11+$0xFFFFFFE0] =	vst v6;
	v6 =	vmax.f32 v11, $0.0e+00;
	v11 =	vld [tilespmem:s7+$0xFFFFFF00]  }
0x406: {  	v12 =	vld [tilespmem:s3+$0xFFFFFF00];
	v10 =	vmax.f32 v10, $0.0e+00  }
0x407: {  	[tilespmem:s3+$0x80] =	vst v10;
	v10 =	vld [tilespmem:s3+$0x90]  }
0x408: {  	v13 =	vld [tilespmem:s7+$0x90]  }
0x409: {  	v55 =	vld [tilespmem:s3+$0x50]  }
0x40a: {  	v15 =	vld [tilespmem:s20+$0x90]  }
0x40b: {  	v57 =	vld [tilespmem:s3+$0xFFFFFF60];
	v11 =	vadd.f32 v11, v12  }
0x40c: {  	v1 =	vld [tilespmem:s11+$0xF0]  }
0x40d: {  	v12 =	vld [tilespmem:s3+$0x0];
	v11 =	vadd.f32 v14, v11;
	v10 =	vadd.f32 v13, v10  }
0x40e: {  	v13 =	vld [tilespmem:s7+$0x0]  }
0x40f: {  	v14 =	vld [tilespmem:s20+$0xFFFFFF80];
	v11 =	vmax.f32 v11, $0.0e+00;
	v10 =	vadd.f32 v15, v10  }
0x410: {  	[tilespmem:s3+$0xFFFFFF00] =	vst v11;
	v15 =	vld [tilespmem:s3+$0xFFFFFF10]  }
0x411: {  	v11 =	vld [tilespmem:s7+$0xFFFFFF10];
	v10 =	vmax.f32 v10, $0.0e+00  }
0x412: {  	v16 =	vadd.f32 v17, v16;
	[tilespmem:s3+$0x90] =	vst v10;
	v10 =	vld [tilespmem:s3+$0xA0]  }
0x413: {  	v2 =	vmax.f32 v2, $0.0e+00;
	v12 =	vadd.f32 v13, v12;
	v13 =	vld [tilespmem:s20+$0xFFFFFF10]  }
0x414: {  	[tilespmem:s11+$0xE0] =	vst v2;
	v14 =	vadd.f32 v14, v16;
	v35 =	vld [tilespmem:s7+$0xA0]  }
0x415: {  	v2 =	vld [tilespmem:s0+$0xF0];
	v12 =	vadd.f32 v18, v12  }
0x416: {  	v14 =	vmax.f32 v14, $0.0e+00;
	v36 =	vld [tilespmem:s20+$0xA0];
	v11 =	vadd.f32 v11, v15  }
0x417: {  	[tilespmem:s3+$0xFFFFFF80] =	vst v14;
	v15 =	vld [tilespmem:s3+$0xFFFFFF20];
	v12 =	vmax.f32 v12, $0.0e+00  }
0x418: {  	v14 =	vld [tilespmem:s7+$0xFFFFFF90];
	[tilespmem:s3+$0x0] =	vst v12;
	v11 =	vadd.f32 v13, v11  }
0x419: {  	v10 =	vadd.f32 v35, v10;
	v12 =	vld [tilespmem:s7+$0x10]  }
0x41a: {  	v13 =	vld [tilespmem:s20+$0xFFFFFF90];
	v11 =	vmax.f32 v11, $0.0e+00  }
0x41b: {  	v38 =	vld [tilespmem:s20+$0x10];
	v10 =	vadd.f32 v36, v10;
	[tilespmem:s3+$0xFFFFFF10] =	vst v11  }
0x41c: {  	v11 =	vld [tilespmem:s7+$0xFFFFFF20]  }
0x41d: {  	v14 =	vadd.f32 v14, v19;
	v40 =	vld [tilespmem:s20+$0xFFFFFF20];
	v10 =	vmax.f32 v10, $0.0e+00  }
0x41e: {  	[tilespmem:s3+$0xA0] =	vst v10;
	v10 =	vld [tilespmem:s3+$0xB0];
	v12 =	vadd.f32 v12, v37  }
0x41f: {  	v13 =	vadd.f32 v13, v14;
	v39 =	vld [tilespmem:s7+$0xB0]  }
0x420: {  	v9 =	vld [tilespmem:s21+$0xF0];
	v12 =	vadd.f32 v38, v12  }
0x421: {  	v14 =	vld [tilespmem:s20+$0xB0];
	v13 =	vmax.f32 v13, $0.0e+00;
	v11 =	vadd.f32 v11, v15  }
0x422: {  	[tilespmem:s3+$0xFFFFFF90] =	vst v13;
	v15 =	vld [tilespmem:s3+$0xFFFFFF30];
	v12 =	vmax.f32 v12, $0.0e+00  }
0x423: {  	v13 =	vld [tilespmem:s7+$0xFFFFFFA0];
	[tilespmem:s3+$0x10] =	vst v12;
	v11 =	vadd.f32 v40, v11  }
0x424: {  	v10 =	vadd.f32 v39, v10;
	v12 =	vld [tilespmem:s7+$0x20]  }
0x425: {  	v43 =	vld [tilespmem:s20+$0x20];
	v11 =	vmax.f32 v11, $0.0e+00  }
0x426: {  	v10 =	vadd.f32 v14, v10;
	v14 =	vld [tilespmem:s20+$0xFFFFFFA0];
	[tilespmem:s3+$0xFFFFFF20] =	vst v11  }
0x427: {  	v11 =	vld [tilespmem:s7+$0xFFFFFF30]  }
0x428: {  	v45 =	vld [tilespmem:s20+$0xFFFFFF30];
	v10 =	vmax.f32 v10, $0.0e+00  }
0x429: {  	v13 =	vadd.f32 v13, v41;
	[tilespmem:s3+$0xB0] =	vst v10;
	v10 =	vld [tilespmem:s3+$0xC0]  }
0x42a: {  	v12 =	vadd.f32 v12, v42;
	v44 =	vld [tilespmem:s7+$0xC0]  }
0x42b: {  	v58 =	vld [tilespmem:s3+$0xFFFFFFE0];
	v13 =	vadd.f32 v14, v13  }
0x42c: {  	v1 =	vadd.f32 v2, v1;
	v14 =	vld [tilespmem:s20+$0xC0];
	v12 =	vadd.f32 v43, v12  }
0x42d: {  	v5 =	vld [tilespmem:s11+$0xFFFFFF70];
	v11 =	vadd.f32 v11, v15;
	v13 =	vmax.f32 v13, $0.0e+00  }
0x42e: {  	v1 =	vadd.f32 v9, v1;
	v9 =	vld [tilespmem:s3+$0xFFFFFFF0];
	v12 =	vmax.f32 v12, $0.0e+00;
	[tilespmem:s3+$0xFFFFFFA0] =	vst v13  }
0x42f: {  	[tilespmem:s3+$0x20] =	vst v12;
	v11 =	vadd.f32 v45, v11;
	v10 =	vadd.f32 v44, v10;
	v12 =	vld [tilespmem:s7+$0xFFFFFFB0]  }
0x430: {  	v13 =	vld [tilespmem:s7+$0x30]  }
0x431: {  	v11 =	vmax.f32 v11, $0.0e+00;
	v10 =	vadd.f32 v14, v10;
	v14 =	vld [tilespmem:s20+$0xFFFFFFB0]  }
0x432: {  	[tilespmem:s3+$0xFFFFFF30] =	vst v11;
	v11 =	vld [tilespmem:s20+$0x30]  }
0x433: {  	v15 =	vld [tilespmem:s3+$0xFFFFFF40];
	v10 =	vmax.f32 v10, $0.0e+00  }
0x434: {  	v48 =	vld [tilespmem:s7+$0xFFFFFF40];
	[tilespmem:s3+$0xC0] =	vst v10;
	v10 =	vadd.f32 v12, v46  }
0x435: {  	v12 =	vld [tilespmem:s3+$0xD0];
	v13 =	vadd.f32 v13, v47  }
0x436: {  	v49 =	vld [tilespmem:s7+$0xD0];
	v10 =	vadd.f32 v14, v10  }
0x437: {  	v51 =	vld [tilespmem:s20+$0xFFFFFF40];
	v11 =	vadd.f32 v11, v13  }
0x438: {  	v13 =	vld [tilespmem:s20+$0xD0];
	v10 =	vmax.f32 v10, $0.0e+00  }
0x439: {  	v14 =	vld [tilespmem:s3+$0x40];
	[tilespmem:s3+$0xFFFFFFB0] =	vst v10;
	v10 =	vmax.f32 v11, $0.0e+00  }
0x43a: {  	v11 =	vld [tilespmem:s7+$0xFFFFFFC0];
	[tilespmem:s3+$0x30] =	vst v10  }
0x43b: {  	v10 =	vadd.f32 v49, v12;
	v12 =	vld [tilespmem:s7+$0x40]  }
0x43c: {  	v52 =	vld [tilespmem:s20+$0xFFFFFFC0]  }
0x43d: {  	v4 =	vld [tilespmem:s11+$0xFFFFFFF0];
	v10 =	vadd.f32 v13, v10  }
0x43e: {  	v15 =	vadd.f32 v48, v15;
	v13 =	vld [tilespmem:s20+$0x40]  }
0x43f: {  	v3 =	vld [tilespmem:s11+$0x70];
	v10 =	vmax.f32 v10, $0.0e+00;
	v11 =	vadd.f32 v11, v50  }
0x440: {  	v7 =	vmax.f32 v7, $0.0e+00;
	[tilespmem:s3+$0xD0] =	vst v10;
	v10 =	vadd.f32 v51, v15;
	v12 =	vadd.f32 v12, v14;
	v14 =	vld [tilespmem:s3+$0xE0]  }
0x441: {  	[tilespmem:s11+$0xFFFFFF60] =	vst v7;
	v15 =	vld [tilespmem:s7+$0xE0];
	v11 =	vadd.f32 v52, v11  }
0x442: {  	v8 =	vld [tilespmem:s0+$0xFFFFFF70];
	v10 =	vmax.f32 v10, $0.0e+00  }
0x443: {  	v12 =	vadd.f32 v13, v12;
	[tilespmem:s3+$0xFFFFFF40] =	vst v10;
	v10 =	vmax.f32 v11, $0.0e+00;
	v11 =	vld [tilespmem:s20+$0xE0]  }
0x444: {  	v13 =	vld [tilespmem:s7+$0xFFFFFF50];
	[tilespmem:s3+$0xFFFFFFC0] =	vst v10  }
0x445: {  	v10 =	vmax.f32 v12, $0.0e+00;
	v12 =	vld [tilespmem:s7+$0xFFFFFFD0]  }
0x446: {  	[tilespmem:s3+$0x40] =	vst v10;
	v14 =	vadd.f32 v15, v14;
	v15 =	vld [tilespmem:s20+$0xFFFFFF50]  }
0x447: {  	v10 =	vld [tilespmem:s7+$0x50]  }
0x448: {  	v56 =	vld [tilespmem:s20+$0xFFFFFFD0];
	v11 =	vadd.f32 v11, v14  }
0x449: {  	v14 =	vld [tilespmem:s20+$0x50];
	v13 =	vadd.f32 v13, v53  }
0x44a: {  	v62 =	vld [tilespmem:s21+$0xFFFFFF70];
	v11 =	vmax.f32 v11, $0.0e+00  }
0x44b: {  	v7 =	vld [tilespmem:s0+$0xFFFFFFF0];
	v12 =	vadd.f32 v12, v54;
	[tilespmem:s3+$0xE0] =	vst v11;
	v11 =	vadd.f32 v15, v13  }
0x44c: {  	v10 =	vadd.f32 v10, v55;
	v13 =	vld [tilespmem:s3+$0xF0]  }
0x44d: {  	v12 =	vadd.f32 v56, v12;
	v15 =	vld [tilespmem:s7+$0xF0];
	v11 =	vmax.f32 v11, $0.0e+00  }
0x44e: {  	v10 =	vadd.f32 v14, v10;
	v14 =	vld [tilespmem:s3+$0x60];
	[tilespmem:s3+$0xFFFFFF50] =	vst v11  }
0x44f: {  	v11 =	vmax.f32 v12, $0.0e+00;
	v12 =	vld [tilespmem:s7+$0xFFFFFF60]  }
0x450: {  	[tilespmem:s3+$0xFFFFFFD0] =	vst v11;
	v10 =	vmax.f32 v10, $0.0e+00;
	v20 =	vld [tilespmem:s20+$0xFFFFFF60]  }
0x451: {  	v60 =	vld [tilespmem:s7+$0xFFFFFFE0];
	[tilespmem:s3+$0x50] =	vst v10  }
0x452: {  	v10 =	vld [tilespmem:s7+$0x60]  }
0x453: {  	v21 =	vld [tilespmem:s20+$0xFFFFFFE0]  }
0x454: {  	v2 =	vld [tilespmem:s20+$0x60]  }
0x455: {  	[tilespmem:s11+$0x60] =	vst v6;
	v59 =	vld [tilespmem:s20+$0xF0];
	v12 =	vadd.f32 v12, v57  }
0x456: {  	v6 =	vld [tilespmem:s0+$0x70];
	v61 =	vadd.f32 v60, v58  }
0x457: {  	v11 =	vld [tilespmem:s3+$0xFFFFFF70];
	v14 =	vadd.f32 v10, v14;
	v12 =	vadd.f32 v20, v12  }
0x458: {  	v1 =	vmax.f32 v1, $0.0e+00;
	v13 =	vadd.f32 v15, v13;
	v10 =	vld [tilespmem:s3+$0x70];
	v15 =	vadd.f32 v21, v61  }
0x459: {  	[tilespmem:s11+$0xF0] =	vst v1;
	v1 =	vmax.f32 v12, $0.0e+00;
	v2 =	vadd.f32 v2, v14;
	v12 =	vld [tilespmem:s21+$0xFFFFFFF0]  }
0x45a: {  	v14 =	vadd.f32 v59, v13;
	v13 =	vld [tilespmem:s21+$0x70];
	[tilespmem:s3+$0xFFFFFF60] =	vst v1;
	v1 =	vmax.f32 v15, $0.0e+00  }
0x45b: {  	v15 =	vadd.f32 v8, v5;
	[tilespmem:s3+$0xFFFFFFE0] =	vst v1;
	v8 =	vld [tilespmem:s7+$0xFFFFFF70];
	v2 =	vmax.f32 v2, $0.0e+00  }
0x45c: {  	v1 =	vadd.f32 v7, v4;
	v5 =	vmax.f32 v14, $0.0e+00;
	v4 =	vld [tilespmem:s7+$0xFFFFFFF0];
	[tilespmem:s3+$0x60] =	vst v2  }
0x45d: {  	s4 =	simm.s32 $0x900;
	s0 =	simm.s32 $0x4700;
	s21 =	simm.s32 $0x4;
	v2 =	vadd.f32 v6, v3;
	[tilespmem:s3+$0xF0] =	vst v5;
	v3 =	vadd.f32 v62, v15;
	v5 =	vld [tilespmem:s7+$0x70]  }
.LBB2_14:
0x45e: {  	v6 =	vld [tilespmem:s4+$0x80];
	s7 =	sadd.s32 $0x200, s7;
	v1 =	vadd.f32 v12, v1  }
0x45f: {  	s21 =	sadd.s32 $0x4, s21;
	v7 =	vld [tilespmem:s7+$0x80];
	v12 =	vmax.f32 v3, $0.0e+00;
	v2 =	vadd.f32 v13, v2  }
0x460: {  	s20 =	sadd.s32 $0x200, s20;
	p0 =	slt.u32 s21, $0x3C;
	v13 =	vld [tilespmem:s7+$0xFFFFFF00];
	v3 =	vadd.f32 v8, v11;
	[tilespmem:s11+$0xFFFFFF70] =	vst v12;
	v8 =	vmax.f32 v1, $0.0e+00  }
0x461: {  	v11 =	vld [tilespmem:s20+$0x80];
	v1 =	vadd.f32 v4, v9;
	[tilespmem:s11+$0xFFFFFFF0] =	vst v8;
	v4 =	vmax.f32 v2, $0.0e+00  }
0x462: {  	v8 =	vld [tilespmem:s4+$0xFFFFFF80];
	v2 =	vadd.f32 v5, v10;
	[tilespmem:s11+$0x70] =	vst v4;
	s11 =	smov.u32 s3;
	s3 =	smov.u32 s4  }
0x463: {  	v4 =	vld [tilespmem:s7+$0xFFFFFF80]  }
0x464: {  	v5 =	vld [tilespmem:s4+$0x0];
	v6 =	vadd.f32 v7, v6  }
0x465: {  	v7 =	vld [tilespmem:s7+$0x0]  }
0x466: {  	v9 =	vld [tilespmem:s4+$0xFFFFFF00];
	v6 =	vadd.f32 v11, v6  }
0x467: {  	v10 =	vld [tilespmem:s20+$0xFFFFFF00]  }
0x468: {  	v4 =	vadd.f32 v4, v8;
	v8 =	vld [tilespmem:s20+$0xFFFFFF80];
	v6 =	vmax.f32 v6, $0.0e+00  }
0x469: {  	[tilespmem:s4+$0x80] =	vst v6;
	v6 =	vld [tilespmem:s4+$0x90]  }
0x46a: {  	v5 =	vadd.f32 v7, v5;
	v7 =	vld [tilespmem:s7+$0x90]  }
0x46b: {  	v9 =	vadd.f32 v13, v9;
	v11 =	vld [tilespmem:s20+$0x0]  }
0x46c: {  	v12 =	vld [tilespmem:s20+$0x90]  }
0x46d: {  	v9 =	vadd.f32 v10, v9;
	v10 =	vld [tilespmem:s4+$0xFFFFFF10];
	v4 =	vadd.f32 v8, v4  }
0x46e: {  	v8 =	vld [tilespmem:s4+$0xFFFFFF90]  }
0x46f: {  	v9 =	vmax.f32 v9, $0.0e+00;
	v4 =	vmax.f32 v4, $0.0e+00;
	v13 =	vld [tilespmem:s4+$0x10];
	v6 =	vadd.f32 v7, v6  }
0x470: {  	[tilespmem:s4+$0xFFFFFF00] =	vst v9;
	v7 =	vld [tilespmem:s4+$0xFFFFFF20];
	v5 =	vadd.f32 v11, v5  }
0x471: {  	v9 =	vld [tilespmem:s7+$0xFFFFFF10];
	[tilespmem:s4+$0xFFFFFF80] =	vst v4;
	v4 =	vadd.f32 v12, v6  }
0x472: {  	v6 =	vld [tilespmem:s7+$0xFFFFFF90];
	v5 =	vmax.f32 v5, $0.0e+00  }
0x473: {  	v11 =	vld [tilespmem:s20+$0xFFFFFF10];
	[tilespmem:s4+$0x0] =	vst v5;
	v4 =	vmax.f32 v4, $0.0e+00  }
0x474: {  	[tilespmem:s4+$0x90] =	vst v4;
	v4 =	vld [tilespmem:s4+$0xA0]  }
0x475: {  	v5 =	vld [tilespmem:s7+$0xA0]  }
0x476: {  	v9 =	vadd.f32 v9, v10;
	v10 =	vld [tilespmem:s7+$0x10]  }
0x477: {  	v6 =	vadd.f32 v6, v8;
	v8 =	vld [tilespmem:s20+$0xA0]  }
0x478: {  	v9 =	vadd.f32 v11, v9;
	v11 =	vld [tilespmem:s20+$0xFFFFFF90]  }
0x479: {  	v12 =	vld [tilespmem:s20+$0x10]  }
0x47a: {  	v9 =	vmax.f32 v9, $0.0e+00;
	v14 =	vld [tilespmem:s4+$0xFFFFFFA0];
	v4 =	vadd.f32 v5, v4  }
0x47b: {  	[tilespmem:s4+$0xFFFFFF10] =	vst v9;
	v5 =	vadd.f32 v10, v13;
	v9 =	vld [tilespmem:s4+$0x20]  }
0x47c: {  	v10 =	vld [tilespmem:s7+$0xFFFFFF20];
	v4 =	vadd.f32 v8, v4  }
0x47d: {  	v8 =	vld [tilespmem:s20+$0xFFFFFF20];
	v6 =	vadd.f32 v11, v6  }
0x47e: {  	v11 =	vld [tilespmem:s4+$0xFFFFFF30];
	v5 =	vadd.f32 v12, v5;
	v4 =	vmax.f32 v4, $0.0e+00  }
0x47f: {  	v6 =	vmax.f32 v6, $0.0e+00;
	[tilespmem:s4+$0xA0] =	vst v4;
	v4 =	vld [tilespmem:s4+$0xB0]  }
0x480: {  	[tilespmem:s4+$0xFFFFFF90] =	vst v6;
	v5 =	vmax.f32 v5, $0.0e+00;
	v6 =	vld [tilespmem:s7+$0xB0]  }
0x481: {  	v7 =	vadd.f32 v10, v7;
	v10 =	vld [tilespmem:s7+$0xFFFFFFA0];
	[tilespmem:s4+$0x10] =	vst v5  }
0x482: {  	v5 =	vld [tilespmem:s20+$0xB0]  }
0x483: {  	v7 =	vadd.f32 v8, v7;
	v8 =	vld [tilespmem:s7+$0x20]  }
0x484: {  	v12 =	vld [tilespmem:s20+$0xFFFFFFA0]  }
0x485: {  	v7 =	vmax.f32 v7, $0.0e+00;
	v13 =	vld [tilespmem:s20+$0x20];
	v4 =	vadd.f32 v6, v4  }
0x486: {  	[tilespmem:s4+$0xFFFFFF20] =	vst v7;
	v6 =	vadd.f32 v10, v14;
	v7 =	vld [tilespmem:s4+$0xFFFFFFB0]  }
0x487: {  	v10 =	vld [tilespmem:s7+$0xFFFFFF30];
	v4 =	vadd.f32 v5, v4  }
0x488: {  	v5 =	vadd.f32 v8, v9;
	v8 =	vld [tilespmem:s4+$0x30]  }
0x489: {  	v9 =	vld [tilespmem:s20+$0xFFFFFF30];
	v6 =	vadd.f32 v12, v6;
	v4 =	vmax.f32 v4, $0.0e+00  }
0x48a: {  	v5 =	vadd.f32 v13, v5;
	[tilespmem:s4+$0xB0] =	vst v4;
	v4 =	vld [tilespmem:s4+$0xC0]  }
0x48b: {  	v6 =	vmax.f32 v6, $0.0e+00;
	v12 =	vld [tilespmem:s7+$0xC0]  }
0x48c: {  	v10 =	vadd.f32 v10, v11;
	v11 =	vld [tilespmem:s4+$0xFFFFFF40];
	[tilespmem:s4+$0xFFFFFFA0] =	vst v6;
	v5 =	vmax.f32 v5, $0.0e+00  }
0x48d: {  	[tilespmem:s4+$0x20] =	vst v5;
	v5 =	vld [tilespmem:s20+$0xC0]  }
0x48e: {  	v6 =	vadd.f32 v9, v10;
	v9 =	vld [tilespmem:s7+$0xFFFFFFB0]  }
0x48f: {  	v10 =	vld [tilespmem:s7+$0x30]  }
0x490: {  	v6 =	vmax.f32 v6, $0.0e+00;
	v13 =	vld [tilespmem:s20+$0xFFFFFFB0];
	v4 =	vadd.f32 v12, v4  }
0x491: {  	[tilespmem:s4+$0xFFFFFF30] =	vst v6;
	v6 =	vld [tilespmem:s20+$0x30]  }
0x492: {  	v12 =	vld [tilespmem:s7+$0xFFFFFF40];
	v4 =	vadd.f32 v5, v4  }
0x493: {  	v5 =	vadd.f32 v9, v7;
	v7 =	vld [tilespmem:s4+$0xFFFFFFC0]  }
0x494: {  	v8 =	vadd.f32 v10, v8;
	v9 =	vld [tilespmem:s4+$0x40];
	v4 =	vmax.f32 v4, $0.0e+00  }
0x495: {  	v5 =	vadd.f32 v13, v5;
	[tilespmem:s4+$0xC0] =	vst v4;
	v4 =	vld [tilespmem:s4+$0xD0]  }
0x496: {  	v6 =	vadd.f32 v6, v8;
	v8 =	vld [tilespmem:s7+$0xD0]  }
0x497: {  	v10 =	vadd.f32 v12, v11;
	v11 =	vld [tilespmem:s20+$0xFFFFFF40];
	v5 =	vmax.f32 v5, $0.0e+00  }
0x498: {  	[tilespmem:s4+$0xFFFFFFB0] =	vst v5;
	v5 =	vmax.f32 v6, $0.0e+00;
	v6 =	vld [tilespmem:s20+$0xD0]  }
0x499: {  	v12 =	vld [tilespmem:s7+$0xFFFFFFC0];
	[tilespmem:s4+$0x30] =	vst v5  }
0x49a: {  	v5 =	vld [tilespmem:s7+$0x40]  }
0x49b: {  	v13 =	vld [tilespmem:s20+$0xFFFFFFC0];
	v4 =	vadd.f32 v8, v4  }
0x49c: {  	v8 =	vadd.f32 v11, v10;
	v10 =	vld [tilespmem:s20+$0x40]  }
0x49d: {  	v11 =	vld [tilespmem:s4+$0xFFFFFF50];
	v4 =	vadd.f32 v6, v4  }
0x49e: {  	v6 =	vmax.f32 v8, $0.0e+00;
	v7 =	vadd.f32 v12, v7;
	v8 =	vld [tilespmem:s4+$0xFFFFFFD0]  }
0x49f: {  	[tilespmem:s4+$0xFFFFFF40] =	vst v6;
	v5 =	vadd.f32 v5, v9;
	v6 =	vld [tilespmem:s4+$0x50];
	v4 =	vmax.f32 v4, $0.0e+00  }
0x4a0: {  	v7 =	vadd.f32 v13, v7;
	[tilespmem:s4+$0xD0] =	vst v4;
	v4 =	vld [tilespmem:s4+$0xE0]  }
0x4a1: {  	v5 =	vadd.f32 v10, v5;
	v9 =	vld [tilespmem:s7+$0xE0]  }
0x4a2: {  	v10 =	vld [tilespmem:s7+$0xFFFFFF50];
	v7 =	vmax.f32 v7, $0.0e+00  }
0x4a3: {  	[tilespmem:s4+$0xFFFFFFC0] =	vst v7;
	v5 =	vmax.f32 v5, $0.0e+00;
	v7 =	vld [tilespmem:s20+$0xE0]  }
0x4a4: {  	v12 =	vld [tilespmem:s7+$0xFFFFFFD0];
	[tilespmem:s4+$0x40] =	vst v5  }
0x4a5: {  	v5 =	vld [tilespmem:s7+$0x50]  }
0x4a6: {  	v13 =	vld [tilespmem:s20+$0xFFFFFF50];
	v4 =	vadd.f32 v9, v4  }
0x4a7: {  	v9 =	vadd.f32 v10, v11;
	v10 =	vld [tilespmem:s20+$0xFFFFFFD0]  }
0x4a8: {  	v11 =	vld [tilespmem:s20+$0x50];
	v4 =	vadd.f32 v7, v4  }
0x4a9: {  	v7 =	vld [tilespmem:s4+$0xFFFFFF60];
	v8 =	vadd.f32 v12, v8  }
0x4aa: {  	v12 =	vld [tilespmem:s4+$0xFFFFFFE0];
	v5 =	vadd.f32 v5, v6;
	v4 =	vmax.f32 v4, $0.0e+00  }
0x4ab: {  	v6 =	vadd.f32 v13, v9;
	[tilespmem:s4+$0xE0] =	vst v4;
	v4 =	vld [tilespmem:s4+$0xF0]  }
0x4ac: {  	v8 =	vadd.f32 v10, v8;
	v9 =	vld [tilespmem:s7+$0xF0]  }
0x4ad: {  	v6 =	vmax.f32 v6, $0.0e+00;
	v5 =	vadd.f32 v11, v5;
	v10 =	vld [tilespmem:s4+$0x60]  }
0x4ae: {  	[tilespmem:s4+$0xFFFFFF50] =	vst v6;
	v6 =	vmax.f32 v8, $0.0e+00;
	v8 =	vld [tilespmem:s20+$0xF0]  }
0x4af: {  	v11 =	vld [tilespmem:s7+$0xFFFFFF60];
	[tilespmem:s4+$0xFFFFFFD0] =	vst v6;
	v5 =	vmax.f32 v5, $0.0e+00  }
0x4b0: {  	v6 =	vld [tilespmem:s7+$0xFFFFFFE0];
	[tilespmem:s4+$0x50] =	vst v5  }
0x4b1: {  	v5 =	vld [tilespmem:s7+$0x60];
	v4 =	vadd.f32 v9, v4  }
0x4b2: {  	v13 =	vld [tilespmem:s20+$0xFFFFFF60]  }
0x4b3: {  	v14 =	vld [tilespmem:s20+$0xFFFFFFE0];
	v4 =	vadd.f32 v8, v4  }
0x4b4: {  	v7 =	vadd.f32 v11, v7;
	v8 =	vld [tilespmem:s20+$0x60]  }
0x4b5: {  	v11 =	vld [tilespmem:s4+$0xFFFFFF70];
	v6 =	vadd.f32 v6, v12;
	v4 =	vmax.f32 v4, $0.0e+00  }
0x4b6: {  	v9 =	vld [tilespmem:s4+$0xFFFFFFF0];
	v5 =	vadd.f32 v5, v10;
	[tilespmem:s4+$0xF0] =	vst v4  }
0x4b7: {  	v4 =	vadd.f32 v13, v7;
	v10 =	vld [tilespmem:s4+$0x70]  }
0x4b8: {  	v6 =	vadd.f32 v14, v6;
	v7 =	vld [tilespmem:s0+$0xFFFFFF70]  }
.Ltmp10:
0x4b9: {  	v4 =	vmax.f32 v4, $0.0e+00;
	v5 =	vadd.f32 v8, v5;
	v12 =	vld [tilespmem:s0+$0xFFFFFFF0];
	(pc) =	sbr.rel @p0 .LBB2_14-.Ltmp10, $4  }
0x4ba: {  	[tilespmem:s4+$0xFFFFFF60] =	vst v4;
	v4 =	vmax.f32 v6, $0.0e+00;
	v13 =	vld [tilespmem:s0+$0x70];
	s0 =	smov.u32 s20  }
0x4bb: {  	v8 =	vld [tilespmem:s7+$0xFFFFFF70];
	[tilespmem:s4+$0xFFFFFFE0] =	vst v4;
	v5 =	vmax.f32 v5, $0.0e+00  }
0x4bc: {  	v4 =	vld [tilespmem:s7+$0xFFFFFFF0];
	[tilespmem:s4+$0x60] =	vst v5  }
0x4bd: {  	s4 =	sadd.s32 $0x200, s4;
	v5 =	vld [tilespmem:s7+$0x70];
	v3 =	vadd.f32 v7, v3  }
0x4be: {  	v6 =	vld [tilespmem:s0+$0xFFFFFF70]  }
0x4bf: {  	v7 =	vld [tilespmem:s0+$0xFFFFFFF0]  }
0x4c0: {  	v14 =	vld [tilespmem:s0+$0x70]  }
0x4c1: {  	v1 =	vadd.f32 v12, v1;
	v8 =	vadd.f32 v8, v11  }
0x4c2: {  	v2 =	vadd.f32 v13, v2;
	v3 =	vmax.f32 v3, $0.0e+00;
	v4 =	vadd.f32 v4, v9  }
0x4c3: {  	[tilespmem:s11+$0xFFFFFF70] =	vst v3;
	v1 =	vmax.f32 v1, $0.0e+00;
	v3 =	vadd.f32 v5, v10;
	v62 =	vadd.f32 v6, v8  }
0x4c4: {  	[tilespmem:s11+$0xFFFFFFF0] =	vst v1;
	v1 =	vmax.f32 v2, $0.0e+00;
	v2 =	vadd.f32 v7, v4  }
0x4c5: {  	[tilespmem:s11+$0x70] =	vst v1;
	v3 =	vadd.f32 v14, v3;
	v1 =	vmax.f32 v62, $0.0e+00  }
0x4c6: {  	[tilespmem:s3+$0xFFFFFF70] =	vst v1;
	v1 =	vmax.f32 v2, $0.0e+00  }
0x4c7: {  	[tilespmem:s3+$0xFFFFFFF0] =	vst v1;
	v1 =	vmax.f32 v3, $0.0e+00  }
0x4c8: {  	s26 =	simm.s32 $0x280;
	[tilespmem:s3+$0x70] =	vst v1  }
0x4c9: {  	[spmem:s22] =	stream.indirect.scatter.add.f32 [tilespmem:s13], [sflag:$0x8], $0x80, s26, s6, $0xb8;
	v63 =	vld [tilespmem:$0x0]  }
0x4ca: {  	_ =	swait.ge [sflag:s29], $0x2000  }
0x4cb: {  	[sflag:s29] =	ssyncset.done $0x0  }
0x4cc: {  	[sflag:s29] =	ssyncadd.s32 $0xFFFFE000  }
.LBB2_16:
0x4cd: {  	s0 =	sld [smem:$0x7FD];
	_ =	sdelay $0x2  }
0x4ce: {  	s0 =	sadd.s32 s0, s10  }
0x4cf: {  	s0 =	smin.u32 s0, $0x1387  }
0x4d0: {  	s0 =	sshll.u32 s0, $0x3  }
0x4d1: {  	s4 =	simm.s32 $0x200;
	s3 =	sadd.s32 s17, s0  }
0x4d2: {  	[tilespmem:s4], [sflag:$0x3] =	stream.linear.gather [hbm4b:s3+s2], $0x40, $0x38;
	v63 =	vld [tilespmem:$0x0]  }
0x4d3: {  	s20 =	simm.s32 $0x280;
	s0 =	sadd.s32 s18, s0  }
0x4d4: {  	[tilespmem:s20], [sflag:$0x3] =	stream.linear.gather [hbm4b:s0+s2], $0x40, $0x38;
	v63 =	vld [tilespmem:$0x0]  }
0x4d5: {  	_ =	swait.ge [sflag:s5], $0x40  }
0x4d6: {  	[sflag:s5] =	ssyncset.done $0x0  }
0x4d7: {  	[sflag:s5] =	ssyncadd.s32 $0xFFFFFFC0  }
0x4d8: {  	_ =	swait.ge [sflag:s5], $0x40  }
0x4d9: {  	[sflag:s5] =	ssyncset.done $0x0  }
0x4da: {  	[sflag:s5] =	ssyncadd.s32 $0xFFFFFFC0  }
0x4db: {  	[tilespmem:s13], [sflag:$0x5] =	stream.indirect.gather [hbm4b:s1+s6], $0x80, s2, s6, $0xb8;
	v63 =	vld [tilespmem:$0x0]  }
0x4dc: {  	s21 =	simm.s32 $0x2400;
	s25 =	sshll.u32 s25, $0xA  }
0x4dd: {  	[tilespmem:s21], [sflag:$0x5] =	stream.indirect.gather [hbm4b:s15+s6], $0x80, s31, s6, $0xb8;
	v63 =	vld [tilespmem:$0x0]  }
0x4de: {  	s26 =	simm.s32 $0x4400;
	s0 =	sadd.s32 s16, s25  }
0x4df: {  	[tilespmem:s26], [sflag:$0x5] =	stream.linear.gather [hbm4b:s0+s2], $0x2000, $0x38;
	v63 =	vld [tilespmem:$0x0]  }
0x4e0: {  	_ =	swait.ge [sflag:s12], $0x2000  }
0x4e1: {  	[sflag:s12] =	ssyncset.done $0x0  }
0x4e2: {  	[sflag:s12] =	ssyncadd.s32 $0xFFFFE000  }
0x4e3: {  	p0 =	sgt.u32 s9, $0x1387;
	_ =	swait.ge [sflag:s12], $0x2000  }
.Ltmp11:
0x4e4: {  	[sflag:s12] =	ssyncset.done $0x0;
	(pc) =	sbr.rel @p0 .LBB2_20-.Ltmp11, $4  }
0x4e5: {  	[sflag:s12] =	ssyncadd.s32 $0xFFFFE000  }
0x4e6: {  	_ =	swait.ge [sflag:s12], $0x2000  }
0x4e7: {  	[sflag:s12] =	ssyncset.done $0x0  }
0x4e8: {  	[sflag:s12] =	ssyncadd.s32 $0xFFFFE000  }
0x4e9: {  	s9 =	simm.s32 $0x6500  }
0x4ea: {  	s0 =	simm.s32 $0x8500;
	v1 =	vld [tilespmem:s9+$0x80]  }
0x4eb: {  	s11 =	simm.s32 $0xA500;
	v2 =	vld [tilespmem:s0+$0x80]  }
0x4ec: {  	v3 =	vld [tilespmem:s11+$0x80]  }
0x4ed: {  	v4 =	vld [tilespmem:s11+$0xFFFFFF00]  }
0x4ee: {  	v6 =	vld [tilespmem:s9+$0xFFFFFF80]  }
0x4ef: {  	v8 =	vld [tilespmem:s0+$0xFFFFFF80]  }
0x4f0: {  	s3 =	simm.s32 $0x6700;
	v9 =	vld [tilespmem:s0+$0x0]  }
0x4f1: {  	s7 =	simm.s32 $0x8700;
	v13 =	vld [tilespmem:s3+$0x80]  }
0x4f2: {  	v14 =	vld [tilespmem:s7+$0x80]  }
0x4f3: {  	v16 =	vld [tilespmem:s3+$0xFFFFFF80];
	v1 =	vadd.f32 v2, v1  }
0x4f4: {  	v17 =	vld [tilespmem:s7+$0xFFFFFF80]  }
0x4f5: {  	v2 =	vld [tilespmem:s0+$0xFFFFFF00];
	v1 =	vadd.f32 v3, v1  }
0x4f6: {  	s10 =	simm.s32 $0xA700;
	v3 =	vld [tilespmem:s9+$0xFFFFFF00]  }
0x4f7: {  	v18 =	vld [tilespmem:s10+$0x0];
	v1 =	vmax.f32 v1, $0.0e+00  }
0x4f8: {  	[tilespmem:s9+$0x80] =	vst v1;
	v1 =	vld [tilespmem:s9+$0x90]  }
0x4f9: {  	v5 =	vld [tilespmem:s0+$0x90]  }
0x4fa: {  	v7 =	vld [tilespmem:s11+$0x90]  }
0x4fb: {  	v2 =	vadd.f32 v2, v3;
	v3 =	vld [tilespmem:s9+$0x0]  }
0x4fc: {  	v19 =	vld [tilespmem:s3+$0xFFFFFF90]  }
0x4fd: {  	v37 =	vld [tilespmem:s3+$0x10]  }
0x4fe: {  	v2 =	vadd.f32 v4, v2;
	v4 =	vld [tilespmem:s11+$0xFFFFFF80];
	v1 =	vadd.f32 v5, v1  }
0x4ff: {  	v5 =	vld [tilespmem:s9+$0xFFFFFF10]  }
0x500: {  	v2 =	vmax.f32 v2, $0.0e+00;
	v3 =	vadd.f32 v9, v3;
	v9 =	vld [tilespmem:s9+$0x10];
	v1 =	vadd.f32 v7, v1  }
0x501: {  	[tilespmem:s9+$0xFFFFFF00] =	vst v2;
	v7 =	vld [tilespmem:s11+$0x0]  }
0x502: {  	v2 =	vld [tilespmem:s0+$0xFFFFFF10];
	v1 =	vmax.f32 v1, $0.0e+00  }
0x503: {  	v10 =	vld [tilespmem:s11+$0xFFFFFF10];
	[tilespmem:s9+$0x90] =	vst v1;
	v1 =	vadd.f32 v8, v6  }
0x504: {  	v6 =	vld [tilespmem:s9+$0xA0]  }
0x505: {  	v8 =	vld [tilespmem:s0+$0xA0];
	v1 =	vadd.f32 v4, v1  }
0x506: {  	v4 =	vld [tilespmem:s9+$0xFFFFFF90];
	v3 =	vadd.f32 v7, v3  }
0x507: {  	v7 =	vld [tilespmem:s11+$0xA0];
	v2 =	vadd.f32 v2, v5;
	v1 =	vmax.f32 v1, $0.0e+00  }
0x508: {  	v5 =	vld [tilespmem:s9+$0xFFFFFF20];
	[tilespmem:s9+$0xFFFFFF80] =	vst v1;
	v1 =	vmax.f32 v3, $0.0e+00  }
0x509: {  	v3 =	vld [tilespmem:s0+$0xFFFFFF90];
	[tilespmem:s9+$0x0] =	vst v1;
	v1 =	vadd.f32 v10, v2  }
0x50a: {  	v2 =	vadd.f32 v8, v6;
	v8 =	vld [tilespmem:s11+$0xFFFFFF90]  }
0x50b: {  	v6 =	vld [tilespmem:s0+$0x10];
	v1 =	vmax.f32 v1, $0.0e+00  }
0x50c: {  	v2 =	vadd.f32 v7, v2;
	v7 =	vld [tilespmem:s11+$0x10];
	[tilespmem:s9+$0xFFFFFF10] =	vst v1  }
0x50d: {  	v1 =	vld [tilespmem:s0+$0xFFFFFF20]  }
0x50e: {  	v2 =	vmax.f32 v2, $0.0e+00;
	v10 =	vld [tilespmem:s11+$0xFFFFFF20]  }
0x50f: {  	[tilespmem:s9+$0xA0] =	vst v2;
	v2 =	vadd.f32 v3, v4;
	v3 =	vld [tilespmem:s9+$0xB0]  }
0x510: {  	v4 =	vadd.f32 v6, v9;
	v6 =	vld [tilespmem:s0+$0xB0]  }
0x511: {  	v9 =	vld [tilespmem:s9+$0xFFFFFFA0];
	v2 =	vadd.f32 v8, v2  }
0x512: {  	v8 =	vld [tilespmem:s9+$0x20]  }
0x513: {  	v4 =	vadd.f32 v7, v4;
	v7 =	vld [tilespmem:s11+$0xB0];
	v2 =	vmax.f32 v2, $0.0e+00;
	v1 =	vadd.f32 v1, v5  }
0x514: {  	v5 =	vld [tilespmem:s9+$0xFFFFFF30];
	[tilespmem:s9+$0xFFFFFF90] =	vst v2  }
0x515: {  	v2 =	vmax.f32 v4, $0.0e+00;
	v4 =	vld [tilespmem:s0+$0xFFFFFFA0];
	v1 =	vadd.f32 v10, v1  }
0x516: {  	[tilespmem:s9+$0x10] =	vst v2;
	v2 =	vadd.f32 v6, v3;
	v6 =	vld [tilespmem:s11+$0xFFFFFFA0]  }
0x517: {  	v3 =	vld [tilespmem:s0+$0x20];
	v1 =	vmax.f32 v1, $0.0e+00  }
0x518: {  	v2 =	vadd.f32 v7, v2;
	v7 =	vld [tilespmem:s11+$0x20];
	[tilespmem:s9+$0xFFFFFF20] =	vst v1  }
0x519: {  	v1 =	vld [tilespmem:s0+$0xFFFFFF30]  }
0x51a: {  	v2 =	vmax.f32 v2, $0.0e+00;
	v10 =	vld [tilespmem:s11+$0xFFFFFF30]  }
0x51b: {  	[tilespmem:s9+$0xB0] =	vst v2;
	v2 =	vadd.f32 v4, v9;
	v4 =	vld [tilespmem:s9+$0xC0]  }
0x51c: {  	v9 =	vld [tilespmem:s9+$0xFFFFFFB0];
	v3 =	vadd.f32 v3, v8  }
0x51d: {  	v8 =	vld [tilespmem:s0+$0xC0];
	v2 =	vadd.f32 v6, v2  }
0x51e: {  	v6 =	vld [tilespmem:s11+$0xC0];
	v3 =	vadd.f32 v7, v3  }
0x51f: {  	v7 =	vld [tilespmem:s9+$0x30];
	v2 =	vmax.f32 v2, $0.0e+00;
	v1 =	vadd.f32 v1, v5  }
0x520: {  	v5 =	vld [tilespmem:s9+$0xFFFFFF40];
	[tilespmem:s9+$0xFFFFFFA0] =	vst v2;
	v2 =	vmax.f32 v3, $0.0e+00  }
0x521: {  	[tilespmem:s9+$0x20] =	vst v2;
	v1 =	vadd.f32 v10, v1;
	v2 =	vld [tilespmem:s0+$0xFFFFFFB0]  }
0x522: {  	v3 =	vadd.f32 v8, v4;
	v4 =	vld [tilespmem:s0+$0x30]  }
0x523: {  	v8 =	vld [tilespmem:s11+$0xFFFFFFB0];
	v1 =	vmax.f32 v1, $0.0e+00  }
0x524: {  	v3 =	vadd.f32 v6, v3;
	[tilespmem:s9+$0xFFFFFF30] =	vst v1;
	v1 =	vld [tilespmem:s11+$0x30]  }
0x525: {  	v6 =	vld [tilespmem:s0+$0xFFFFFF40]  }
0x526: {  	v3 =	vmax.f32 v3, $0.0e+00;
	v10 =	vld [tilespmem:s11+$0xFFFFFF40];
	v2 =	vadd.f32 v2, v9  }
0x527: {  	[tilespmem:s9+$0xC0] =	vst v3;
	v3 =	vadd.f32 v4, v7;
	v4 =	vld [tilespmem:s9+$0xD0]  }
0x528: {  	v7 =	vld [tilespmem:s0+$0xD0];
	v2 =	vadd.f32 v8, v2  }
0x529: {  	v9 =	vld [tilespmem:s9+$0xFFFFFFC0]  }
0x52a: {  	v1 =	vadd.f32 v1, v3;
	v3 =	vld [tilespmem:s11+$0xD0];
	v2 =	vmax.f32 v2, $0.0e+00  }
0x52b: {  	v8 =	vld [tilespmem:s9+$0x40];
	[tilespmem:s9+$0xFFFFFFB0] =	vst v2  }
0x52c: {  	v1 =	vmax.f32 v1, $0.0e+00;
	v2 =	vld [tilespmem:s0+$0xFFFFFFC0]  }
0x52d: {  	[tilespmem:s9+$0x30] =	vst v1;
	v4 =	vadd.f32 v7, v4;
	v7 =	vld [tilespmem:s11+$0xFFFFFFC0]  }
0x52e: {  	v5 =	vadd.f32 v6, v5;
	v1 =	vld [tilespmem:s0+$0x40]  }
0x52f: {  	v6 =	vld [tilespmem:s11+$0x40];
	v3 =	vadd.f32 v3, v4  }
0x530: {  	v5 =	vadd.f32 v10, v5;
	v4 =	vld [tilespmem:s9+$0xFFFFFF50]  }
0x531: {  	v3 =	vmax.f32 v3, $0.0e+00;
	v2 =	vadd.f32 v2, v9;
	v9 =	vld [tilespmem:s9+$0xFFFFFFD0]  }
0x532: {  	[tilespmem:s9+$0xD0] =	vst v3;
	v3 =	vmax.f32 v5, $0.0e+00;
	v5 =	vld [tilespmem:s9+$0xE0]  }
0x533: {  	v1 =	vadd.f32 v1, v8;
	v8 =	vld [tilespmem:s9+$0x50];
	v2 =	vadd.f32 v7, v2  }
0x534: {  	[tilespmem:s9+$0xFFFFFF40] =	vst v3;
	v3 =	vld [tilespmem:s0+$0xE0]  }
0x535: {  	v1 =	vadd.f32 v6, v1;
	v6 =	vld [tilespmem:s0+$0xFFFFFF50];
	v2 =	vmax.f32 v2, $0.0e+00  }
0x536: {  	[tilespmem:s9+$0xFFFFFFC0] =	vst v2;
	v2 =	vld [tilespmem:s11+$0xE0]  }
0x537: {  	v10 =	vld [tilespmem:s11+$0xFFFFFF50];
	v1 =	vmax.f32 v1, $0.0e+00  }
0x538: {  	v7 =	vld [tilespmem:s0+$0xFFFFFFD0];
	[tilespmem:s9+$0x40] =	vst v1  }
0x539: {  	v3 =	vadd.f32 v3, v5;
	v1 =	vld [tilespmem:s0+$0x50]  }
0x53a: {  	v5 =	vld [tilespmem:s11+$0xFFFFFFD0]  }
0x53b: {  	v11 =	vld [tilespmem:s11+$0x50];
	v2 =	vadd.f32 v2, v3;
	v3 =	vadd.f32 v6, v4  }
0x53c: {  	v41 =	vld [tilespmem:s3+$0xFFFFFFA0]  }
0x53d: {  	v42 =	vld [tilespmem:s3+$0x20];
	v6 =	vadd.f32 v7, v9;
	v3 =	vadd.f32 v10, v3  }
0x53e: {  	v4 =	vld [tilespmem:s9+$0xFFFFFF60];
	v8 =	vadd.f32 v1, v8  }
0x53f: {  	v7 =	vld [tilespmem:s9+$0xFFFFFFE0];
	v5 =	vadd.f32 v5, v6;
	v3 =	vmax.f32 v3, $0.0e+00  }
0x540: {  	v6 =	vadd.f32 v11, v8;
	v8 =	vld [tilespmem:s9+$0x60];
	[tilespmem:s9+$0xFFFFFF50] =	vst v3  }
0x541: {  	v3 =	vmax.f32 v5, $0.0e+00;
	v5 =	vld [tilespmem:s0+$0xFFFFFF60]  }
0x542: {  	[tilespmem:s9+$0xFFFFFFD0] =	vst v3;
	v3 =	vmax.f32 v6, $0.0e+00;
	v10 =	vld [tilespmem:s11+$0xFFFFFF60]  }
0x543: {  	v6 =	vld [tilespmem:s0+$0xFFFFFFE0];
	[tilespmem:s9+$0x50] =	vst v3  }
0x544: {  	v3 =	vld [tilespmem:s0+$0x60]  }
0x545: {  	v11 =	vld [tilespmem:s11+$0xFFFFFFE0]  }
0x546: {  	v12 =	vld [tilespmem:s11+$0x60];
	v4 =	vadd.f32 v5, v4  }
0x547: {  	v46 =	vld [tilespmem:s3+$0xFFFFFFB0]  }
0x548: {  	v6 =	vadd.f32 v6, v7;
	v7 =	vadd.f32 v10, v4;
	v10 =	vld [tilespmem:s10+$0x80]  }
0x549: {  	v47 =	vld [tilespmem:s3+$0x30];
	v3 =	vadd.f32 v3, v8  }
0x54a: {  	v50 =	vld [tilespmem:s3+$0xFFFFFFC0];
	v6 =	vadd.f32 v11, v6  }
0x54b: {  	v53 =	vld [tilespmem:s3+$0xFFFFFF50];
	v11 =	vadd.f32 v12, v3;
	v12 =	vadd.f32 v14, v13  }
0x54c: {  	v54 =	vld [tilespmem:s3+$0xFFFFFFD0]  }
0x54d: {  	v14 =	vld [tilespmem:s10+$0xFFFFFF00];
	v6 =	vmax.f32 v6, $0.0e+00;
	v10 =	vadd.f32 v10, v12  }
0x54e: {  	[tilespmem:s9+$0xFFFFFFE0] =	vst v6;
	v6 =	vmax.f32 v11, $0.0e+00;
	v11 =	vld [tilespmem:s7+$0xFFFFFF00]  }
0x54f: {  	v12 =	vld [tilespmem:s3+$0xFFFFFF00];
	v10 =	vmax.f32 v10, $0.0e+00  }
0x550: {  	[tilespmem:s3+$0x80] =	vst v10;
	v10 =	vld [tilespmem:s3+$0x90]  }
0x551: {  	v13 =	vld [tilespmem:s7+$0x90]  }
0x552: {  	v55 =	vld [tilespmem:s3+$0x50]  }
0x553: {  	v15 =	vld [tilespmem:s10+$0x90]  }
0x554: {  	v57 =	vld [tilespmem:s3+$0xFFFFFF60];
	v11 =	vadd.f32 v11, v12  }
0x555: {  	v1 =	vld [tilespmem:s9+$0xF0]  }
0x556: {  	v12 =	vld [tilespmem:s3+$0x0];
	v11 =	vadd.f32 v14, v11;
	v10 =	vadd.f32 v13, v10  }
0x557: {  	v13 =	vld [tilespmem:s7+$0x0]  }
0x558: {  	v14 =	vld [tilespmem:s10+$0xFFFFFF80];
	v11 =	vmax.f32 v11, $0.0e+00;
	v10 =	vadd.f32 v15, v10  }
0x559: {  	[tilespmem:s3+$0xFFFFFF00] =	vst v11;
	v15 =	vld [tilespmem:s3+$0xFFFFFF10]  }
0x55a: {  	v11 =	vld [tilespmem:s7+$0xFFFFFF10];
	v10 =	vmax.f32 v10, $0.0e+00  }
0x55b: {  	v16 =	vadd.f32 v17, v16;
	[tilespmem:s3+$0x90] =	vst v10;
	v10 =	vld [tilespmem:s3+$0xA0]  }
0x55c: {  	v2 =	vmax.f32 v2, $0.0e+00;
	v12 =	vadd.f32 v13, v12;
	v13 =	vld [tilespmem:s10+$0xFFFFFF10]  }
0x55d: {  	[tilespmem:s9+$0xE0] =	vst v2;
	v14 =	vadd.f32 v14, v16;
	v35 =	vld [tilespmem:s7+$0xA0]  }
0x55e: {  	v2 =	vld [tilespmem:s0+$0xF0];
	v12 =	vadd.f32 v18, v12  }
0x55f: {  	v14 =	vmax.f32 v14, $0.0e+00;
	v36 =	vld [tilespmem:s10+$0xA0];
	v11 =	vadd.f32 v11, v15  }
0x560: {  	[tilespmem:s3+$0xFFFFFF80] =	vst v14;
	v15 =	vld [tilespmem:s3+$0xFFFFFF20];
	v12 =	vmax.f32 v12, $0.0e+00  }
0x561: {  	v14 =	vld [tilespmem:s7+$0xFFFFFF90];
	[tilespmem:s3+$0x0] =	vst v12;
	v11 =	vadd.f32 v13, v11  }
0x562: {  	v10 =	vadd.f32 v35, v10;
	v12 =	vld [tilespmem:s7+$0x10]  }
0x563: {  	v13 =	vld [tilespmem:s10+$0xFFFFFF90];
	v11 =	vmax.f32 v11, $0.0e+00  }
0x564: {  	v38 =	vld [tilespmem:s10+$0x10];
	v10 =	vadd.f32 v36, v10;
	[tilespmem:s3+$0xFFFFFF10] =	vst v11  }
0x565: {  	v11 =	vld [tilespmem:s7+$0xFFFFFF20]  }
0x566: {  	v14 =	vadd.f32 v14, v19;
	v40 =	vld [tilespmem:s10+$0xFFFFFF20];
	v10 =	vmax.f32 v10, $0.0e+00  }
0x567: {  	[tilespmem:s3+$0xA0] =	vst v10;
	v10 =	vld [tilespmem:s3+$0xB0];
	v12 =	vadd.f32 v12, v37  }
0x568: {  	v13 =	vadd.f32 v13, v14;
	v39 =	vld [tilespmem:s7+$0xB0]  }
0x569: {  	v9 =	vld [tilespmem:s11+$0xF0];
	v12 =	vadd.f32 v38, v12  }
0x56a: {  	v14 =	vld [tilespmem:s10+$0xB0];
	v13 =	vmax.f32 v13, $0.0e+00;
	v11 =	vadd.f32 v11, v15  }
0x56b: {  	[tilespmem:s3+$0xFFFFFF90] =	vst v13;
	v15 =	vld [tilespmem:s3+$0xFFFFFF30];
	v12 =	vmax.f32 v12, $0.0e+00  }
0x56c: {  	v13 =	vld [tilespmem:s7+$0xFFFFFFA0];
	[tilespmem:s3+$0x10] =	vst v12;
	v11 =	vadd.f32 v40, v11  }
0x56d: {  	v10 =	vadd.f32 v39, v10;
	v12 =	vld [tilespmem:s7+$0x20]  }
0x56e: {  	v43 =	vld [tilespmem:s10+$0x20];
	v11 =	vmax.f32 v11, $0.0e+00  }
0x56f: {  	v10 =	vadd.f32 v14, v10;
	v14 =	vld [tilespmem:s10+$0xFFFFFFA0];
	[tilespmem:s3+$0xFFFFFF20] =	vst v11  }
0x570: {  	v11 =	vld [tilespmem:s7+$0xFFFFFF30]  }
0x571: {  	v45 =	vld [tilespmem:s10+$0xFFFFFF30];
	v10 =	vmax.f32 v10, $0.0e+00  }
0x572: {  	v13 =	vadd.f32 v13, v41;
	[tilespmem:s3+$0xB0] =	vst v10;
	v10 =	vld [tilespmem:s3+$0xC0]  }
0x573: {  	v12 =	vadd.f32 v12, v42;
	v44 =	vld [tilespmem:s7+$0xC0]  }
0x574: {  	v58 =	vld [tilespmem:s3+$0xFFFFFFE0];
	v13 =	vadd.f32 v14, v13  }
0x575: {  	v1 =	vadd.f32 v2, v1;
	v14 =	vld [tilespmem:s10+$0xC0];
	v12 =	vadd.f32 v43, v12  }
0x576: {  	v5 =	vld [tilespmem:s9+$0xFFFFFF70];
	v11 =	vadd.f32 v11, v15;
	v13 =	vmax.f32 v13, $0.0e+00  }
0x577: {  	v1 =	vadd.f32 v9, v1;
	v9 =	vld [tilespmem:s3+$0xFFFFFFF0];
	v12 =	vmax.f32 v12, $0.0e+00;
	[tilespmem:s3+$0xFFFFFFA0] =	vst v13  }
0x578: {  	[tilespmem:s3+$0x20] =	vst v12;
	v11 =	vadd.f32 v45, v11;
	v10 =	vadd.f32 v44, v10;
	v12 =	vld [tilespmem:s7+$0xFFFFFFB0]  }
0x579: {  	v13 =	vld [tilespmem:s7+$0x30]  }
0x57a: {  	v11 =	vmax.f32 v11, $0.0e+00;
	v10 =	vadd.f32 v14, v10;
	v14 =	vld [tilespmem:s10+$0xFFFFFFB0]  }
0x57b: {  	[tilespmem:s3+$0xFFFFFF30] =	vst v11;
	v11 =	vld [tilespmem:s10+$0x30]  }
0x57c: {  	v15 =	vld [tilespmem:s3+$0xFFFFFF40];
	v10 =	vmax.f32 v10, $0.0e+00  }
0x57d: {  	v48 =	vld [tilespmem:s7+$0xFFFFFF40];
	[tilespmem:s3+$0xC0] =	vst v10;
	v10 =	vadd.f32 v12, v46  }
0x57e: {  	v12 =	vld [tilespmem:s3+$0xD0];
	v13 =	vadd.f32 v13, v47  }
0x57f: {  	v49 =	vld [tilespmem:s7+$0xD0];
	v10 =	vadd.f32 v14, v10  }
0x580: {  	v51 =	vld [tilespmem:s10+$0xFFFFFF40];
	v11 =	vadd.f32 v11, v13  }
0x581: {  	v13 =	vld [tilespmem:s10+$0xD0];
	v10 =	vmax.f32 v10, $0.0e+00  }
0x582: {  	v14 =	vld [tilespmem:s3+$0x40];
	[tilespmem:s3+$0xFFFFFFB0] =	vst v10;
	v10 =	vmax.f32 v11, $0.0e+00  }
0x583: {  	v11 =	vld [tilespmem:s7+$0xFFFFFFC0];
	[tilespmem:s3+$0x30] =	vst v10  }
0x584: {  	v10 =	vadd.f32 v49, v12;
	v12 =	vld [tilespmem:s7+$0x40]  }
0x585: {  	v52 =	vld [tilespmem:s10+$0xFFFFFFC0]  }
0x586: {  	v4 =	vld [tilespmem:s9+$0xFFFFFFF0];
	v10 =	vadd.f32 v13, v10  }
0x587: {  	v15 =	vadd.f32 v48, v15;
	v13 =	vld [tilespmem:s10+$0x40]  }
0x588: {  	v3 =	vld [tilespmem:s9+$0x70];
	v10 =	vmax.f32 v10, $0.0e+00;
	v11 =	vadd.f32 v11, v50  }
0x589: {  	v7 =	vmax.f32 v7, $0.0e+00;
	[tilespmem:s3+$0xD0] =	vst v10;
	v10 =	vadd.f32 v51, v15;
	v12 =	vadd.f32 v12, v14;
	v14 =	vld [tilespmem:s3+$0xE0]  }
0x58a: {  	[tilespmem:s9+$0xFFFFFF60] =	vst v7;
	v15 =	vld [tilespmem:s7+$0xE0];
	v11 =	vadd.f32 v52, v11  }
0x58b: {  	v8 =	vld [tilespmem:s0+$0xFFFFFF70];
	v10 =	vmax.f32 v10, $0.0e+00  }
0x58c: {  	v12 =	vadd.f32 v13, v12;
	[tilespmem:s3+$0xFFFFFF40] =	vst v10;
	v10 =	vmax.f32 v11, $0.0e+00;
	v11 =	vld [tilespmem:s10+$0xE0]  }
0x58d: {  	v13 =	vld [tilespmem:s7+$0xFFFFFF50];
	[tilespmem:s3+$0xFFFFFFC0] =	vst v10  }
0x58e: {  	v10 =	vmax.f32 v12, $0.0e+00;
	v12 =	vld [tilespmem:s7+$0xFFFFFFD0]  }
0x58f: {  	[tilespmem:s3+$0x40] =	vst v10;
	v14 =	vadd.f32 v15, v14;
	v15 =	vld [tilespmem:s10+$0xFFFFFF50]  }
0x590: {  	v10 =	vld [tilespmem:s7+$0x50]  }
0x591: {  	v56 =	vld [tilespmem:s10+$0xFFFFFFD0];
	v11 =	vadd.f32 v11, v14  }
0x592: {  	v14 =	vld [tilespmem:s10+$0x50];
	v13 =	vadd.f32 v13, v53  }
0x593: {  	v62 =	vld [tilespmem:s11+$0xFFFFFF70];
	v11 =	vmax.f32 v11, $0.0e+00  }
0x594: {  	v7 =	vld [tilespmem:s0+$0xFFFFFFF0];
	v12 =	vadd.f32 v12, v54;
	[tilespmem:s3+$0xE0] =	vst v11;
	v11 =	vadd.f32 v15, v13  }
0x595: {  	v10 =	vadd.f32 v10, v55;
	v13 =	vld [tilespmem:s3+$0xF0]  }
0x596: {  	v12 =	vadd.f32 v56, v12;
	v15 =	vld [tilespmem:s7+$0xF0];
	v11 =	vmax.f32 v11, $0.0e+00  }
0x597: {  	v10 =	vadd.f32 v14, v10;
	v14 =	vld [tilespmem:s3+$0x60];
	[tilespmem:s3+$0xFFFFFF50] =	vst v11  }
0x598: {  	v11 =	vmax.f32 v12, $0.0e+00;
	v12 =	vld [tilespmem:s7+$0xFFFFFF60]  }
0x599: {  	[tilespmem:s3+$0xFFFFFFD0] =	vst v11;
	v10 =	vmax.f32 v10, $0.0e+00;
	v20 =	vld [tilespmem:s10+$0xFFFFFF60]  }
0x59a: {  	v60 =	vld [tilespmem:s7+$0xFFFFFFE0];
	[tilespmem:s3+$0x50] =	vst v10  }
0x59b: {  	v10 =	vld [tilespmem:s7+$0x60]  }
0x59c: {  	v21 =	vld [tilespmem:s10+$0xFFFFFFE0]  }
0x59d: {  	v2 =	vld [tilespmem:s10+$0x60]  }
0x59e: {  	[tilespmem:s9+$0x60] =	vst v6;
	v59 =	vld [tilespmem:s10+$0xF0];
	v12 =	vadd.f32 v12, v57  }
0x59f: {  	v6 =	vld [tilespmem:s0+$0x70];
	v61 =	vadd.f32 v60, v58  }
0x5a0: {  	v11 =	vld [tilespmem:s3+$0xFFFFFF70];
	v14 =	vadd.f32 v10, v14;
	v12 =	vadd.f32 v20, v12  }
0x5a1: {  	v1 =	vmax.f32 v1, $0.0e+00;
	v13 =	vadd.f32 v15, v13;
	v10 =	vld [tilespmem:s3+$0x70];
	v15 =	vadd.f32 v21, v61  }
0x5a2: {  	[tilespmem:s9+$0xF0] =	vst v1;
	v1 =	vmax.f32 v12, $0.0e+00;
	v2 =	vadd.f32 v2, v14;
	v12 =	vld [tilespmem:s11+$0xFFFFFFF0]  }
0x5a3: {  	v14 =	vadd.f32 v59, v13;
	v13 =	vld [tilespmem:s11+$0x70];
	[tilespmem:s3+$0xFFFFFF60] =	vst v1;
	v1 =	vmax.f32 v15, $0.0e+00  }
0x5a4: {  	v15 =	vadd.f32 v8, v5;
	[tilespmem:s3+$0xFFFFFFE0] =	vst v1;
	v8 =	vld [tilespmem:s7+$0xFFFFFF70];
	v2 =	vmax.f32 v2, $0.0e+00  }
0x5a5: {  	v1 =	vadd.f32 v7, v4;
	v5 =	vmax.f32 v14, $0.0e+00;
	v4 =	vld [tilespmem:s7+$0xFFFFFFF0];
	[tilespmem:s3+$0x60] =	vst v2  }
0x5a6: {  	s4 =	simm.s32 $0x6900;
	s0 =	simm.s32 $0xA700;
	s11 =	simm.s32 $0x4;
	v2 =	vadd.f32 v6, v3;
	[tilespmem:s3+$0xF0] =	vst v5;
	v3 =	vadd.f32 v62, v15;
	v5 =	vld [tilespmem:s7+$0x70]  }
.LBB2_18:
0x5a7: {  	v6 =	vld [tilespmem:s4+$0x80];
	s7 =	sadd.s32 $0x200, s7;
	v1 =	vadd.f32 v12, v1  }
0x5a8: {  	s11 =	sadd.s32 $0x4, s11;
	v7 =	vld [tilespmem:s7+$0x80];
	v12 =	vmax.f32 v3, $0.0e+00;
	v2 =	vadd.f32 v13, v2  }
0x5a9: {  	s10 =	sadd.s32 $0x200, s10;
	p0 =	slt.u32 s11, $0x3C;
	v13 =	vld [tilespmem:s7+$0xFFFFFF00];
	v3 =	vadd.f32 v8, v11;
	[tilespmem:s9+$0xFFFFFF70] =	vst v12;
	v8 =	vmax.f32 v1, $0.0e+00  }
0x5aa: {  	v11 =	vld [tilespmem:s10+$0x80];
	v1 =	vadd.f32 v4, v9;
	[tilespmem:s9+$0xFFFFFFF0] =	vst v8;
	v4 =	vmax.f32 v2, $0.0e+00  }
0x5ab: {  	v8 =	vld [tilespmem:s4+$0xFFFFFF80];
	v2 =	vadd.f32 v5, v10;
	[tilespmem:s9+$0x70] =	vst v4;
	s9 =	smov.u32 s3;
	s3 =	smov.u32 s4  }
0x5ac: {  	v4 =	vld [tilespmem:s7+$0xFFFFFF80]  }
0x5ad: {  	v5 =	vld [tilespmem:s4+$0x0];
	v6 =	vadd.f32 v7, v6  }
0x5ae: {  	v7 =	vld [tilespmem:s7+$0x0]  }
0x5af: {  	v9 =	vld [tilespmem:s4+$0xFFFFFF00];
	v6 =	vadd.f32 v11, v6  }
0x5b0: {  	v10 =	vld [tilespmem:s10+$0xFFFFFF00]  }
0x5b1: {  	v4 =	vadd.f32 v4, v8;
	v8 =	vld [tilespmem:s10+$0xFFFFFF80];
	v6 =	vmax.f32 v6, $0.0e+00  }
0x5b2: {  	[tilespmem:s4+$0x80] =	vst v6;
	v6 =	vld [tilespmem:s4+$0x90]  }
0x5b3: {  	v5 =	vadd.f32 v7, v5;
	v7 =	vld [tilespmem:s7+$0x90]  }
0x5b4: {  	v9 =	vadd.f32 v13, v9;
	v11 =	vld [tilespmem:s10+$0x0]  }
0x5b5: {  	v12 =	vld [tilespmem:s10+$0x90]  }
0x5b6: {  	v9 =	vadd.f32 v10, v9;
	v10 =	vld [tilespmem:s4+$0xFFFFFF10];
	v4 =	vadd.f32 v8, v4  }
0x5b7: {  	v8 =	vld [tilespmem:s4+$0xFFFFFF90]  }
0x5b8: {  	v9 =	vmax.f32 v9, $0.0e+00;
	v4 =	vmax.f32 v4, $0.0e+00;
	v13 =	vld [tilespmem:s4+$0x10];
	v6 =	vadd.f32 v7, v6  }
0x5b9: {  	[tilespmem:s4+$0xFFFFFF00] =	vst v9;
	v7 =	vld [tilespmem:s4+$0xFFFFFF20];
	v5 =	vadd.f32 v11, v5  }
0x5ba: {  	v9 =	vld [tilespmem:s7+$0xFFFFFF10];
	[tilespmem:s4+$0xFFFFFF80] =	vst v4;
	v4 =	vadd.f32 v12, v6  }
0x5bb: {  	v6 =	vld [tilespmem:s7+$0xFFFFFF90];
	v5 =	vmax.f32 v5, $0.0e+00  }
0x5bc: {  	v11 =	vld [tilespmem:s10+$0xFFFFFF10];
	[tilespmem:s4+$0x0] =	vst v5;
	v4 =	vmax.f32 v4, $0.0e+00  }
0x5bd: {  	[tilespmem:s4+$0x90] =	vst v4;
	v4 =	vld [tilespmem:s4+$0xA0]  }
0x5be: {  	v5 =	vld [tilespmem:s7+$0xA0]  }
0x5bf: {  	v9 =	vadd.f32 v9, v10;
	v10 =	vld [tilespmem:s7+$0x10]  }
0x5c0: {  	v6 =	vadd.f32 v6, v8;
	v8 =	vld [tilespmem:s10+$0xA0]  }
0x5c1: {  	v9 =	vadd.f32 v11, v9;
	v11 =	vld [tilespmem:s10+$0xFFFFFF90]  }
0x5c2: {  	v12 =	vld [tilespmem:s10+$0x10]  }
0x5c3: {  	v9 =	vmax.f32 v9, $0.0e+00;
	v14 =	vld [tilespmem:s4+$0xFFFFFFA0];
	v4 =	vadd.f32 v5, v4  }
0x5c4: {  	[tilespmem:s4+$0xFFFFFF10] =	vst v9;
	v5 =	vadd.f32 v10, v13;
	v9 =	vld [tilespmem:s4+$0x20]  }
0x5c5: {  	v10 =	vld [tilespmem:s7+$0xFFFFFF20];
	v4 =	vadd.f32 v8, v4  }
0x5c6: {  	v8 =	vld [tilespmem:s10+$0xFFFFFF20];
	v6 =	vadd.f32 v11, v6  }
0x5c7: {  	v11 =	vld [tilespmem:s4+$0xFFFFFF30];
	v5 =	vadd.f32 v12, v5;
	v4 =	vmax.f32 v4, $0.0e+00  }
0x5c8: {  	v6 =	vmax.f32 v6, $0.0e+00;
	[tilespmem:s4+$0xA0] =	vst v4;
	v4 =	vld [tilespmem:s4+$0xB0]  }
0x5c9: {  	[tilespmem:s4+$0xFFFFFF90] =	vst v6;
	v5 =	vmax.f32 v5, $0.0e+00;
	v6 =	vld [tilespmem:s7+$0xB0]  }
0x5ca: {  	v7 =	vadd.f32 v10, v7;
	v10 =	vld [tilespmem:s7+$0xFFFFFFA0];
	[tilespmem:s4+$0x10] =	vst v5  }
0x5cb: {  	v5 =	vld [tilespmem:s10+$0xB0]  }
0x5cc: {  	v7 =	vadd.f32 v8, v7;
	v8 =	vld [tilespmem:s7+$0x20]  }
0x5cd: {  	v12 =	vld [tilespmem:s10+$0xFFFFFFA0]  }
0x5ce: {  	v7 =	vmax.f32 v7, $0.0e+00;
	v13 =	vld [tilespmem:s10+$0x20];
	v4 =	vadd.f32 v6, v4  }
0x5cf: {  	[tilespmem:s4+$0xFFFFFF20] =	vst v7;
	v6 =	vadd.f32 v10, v14;
	v7 =	vld [tilespmem:s4+$0xFFFFFFB0]  }
0x5d0: {  	v10 =	vld [tilespmem:s7+$0xFFFFFF30];
	v4 =	vadd.f32 v5, v4  }
0x5d1: {  	v5 =	vadd.f32 v8, v9;
	v8 =	vld [tilespmem:s4+$0x30]  }
0x5d2: {  	v9 =	vld [tilespmem:s10+$0xFFFFFF30];
	v6 =	vadd.f32 v12, v6;
	v4 =	vmax.f32 v4, $0.0e+00  }
0x5d3: {  	v5 =	vadd.f32 v13, v5;
	[tilespmem:s4+$0xB0] =	vst v4;
	v4 =	vld [tilespmem:s4+$0xC0]  }
0x5d4: {  	v6 =	vmax.f32 v6, $0.0e+00;
	v12 =	vld [tilespmem:s7+$0xC0]  }
0x5d5: {  	v10 =	vadd.f32 v10, v11;
	v11 =	vld [tilespmem:s4+$0xFFFFFF40];
	[tilespmem:s4+$0xFFFFFFA0] =	vst v6;
	v5 =	vmax.f32 v5, $0.0e+00  }
0x5d6: {  	[tilespmem:s4+$0x20] =	vst v5;
	v5 =	vld [tilespmem:s10+$0xC0]  }
0x5d7: {  	v6 =	vadd.f32 v9, v10;
	v9 =	vld [tilespmem:s7+$0xFFFFFFB0]  }
0x5d8: {  	v10 =	vld [tilespmem:s7+$0x30]  }
0x5d9: {  	v6 =	vmax.f32 v6, $0.0e+00;
	v13 =	vld [tilespmem:s10+$0xFFFFFFB0];
	v4 =	vadd.f32 v12, v4  }
0x5da: {  	[tilespmem:s4+$0xFFFFFF30] =	vst v6;
	v6 =	vld [tilespmem:s10+$0x30]  }
0x5db: {  	v12 =	vld [tilespmem:s7+$0xFFFFFF40];
	v4 =	vadd.f32 v5, v4  }
0x5dc: {  	v5 =	vadd.f32 v9, v7;
	v7 =	vld [tilespmem:s4+$0xFFFFFFC0]  }
0x5dd: {  	v8 =	vadd.f32 v10, v8;
	v9 =	vld [tilespmem:s4+$0x40];
	v4 =	vmax.f32 v4, $0.0e+00  }
0x5de: {  	v5 =	vadd.f32 v13, v5;
	[tilespmem:s4+$0xC0] =	vst v4;
	v4 =	vld [tilespmem:s4+$0xD0]  }
0x5df: {  	v6 =	vadd.f32 v6, v8;
	v8 =	vld [tilespmem:s7+$0xD0]  }
0x5e0: {  	v10 =	vadd.f32 v12, v11;
	v11 =	vld [tilespmem:s10+$0xFFFFFF40];
	v5 =	vmax.f32 v5, $0.0e+00  }
0x5e1: {  	[tilespmem:s4+$0xFFFFFFB0] =	vst v5;
	v5 =	vmax.f32 v6, $0.0e+00;
	v6 =	vld [tilespmem:s10+$0xD0]  }
0x5e2: {  	v12 =	vld [tilespmem:s7+$0xFFFFFFC0];
	[tilespmem:s4+$0x30] =	vst v5  }
0x5e3: {  	v5 =	vld [tilespmem:s7+$0x40]  }
0x5e4: {  	v13 =	vld [tilespmem:s10+$0xFFFFFFC0];
	v4 =	vadd.f32 v8, v4  }
0x5e5: {  	v8 =	vadd.f32 v11, v10;
	v10 =	vld [tilespmem:s10+$0x40]  }
0x5e6: {  	v11 =	vld [tilespmem:s4+$0xFFFFFF50];
	v4 =	vadd.f32 v6, v4  }
0x5e7: {  	v6 =	vmax.f32 v8, $0.0e+00;
	v7 =	vadd.f32 v12, v7;
	v8 =	vld [tilespmem:s4+$0xFFFFFFD0]  }
0x5e8: {  	[tilespmem:s4+$0xFFFFFF40] =	vst v6;
	v5 =	vadd.f32 v5, v9;
	v6 =	vld [tilespmem:s4+$0x50];
	v4 =	vmax.f32 v4, $0.0e+00  }
0x5e9: {  	v7 =	vadd.f32 v13, v7;
	[tilespmem:s4+$0xD0] =	vst v4;
	v4 =	vld [tilespmem:s4+$0xE0]  }
0x5ea: {  	v5 =	vadd.f32 v10, v5;
	v9 =	vld [tilespmem:s7+$0xE0]  }
0x5eb: {  	v10 =	vld [tilespmem:s7+$0xFFFFFF50];
	v7 =	vmax.f32 v7, $0.0e+00  }
0x5ec: {  	[tilespmem:s4+$0xFFFFFFC0] =	vst v7;
	v5 =	vmax.f32 v5, $0.0e+00;
	v7 =	vld [tilespmem:s10+$0xE0]  }
0x5ed: {  	v12 =	vld [tilespmem:s7+$0xFFFFFFD0];
	[tilespmem:s4+$0x40] =	vst v5  }
0x5ee: {  	v5 =	vld [tilespmem:s7+$0x50]  }
0x5ef: {  	v13 =	vld [tilespmem:s10+$0xFFFFFF50];
	v4 =	vadd.f32 v9, v4  }
0x5f0: {  	v9 =	vadd.f32 v10, v11;
	v10 =	vld [tilespmem:s10+$0xFFFFFFD0]  }
0x5f1: {  	v11 =	vld [tilespmem:s10+$0x50];
	v4 =	vadd.f32 v7, v4  }
0x5f2: {  	v7 =	vld [tilespmem:s4+$0xFFFFFF60];
	v8 =	vadd.f32 v12, v8  }
0x5f3: {  	v12 =	vld [tilespmem:s4+$0xFFFFFFE0];
	v5 =	vadd.f32 v5, v6;
	v4 =	vmax.f32 v4, $0.0e+00  }
0x5f4: {  	v6 =	vadd.f32 v13, v9;
	[tilespmem:s4+$0xE0] =	vst v4;
	v4 =	vld [tilespmem:s4+$0xF0]  }
0x5f5: {  	v8 =	vadd.f32 v10, v8;
	v9 =	vld [tilespmem:s7+$0xF0]  }
0x5f6: {  	v6 =	vmax.f32 v6, $0.0e+00;
	v5 =	vadd.f32 v11, v5;
	v10 =	vld [tilespmem:s4+$0x60]  }
0x5f7: {  	[tilespmem:s4+$0xFFFFFF50] =	vst v6;
	v6 =	vmax.f32 v8, $0.0e+00;
	v8 =	vld [tilespmem:s10+$0xF0]  }
0x5f8: {  	v11 =	vld [tilespmem:s7+$0xFFFFFF60];
	[tilespmem:s4+$0xFFFFFFD0] =	vst v6;
	v5 =	vmax.f32 v5, $0.0e+00  }
0x5f9: {  	v6 =	vld [tilespmem:s7+$0xFFFFFFE0];
	[tilespmem:s4+$0x50] =	vst v5  }
0x5fa: {  	v5 =	vld [tilespmem:s7+$0x60];
	v4 =	vadd.f32 v9, v4  }
0x5fb: {  	v13 =	vld [tilespmem:s10+$0xFFFFFF60]  }
0x5fc: {  	v14 =	vld [tilespmem:s10+$0xFFFFFFE0];
	v4 =	vadd.f32 v8, v4  }
0x5fd: {  	v7 =	vadd.f32 v11, v7;
	v8 =	vld [tilespmem:s10+$0x60]  }
0x5fe: {  	v11 =	vld [tilespmem:s4+$0xFFFFFF70];
	v6 =	vadd.f32 v6, v12;
	v4 =	vmax.f32 v4, $0.0e+00  }
0x5ff: {  	v9 =	vld [tilespmem:s4+$0xFFFFFFF0];
	v5 =	vadd.f32 v5, v10;
	[tilespmem:s4+$0xF0] =	vst v4  }
0x600: {  	v4 =	vadd.f32 v13, v7;
	v10 =	vld [tilespmem:s4+$0x70]  }
0x601: {  	v6 =	vadd.f32 v14, v6;
	v7 =	vld [tilespmem:s0+$0xFFFFFF70]  }
.Ltmp12:
0x602: {  	v4 =	vmax.f32 v4, $0.0e+00;
	v5 =	vadd.f32 v8, v5;
	v12 =	vld [tilespmem:s0+$0xFFFFFFF0];
	(pc) =	sbr.rel @p0 .LBB2_18-.Ltmp12, $4  }
0x603: {  	[tilespmem:s4+$0xFFFFFF60] =	vst v4;
	v4 =	vmax.f32 v6, $0.0e+00;
	v13 =	vld [tilespmem:s0+$0x70];
	s0 =	smov.u32 s10  }
0x604: {  	v8 =	vld [tilespmem:s7+$0xFFFFFF70];
	[tilespmem:s4+$0xFFFFFFE0] =	vst v4;
	v5 =	vmax.f32 v5, $0.0e+00  }
0x605: {  	v4 =	vld [tilespmem:s7+$0xFFFFFFF0];
	[tilespmem:s4+$0x60] =	vst v5  }
0x606: {  	s4 =	sadd.s32 $0x200, s4;
	v5 =	vld [tilespmem:s7+$0x70];
	v3 =	vadd.f32 v7, v3  }
0x607: {  	v6 =	vld [tilespmem:s0+$0xFFFFFF70]  }
0x608: {  	v7 =	vld [tilespmem:s0+$0xFFFFFFF0]  }
0x609: {  	v14 =	vld [tilespmem:s0+$0x70]  }
0x60a: {  	v1 =	vadd.f32 v12, v1;
	v8 =	vadd.f32 v8, v11  }
0x60b: {  	v2 =	vadd.f32 v13, v2;
	v3 =	vmax.f32 v3, $0.0e+00;
	v4 =	vadd.f32 v4, v9  }
0x60c: {  	[tilespmem:s9+$0xFFFFFF70] =	vst v3;
	v1 =	vmax.f32 v1, $0.0e+00;
	v3 =	vadd.f32 v5, v10;
	v62 =	vadd.f32 v6, v8  }
0x60d: {  	[tilespmem:s9+$0xFFFFFFF0] =	vst v1;
	v1 =	vmax.f32 v2, $0.0e+00;
	v2 =	vadd.f32 v7, v4  }
0x60e: {  	[tilespmem:s9+$0x70] =	vst v1;
	v3 =	vadd.f32 v14, v3;
	v1 =	vmax.f32 v62, $0.0e+00  }
0x60f: {  	[tilespmem:s3+$0xFFFFFF70] =	vst v1;
	v1 =	vmax.f32 v2, $0.0e+00  }
0x610: {  	[tilespmem:s3+$0xFFFFFFF0] =	vst v1;
	v1 =	vmax.f32 v3, $0.0e+00  }
.Ltmp13:
0x611: {  	s26 =	simm.s32 $0x380;
	[tilespmem:s3+$0x70] =	vst v1;
	(pc) =	sbr.rel .LBB2_20-.Ltmp13, $4  }
0x612: {  	[spmem:s22] =	stream.indirect.scatter.add.f32 [tilespmem:s24], [sflag:$0x7], $0x80, s26, s6, $0xb8;
	v63 =	vld [tilespmem:$0x0]  }
0x613: {  	_ =	swait.ge [sflag:s14], $0x2000  }
0x614: {  	[sflag:s14] =	ssyncset.done $0x0  }
0x615: {  	[sflag:s14] =	ssyncadd.s32 $0xFFFFE000  }
.LBB2_22:
0x616: {  	_ =	sfence.sel $0x180000  }
0x617: {  	[bflag:$0x0] =	sbarrier.arrive $0xFFFF  }
0x618: {  	_ =	strace $0x90000047  }
0x619: {  	s0 =	stileid.u32;
	[bflag:$0x2] =	sbarrier.arrive $0xFFFF  }
0x61a: {  	p0 =	sne.s32 s0, $0x0;
	s0 =	rddreg [dreg:$0x3]  }
0x61b: {  	s0 =	sadd.s32 @!p0 $0x100000, s0  }
0x61c: {  	[sflag:s0] =	ssyncadd.tile.s32 @!p0 $0x1;
	_ =	shalt  }
.Lfunc_end2:
_tile_overlayer_lowered:
.L_overlay_start_2:
0x61d: {  	(tag) =	ssettag $0x2  }
0x61e: {  	s0 =	rddreg [dreg:$0x0];
	s2 =	stileid.u32  }
0x61f: {  	s1 =	rddreg [dreg:$0x1];
	p0 =	sne.s32 s2, $0x0  }
0x620: {  	s3 =	rddreg [dreg:$0x2];
	[bflag:$0x3] =	sbarrier.arrive $0xFFFF;
	s2 =	simm.s32 @!p0 $0x1C07  }
0x621: {  	[timem:s3], [sflag:s2] =	dma.local @!p0 [hbm:s0], s1  }
0x622: {  	s0 =	simm.s32 @!p0 $0x7  }
0x623: {  	_ =	swait.ge @!p0 [sflag:s0], s1  }
0x624: {  	s1 =	ssub.s32 @!p0 $0x0, s1;
	[sflag:s0] =	ssyncset.done @!p0 $0x0  }
0x625: {  	[sflag:s0] =	ssyncadd.s32 @!p0 s1  }
0x626: {  	[bflag:$0x3] =	sbarrier.arrive $0xFFFF  }
0x627: {  	_ =	shalt  }

</sc_bundles>
